<compile_context>
chip_gen: v7x
topology: tpu7x:2x2x1
jax: 0.10.2.dev20260603
libtpu: 0.0.44.dev20260713+nightly
codegen_flags: <defaults>
</compile_context>

<pallas_src>
import functools

import jax
import jax.numpy as jnp
from jax import lax
from jax.experimental import pallas as pl
from jax.experimental.pallas import tpu as pltpu
from jax.experimental.pallas import tpu_sc as plsc

N_CLS = 1024
FEAT_DIM = 128
BSZ = 4096
PROTO_M = 0.95
INV_TEMP = 10.0

NC = 2
NS = 16
NW = NC * NS
CPW = N_CLS // NW
CHUNK = 128
NVEC = FEAT_DIM // 16
NBLK = BSZ // 16


def _sc_body(feat_hbm, proto_hbm, lab_hbm, out_hbm,
             lab_v, wl_s, wl_l, rows_v, prot_v, feat_sh, ssem, sem):
    sid = lax.axis_index("s")
    wid = sid * NC + lax.axis_index("c")
    lo = wid * CPW

    @pl.when(sid == 0)
    def _stage():
        pltpu.async_copy(feat_hbm, feat_sh, ssem).wait()

    pltpu.sync_copy(lab_hbm, lab_v)
    pltpu.sync_copy(proto_hbm.at[pl.ds(lo, CPW)], prot_v)

    lane = lax.iota(jnp.int32, 16)

    def p1(i, cnt):
        lvec = lab_v[pl.ds(i * 16, 16)]
        b = jnp.where(lax.shift_right_arithmetic(lvec - lo, 5) == 0, 1, 0)
        ps = b
        for s in (1, 2, 4, 8):
            sh = ps.at[jnp.maximum(lane - s, 0)].get(
                mode="promise_in_bounds")
            ps = ps + jnp.where(lane >= s, sh, 0)
        nmatch = ps[15]

        def process(cnt):
            blk0 = (cnt >> 4) << 4
            off = cnt - blk0
            wvA = wl_s[pl.ds(blk0, 16)]
            wcA = wl_l[pl.ds(blk0, 16)]
            wvB = zero16
            wcB = zero16
            for j in range(16):
                sl = jnp.where(b[j] == 1, off + ps[j] - 1, 32)
                selA = lane == sl
                selB = lane == (sl - 16)
                sval = i * 16 + j
                cval = lvec[j] - lo
                wvA = jnp.where(selA, sval, wvA)
                wcA = jnp.where(selA, cval, wcA)
                wvB = jnp.where(selB, sval, wvB)
                wcB = jnp.where(selB, cval, wcB)
            wl_s[pl.ds(blk0, 16)] = wvA
            wl_l[pl.ds(blk0, 16)] = wcA
            wl_s[pl.ds(blk0 + 16, 16)] = wvB
            wl_l[pl.ds(blk0 + 16, 16)] = wcB
            return cnt + nmatch

        return lax.cond(nmatch > 0, process, lambda c: c, cnt)

    zero16 = jnp.zeros((16,), jnp.int32)
    n = lax.fori_loop(0, NBLK, p1, 0)

    def pz(k, _):
        wl_s[pl.ds(n + k * 16, 16)] = zero16
        return 0

    lax.fori_loop(0, CHUNK // 16, pz, 0)

    nchunks = (n + CHUNK - 1) // CHUNK

    def _ema_update(pe, cl):
        acc = jnp.zeros((16,), jnp.float32)
        upds = []
        for k in range(NVEC):
            f = rows_v[pe, pl.ds(k * 16, 16)]
            p = prot_v[cl, pl.ds(k * 16, 16)]
            u = p * PROTO_M + f * (1.0 - PROTO_M)
            acc = acc + u * u
            upds.append(u)
        for s in (8, 4, 2, 1):
            acc = acc + acc.at[jnp.bitwise_xor(lane, s)].get(
                mode="promise_in_bounds")
        ssv = jnp.maximum(acc, 1e-24)
        si = lax.bitcast_convert_type(ssv[0], jnp.int32)
        si = 0x5F3759DF - lax.shift_right_arithmetic(si, 1)
        y = jnp.full((16,), lax.bitcast_convert_type(si, jnp.float32))
        h = ssv * 0.5
        for _ in range(4):
            y = y * (1.5 - h * y * y)
        for k in range(NVEC):
            prot_v[cl, pl.ds(k * 16, 16)] = upds[k] * y

    def _gather_chunk(base):
        copies = []
        for g in range(CHUNK // 16):
            idxv = wl_s[pl.ds(base + g * 16, 16)]
            copies.append(pltpu.async_copy(
                feat_sh.at[idxv], rows_v.at[pl.ds(g * 16, 16)], sem.at[g]))
        for cp in copies:
            cp.wait()

    def _sample_body_for(base):
        def sample_body(j, _2):
            cl = wl_l[pl.ds(base + j, 16)][0]
            _ema_update(j, cl)
            return 0

        return sample_body

    plsc.subcore_barrier()
    _gather_chunk(0)
    lax.fori_loop(0, jnp.minimum(n, CHUNK), _sample_body_for(0), 0)

    def chunk_body(c, _):
        base = c * CHUNK
        _gather_chunk(base)
        jmax = jnp.minimum(CHUNK, n - base)
        lax.fori_loop(0, jmax, _sample_body_for(base), 0)
        return 0

    lax.fori_loop(1, nchunks, chunk_body, 0)

    pltpu.sync_copy(prot_v, out_hbm.at[pl.ds(lo, CPW)])


_sc_update = functools.partial(
    pl.kernel,
    out_type=jax.ShapeDtypeStruct((N_CLS, FEAT_DIM), jnp.float32),
    mesh=plsc.VectorSubcoreMesh(
        core_axis_name="c", subcore_axis_name="s",
        num_cores=NC, num_subcores=NS),
    scratch_types=[
        pltpu.VMEM((BSZ,), jnp.int32),
        pltpu.VMEM((BSZ + CHUNK,), jnp.int32),
        pltpu.VMEM((BSZ + CHUNK,), jnp.int32),
        pltpu.VMEM((CHUNK, FEAT_DIM), jnp.float32),
        pltpu.VMEM((CPW, FEAT_DIM), jnp.float32),
        pltpu.VMEM_SHARED((BSZ, FEAT_DIM), jnp.float32),
        pltpu.SemaphoreType.DMA,
        pltpu.SemaphoreType.DMA((CHUNK // 16,)),
    ],
)(_sc_body)


def _tc_loss_body(proto_ref, out_ref):
    p = proto_ref[...]
    logits = lax.dot_general(
        p, p, (((1,), (1,)), ((), ())),
        precision=lax.Precision.HIGHEST,
        preferred_element_type=jnp.float32,
    ) * INV_TEMP
    e = jnp.exp(logits)
    rowdot = jnp.sum(p * p, axis=1)
    rowsum = jnp.sum(e, axis=1) - jnp.exp(INV_TEMP * rowdot)
    mpn = jnp.log(rowsum / (N_CLS - 1.0))
    valid = jnp.logical_not(jnp.isnan(mpn))
    denom = jnp.maximum(jnp.sum(valid.astype(jnp.float32)), 1.0)
    out_ref[0, 0] = jnp.sum(jnp.where(valid, mpn, 0.0)) / denom


def kernel(features, prototypes, labels):
    labels = labels.astype(jnp.int32)
    protos = _sc_update(features, prototypes, labels)
    loss = pl.pallas_call(
        _tc_loss_body,
        in_specs=[pl.BlockSpec(memory_space=pltpu.VMEM)],
        out_specs=pl.BlockSpec(memory_space=pltpu.SMEM),
        out_shape=jax.ShapeDtypeStruct((1, 1), jnp.float32),
    )(protos)
    return loss[0, 0]

# --- scband reference (transcript-rebuilt; emitter-appended) ---
"""Pipeline reference for scband-sup-uniform-loss-66640712565307 (READ-ONLY COPY).

The authoritative reference and input builder live on the scoring server;
editing this copy changes nothing except your own understanding.
"""

import jax, jax.numpy as jnp
import numpy as np

N_CLS = 1024
FEAT_DIM = 128
BSZ = 4096
PROTO_M = 0.95
TEMPERATURE = 0.1
BASE_TEMPERATURE = 0.1


def _normalize_vec(v, eps=1e-12):
    # F.normalize(v, dim=0) for a 1-D vector
    return v / jnp.maximum(jnp.linalg.norm(v), eps)


def setup_inputs(seed: int = 0) -> dict:
    key = jax.random.key(seed)
    k1, k2, k3 = jax.random.split(key, 3)
    features = jax.random.normal(k1, (BSZ, FEAT_DIM), dtype=jnp.float32)
    labels = jax.random.randint(k2, (BSZ,), 0, N_CLS)
    protos = jax.random.normal(k3, (N_CLS, FEAT_DIM), dtype=jnp.float32)
    # prototypes buffer is L2-normalized per class (as produced by init_class_prototypes)
    prototypes = protos / jnp.maximum(jnp.linalg.norm(protos, axis=1, keepdims=True), 1e-12)
    return {"features": features, "prototypes": prototypes, "labels": labels}


def reference(features, prototypes, labels):
    # Sequential per-sample momentum scatter-update of class prototypes,
    # faithful to the in-place python loop (order matters for duplicate labels).
    def body(protos, inp):
        f, l = inp
        p = _normalize_vec(protos[l] * PROTO_M + f * (1.0 - PROTO_M))
        return protos.at[l].set(p), None

    prototypes, _ = jax.lax.scan(body, prototypes, (features, labels))

    lab = jnp.arange(N_CLS)
    # mask_{i,j} = 1 for different classes (labels are arange -> off-diagonal ones)
    mask = 1.0 - (lab[:, None] == lab[None, :]).astype(jnp.float32)
    logits = jnp.matmul(prototypes, prototypes.T) / TEMPERATURE
    # torch.scatter(ones, 1, arange.view(-1,1), 0): zero the diagonal
    logits_mask = jnp.ones((N_CLS, N_CLS), dtype=jnp.float32).at[lab, lab].set(0.0)
    mask = mask * logits_mask
    mean_prob_neg = jnp.log((mask * jnp.exp(logits)).sum(1) / mask.sum(1))
    # mean_prob_neg[~isnan].mean() -- masked mean (shapes static under jit)
    valid = jnp.logical_not(jnp.isnan(mean_prob_neg))
    denom = jnp.maximum(valid.sum().astype(jnp.float32), 1.0)
    loss = (TEMPERATURE / BASE_TEMPERATURE) * jnp.where(valid, mean_prob_neg, 0.0).sum() / denom
    return loss

if __name__ == "__main__":
    import jax
    _d = setup_inputs()
    print(jax.jit(kernel)(*tuple(_d.values())))

</pallas_src>

<mosaic_0001>
#map = affine_map<(d0, d1) -> (0, 0)>
#map1 = affine_map<(d0, d1) -> (0)>
module attributes {stable_mosaic.version = 14 : i64} {
  func.func @_sc_body(%arg0: i32, %arg1: i32, %arg2: memref<4096x128xf32, #tpu.memory_space<hbm>>, %arg3: memref<1024x128xf32, #tpu.memory_space<hbm>>, %arg4: memref<4096xi32, #tpu.memory_space<hbm>>, %arg5: memref<1024x128xf32, #tpu.memory_space<hbm>>, %arg6: memref<4096xi32, #tpu.memory_space<vmem>>, %arg7: memref<4224xi32, #tpu.memory_space<vmem>>, %arg8: memref<4224xi32, #tpu.memory_space<vmem>>, %arg9: memref<128x128xf32, #tpu.memory_space<vmem>>, %arg10: memref<32x128xf32, #tpu.memory_space<vmem>>, %arg11: memref<4096x128xf32, #tpu.memory_space<vmem_shared>>, %arg12: memref<!tpu.dma_semaphore, #tpu.memory_space<semaphore_mem>>, %arg13: memref<8x!tpu.dma_semaphore, #tpu.memory_space<semaphore_mem>>) attributes {dimension_semantics = [#tpu.dimension_semantics<core_parallel>, #tpu.dimension_semantics<subcore_parallel>], iteration_bounds = array<i64: 2, 16>, scalar_prefetch = 0 : i64, scratch_operands = 8 : i64, tpu.core_type = #tpu.core_type<sc_vector_subcore>, window_params = [{transform_indices = #map}, {transform_indices = #map}, {transform_indices = #map1}, {transform_indices = #map}]} {
    %mul3A = arith.constant 2 : i32
    %mul3A_0 = arith.muli %arg1, %mul3A : i32
    %add3A = arith.addi %mul3A_0, %arg0 : i32
    %mul3A_1 = arith.constant 32 : i32
    %mul3A_2 = arith.muli %add3A, %mul3A_1 : i32
    %eq3A = arith.constant 0 : i32
    %eq3A_3 = arith.cmpi eq, %arg1, %eq3A : i32
    %convert_element_type3A = arith.extui %eq3A_3 : i1 to i32
    %cond3A = arith.constant 0 : i32
    %cond3A_4 = arith.cmpi ne, %convert_element_type3A, %cond3A : i32
    scf.if %cond3A_4 {
      tpu.enqueue_dma source(%arg2 : memref<4096x128xf32, #tpu.memory_space<hbm>>) target(%arg11 : memref<4096x128xf32, #tpu.memory_space<vmem_shared>>) target_semaphore(%arg12 : memref<!tpu.dma_semaphore, #tpu.memory_space<semaphore_mem>>)
      tpu.wait_dma2 semaphore(%arg12 : memref<!tpu.dma_semaphore, #tpu.memory_space<semaphore_mem>>) src(%arg2 : memref<4096x128xf32, #tpu.memory_space<hbm>>) dst(%arg11 : memref<4096x128xf32, #tpu.memory_space<vmem_shared>>)
    } else {
    }
    "tpu.region"() ({
      %run_scoped3A = tpu.sem_alloc : memref<!tpu.dma_semaphore, #tpu.memory_space<semaphore_mem>>
      tpu.enqueue_dma source(%arg4 : memref<4096xi32, #tpu.memory_space<hbm>>) target(%arg6 : memref<4096xi32, #tpu.memory_space<vmem>>) target_semaphore(%run_scoped3A : memref<!tpu.dma_semaphore, #tpu.memory_space<semaphore_mem>>)
      tpu.wait_dma2 semaphore(%run_scoped3A : memref<!tpu.dma_semaphore, #tpu.memory_space<semaphore_mem>>) src(%arg4 : memref<4096xi32, #tpu.memory_space<hbm>>) dst(%arg6 : memref<4096xi32, #tpu.memory_space<vmem>>)
      tpu.yield
    }) : () -> ()
    "tpu.region"() ({
      %run_scoped3A = tpu.sem_alloc : memref<!tpu.dma_semaphore, #tpu.memory_space<semaphore_mem>>
      %dma_start3A_228 = arith.constant 0 : i32
      %dma_start3A_229 = tpu.memref_slice %arg3[%mul3A_2, %dma_start3A_228] : memref<1024x128xf32, #tpu.memory_space<hbm>> -> memref<32x128xf32, #tpu.memory_space<hbm>>
      %dma_start3A_230 = arith.constant 0 : i32
      %dma_start3A_231 = tpu.memref_slice %arg3[%mul3A_2, %dma_start3A_230] : memref<1024x128xf32, #tpu.memory_space<hbm>> -> memref<32x128xf32, #tpu.memory_space<hbm>>
      tpu.enqueue_dma source(%dma_start3A_231 : memref<32x128xf32, #tpu.memory_space<hbm>>) target(%arg10 : memref<32x128xf32, #tpu.memory_space<vmem>>) target_semaphore(%run_scoped3A : memref<!tpu.dma_semaphore, #tpu.memory_space<semaphore_mem>>)
      %dma_wait3A_232 = arith.constant 0 : i32
      %dma_wait3A_233 = tpu.memref_slice %arg3[%mul3A_2, %dma_wait3A_232] : memref<1024x128xf32, #tpu.memory_space<hbm>> -> memref<32x128xf32, #tpu.memory_space<hbm>>
      %dma_wait3A_234 = arith.constant 0 : i32
      %dma_wait3A_235 = tpu.memref_slice %arg3[%mul3A_2, %dma_wait3A_234] : memref<1024x128xf32, #tpu.memory_space<hbm>> -> memref<32x128xf32, #tpu.memory_space<hbm>>
      tpu.wait_dma2 semaphore(%run_scoped3A : memref<!tpu.dma_semaphore, #tpu.memory_space<semaphore_mem>>) src(%dma_wait3A_235 : memref<32x128xf32, #tpu.memory_space<hbm>>) dst(%arg10 : memref<32x128xf32, #tpu.memory_space<vmem>>)
      tpu.yield
    }) : () -> ()
    %iota3A = tpu.iota {dimensions = array<i32: 0>} : vector<16xi32>
    %broadcast_in_dim3A = arith.constant 0 : i32
    %broadcast_in_dim3A_5 = vector.broadcast %broadcast_in_dim3A : i32 to vector<16xi32>
    %scan3A = arith.constant 0 : i32
    %scan3A_6 = arith.constant 0 : i32
    %scan3A_7 = arith.constant 256 : i32
    %scan3A_8 = arith.addi %scan3A_6, %scan3A_7 : i32
    %scan3A_9 = arith.constant 1 : i32
    %scan3A_10 = scf.for %scan3A_228 = %scan3A_6 to %scan3A_8 step %scan3A_9 iter_args(%scan3A_229 = %scan3A) -> (i32)  : i32 {
      %mul3A_230 = arith.constant 16 : i32
      %mul3A_231 = arith.muli %scan3A_228, %mul3A_230 : i32
      %get3A_232 = arith.index_cast %mul3A_231 : i32 to index
      %get3A_233 = tpu.vector_load %arg6[%get3A_232] {strides = array<i32>} : memref<4096xi32, #tpu.memory_space<vmem>>, vector<16xi32>,
      %get3A_234 = vector.shape_cast %get3A_233 : vector<16xi32> to vector<16xi32>
      %sub3A_235 = vector.broadcast %mul3A_2 : i32 to vector<16xi32>
      %sub3A_236 = arith.subi %get3A_234, %sub3A_235 : vector<16xi32>
      %shift_right_arithmetic3A = arith.constant 5 : i32
      %shift_right_arithmetic3A_237 = vector.broadcast %shift_right_arithmetic3A : i32 to vector<16xi32>
      %shift_right_arithmetic3A_238 = arith.shrsi %sub3A_236, %shift_right_arithmetic3A_237 : vector<16xi32>
      %eq3A_239 = arith.constant 0 : i32
      %eq3A_240 = vector.broadcast %eq3A_239 : i32 to vector<16xi32>
      %eq3A_241 = arith.cmpi eq, %shift_right_arithmetic3A_238, %eq3A_240 : vector<16xi32>
      %jit3A_242 = arith.constant 1 : i32
      %jit3A_243 = arith.constant 0 : i32
      %broadcast_in_dim3A_244 = vector.broadcast %jit3A_242 : i32 to vector<16xi32>
      %broadcast_in_dim3A_245 = vector.broadcast %jit3A_243 : i32 to vector<16xi32>
      %select_n3A_246 = arith.select %eq3A_241, %broadcast_in_dim3A_244, %broadcast_in_dim3A_245 : vector<16xi1>, vector<16xi32>
      %sub3A_247 = arith.constant 1 : i32
      %sub3A_248 = vector.broadcast %sub3A_247 : i32 to vector<16xi32>
      %sub3A_249 = arith.subi %iota3A, %sub3A_248 : vector<16xi32>
      %max3A = arith.constant 0 : i32
      %max3A_250 = vector.broadcast %max3A : i32 to vector<16xi32>
      %max3A_251 = arith.maxsi %sub3A_249, %max3A_250 : vector<16xi32>
      %lt3A = arith.constant 0 : i32
      %lt3A_252 = vector.broadcast %lt3A : i32 to vector<16xi32>
      %lt3A_253 = arith.cmpi slt, %max3A_251, %lt3A_252 : vector<16xi32>
      %add3A_254 = arith.constant 16 : i32
      %add3A_255 = vector.broadcast %add3A_254 : i32 to vector<16xi32>
      %add3A_256 = arith.addi %max3A_251, %add3A_255 : vector<16xi32>
      %select_n3A_257 = arith.select %lt3A_253, %add3A_256, %max3A_251 : vector<16xi1>, vector<16xi32>
      %broadcast_in_dim3A_258 = vector.shape_cast %select_n3A_257 : vector<16xi32> to vector<16x1xi32>
      %gather3A = vector.shape_cast %broadcast_in_dim3A_258 : vector<16x1xi32> to vector<16xi32>
      %gather3A_259 = tpu.dynamic_gather %select_n3A_246[%gather3A] in [0] : vector<16xi32>, vector<16xi32> -> vector<16xi32>
      %ge3A = arith.constant 1 : i32
      %ge3A_260 = vector.broadcast %ge3A : i32 to vector<16xi32>
      %ge3A_261 = arith.cmpi sge, %iota3A, %ge3A_260 : vector<16xi32>
      %jit3A_262 = arith.constant 0 : i32
      %broadcast_in_dim3A_263 = vector.broadcast %jit3A_262 : i32 to vector<16xi32>
      %select_n3A_264 = arith.select %ge3A_261, %gather3A_259, %broadcast_in_dim3A_263 : vector<16xi1>, vector<16xi32>
      %add3A_265 = arith.addi %select_n3A_246, %select_n3A_264 : vector<16xi32>
      %sub3A_266 = arith.constant 2 : i32
      %sub3A_267 = vector.broadcast %sub3A_266 : i32 to vector<16xi32>
      %sub3A_268 = arith.subi %iota3A, %sub3A_267 : vector<16xi32>
      %max3A_269 = arith.constant 0 : i32
      %max3A_270 = vector.broadcast %max3A_269 : i32 to vector<16xi32>
      %max3A_271 = arith.maxsi %sub3A_268, %max3A_270 : vector<16xi32>
      %lt3A_272 = arith.constant 0 : i32
      %lt3A_273 = vector.broadcast %lt3A_272 : i32 to vector<16xi32>
      %lt3A_274 = arith.cmpi slt, %max3A_271, %lt3A_273 : vector<16xi32>
      %add3A_275 = arith.constant 16 : i32
      %add3A_276 = vector.broadcast %add3A_275 : i32 to vector<16xi32>
      %add3A_277 = arith.addi %max3A_271, %add3A_276 : vector<16xi32>
      %select_n3A_278 = arith.select %lt3A_274, %add3A_277, %max3A_271 : vector<16xi1>, vector<16xi32>
      %broadcast_in_dim3A_279 = vector.shape_cast %select_n3A_278 : vector<16xi32> to vector<16x1xi32>
      %gather3A_280 = vector.shape_cast %broadcast_in_dim3A_279 : vector<16x1xi32> to vector<16xi32>
      %gather3A_281 = tpu.dynamic_gather %add3A_265[%gather3A_280] in [0] : vector<16xi32>, vector<16xi32> -> vector<16xi32>
      %ge3A_282 = arith.constant 2 : i32
      %ge3A_283 = vector.broadcast %ge3A_282 : i32 to vector<16xi32>
      %ge3A_284 = arith.cmpi sge, %iota3A, %ge3A_283 : vector<16xi32>
      %jit3A_285 = arith.constant 0 : i32
      %broadcast_in_dim3A_286 = vector.broadcast %jit3A_285 : i32 to vector<16xi32>
      %select_n3A_287 = arith.select %ge3A_284, %gather3A_281, %broadcast_in_dim3A_286 : vector<16xi1>, vector<16xi32>
      %add3A_288 = arith.addi %add3A_265, %select_n3A_287 : vector<16xi32>
      %sub3A_289 = arith.constant 4 : i32
      %sub3A_290 = vector.broadcast %sub3A_289 : i32 to vector<16xi32>
      %sub3A_291 = arith.subi %iota3A, %sub3A_290 : vector<16xi32>
      %max3A_292 = arith.constant 0 : i32
      %max3A_293 = vector.broadcast %max3A_292 : i32 to vector<16xi32>
      %max3A_294 = arith.maxsi %sub3A_291, %max3A_293 : vector<16xi32>
      %lt3A_295 = arith.constant 0 : i32
      %lt3A_296 = vector.broadcast %lt3A_295 : i32 to vector<16xi32>
      %lt3A_297 = arith.cmpi slt, %max3A_294, %lt3A_296 : vector<16xi32>
      %add3A_298 = arith.constant 16 : i32
      %add3A_299 = vector.broadcast %add3A_298 : i32 to vector<16xi32>
      %add3A_300 = arith.addi %max3A_294, %add3A_299 : vector<16xi32>
      %select_n3A_301 = arith.select %lt3A_297, %add3A_300, %max3A_294 : vector<16xi1>, vector<16xi32>
      %broadcast_in_dim3A_302 = vector.shape_cast %select_n3A_301 : vector<16xi32> to vector<16x1xi32>
      %gather3A_303 = vector.shape_cast %broadcast_in_dim3A_302 : vector<16x1xi32> to vector<16xi32>
      %gather3A_304 = tpu.dynamic_gather %add3A_288[%gather3A_303] in [0] : vector<16xi32>, vector<16xi32> -> vector<16xi32>
      %ge3A_305 = arith.constant 4 : i32
      %ge3A_306 = vector.broadcast %ge3A_305 : i32 to vector<16xi32>
      %ge3A_307 = arith.cmpi sge, %iota3A, %ge3A_306 : vector<16xi32>
      %jit3A_308 = arith.constant 0 : i32
      %broadcast_in_dim3A_309 = vector.broadcast %jit3A_308 : i32 to vector<16xi32>
      %select_n3A_310 = arith.select %ge3A_307, %gather3A_304, %broadcast_in_dim3A_309 : vector<16xi1>, vector<16xi32>
      %add3A_311 = arith.addi %add3A_288, %select_n3A_310 : vector<16xi32>
      %sub3A_312 = arith.constant 8 : i32
      %sub3A_313 = vector.broadcast %sub3A_312 : i32 to vector<16xi32>
      %sub3A_314 = arith.subi %iota3A, %sub3A_313 : vector<16xi32>
      %max3A_315 = arith.constant 0 : i32
      %max3A_316 = vector.broadcast %max3A_315 : i32 to vector<16xi32>
      %max3A_317 = arith.maxsi %sub3A_314, %max3A_316 : vector<16xi32>
      %lt3A_318 = arith.constant 0 : i32
      %lt3A_319 = vector.broadcast %lt3A_318 : i32 to vector<16xi32>
      %lt3A_320 = arith.cmpi slt, %max3A_317, %lt3A_319 : vector<16xi32>
      %add3A_321 = arith.constant 16 : i32
      %add3A_322 = vector.broadcast %add3A_321 : i32 to vector<16xi32>
      %add3A_323 = arith.addi %max3A_317, %add3A_322 : vector<16xi32>
      %select_n3A_324 = arith.select %lt3A_320, %add3A_323, %max3A_317 : vector<16xi1>, vector<16xi32>
      %broadcast_in_dim3A_325 = vector.shape_cast %select_n3A_324 : vector<16xi32> to vector<16x1xi32>
      %gather3A_326 = vector.shape_cast %broadcast_in_dim3A_325 : vector<16x1xi32> to vector<16xi32>
      %gather3A_327 = tpu.dynamic_gather %add3A_311[%gather3A_326] in [0] : vector<16xi32>, vector<16xi32> -> vector<16xi32>
      %ge3A_328 = arith.constant 8 : i32
      %ge3A_329 = vector.broadcast %ge3A_328 : i32 to vector<16xi32>
      %ge3A_330 = arith.cmpi sge, %iota3A, %ge3A_329 : vector<16xi32>
      %jit3A_331 = arith.constant 0 : i32
      %broadcast_in_dim3A_332 = vector.broadcast %jit3A_331 : i32 to vector<16xi32>
      %select_n3A_333 = arith.select %ge3A_330, %gather3A_327, %broadcast_in_dim3A_332 : vector<16xi1>, vector<16xi32>
      %add3A_334 = arith.addi %add3A_311, %select_n3A_333 : vector<16xi32>
      %slice3A = vector.extract_strided_slice %add3A_334 {offsets = [15], sizes = [1], strides = [1]} : vector<16xi32> to vector<1xi32>
      %squeeze3A = vector.extract %slice3A[0] : i32 from vector<1xi32>
      %gt3A = arith.constant 0 : i32
      %gt3A_335 = arith.cmpi sgt, %squeeze3A, %gt3A : i32
      %convert_element_type3A_336 = arith.extui %gt3A_335 : i1 to i32
      %cond3A_337 = arith.constant 0 : i32
      %cond3A_338 = arith.cmpi ne, %convert_element_type3A_336, %cond3A_337 : i32
      %cond3A_339 = scf.if %cond3A_338 -> (i32) {
        %shift_right_arithmetic3A_340 = arith.constant 4 : i32
        %shift_right_arithmetic3A_341 = arith.shrsi %scan3A_229, %shift_right_arithmetic3A_340 : i32
        %shift_left3A = arith.constant 4 : i32
        %shift_left3A_342 = arith.shli %shift_right_arithmetic3A_341, %shift_left3A : i32
        %sub3A_343 = arith.subi %scan3A_229, %shift_left3A_342 : i32
        %get3A_344 = arith.index_cast %shift_left3A_342 : i32 to index
        %get3A_345 = tpu.vector_load %arg7[%get3A_344] {strides = array<i32>} : memref<4224xi32, #tpu.memory_space<vmem>>, vector<16xi32>,
        %get3A_346 = vector.shape_cast %get3A_345 : vector<16xi32> to vector<16xi32>
        %get3A_347 = arith.index_cast %shift_left3A_342 : i32 to index
        %get3A_348 = tpu.vector_load %arg8[%get3A_347] {strides = array<i32>} : memref<4224xi32, #tpu.memory_space<vmem>>, vector<16xi32>,
        %get3A_349 = vector.shape_cast %get3A_348 : vector<16xi32> to vector<16xi32>
        %slice3A_350 = vector.extract_strided_slice %select_n3A_246 {offsets = [0], sizes = [1], strides = [1]} : vector<16xi32> to vector<1xi32>
        %squeeze3A_351 = vector.extract %slice3A_350[0] : i32 from vector<1xi32>
        %eq3A_352 = arith.constant 1 : i32
        %eq3A_353 = arith.cmpi eq, %squeeze3A_351, %eq3A_352 : i32
        %slice3A_354 = vector.extract_strided_slice %add3A_334 {offsets = [0], sizes = [1], strides = [1]} : vector<16xi32> to vector<1xi32>
        %squeeze3A_355 = vector.extract %slice3A_354[0] : i32 from vector<1xi32>
        %add3A_356 = arith.addi %sub3A_343, %squeeze3A_355 : i32
        %sub3A_357 = arith.constant 1 : i32
        %sub3A_358 = arith.subi %add3A_356, %sub3A_357 : i32
        %jit3A_359 = arith.constant 32 : i32
        %select_n3A_360 = arith.select %eq3A_353, %sub3A_358, %jit3A_359 : i32
        %eq3A_361 = vector.broadcast %select_n3A_360 : i32 to vector<16xi32>
        %eq3A_362 = arith.cmpi eq, %iota3A, %eq3A_361 : vector<16xi32>
        %sub3A_363 = arith.constant 16 : i32
        %sub3A_364 = arith.subi %select_n3A_360, %sub3A_363 : i32
        %eq3A_365 = vector.broadcast %sub3A_364 : i32 to vector<16xi32>
        %eq3A_366 = arith.cmpi eq, %iota3A, %eq3A_365 : vector<16xi32>
        %mul3A_367 = arith.constant 16 : i32
        %mul3A_368 = arith.muli %scan3A_228, %mul3A_367 : i32
        %add3A_369 = arith.constant 0 : i32
        %add3A_370 = arith.addi %mul3A_368, %add3A_369 : i32
        %slice3A_371 = vector.extract_strided_slice %get3A_234 {offsets = [0], sizes = [1], strides = [1]} : vector<16xi32> to vector<1xi32>
        %squeeze3A_372 = vector.extract %slice3A_371[0] : i32 from vector<1xi32>
        %sub3A_373 = arith.subi %squeeze3A_372, %mul3A_2 : i32
        %broadcast_in_dim3A_374 = vector.broadcast %add3A_370 : i32 to vector<16xi32>
        %select_n3A_375 = arith.select %eq3A_362, %broadcast_in_dim3A_374, %get3A_346 : vector<16xi1>, vector<16xi32>
        %broadcast_in_dim3A_376 = vector.broadcast %sub3A_373 : i32 to vector<16xi32>
        %select_n3A_377 = arith.select %eq3A_362, %broadcast_in_dim3A_376, %get3A_349 : vector<16xi1>, vector<16xi32>
        %broadcast_in_dim3A_378 = vector.broadcast %add3A_370 : i32 to vector<16xi32>
        %select_n3A_379 = arith.select %eq3A_366, %broadcast_in_dim3A_378, %broadcast_in_dim3A_5 : vector<16xi1>, vector<16xi32>
        %broadcast_in_dim3A_380 = vector.broadcast %sub3A_373 : i32 to vector<16xi32>
        %select_n3A_381 = arith.select %eq3A_366, %broadcast_in_dim3A_380, %broadcast_in_dim3A_5 : vector<16xi1>, vector<16xi32>
        %slice3A_382 = vector.extract_strided_slice %select_n3A_246 {offsets = [1], sizes = [1], strides = [1]} : vector<16xi32> to vector<1xi32>
        %squeeze3A_383 = vector.extract %slice3A_382[0] : i32 from vector<1xi32>
        %eq3A_384 = arith.constant 1 : i32
        %eq3A_385 = arith.cmpi eq, %squeeze3A_383, %eq3A_384 : i32
        %slice3A_386 = vector.extract_strided_slice %add3A_334 {offsets = [1], sizes = [1], strides = [1]} : vector<16xi32> to vector<1xi32>
        %squeeze3A_387 = vector.extract %slice3A_386[0] : i32 from vector<1xi32>
        %add3A_388 = arith.addi %sub3A_343, %squeeze3A_387 : i32
        %sub3A_389 = arith.constant 1 : i32
        %sub3A_390 = arith.subi %add3A_388, %sub3A_389 : i32
        %jit3A_391 = arith.constant 32 : i32
        %select_n3A_392 = arith.select %eq3A_385, %sub3A_390, %jit3A_391 : i32
        %eq3A_393 = vector.broadcast %select_n3A_392 : i32 to vector<16xi32>
        %eq3A_394 = arith.cmpi eq, %iota3A, %eq3A_393 : vector<16xi32>
        %sub3A_395 = arith.constant 16 : i32
        %sub3A_396 = arith.subi %select_n3A_392, %sub3A_395 : i32
        %eq3A_397 = vector.broadcast %sub3A_396 : i32 to vector<16xi32>
        %eq3A_398 = arith.cmpi eq, %iota3A, %eq3A_397 : vector<16xi32>
        %mul3A_399 = arith.constant 16 : i32
        %mul3A_400 = arith.muli %scan3A_228, %mul3A_399 : i32
        %add3A_401 = arith.constant 1 : i32
        %add3A_402 = arith.addi %mul3A_400, %add3A_401 : i32
        %slice3A_403 = vector.extract_strided_slice %get3A_234 {offsets = [1], sizes = [1], strides = [1]} : vector<16xi32> to vector<1xi32>
        %squeeze3A_404 = vector.extract %slice3A_403[0] : i32 from vector<1xi32>
        %sub3A_405 = arith.subi %squeeze3A_404, %mul3A_2 : i32
        %broadcast_in_dim3A_406 = vector.broadcast %add3A_402 : i32 to vector<16xi32>
        %select_n3A_407 = arith.select %eq3A_394, %broadcast_in_dim3A_406, %select_n3A_375 : vector<16xi1>, vector<16xi32>
        %broadcast_in_dim3A_408 = vector.broadcast %sub3A_405 : i32 to vector<16xi32>
        %select_n3A_409 = arith.select %eq3A_394, %broadcast_in_dim3A_408, %select_n3A_377 : vector<16xi1>, vector<16xi32>
        %broadcast_in_dim3A_410 = vector.broadcast %add3A_402 : i32 to vector<16xi32>
        %select_n3A_411 = arith.select %eq3A_398, %broadcast_in_dim3A_410, %select_n3A_379 : vector<16xi1>, vector<16xi32>
        %broadcast_in_dim3A_412 = vector.broadcast %sub3A_405 : i32 to vector<16xi32>
        %select_n3A_413 = arith.select %eq3A_398, %broadcast_in_dim3A_412, %select_n3A_381 : vector<16xi1>, vector<16xi32>
        %slice3A_414 = vector.extract_strided_slice %select_n3A_246 {offsets = [2], sizes = [1], strides = [1]} : vector<16xi32> to vector<1xi32>
        %squeeze3A_415 = vector.extract %slice3A_414[0] : i32 from vector<1xi32>
        %eq3A_416 = arith.constant 1 : i32
        %eq3A_417 = arith.cmpi eq, %squeeze3A_415, %eq3A_416 : i32
        %slice3A_418 = vector.extract_strided_slice %add3A_334 {offsets = [2], sizes = [1], strides = [1]} : vector<16xi32> to vector<1xi32>
        %squeeze3A_419 = vector.extract %slice3A_418[0] : i32 from vector<1xi32>
        %add3A_420 = arith.addi %sub3A_343, %squeeze3A_419 : i32
        %sub3A_421 = arith.constant 1 : i32
        %sub3A_422 = arith.subi %add3A_420, %sub3A_421 : i32
        %jit3A_423 = arith.constant 32 : i32
        %select_n3A_424 = arith.select %eq3A_417, %sub3A_422, %jit3A_423 : i32
        %eq3A_425 = vector.broadcast %select_n3A_424 : i32 to vector<16xi32>
        %eq3A_426 = arith.cmpi eq, %iota3A, %eq3A_425 : vector<16xi32>
        %sub3A_427 = arith.constant 16 : i32
        %sub3A_428 = arith.subi %select_n3A_424, %sub3A_427 : i32
        %eq3A_429 = vector.broadcast %sub3A_428 : i32 to vector<16xi32>
        %eq3A_430 = arith.cmpi eq, %iota3A, %eq3A_429 : vector<16xi32>
        %mul3A_431 = arith.constant 16 : i32
        %mul3A_432 = arith.muli %scan3A_228, %mul3A_431 : i32
        %add3A_433 = arith.constant 2 : i32
        %add3A_434 = arith.addi %mul3A_432, %add3A_433 : i32
        %slice3A_435 = vector.extract_strided_slice %get3A_234 {offsets = [2], sizes = [1], strides = [1]} : vector<16xi32> to vector<1xi32>
        %squeeze3A_436 = vector.extract %slice3A_435[0] : i32 from vector<1xi32>
        %sub3A_437 = arith.subi %squeeze3A_436, %mul3A_2 : i32
        %broadcast_in_dim3A_438 = vector.broadcast %add3A_434 : i32 to vector<16xi32>
        %select_n3A_439 = arith.select %eq3A_426, %broadcast_in_dim3A_438, %select_n3A_407 : vector<16xi1>, vector<16xi32>
        %broadcast_in_dim3A_440 = vector.broadcast %sub3A_437 : i32 to vector<16xi32>
        %select_n3A_441 = arith.select %eq3A_426, %broadcast_in_dim3A_440, %select_n3A_409 : vector<16xi1>, vector<16xi32>
        %broadcast_in_dim3A_442 = vector.broadcast %add3A_434 : i32 to vector<16xi32>
        %select_n3A_443 = arith.select %eq3A_430, %broadcast_in_dim3A_442, %select_n3A_411 : vector<16xi1>, vector<16xi32>
        %broadcast_in_dim3A_444 = vector.broadcast %sub3A_437 : i32 to vector<16xi32>
        %select_n3A_445 = arith.select %eq3A_430, %broadcast_in_dim3A_444, %select_n3A_413 : vector<16xi1>, vector<16xi32>
        %slice3A_446 = vector.extract_strided_slice %select_n3A_246 {offsets = [3], sizes = [1], strides = [1]} : vector<16xi32> to vector<1xi32>
        %squeeze3A_447 = vector.extract %slice3A_446[0] : i32 from vector<1xi32>
        %eq3A_448 = arith.constant 1 : i32
        %eq3A_449 = arith.cmpi eq, %squeeze3A_447, %eq3A_448 : i32
        %slice3A_450 = vector.extract_strided_slice %add3A_334 {offsets = [3], sizes = [1], strides = [1]} : vector<16xi32> to vector<1xi32>
        %squeeze3A_451 = vector.extract %slice3A_450[0] : i32 from vector<1xi32>
        %add3A_452 = arith.addi %sub3A_343, %squeeze3A_451 : i32
        %sub3A_453 = arith.constant 1 : i32
        %sub3A_454 = arith.subi %add3A_452, %sub3A_453 : i32
        %jit3A_455 = arith.constant 32 : i32
        %select_n3A_456 = arith.select %eq3A_449, %sub3A_454, %jit3A_455 : i32
        %eq3A_457 = vector.broadcast %select_n3A_456 : i32 to vector<16xi32>
        %eq3A_458 = arith.cmpi eq, %iota3A, %eq3A_457 : vector<16xi32>
        %sub3A_459 = arith.constant 16 : i32
        %sub3A_460 = arith.subi %select_n3A_456, %sub3A_459 : i32
        %eq3A_461 = vector.broadcast %sub3A_460 : i32 to vector<16xi32>
        %eq3A_462 = arith.cmpi eq, %iota3A, %eq3A_461 : vector<16xi32>
        %mul3A_463 = arith.constant 16 : i32
        %mul3A_464 = arith.muli %scan3A_228, %mul3A_463 : i32
        %add3A_465 = arith.constant 3 : i32
        %add3A_466 = arith.addi %mul3A_464, %add3A_465 : i32
        %slice3A_467 = vector.extract_strided_slice %get3A_234 {offsets = [3], sizes = [1], strides = [1]} : vector<16xi32> to vector<1xi32>
        %squeeze3A_468 = vector.extract %slice3A_467[0] : i32 from vector<1xi32>
        %sub3A_469 = arith.subi %squeeze3A_468, %mul3A_2 : i32
        %broadcast_in_dim3A_470 = vector.broadcast %add3A_466 : i32 to vector<16xi32>
        %select_n3A_471 = arith.select %eq3A_458, %broadcast_in_dim3A_470, %select_n3A_439 : vector<16xi1>, vector<16xi32>
        %broadcast_in_dim3A_472 = vector.broadcast %sub3A_469 : i32 to vector<16xi32>
        %select_n3A_473 = arith.select %eq3A_458, %broadcast_in_dim3A_472, %select_n3A_441 : vector<16xi1>, vector<16xi32>
        %broadcast_in_dim3A_474 = vector.broadcast %add3A_466 : i32 to vector<16xi32>
        %select_n3A_475 = arith.select %eq3A_462, %broadcast_in_dim3A_474, %select_n3A_443 : vector<16xi1>, vector<16xi32>
        %broadcast_in_dim3A_476 = vector.broadcast %sub3A_469 : i32 to vector<16xi32>
        %select_n3A_477 = arith.select %eq3A_462, %broadcast_in_dim3A_476, %select_n3A_445 : vector<16xi1>, vector<16xi32>
        %slice3A_478 = vector.extract_strided_slice %select_n3A_246 {offsets = [4], sizes = [1], strides = [1]} : vector<16xi32> to vector<1xi32>
        %squeeze3A_479 = vector.extract %slice3A_478[0] : i32 from vector<1xi32>
        %eq3A_480 = arith.constant 1 : i32
        %eq3A_481 = arith.cmpi eq, %squeeze3A_479, %eq3A_480 : i32
        %slice3A_482 = vector.extract_strided_slice %add3A_334 {offsets = [4], sizes = [1], strides = [1]} : vector<16xi32> to vector<1xi32>
        %squeeze3A_483 = vector.extract %slice3A_482[0] : i32 from vector<1xi32>
        %add3A_484 = arith.addi %sub3A_343, %squeeze3A_483 : i32
        %sub3A_485 = arith.constant 1 : i32
        %sub3A_486 = arith.subi %add3A_484, %sub3A_485 : i32
        %jit3A_487 = arith.constant 32 : i32
        %select_n3A_488 = arith.select %eq3A_481, %sub3A_486, %jit3A_487 : i32
        %eq3A_489 = vector.broadcast %select_n3A_488 : i32 to vector<16xi32>
        %eq3A_490 = arith.cmpi eq, %iota3A, %eq3A_489 : vector<16xi32>
        %sub3A_491 = arith.constant 16 : i32
        %sub3A_492 = arith.subi %select_n3A_488, %sub3A_491 : i32
        %eq3A_493 = vector.broadcast %sub3A_492 : i32 to vector<16xi32>
        %eq3A_494 = arith.cmpi eq, %iota3A, %eq3A_493 : vector<16xi32>
        %mul3A_495 = arith.constant 16 : i32
        %mul3A_496 = arith.muli %scan3A_228, %mul3A_495 : i32
        %add3A_497 = arith.constant 4 : i32
        %add3A_498 = arith.addi %mul3A_496, %add3A_497 : i32
        %slice3A_499 = vector.extract_strided_slice %get3A_234 {offsets = [4], sizes = [1], strides = [1]} : vector<16xi32> to vector<1xi32>
        %squeeze3A_500 = vector.extract %slice3A_499[0] : i32 from vector<1xi32>
        %sub3A_501 = arith.subi %squeeze3A_500, %mul3A_2 : i32
        %broadcast_in_dim3A_502 = vector.broadcast %add3A_498 : i32 to vector<16xi32>
        %select_n3A_503 = arith.select %eq3A_490, %broadcast_in_dim3A_502, %select_n3A_471 : vector<16xi1>, vector<16xi32>
        %broadcast_in_dim3A_504 = vector.broadcast %sub3A_501 : i32 to vector<16xi32>
        %select_n3A_505 = arith.select %eq3A_490, %broadcast_in_dim3A_504, %select_n3A_473 : vector<16xi1>, vector<16xi32>
        %broadcast_in_dim3A_506 = vector.broadcast %add3A_498 : i32 to vector<16xi32>
        %select_n3A_507 = arith.select %eq3A_494, %broadcast_in_dim3A_506, %select_n3A_475 : vector<16xi1>, vector<16xi32>
        %broadcast_in_dim3A_508 = vector.broadcast %sub3A_501 : i32 to vector<16xi32>
        %select_n3A_509 = arith.select %eq3A_494, %broadcast_in_dim3A_508, %select_n3A_477 : vector<16xi1>, vector<16xi32>
        %slice3A_510 = vector.extract_strided_slice %select_n3A_246 {offsets = [5], sizes = [1], strides = [1]} : vector<16xi32> to vector<1xi32>
        %squeeze3A_511 = vector.extract %slice3A_510[0] : i32 from vector<1xi32>
        %eq3A_512 = arith.constant 1 : i32
        %eq3A_513 = arith.cmpi eq, %squeeze3A_511, %eq3A_512 : i32
        %slice3A_514 = vector.extract_strided_slice %add3A_334 {offsets = [5], sizes = [1], strides = [1]} : vector<16xi32> to vector<1xi32>
        %squeeze3A_515 = vector.extract %slice3A_514[0] : i32 from vector<1xi32>
        %add3A_516 = arith.addi %sub3A_343, %squeeze3A_515 : i32
        %sub3A_517 = arith.constant 1 : i32
        %sub3A_518 = arith.subi %add3A_516, %sub3A_517 : i32
        %jit3A_519 = arith.constant 32 : i32
        %select_n3A_520 = arith.select %eq3A_513, %sub3A_518, %jit3A_519 : i32
        %eq3A_521 = vector.broadcast %select_n3A_520 : i32 to vector<16xi32>
        %eq3A_522 = arith.cmpi eq, %iota3A, %eq3A_521 : vector<16xi32>
        %sub3A_523 = arith.constant 16 : i32
        %sub3A_524 = arith.subi %select_n3A_520, %sub3A_523 : i32
        %eq3A_525 = vector.broadcast %sub3A_524 : i32 to vector<16xi32>
        %eq3A_526 = arith.cmpi eq, %iota3A, %eq3A_525 : vector<16xi32>
        %mul3A_527 = arith.constant 16 : i32
        %mul3A_528 = arith.muli %scan3A_228, %mul3A_527 : i32
        %add3A_529 = arith.constant 5 : i32
        %add3A_530 = arith.addi %mul3A_528, %add3A_529 : i32
        %slice3A_531 = vector.extract_strided_slice %get3A_234 {offsets = [5], sizes = [1], strides = [1]} : vector<16xi32> to vector<1xi32>
        %squeeze3A_532 = vector.extract %slice3A_531[0] : i32 from vector<1xi32>
        %sub3A_533 = arith.subi %squeeze3A_532, %mul3A_2 : i32
        %broadcast_in_dim3A_534 = vector.broadcast %add3A_530 : i32 to vector<16xi32>
        %select_n3A_535 = arith.select %eq3A_522, %broadcast_in_dim3A_534, %select_n3A_503 : vector<16xi1>, vector<16xi32>
        %broadcast_in_dim3A_536 = vector.broadcast %sub3A_533 : i32 to vector<16xi32>
        %select_n3A_537 = arith.select %eq3A_522, %broadcast_in_dim3A_536, %select_n3A_505 : vector<16xi1>, vector<16xi32>
        %broadcast_in_dim3A_538 = vector.broadcast %add3A_530 : i32 to vector<16xi32>
        %select_n3A_539 = arith.select %eq3A_526, %broadcast_in_dim3A_538, %select_n3A_507 : vector<16xi1>, vector<16xi32>
        %broadcast_in_dim3A_540 = vector.broadcast %sub3A_533 : i32 to vector<16xi32>
        %select_n3A_541 = arith.select %eq3A_526, %broadcast_in_dim3A_540, %select_n3A_509 : vector<16xi1>, vector<16xi32>
        %slice3A_542 = vector.extract_strided_slice %select_n3A_246 {offsets = [6], sizes = [1], strides = [1]} : vector<16xi32> to vector<1xi32>
        %squeeze3A_543 = vector.extract %slice3A_542[0] : i32 from vector<1xi32>
        %eq3A_544 = arith.constant 1 : i32
        %eq3A_545 = arith.cmpi eq, %squeeze3A_543, %eq3A_544 : i32
        %slice3A_546 = vector.extract_strided_slice %add3A_334 {offsets = [6], sizes = [1], strides = [1]} : vector<16xi32> to vector<1xi32>
        %squeeze3A_547 = vector.extract %slice3A_546[0] : i32 from vector<1xi32>
        %add3A_548 = arith.addi %sub3A_343, %squeeze3A_547 : i32
        %sub3A_549 = arith.constant 1 : i32
        %sub3A_550 = arith.subi %add3A_548, %sub3A_549 : i32
        %jit3A_551 = arith.constant 32 : i32
        %select_n3A_552 = arith.select %eq3A_545, %sub3A_550, %jit3A_551 : i32
        %eq3A_553 = vector.broadcast %select_n3A_552 : i32 to vector<16xi32>
        %eq3A_554 = arith.cmpi eq, %iota3A, %eq3A_553 : vector<16xi32>
        %sub3A_555 = arith.constant 16 : i32
        %sub3A_556 = arith.subi %select_n3A_552, %sub3A_555 : i32
        %eq3A_557 = vector.broadcast %sub3A_556 : i32 to vector<16xi32>
        %eq3A_558 = arith.cmpi eq, %iota3A, %eq3A_557 : vector<16xi32>
        %mul3A_559 = arith.constant 16 : i32
        %mul3A_560 = arith.muli %scan3A_228, %mul3A_559 : i32
        %add3A_561 = arith.constant 6 : i32
        %add3A_562 = arith.addi %mul3A_560, %add3A_561 : i32
        %slice3A_563 = vector.extract_strided_slice %get3A_234 {offsets = [6], sizes = [1], strides = [1]} : vector<16xi32> to vector<1xi32>
        %squeeze3A_564 = vector.extract %slice3A_563[0] : i32 from vector<1xi32>
        %sub3A_565 = arith.subi %squeeze3A_564, %mul3A_2 : i32
        %broadcast_in_dim3A_566 = vector.broadcast %add3A_562 : i32 to vector<16xi32>
        %select_n3A_567 = arith.select %eq3A_554, %broadcast_in_dim3A_566, %select_n3A_535 : vector<16xi1>, vector<16xi32>
        %broadcast_in_dim3A_568 = vector.broadcast %sub3A_565 : i32 to vector<16xi32>
        %select_n3A_569 = arith.select %eq3A_554, %broadcast_in_dim3A_568, %select_n3A_537 : vector<16xi1>, vector<16xi32>
        %broadcast_in_dim3A_570 = vector.broadcast %add3A_562 : i32 to vector<16xi32>
        %select_n3A_571 = arith.select %eq3A_558, %broadcast_in_dim3A_570, %select_n3A_539 : vector<16xi1>, vector<16xi32>
        %broadcast_in_dim3A_572 = vector.broadcast %sub3A_565 : i32 to vector<16xi32>
        %select_n3A_573 = arith.select %eq3A_558, %broadcast_in_dim3A_572, %select_n3A_541 : vector<16xi1>, vector<16xi32>
        %slice3A_574 = vector.extract_strided_slice %select_n3A_246 {offsets = [7], sizes = [1], strides = [1]} : vector<16xi32> to vector<1xi32>
        %squeeze3A_575 = vector.extract %slice3A_574[0] : i32 from vector<1xi32>
        %eq3A_576 = arith.constant 1 : i32
        %eq3A_577 = arith.cmpi eq, %squeeze3A_575, %eq3A_576 : i32
        %slice3A_578 = vector.extract_strided_slice %add3A_334 {offsets = [7], sizes = [1], strides = [1]} : vector<16xi32> to vector<1xi32>
        %squeeze3A_579 = vector.extract %slice3A_578[0] : i32 from vector<1xi32>
        %add3A_580 = arith.addi %sub3A_343, %squeeze3A_579 : i32
        %sub3A_581 = arith.constant 1 : i32
        %sub3A_582 = arith.subi %add3A_580, %sub3A_581 : i32
        %jit3A_583 = arith.constant 32 : i32
        %select_n3A_584 = arith.select %eq3A_577, %sub3A_582, %jit3A_583 : i32
        %eq3A_585 = vector.broadcast %select_n3A_584 : i32 to vector<16xi32>
        %eq3A_586 = arith.cmpi eq, %iota3A, %eq3A_585 : vector<16xi32>
        %sub3A_587 = arith.constant 16 : i32
        %sub3A_588 = arith.subi %select_n3A_584, %sub3A_587 : i32
        %eq3A_589 = vector.broadcast %sub3A_588 : i32 to vector<16xi32>
        %eq3A_590 = arith.cmpi eq, %iota3A, %eq3A_589 : vector<16xi32>
        %mul3A_591 = arith.constant 16 : i32
        %mul3A_592 = arith.muli %scan3A_228, %mul3A_591 : i32
        %add3A_593 = arith.constant 7 : i32
        %add3A_594 = arith.addi %mul3A_592, %add3A_593 : i32
        %slice3A_595 = vector.extract_strided_slice %get3A_234 {offsets = [7], sizes = [1], strides = [1]} : vector<16xi32> to vector<1xi32>
        %squeeze3A_596 = vector.extract %slice3A_595[0] : i32 from vector<1xi32>
        %sub3A_597 = arith.subi %squeeze3A_596, %mul3A_2 : i32
        %broadcast_in_dim3A_598 = vector.broadcast %add3A_594 : i32 to vector<16xi32>
        %select_n3A_599 = arith.select %eq3A_586, %broadcast_in_dim3A_598, %select_n3A_567 : vector<16xi1>, vector<16xi32>
        %broadcast_in_dim3A_600 = vector.broadcast %sub3A_597 : i32 to vector<16xi32>
        %select_n3A_601 = arith.select %eq3A_586, %broadcast_in_dim3A_600, %select_n3A_569 : vector<16xi1>, vector<16xi32>
        %broadcast_in_dim3A_602 = vector.broadcast %add3A_594 : i32 to vector<16xi32>
        %select_n3A_603 = arith.select %eq3A_590, %broadcast_in_dim3A_602, %select_n3A_571 : vector<16xi1>, vector<16xi32>
        %broadcast_in_dim3A_604 = vector.broadcast %sub3A_597 : i32 to vector<16xi32>
        %select_n3A_605 = arith.select %eq3A_590, %broadcast_in_dim3A_604, %select_n3A_573 : vector<16xi1>, vector<16xi32>
        %slice3A_606 = vector.extract_strided_slice %select_n3A_246 {offsets = [8], sizes = [1], strides = [1]} : vector<16xi32> to vector<1xi32>
        %squeeze3A_607 = vector.extract %slice3A_606[0] : i32 from vector<1xi32>
        %eq3A_608 = arith.constant 1 : i32
        %eq3A_609 = arith.cmpi eq, %squeeze3A_607, %eq3A_608 : i32
        %slice3A_610 = vector.extract_strided_slice %add3A_334 {offsets = [8], sizes = [1], strides = [1]} : vector<16xi32> to vector<1xi32>
        %squeeze3A_611 = vector.extract %slice3A_610[0] : i32 from vector<1xi32>
        %add3A_612 = arith.addi %sub3A_343, %squeeze3A_611 : i32
        %sub3A_613 = arith.constant 1 : i32
        %sub3A_614 = arith.subi %add3A_612, %sub3A_613 : i32
        %jit3A_615 = arith.constant 32 : i32
        %select_n3A_616 = arith.select %eq3A_609, %sub3A_614, %jit3A_615 : i32
        %eq3A_617 = vector.broadcast %select_n3A_616 : i32 to vector<16xi32>
        %eq3A_618 = arith.cmpi eq, %iota3A, %eq3A_617 : vector<16xi32>
        %sub3A_619 = arith.constant 16 : i32
        %sub3A_620 = arith.subi %select_n3A_616, %sub3A_619 : i32
        %eq3A_621 = vector.broadcast %sub3A_620 : i32 to vector<16xi32>
        %eq3A_622 = arith.cmpi eq, %iota3A, %eq3A_621 : vector<16xi32>
        %mul3A_623 = arith.constant 16 : i32
        %mul3A_624 = arith.muli %scan3A_228, %mul3A_623 : i32
        %add3A_625 = arith.constant 8 : i32
        %add3A_626 = arith.addi %mul3A_624, %add3A_625 : i32
        %slice3A_627 = vector.extract_strided_slice %get3A_234 {offsets = [8], sizes = [1], strides = [1]} : vector<16xi32> to vector<1xi32>
        %squeeze3A_628 = vector.extract %slice3A_627[0] : i32 from vector<1xi32>
        %sub3A_629 = arith.subi %squeeze3A_628, %mul3A_2 : i32
        %broadcast_in_dim3A_630 = vector.broadcast %add3A_626 : i32 to vector<16xi32>
        %select_n3A_631 = arith.select %eq3A_618, %broadcast_in_dim3A_630, %select_n3A_599 : vector<16xi1>, vector<16xi32>
        %broadcast_in_dim3A_632 = vector.broadcast %sub3A_629 : i32 to vector<16xi32>
        %select_n3A_633 = arith.select %eq3A_618, %broadcast_in_dim3A_632, %select_n3A_601 : vector<16xi1>, vector<16xi32>
        %broadcast_in_dim3A_634 = vector.broadcast %add3A_626 : i32 to vector<16xi32>
        %select_n3A_635 = arith.select %eq3A_622, %broadcast_in_dim3A_634, %select_n3A_603 : vector<16xi1>, vector<16xi32>
        %broadcast_in_dim3A_636 = vector.broadcast %sub3A_629 : i32 to vector<16xi32>
        %select_n3A_637 = arith.select %eq3A_622, %broadcast_in_dim3A_636, %select_n3A_605 : vector<16xi1>, vector<16xi32>
        %slice3A_638 = vector.extract_strided_slice %select_n3A_246 {offsets = [9], sizes = [1], strides = [1]} : vector<16xi32> to vector<1xi32>
        %squeeze3A_639 = vector.extract %slice3A_638[0] : i32 from vector<1xi32>
        %eq3A_640 = arith.constant 1 : i32
        %eq3A_641 = arith.cmpi eq, %squeeze3A_639, %eq3A_640 : i32
        %slice3A_642 = vector.extract_strided_slice %add3A_334 {offsets = [9], sizes = [1], strides = [1]} : vector<16xi32> to vector<1xi32>
        %squeeze3A_643 = vector.extract %slice3A_642[0] : i32 from vector<1xi32>
        %add3A_644 = arith.addi %sub3A_343, %squeeze3A_643 : i32
        %sub3A_645 = arith.constant 1 : i32
        %sub3A_646 = arith.subi %add3A_644, %sub3A_645 : i32
        %jit3A_647 = arith.constant 32 : i32
        %select_n3A_648 = arith.select %eq3A_641, %sub3A_646, %jit3A_647 : i32
        %eq3A_649 = vector.broadcast %select_n3A_648 : i32 to vector<16xi32>
        %eq3A_650 = arith.cmpi eq, %iota3A, %eq3A_649 : vector<16xi32>
        %sub3A_651 = arith.constant 16 : i32
        %sub3A_652 = arith.subi %select_n3A_648, %sub3A_651 : i32
        %eq3A_653 = vector.broadcast %sub3A_652 : i32 to vector<16xi32>
        %eq3A_654 = arith.cmpi eq, %iota3A, %eq3A_653 : vector<16xi32>
        %mul3A_655 = arith.constant 16 : i32
        %mul3A_656 = arith.muli %scan3A_228, %mul3A_655 : i32
        %add3A_657 = arith.constant 9 : i32
        %add3A_658 = arith.addi %mul3A_656, %add3A_657 : i32
        %slice3A_659 = vector.extract_strided_slice %get3A_234 {offsets = [9], sizes = [1], strides = [1]} : vector<16xi32> to vector<1xi32>
        %squeeze3A_660 = vector.extract %slice3A_659[0] : i32 from vector<1xi32>
        %sub3A_661 = arith.subi %squeeze3A_660, %mul3A_2 : i32
        %broadcast_in_dim3A_662 = vector.broadcast %add3A_658 : i32 to vector<16xi32>
        %select_n3A_663 = arith.select %eq3A_650, %broadcast_in_dim3A_662, %select_n3A_631 : vector<16xi1>, vector<16xi32>
        %broadcast_in_dim3A_664 = vector.broadcast %sub3A_661 : i32 to vector<16xi32>
        %select_n3A_665 = arith.select %eq3A_650, %broadcast_in_dim3A_664, %select_n3A_633 : vector<16xi1>, vector<16xi32>
        %broadcast_in_dim3A_666 = vector.broadcast %add3A_658 : i32 to vector<16xi32>
        %select_n3A_667 = arith.select %eq3A_654, %broadcast_in_dim3A_666, %select_n3A_635 : vector<16xi1>, vector<16xi32>
        %broadcast_in_dim3A_668 = vector.broadcast %sub3A_661 : i32 to vector<16xi32>
        %select_n3A_669 = arith.select %eq3A_654, %broadcast_in_dim3A_668, %select_n3A_637 : vector<16xi1>, vector<16xi32>
        %slice3A_670 = vector.extract_strided_slice %select_n3A_246 {offsets = [10], sizes = [1], strides = [1]} : vector<16xi32> to vector<1xi32>
        %squeeze3A_671 = vector.extract %slice3A_670[0] : i32 from vector<1xi32>
        %eq3A_672 = arith.constant 1 : i32
        %eq3A_673 = arith.cmpi eq, %squeeze3A_671, %eq3A_672 : i32
        %slice3A_674 = vector.extract_strided_slice %add3A_334 {offsets = [10], sizes = [1], strides = [1]} : vector<16xi32> to vector<1xi32>
        %squeeze3A_675 = vector.extract %slice3A_674[0] : i32 from vector<1xi32>
        %add3A_676 = arith.addi %sub3A_343, %squeeze3A_675 : i32
        %sub3A_677 = arith.constant 1 : i32
        %sub3A_678 = arith.subi %add3A_676, %sub3A_677 : i32
        %jit3A_679 = arith.constant 32 : i32
        %select_n3A_680 = arith.select %eq3A_673, %sub3A_678, %jit3A_679 : i32
        %eq3A_681 = vector.broadcast %select_n3A_680 : i32 to vector<16xi32>
        %eq3A_682 = arith.cmpi eq, %iota3A, %eq3A_681 : vector<16xi32>
        %sub3A_683 = arith.constant 16 : i32
        %sub3A_684 = arith.subi %select_n3A_680, %sub3A_683 : i32
        %eq3A_685 = vector.broadcast %sub3A_684 : i32 to vector<16xi32>
        %eq3A_686 = arith.cmpi eq, %iota3A, %eq3A_685 : vector<16xi32>
        %mul3A_687 = arith.constant 16 : i32
        %mul3A_688 = arith.muli %scan3A_228, %mul3A_687 : i32
        %add3A_689 = arith.constant 10 : i32
        %add3A_690 = arith.addi %mul3A_688, %add3A_689 : i32
        %slice3A_691 = vector.extract_strided_slice %get3A_234 {offsets = [10], sizes = [1], strides = [1]} : vector<16xi32> to vector<1xi32>
        %squeeze3A_692 = vector.extract %slice3A_691[0] : i32 from vector<1xi32>
        %sub3A_693 = arith.subi %squeeze3A_692, %mul3A_2 : i32
        %broadcast_in_dim3A_694 = vector.broadcast %add3A_690 : i32 to vector<16xi32>
        %select_n3A_695 = arith.select %eq3A_682, %broadcast_in_dim3A_694, %select_n3A_663 : vector<16xi1>, vector<16xi32>
        %broadcast_in_dim3A_696 = vector.broadcast %sub3A_693 : i32 to vector<16xi32>
        %select_n3A_697 = arith.select %eq3A_682, %broadcast_in_dim3A_696, %select_n3A_665 : vector<16xi1>, vector<16xi32>
        %broadcast_in_dim3A_698 = vector.broadcast %add3A_690 : i32 to vector<16xi32>
        %select_n3A_699 = arith.select %eq3A_686, %broadcast_in_dim3A_698, %select_n3A_667 : vector<16xi1>, vector<16xi32>
        %broadcast_in_dim3A_700 = vector.broadcast %sub3A_693 : i32 to vector<16xi32>
        %select_n3A_701 = arith.select %eq3A_686, %broadcast_in_dim3A_700, %select_n3A_669 : vector<16xi1>, vector<16xi32>
        %slice3A_702 = vector.extract_strided_slice %select_n3A_246 {offsets = [11], sizes = [1], strides = [1]} : vector<16xi32> to vector<1xi32>
        %squeeze3A_703 = vector.extract %slice3A_702[0] : i32 from vector<1xi32>
        %eq3A_704 = arith.constant 1 : i32
        %eq3A_705 = arith.cmpi eq, %squeeze3A_703, %eq3A_704 : i32
        %slice3A_706 = vector.extract_strided_slice %add3A_334 {offsets = [11], sizes = [1], strides = [1]} : vector<16xi32> to vector<1xi32>
        %squeeze3A_707 = vector.extract %slice3A_706[0] : i32 from vector<1xi32>
        %add3A_708 = arith.addi %sub3A_343, %squeeze3A_707 : i32
        %sub3A_709 = arith.constant 1 : i32
        %sub3A_710 = arith.subi %add3A_708, %sub3A_709 : i32
        %jit3A_711 = arith.constant 32 : i32
        %select_n3A_712 = arith.select %eq3A_705, %sub3A_710, %jit3A_711 : i32
        %eq3A_713 = vector.broadcast %select_n3A_712 : i32 to vector<16xi32>
        %eq3A_714 = arith.cmpi eq, %iota3A, %eq3A_713 : vector<16xi32>
        %sub3A_715 = arith.constant 16 : i32
        %sub3A_716 = arith.subi %select_n3A_712, %sub3A_715 : i32
        %eq3A_717 = vector.broadcast %sub3A_716 : i32 to vector<16xi32>
        %eq3A_718 = arith.cmpi eq, %iota3A, %eq3A_717 : vector<16xi32>
        %mul3A_719 = arith.constant 16 : i32
        %mul3A_720 = arith.muli %scan3A_228, %mul3A_719 : i32
        %add3A_721 = arith.constant 11 : i32
        %add3A_722 = arith.addi %mul3A_720, %add3A_721 : i32
        %slice3A_723 = vector.extract_strided_slice %get3A_234 {offsets = [11], sizes = [1], strides = [1]} : vector<16xi32> to vector<1xi32>
        %squeeze3A_724 = vector.extract %slice3A_723[0] : i32 from vector<1xi32>
        %sub3A_725 = arith.subi %squeeze3A_724, %mul3A_2 : i32
        %broadcast_in_dim3A_726 = vector.broadcast %add3A_722 : i32 to vector<16xi32>
        %select_n3A_727 = arith.select %eq3A_714, %broadcast_in_dim3A_726, %select_n3A_695 : vector<16xi1>, vector<16xi32>
        %broadcast_in_dim3A_728 = vector.broadcast %sub3A_725 : i32 to vector<16xi32>
        %select_n3A_729 = arith.select %eq3A_714, %broadcast_in_dim3A_728, %select_n3A_697 : vector<16xi1>, vector<16xi32>
        %broadcast_in_dim3A_730 = vector.broadcast %add3A_722 : i32 to vector<16xi32>
        %select_n3A_731 = arith.select %eq3A_718, %broadcast_in_dim3A_730, %select_n3A_699 : vector<16xi1>, vector<16xi32>
        %broadcast_in_dim3A_732 = vector.broadcast %sub3A_725 : i32 to vector<16xi32>
        %select_n3A_733 = arith.select %eq3A_718, %broadcast_in_dim3A_732, %select_n3A_701 : vector<16xi1>, vector<16xi32>
        %slice3A_734 = vector.extract_strided_slice %select_n3A_246 {offsets = [12], sizes = [1], strides = [1]} : vector<16xi32> to vector<1xi32>
        %squeeze3A_735 = vector.extract %slice3A_734[0] : i32 from vector<1xi32>
        %eq3A_736 = arith.constant 1 : i32
        %eq3A_737 = arith.cmpi eq, %squeeze3A_735, %eq3A_736 : i32
        %slice3A_738 = vector.extract_strided_slice %add3A_334 {offsets = [12], sizes = [1], strides = [1]} : vector<16xi32> to vector<1xi32>
        %squeeze3A_739 = vector.extract %slice3A_738[0] : i32 from vector<1xi32>
        %add3A_740 = arith.addi %sub3A_343, %squeeze3A_739 : i32
        %sub3A_741 = arith.constant 1 : i32
        %sub3A_742 = arith.subi %add3A_740, %sub3A_741 : i32
        %jit3A_743 = arith.constant 32 : i32
        %select_n3A_744 = arith.select %eq3A_737, %sub3A_742, %jit3A_743 : i32
        %eq3A_745 = vector.broadcast %select_n3A_744 : i32 to vector<16xi32>
        %eq3A_746 = arith.cmpi eq, %iota3A, %eq3A_745 : vector<16xi32>
        %sub3A_747 = arith.constant 16 : i32
        %sub3A_748 = arith.subi %select_n3A_744, %sub3A_747 : i32
        %eq3A_749 = vector.broadcast %sub3A_748 : i32 to vector<16xi32>
        %eq3A_750 = arith.cmpi eq, %iota3A, %eq3A_749 : vector<16xi32>
        %mul3A_751 = arith.constant 16 : i32
        %mul3A_752 = arith.muli %scan3A_228, %mul3A_751 : i32
        %add3A_753 = arith.constant 12 : i32
        %add3A_754 = arith.addi %mul3A_752, %add3A_753 : i32
        %slice3A_755 = vector.extract_strided_slice %get3A_234 {offsets = [12], sizes = [1], strides = [1]} : vector<16xi32> to vector<1xi32>
        %squeeze3A_756 = vector.extract %slice3A_755[0] : i32 from vector<1xi32>
        %sub3A_757 = arith.subi %squeeze3A_756, %mul3A_2 : i32
        %broadcast_in_dim3A_758 = vector.broadcast %add3A_754 : i32 to vector<16xi32>
        %select_n3A_759 = arith.select %eq3A_746, %broadcast_in_dim3A_758, %select_n3A_727 : vector<16xi1>, vector<16xi32>
        %broadcast_in_dim3A_760 = vector.broadcast %sub3A_757 : i32 to vector<16xi32>
        %select_n3A_761 = arith.select %eq3A_746, %broadcast_in_dim3A_760, %select_n3A_729 : vector<16xi1>, vector<16xi32>
        %broadcast_in_dim3A_762 = vector.broadcast %add3A_754 : i32 to vector<16xi32>
        %select_n3A_763 = arith.select %eq3A_750, %broadcast_in_dim3A_762, %select_n3A_731 : vector<16xi1>, vector<16xi32>
        %broadcast_in_dim3A_764 = vector.broadcast %sub3A_757 : i32 to vector<16xi32>
        %select_n3A_765 = arith.select %eq3A_750, %broadcast_in_dim3A_764, %select_n3A_733 : vector<16xi1>, vector<16xi32>
        %slice3A_766 = vector.extract_strided_slice %select_n3A_246 {offsets = [13], sizes = [1], strides = [1]} : vector<16xi32> to vector<1xi32>
        %squeeze3A_767 = vector.extract %slice3A_766[0] : i32 from vector<1xi32>
        %eq3A_768 = arith.constant 1 : i32
        %eq3A_769 = arith.cmpi eq, %squeeze3A_767, %eq3A_768 : i32
        %slice3A_770 = vector.extract_strided_slice %add3A_334 {offsets = [13], sizes = [1], strides = [1]} : vector<16xi32> to vector<1xi32>
        %squeeze3A_771 = vector.extract %slice3A_770[0] : i32 from vector<1xi32>
        %add3A_772 = arith.addi %sub3A_343, %squeeze3A_771 : i32
        %sub3A_773 = arith.constant 1 : i32
        %sub3A_774 = arith.subi %add3A_772, %sub3A_773 : i32
        %jit3A_775 = arith.constant 32 : i32
        %select_n3A_776 = arith.select %eq3A_769, %sub3A_774, %jit3A_775 : i32
        %eq3A_777 = vector.broadcast %select_n3A_776 : i32 to vector<16xi32>
        %eq3A_778 = arith.cmpi eq, %iota3A, %eq3A_777 : vector<16xi32>
        %sub3A_779 = arith.constant 16 : i32
        %sub3A_780 = arith.subi %select_n3A_776, %sub3A_779 : i32
        %eq3A_781 = vector.broadcast %sub3A_780 : i32 to vector<16xi32>
        %eq3A_782 = arith.cmpi eq, %iota3A, %eq3A_781 : vector<16xi32>
        %mul3A_783 = arith.constant 16 : i32
        %mul3A_784 = arith.muli %scan3A_228, %mul3A_783 : i32
        %add3A_785 = arith.constant 13 : i32
        %add3A_786 = arith.addi %mul3A_784, %add3A_785 : i32
        %slice3A_787 = vector.extract_strided_slice %get3A_234 {offsets = [13], sizes = [1], strides = [1]} : vector<16xi32> to vector<1xi32>
        %squeeze3A_788 = vector.extract %slice3A_787[0] : i32 from vector<1xi32>
        %sub3A_789 = arith.subi %squeeze3A_788, %mul3A_2 : i32
        %broadcast_in_dim3A_790 = vector.broadcast %add3A_786 : i32 to vector<16xi32>
        %select_n3A_791 = arith.select %eq3A_778, %broadcast_in_dim3A_790, %select_n3A_759 : vector<16xi1>, vector<16xi32>
        %broadcast_in_dim3A_792 = vector.broadcast %sub3A_789 : i32 to vector<16xi32>
        %select_n3A_793 = arith.select %eq3A_778, %broadcast_in_dim3A_792, %select_n3A_761 : vector<16xi1>, vector<16xi32>
        %broadcast_in_dim3A_794 = vector.broadcast %add3A_786 : i32 to vector<16xi32>
        %select_n3A_795 = arith.select %eq3A_782, %broadcast_in_dim3A_794, %select_n3A_763 : vector<16xi1>, vector<16xi32>
        %broadcast_in_dim3A_796 = vector.broadcast %sub3A_789 : i32 to vector<16xi32>
        %select_n3A_797 = arith.select %eq3A_782, %broadcast_in_dim3A_796, %select_n3A_765 : vector<16xi1>, vector<16xi32>
        %slice3A_798 = vector.extract_strided_slice %select_n3A_246 {offsets = [14], sizes = [1], strides = [1]} : vector<16xi32> to vector<1xi32>
        %squeeze3A_799 = vector.extract %slice3A_798[0] : i32 from vector<1xi32>
        %eq3A_800 = arith.constant 1 : i32
        %eq3A_801 = arith.cmpi eq, %squeeze3A_799, %eq3A_800 : i32
        %slice3A_802 = vector.extract_strided_slice %add3A_334 {offsets = [14], sizes = [1], strides = [1]} : vector<16xi32> to vector<1xi32>
        %squeeze3A_803 = vector.extract %slice3A_802[0] : i32 from vector<1xi32>
        %add3A_804 = arith.addi %sub3A_343, %squeeze3A_803 : i32
        %sub3A_805 = arith.constant 1 : i32
        %sub3A_806 = arith.subi %add3A_804, %sub3A_805 : i32
        %jit3A_807 = arith.constant 32 : i32
        %select_n3A_808 = arith.select %eq3A_801, %sub3A_806, %jit3A_807 : i32
        %eq3A_809 = vector.broadcast %select_n3A_808 : i32 to vector<16xi32>
        %eq3A_810 = arith.cmpi eq, %iota3A, %eq3A_809 : vector<16xi32>
        %sub3A_811 = arith.constant 16 : i32
        %sub3A_812 = arith.subi %select_n3A_808, %sub3A_811 : i32
        %eq3A_813 = vector.broadcast %sub3A_812 : i32 to vector<16xi32>
        %eq3A_814 = arith.cmpi eq, %iota3A, %eq3A_813 : vector<16xi32>
        %mul3A_815 = arith.constant 16 : i32
        %mul3A_816 = arith.muli %scan3A_228, %mul3A_815 : i32
        %add3A_817 = arith.constant 14 : i32
        %add3A_818 = arith.addi %mul3A_816, %add3A_817 : i32
        %slice3A_819 = vector.extract_strided_slice %get3A_234 {offsets = [14], sizes = [1], strides = [1]} : vector<16xi32> to vector<1xi32>
        %squeeze3A_820 = vector.extract %slice3A_819[0] : i32 from vector<1xi32>
        %sub3A_821 = arith.subi %squeeze3A_820, %mul3A_2 : i32
        %broadcast_in_dim3A_822 = vector.broadcast %add3A_818 : i32 to vector<16xi32>
        %select_n3A_823 = arith.select %eq3A_810, %broadcast_in_dim3A_822, %select_n3A_791 : vector<16xi1>, vector<16xi32>
        %broadcast_in_dim3A_824 = vector.broadcast %sub3A_821 : i32 to vector<16xi32>
        %select_n3A_825 = arith.select %eq3A_810, %broadcast_in_dim3A_824, %select_n3A_793 : vector<16xi1>, vector<16xi32>
        %broadcast_in_dim3A_826 = vector.broadcast %add3A_818 : i32 to vector<16xi32>
        %select_n3A_827 = arith.select %eq3A_814, %broadcast_in_dim3A_826, %select_n3A_795 : vector<16xi1>, vector<16xi32>
        %broadcast_in_dim3A_828 = vector.broadcast %sub3A_821 : i32 to vector<16xi32>
        %select_n3A_829 = arith.select %eq3A_814, %broadcast_in_dim3A_828, %select_n3A_797 : vector<16xi1>, vector<16xi32>
        %slice3A_830 = vector.extract_strided_slice %select_n3A_246 {offsets = [15], sizes = [1], strides = [1]} : vector<16xi32> to vector<1xi32>
        %squeeze3A_831 = vector.extract %slice3A_830[0] : i32 from vector<1xi32>
        %eq3A_832 = arith.constant 1 : i32
        %eq3A_833 = arith.cmpi eq, %squeeze3A_831, %eq3A_832 : i32
        %slice3A_834 = vector.extract_strided_slice %add3A_334 {offsets = [15], sizes = [1], strides = [1]} : vector<16xi32> to vector<1xi32>
        %squeeze3A_835 = vector.extract %slice3A_834[0] : i32 from vector<1xi32>
        %add3A_836 = arith.addi %sub3A_343, %squeeze3A_835 : i32
        %sub3A_837 = arith.constant 1 : i32
        %sub3A_838 = arith.subi %add3A_836, %sub3A_837 : i32
        %jit3A_839 = arith.constant 32 : i32
        %select_n3A_840 = arith.select %eq3A_833, %sub3A_838, %jit3A_839 : i32
        %eq3A_841 = vector.broadcast %select_n3A_840 : i32 to vector<16xi32>
        %eq3A_842 = arith.cmpi eq, %iota3A, %eq3A_841 : vector<16xi32>
        %sub3A_843 = arith.constant 16 : i32
        %sub3A_844 = arith.subi %select_n3A_840, %sub3A_843 : i32
        %eq3A_845 = vector.broadcast %sub3A_844 : i32 to vector<16xi32>
        %eq3A_846 = arith.cmpi eq, %iota3A, %eq3A_845 : vector<16xi32>
        %mul3A_847 = arith.constant 16 : i32
        %mul3A_848 = arith.muli %scan3A_228, %mul3A_847 : i32
        %add3A_849 = arith.constant 15 : i32
        %add3A_850 = arith.addi %mul3A_848, %add3A_849 : i32
        %slice3A_851 = vector.extract_strided_slice %get3A_234 {offsets = [15], sizes = [1], strides = [1]} : vector<16xi32> to vector<1xi32>
        %squeeze3A_852 = vector.extract %slice3A_851[0] : i32 from vector<1xi32>
        %sub3A_853 = arith.subi %squeeze3A_852, %mul3A_2 : i32
        %broadcast_in_dim3A_854 = vector.broadcast %add3A_850 : i32 to vector<16xi32>
        %select_n3A_855 = arith.select %eq3A_842, %broadcast_in_dim3A_854, %select_n3A_823 : vector<16xi1>, vector<16xi32>
        %broadcast_in_dim3A_856 = vector.broadcast %sub3A_853 : i32 to vector<16xi32>
        %select_n3A_857 = arith.select %eq3A_842, %broadcast_in_dim3A_856, %select_n3A_825 : vector<16xi1>, vector<16xi32>
        %broadcast_in_dim3A_858 = vector.broadcast %add3A_850 : i32 to vector<16xi32>
        %select_n3A_859 = arith.select %eq3A_846, %broadcast_in_dim3A_858, %select_n3A_827 : vector<16xi1>, vector<16xi32>
        %broadcast_in_dim3A_860 = vector.broadcast %sub3A_853 : i32 to vector<16xi32>
        %select_n3A_861 = arith.select %eq3A_846, %broadcast_in_dim3A_860, %select_n3A_829 : vector<16xi1>, vector<16xi32>
        %swap3A = arith.index_cast %shift_left3A_342 : i32 to index
        %swap3A_862 = tpu.vector_load %arg7[%swap3A] {strides = array<i32>} : memref<4224xi32, #tpu.memory_space<vmem>>, vector<16xi32>,
        %swap3A_863 = vector.shape_cast %swap3A_862 : vector<16xi32> to vector<16xi32>
        %swap3A_864 = vector.shape_cast %select_n3A_855 : vector<16xi32> to vector<16xi32>
        tpu.vector_store %arg7[%swap3A], %swap3A_864 {strides = array<i32>} : memref<4224xi32, #tpu.memory_space<vmem>>, vector<16xi32>,
        %swap3A_865 = arith.index_cast %shift_left3A_342 : i32 to index
        %swap3A_866 = tpu.vector_load %arg8[%swap3A_865] {strides = array<i32>} : memref<4224xi32, #tpu.memory_space<vmem>>, vector<16xi32>,
        %swap3A_867 = vector.shape_cast %swap3A_866 : vector<16xi32> to vector<16xi32>
        %swap3A_868 = vector.shape_cast %select_n3A_857 : vector<16xi32> to vector<16xi32>
        tpu.vector_store %arg8[%swap3A_865], %swap3A_868 {strides = array<i32>} : memref<4224xi32, #tpu.memory_space<vmem>>, vector<16xi32>,
        %add3A_869 = arith.constant 16 : i32
        %add3A_870 = arith.addi %shift_left3A_342, %add3A_869 : i32
        %swap3A_871 = arith.index_cast %add3A_870 : i32 to index
        %swap3A_872 = tpu.vector_load %arg7[%swap3A_871] {strides = array<i32>} : memref<4224xi32, #tpu.memory_space<vmem>>, vector<16xi32>,
        %swap3A_873 = vector.shape_cast %swap3A_872 : vector<16xi32> to vector<16xi32>
        %swap3A_874 = vector.shape_cast %select_n3A_859 : vector<16xi32> to vector<16xi32>
        tpu.vector_store %arg7[%swap3A_871], %swap3A_874 {strides = array<i32>} : memref<4224xi32, #tpu.memory_space<vmem>>, vector<16xi32>,
        %add3A_875 = arith.constant 16 : i32
        %add3A_876 = arith.addi %shift_left3A_342, %add3A_875 : i32
        %swap3A_877 = arith.index_cast %add3A_876 : i32 to index
        %swap3A_878 = tpu.vector_load %arg8[%swap3A_877] {strides = array<i32>} : memref<4224xi32, #tpu.memory_space<vmem>>, vector<16xi32>,
        %swap3A_879 = vector.shape_cast %swap3A_878 : vector<16xi32> to vector<16xi32>
        %swap3A_880 = vector.shape_cast %select_n3A_861 : vector<16xi32> to vector<16xi32>
        tpu.vector_store %arg8[%swap3A_877], %swap3A_880 {strides = array<i32>} : memref<4224xi32, #tpu.memory_space<vmem>>, vector<16xi32>,
        %add3A_881 = arith.addi %scan3A_229, %squeeze3A : i32
        scf.yield %add3A_881 : i32
      } else {
        scf.yield %scan3A_229 : i32
      }
      scf.yield %cond3A_339 : i32
    }
    %scan3A_11 = arith.constant 256 : i32
    %scan3A_12 = arith.constant 0 : i32
    %scan3A_13 = arith.constant 0 : i32
    %scan3A_14 = arith.constant 8 : i32
    %scan3A_15 = arith.addi %scan3A_13, %scan3A_14 : i32
    %scan3A_16 = arith.constant 1 : i32
    %scan3A_17 = scf.for %scan3A_228 = %scan3A_13 to %scan3A_15 step %scan3A_16 iter_args(%scan3A_229 = %scan3A_12) -> (i32)  : i32 {
      %mul3A_230 = arith.constant 16 : i32
      %mul3A_231 = arith.muli %scan3A_228, %mul3A_230 : i32
      %add3A_232 = arith.addi %scan3A_10, %mul3A_231 : i32
      %swap3A = arith.index_cast %add3A_232 : i32 to index
      %swap3A_233 = tpu.vector_load %arg7[%swap3A] {strides = array<i32>} : memref<4224xi32, #tpu.memory_space<vmem>>, vector<16xi32>,
      %swap3A_234 = vector.shape_cast %swap3A_233 : vector<16xi32> to vector<16xi32>
      %swap3A_235 = vector.shape_cast %broadcast_in_dim3A_5 : vector<16xi32> to vector<16xi32>
      tpu.vector_store %arg7[%swap3A], %swap3A_235 {strides = array<i32>} : memref<4224xi32, #tpu.memory_space<vmem>>, vector<16xi32>,
      %scan3A_236 = arith.constant 0 : i32
      scf.yield %scan3A_236 : i32
    }
    %scan3A_18 = arith.constant 8 : i32
    %add3A_19 = arith.constant 128 : i32
    %add3A_20 = arith.addi %scan3A_10, %add3A_19 : i32
    %sub3A = arith.constant 1 : i32
    %sub3A_21 = arith.subi %add3A_20, %sub3A : i32
    %jit3A = arith.constant 128 : i32
    %div3A = arith.divsi %sub3A_21, %jit3A : i32
    %sign3A = arith.constant 0 : i32
    %sign3A_22 = arith.cmpi sgt, %sub3A_21, %sign3A : i32
    %sign3A_23 = arith.extui %sign3A_22 : i1 to i32
    %sign3A_24 = arith.constant 0 : i32
    %sign3A_25 = arith.cmpi slt, %sub3A_21, %sign3A_24 : i32
    %sign3A_26 = arith.extui %sign3A_25 : i1 to i32
    %sign3A_27 = arith.subi %sign3A_23, %sign3A_26 : i32
    %sign3A_28 = arith.constant 0 : i32
    %sign3A_29 = arith.cmpi sgt, %jit3A, %sign3A_28 : i32
    %sign3A_30 = arith.extui %sign3A_29 : i1 to i32
    %sign3A_31 = arith.constant 0 : i32
    %sign3A_32 = arith.cmpi slt, %jit3A, %sign3A_31 : i32
    %sign3A_33 = arith.extui %sign3A_32 : i1 to i32
    %sign3A_34 = arith.subi %sign3A_30, %sign3A_33 : i32
    %ne3A = arith.cmpi ne, %sign3A_27, %sign3A_34 : i32
    %rem3A = arith.remsi %sub3A_21, %jit3A : i32
    %ne3A_35 = arith.constant 0 : i32
    %ne3A_36 = arith.cmpi ne, %rem3A, %ne3A_35 : i32
    %and3A = arith.andi %ne3A, %ne3A_36 : i1
    %sub3A_37 = arith.constant 1 : i32
    %sub3A_38 = arith.subi %div3A, %sub3A_37 : i32
    %select_n3A = arith.select %and3A, %sub3A_38, %div3A : i32
    %barrier3A = arith.constant 0 : index
    tpu.barrier barrier_id(%barrier3A)
    %get3A = arith.constant 0 : index
    %get3A_39 = tpu.vector_load %arg7[%get3A] {strides = array<i32>} : memref<4224xi32, #tpu.memory_space<vmem>>, vector<16xi32>,
    %get3A_40 = vector.shape_cast %get3A_39 : vector<16xi32> to vector<16xi32>
    %dma_start3A = arith.constant 0 : i32
    %dma_start3A_41 = arith.constant 0 : i32
    %dma_start3A_42 = arith.constant 0 : i32
    %dma_start3A_43 = tpu.memref_slice %arg9[%dma_start3A_41, %dma_start3A_42] : memref<128x128xf32, #tpu.memory_space<vmem>> -> memref<16x128xf32, #tpu.memory_space<vmem>>
    %dma_start3A_44 = arith.constant 0 : i32
    %dma_start3A_45 = arith.constant 0 : i32
    %dma_start3A_46 = tpu.memref_slice %arg11[%dma_start3A_44, %dma_start3A_45] : memref<4096x128xf32, #tpu.memory_space<vmem_shared>> -> memref<4096x128xf32, #tpu.memory_space<vmem_shared>>
    %dma_start3A_47 = tpu.memref_slice %arg13[%dma_start3A] : memref<8x!tpu.dma_semaphore, #tpu.memory_space<semaphore_mem>> -> memref<1x!tpu.dma_semaphore, #tpu.memory_space<semaphore_mem>>
    %dma_start3A_48 = tpu.memref_squeeze %dma_start3A_47 : memref<1x!tpu.dma_semaphore, #tpu.memory_space<semaphore_mem>> -> memref<!tpu.dma_semaphore, #tpu.memory_space<semaphore_mem>>
    tpu.enqueue_indirect_dma source(%dma_start3A_46 : memref<4096x128xf32, #tpu.memory_space<vmem_shared>>) target(%dma_start3A_43 : memref<16x128xf32, #tpu.memory_space<vmem>>) offsets(%get3A_40 : vector<16xi32>) semaphore(%dma_start3A_48 : memref<!tpu.dma_semaphore, #tpu.memory_space<semaphore_mem>>)
    %get3A_49 = arith.constant 16 : index
    %get3A_50 = tpu.vector_load %arg7[%get3A_49] {strides = array<i32>} : memref<4224xi32, #tpu.memory_space<vmem>>, vector<16xi32>,
    %get3A_51 = vector.shape_cast %get3A_50 : vector<16xi32> to vector<16xi32>
    %dma_start3A_52 = arith.constant 1 : i32
    %dma_start3A_53 = arith.constant 16 : i32
    %dma_start3A_54 = arith.constant 0 : i32
    %dma_start3A_55 = tpu.memref_slice %arg9[%dma_start3A_53, %dma_start3A_54] : memref<128x128xf32, #tpu.memory_space<vmem>> -> memref<16x128xf32, #tpu.memory_space<vmem>>
    %dma_start3A_56 = arith.constant 0 : i32
    %dma_start3A_57 = arith.constant 0 : i32
    %dma_start3A_58 = tpu.memref_slice %arg11[%dma_start3A_56, %dma_start3A_57] : memref<4096x128xf32, #tpu.memory_space<vmem_shared>> -> memref<4096x128xf32, #tpu.memory_space<vmem_shared>>
    %dma_start3A_59 = tpu.memref_slice %arg13[%dma_start3A_52] : memref<8x!tpu.dma_semaphore, #tpu.memory_space<semaphore_mem>> -> memref<1x!tpu.dma_semaphore, #tpu.memory_space<semaphore_mem>>
    %dma_start3A_60 = tpu.memref_squeeze %dma_start3A_59 : memref<1x!tpu.dma_semaphore, #tpu.memory_space<semaphore_mem>> -> memref<!tpu.dma_semaphore, #tpu.memory_space<semaphore_mem>>
    tpu.enqueue_indirect_dma source(%dma_start3A_58 : memref<4096x128xf32, #tpu.memory_space<vmem_shared>>) target(%dma_start3A_55 : memref<16x128xf32, #tpu.memory_space<vmem>>) offsets(%get3A_51 : vector<16xi32>) semaphore(%dma_start3A_60 : memref<!tpu.dma_semaphore, #tpu.memory_space<semaphore_mem>>)
    %get3A_61 = arith.constant 32 : index
    %get3A_62 = tpu.vector_load %arg7[%get3A_61] {strides = array<i32>} : memref<4224xi32, #tpu.memory_space<vmem>>, vector<16xi32>,
    %get3A_63 = vector.shape_cast %get3A_62 : vector<16xi32> to vector<16xi32>
    %dma_start3A_64 = arith.constant 2 : i32
    %dma_start3A_65 = arith.constant 32 : i32
    %dma_start3A_66 = arith.constant 0 : i32
    %dma_start3A_67 = tpu.memref_slice %arg9[%dma_start3A_65, %dma_start3A_66] : memref<128x128xf32, #tpu.memory_space<vmem>> -> memref<16x128xf32, #tpu.memory_space<vmem>>
    %dma_start3A_68 = arith.constant 0 : i32
    %dma_start3A_69 = arith.constant 0 : i32
    %dma_start3A_70 = tpu.memref_slice %arg11[%dma_start3A_68, %dma_start3A_69] : memref<4096x128xf32, #tpu.memory_space<vmem_shared>> -> memref<4096x128xf32, #tpu.memory_space<vmem_shared>>
    %dma_start3A_71 = tpu.memref_slice %arg13[%dma_start3A_64] : memref<8x!tpu.dma_semaphore, #tpu.memory_space<semaphore_mem>> -> memref<1x!tpu.dma_semaphore, #tpu.memory_space<semaphore_mem>>
    %dma_start3A_72 = tpu.memref_squeeze %dma_start3A_71 : memref<1x!tpu.dma_semaphore, #tpu.memory_space<semaphore_mem>> -> memref<!tpu.dma_semaphore, #tpu.memory_space<semaphore_mem>>
    tpu.enqueue_indirect_dma source(%dma_start3A_70 : memref<4096x128xf32, #tpu.memory_space<vmem_shared>>) target(%dma_start3A_67 : memref<16x128xf32, #tpu.memory_space<vmem>>) offsets(%get3A_63 : vector<16xi32>) semaphore(%dma_start3A_72 : memref<!tpu.dma_semaphore, #tpu.memory_space<semaphore_mem>>)
    %get3A_73 = arith.constant 48 : index
    %get3A_74 = tpu.vector_load %arg7[%get3A_73] {strides = array<i32>} : memref<4224xi32, #tpu.memory_space<vmem>>, vector<16xi32>,
    %get3A_75 = vector.shape_cast %get3A_74 : vector<16xi32> to vector<16xi32>
    %dma_start3A_76 = arith.constant 3 : i32
    %dma_start3A_77 = arith.constant 48 : i32
    %dma_start3A_78 = arith.constant 0 : i32
    %dma_start3A_79 = tpu.memref_slice %arg9[%dma_start3A_77, %dma_start3A_78] : memref<128x128xf32, #tpu.memory_space<vmem>> -> memref<16x128xf32, #tpu.memory_space<vmem>>
    %dma_start3A_80 = arith.constant 0 : i32
    %dma_start3A_81 = arith.constant 0 : i32
    %dma_start3A_82 = tpu.memref_slice %arg11[%dma_start3A_80, %dma_start3A_81] : memref<4096x128xf32, #tpu.memory_space<vmem_shared>> -> memref<4096x128xf32, #tpu.memory_space<vmem_shared>>
    %dma_start3A_83 = tpu.memref_slice %arg13[%dma_start3A_76] : memref<8x!tpu.dma_semaphore, #tpu.memory_space<semaphore_mem>> -> memref<1x!tpu.dma_semaphore, #tpu.memory_space<semaphore_mem>>
    %dma_start3A_84 = tpu.memref_squeeze %dma_start3A_83 : memref<1x!tpu.dma_semaphore, #tpu.memory_space<semaphore_mem>> -> memref<!tpu.dma_semaphore, #tpu.memory_space<semaphore_mem>>
    tpu.enqueue_indirect_dma source(%dma_start3A_82 : memref<4096x128xf32, #tpu.memory_space<vmem_shared>>) target(%dma_start3A_79 : memref<16x128xf32, #tpu.memory_space<vmem>>) offsets(%get3A_75 : vector<16xi32>) semaphore(%dma_start3A_84 : memref<!tpu.dma_semaphore, #tpu.memory_space<semaphore_mem>>)
    %get3A_85 = arith.constant 64 : index
    %get3A_86 = tpu.vector_load %arg7[%get3A_85] {strides = array<i32>} : memref<4224xi32, #tpu.memory_space<vmem>>, vector<16xi32>,
    %get3A_87 = vector.shape_cast %get3A_86 : vector<16xi32> to vector<16xi32>
    %dma_start3A_88 = arith.constant 4 : i32
    %dma_start3A_89 = arith.constant 64 : i32
    %dma_start3A_90 = arith.constant 0 : i32
    %dma_start3A_91 = tpu.memref_slice %arg9[%dma_start3A_89, %dma_start3A_90] : memref<128x128xf32, #tpu.memory_space<vmem>> -> memref<16x128xf32, #tpu.memory_space<vmem>>
    %dma_start3A_92 = arith.constant 0 : i32
    %dma_start3A_93 = arith.constant 0 : i32
    %dma_start3A_94 = tpu.memref_slice %arg11[%dma_start3A_92, %dma_start3A_93] : memref<4096x128xf32, #tpu.memory_space<vmem_shared>> -> memref<4096x128xf32, #tpu.memory_space<vmem_shared>>
    %dma_start3A_95 = tpu.memref_slice %arg13[%dma_start3A_88] : memref<8x!tpu.dma_semaphore, #tpu.memory_space<semaphore_mem>> -> memref<1x!tpu.dma_semaphore, #tpu.memory_space<semaphore_mem>>
    %dma_start3A_96 = tpu.memref_squeeze %dma_start3A_95 : memref<1x!tpu.dma_semaphore, #tpu.memory_space<semaphore_mem>> -> memref<!tpu.dma_semaphore, #tpu.memory_space<semaphore_mem>>
    tpu.enqueue_indirect_dma source(%dma_start3A_94 : memref<4096x128xf32, #tpu.memory_space<vmem_shared>>) target(%dma_start3A_91 : memref<16x128xf32, #tpu.memory_space<vmem>>) offsets(%get3A_87 : vector<16xi32>) semaphore(%dma_start3A_96 : memref<!tpu.dma_semaphore, #tpu.memory_space<semaphore_mem>>)
    %get3A_97 = arith.constant 80 : index
    %get3A_98 = tpu.vector_load %arg7[%get3A_97] {strides = array<i32>} : memref<4224xi32, #tpu.memory_space<vmem>>, vector<16xi32>,
    %get3A_99 = vector.shape_cast %get3A_98 : vector<16xi32> to vector<16xi32>
    %dma_start3A_100 = arith.constant 5 : i32
    %dma_start3A_101 = arith.constant 80 : i32
    %dma_start3A_102 = arith.constant 0 : i32
    %dma_start3A_103 = tpu.memref_slice %arg9[%dma_start3A_101, %dma_start3A_102] : memref<128x128xf32, #tpu.memory_space<vmem>> -> memref<16x128xf32, #tpu.memory_space<vmem>>
    %dma_start3A_104 = arith.constant 0 : i32
    %dma_start3A_105 = arith.constant 0 : i32
    %dma_start3A_106 = tpu.memref_slice %arg11[%dma_start3A_104, %dma_start3A_105] : memref<4096x128xf32, #tpu.memory_space<vmem_shared>> -> memref<4096x128xf32, #tpu.memory_space<vmem_shared>>
    %dma_start3A_107 = tpu.memref_slice %arg13[%dma_start3A_100] : memref<8x!tpu.dma_semaphore, #tpu.memory_space<semaphore_mem>> -> memref<1x!tpu.dma_semaphore, #tpu.memory_space<semaphore_mem>>
    %dma_start3A_108 = tpu.memref_squeeze %dma_start3A_107 : memref<1x!tpu.dma_semaphore, #tpu.memory_space<semaphore_mem>> -> memref<!tpu.dma_semaphore, #tpu.memory_space<semaphore_mem>>
    tpu.enqueue_indirect_dma source(%dma_start3A_106 : memref<4096x128xf32, #tpu.memory_space<vmem_shared>>) target(%dma_start3A_103 : memref<16x128xf32, #tpu.memory_space<vmem>>) offsets(%get3A_99 : vector<16xi32>) semaphore(%dma_start3A_108 : memref<!tpu.dma_semaphore, #tpu.memory_space<semaphore_mem>>)
    %get3A_109 = arith.constant 96 : index
    %get3A_110 = tpu.vector_load %arg7[%get3A_109] {strides = array<i32>} : memref<4224xi32, #tpu.memory_space<vmem>>, vector<16xi32>,
    %get3A_111 = vector.shape_cast %get3A_110 : vector<16xi32> to vector<16xi32>
    %dma_start3A_112 = arith.constant 6 : i32
    %dma_start3A_113 = arith.constant 96 : i32
    %dma_start3A_114 = arith.constant 0 : i32
    %dma_start3A_115 = tpu.memref_slice %arg9[%dma_start3A_113, %dma_start3A_114] : memref<128x128xf32, #tpu.memory_space<vmem>> -> memref<16x128xf32, #tpu.memory_space<vmem>>
    %dma_start3A_116 = arith.constant 0 : i32
    %dma_start3A_117 = arith.constant 0 : i32
    %dma_start3A_118 = tpu.memref_slice %arg11[%dma_start3A_116, %dma_start3A_117] : memref<4096x128xf32, #tpu.memory_space<vmem_shared>> -> memref<4096x128xf32, #tpu.memory_space<vmem_shared>>
    %dma_start3A_119 = tpu.memref_slice %arg13[%dma_start3A_112] : memref<8x!tpu.dma_semaphore, #tpu.memory_space<semaphore_mem>> -> memref<1x!tpu.dma_semaphore, #tpu.memory_space<semaphore_mem>>
    %dma_start3A_120 = tpu.memref_squeeze %dma_start3A_119 : memref<1x!tpu.dma_semaphore, #tpu.memory_space<semaphore_mem>> -> memref<!tpu.dma_semaphore, #tpu.memory_space<semaphore_mem>>
    tpu.enqueue_indirect_dma source(%dma_start3A_118 : memref<4096x128xf32, #tpu.memory_space<vmem_shared>>) target(%dma_start3A_115 : memref<16x128xf32, #tpu.memory_space<vmem>>) offsets(%get3A_111 : vector<16xi32>) semaphore(%dma_start3A_120 : memref<!tpu.dma_semaphore, #tpu.memory_space<semaphore_mem>>)
    %get3A_121 = arith.constant 112 : index
    %get3A_122 = tpu.vector_load %arg7[%get3A_121] {strides = array<i32>} : memref<4224xi32, #tpu.memory_space<vmem>>, vector<16xi32>,
    %get3A_123 = vector.shape_cast %get3A_122 : vector<16xi32> to vector<16xi32>
    %dma_start3A_124 = arith.constant 7 : i32
    %dma_start3A_125 = arith.constant 112 : i32
    %dma_start3A_126 = arith.constant 0 : i32
    %dma_start3A_127 = tpu.memref_slice %arg9[%dma_start3A_125, %dma_start3A_126] : memref<128x128xf32, #tpu.memory_space<vmem>> -> memref<16x128xf32, #tpu.memory_space<vmem>>
    %dma_start3A_128 = arith.constant 0 : i32
    %dma_start3A_129 = arith.constant 0 : i32
    %dma_start3A_130 = tpu.memref_slice %arg11[%dma_start3A_128, %dma_start3A_129] : memref<4096x128xf32, #tpu.memory_space<vmem_shared>> -> memref<4096x128xf32, #tpu.memory_space<vmem_shared>>
    %dma_start3A_131 = tpu.memref_slice %arg13[%dma_start3A_124] : memref<8x!tpu.dma_semaphore, #tpu.memory_space<semaphore_mem>> -> memref<1x!tpu.dma_semaphore, #tpu.memory_space<semaphore_mem>>
    %dma_start3A_132 = tpu.memref_squeeze %dma_start3A_131 : memref<1x!tpu.dma_semaphore, #tpu.memory_space<semaphore_mem>> -> memref<!tpu.dma_semaphore, #tpu.memory_space<semaphore_mem>>
    tpu.enqueue_indirect_dma source(%dma_start3A_130 : memref<4096x128xf32, #tpu.memory_space<vmem_shared>>) target(%dma_start3A_127 : memref<16x128xf32, #tpu.memory_space<vmem>>) offsets(%get3A_123 : vector<16xi32>) semaphore(%dma_start3A_132 : memref<!tpu.dma_semaphore, #tpu.memory_space<semaphore_mem>>)
    %dma_wait3A = arith.constant 0 : i32
    %dma_wait3A_133 = arith.constant 0 : i32
    %dma_wait3A_134 = arith.constant 0 : i32
    %dma_wait3A_135 = tpu.memref_slice %arg9[%dma_wait3A_133, %dma_wait3A_134] : memref<128x128xf32, #tpu.memory_space<vmem>> -> memref<16x128xf32, #tpu.memory_space<vmem>>
    %dma_wait3A_136 = arith.constant 0 : i32
    %dma_wait3A_137 = arith.constant 0 : i32
    %dma_wait3A_138 = tpu.memref_slice %arg11[%dma_wait3A_136, %dma_wait3A_137] : memref<4096x128xf32, #tpu.memory_space<vmem_shared>> -> memref<4096x128xf32, #tpu.memory_space<vmem_shared>>
    %dma_wait3A_139 = tpu.memref_slice %arg13[%dma_wait3A] : memref<8x!tpu.dma_semaphore, #tpu.memory_space<semaphore_mem>> -> memref<1x!tpu.dma_semaphore, #tpu.memory_space<semaphore_mem>>
    %dma_wait3A_140 = tpu.memref_squeeze %dma_wait3A_139 : memref<1x!tpu.dma_semaphore, #tpu.memory_space<semaphore_mem>> -> memref<!tpu.dma_semaphore, #tpu.memory_space<semaphore_mem>>
    tpu.wait_indirect_dma semaphore(%dma_wait3A_140 : memref<!tpu.dma_semaphore, #tpu.memory_space<semaphore_mem>>) src(%dma_wait3A_138 : memref<4096x128xf32, #tpu.memory_space<vmem_shared>>) dst(%dma_wait3A_135 : memref<16x128xf32, #tpu.memory_space<vmem>>)
    %dma_wait3A_141 = arith.constant 1 : i32
    %dma_wait3A_142 = arith.constant 16 : i32
    %dma_wait3A_143 = arith.constant 0 : i32
    %dma_wait3A_144 = tpu.memref_slice %arg9[%dma_wait3A_142, %dma_wait3A_143] : memref<128x128xf32, #tpu.memory_space<vmem>> -> memref<16x128xf32, #tpu.memory_space<vmem>>
    %dma_wait3A_145 = arith.constant 0 : i32
    %dma_wait3A_146 = arith.constant 0 : i32
    %dma_wait3A_147 = tpu.memref_slice %arg11[%dma_wait3A_145, %dma_wait3A_146] : memref<4096x128xf32, #tpu.memory_space<vmem_shared>> -> memref<4096x128xf32, #tpu.memory_space<vmem_shared>>
    %dma_wait3A_148 = tpu.memref_slice %arg13[%dma_wait3A_141] : memref<8x!tpu.dma_semaphore, #tpu.memory_space<semaphore_mem>> -> memref<1x!tpu.dma_semaphore, #tpu.memory_space<semaphore_mem>>
    %dma_wait3A_149 = tpu.memref_squeeze %dma_wait3A_148 : memref<1x!tpu.dma_semaphore, #tpu.memory_space<semaphore_mem>> -> memref<!tpu.dma_semaphore, #tpu.memory_space<semaphore_mem>>
    tpu.wait_indirect_dma semaphore(%dma_wait3A_149 : memref<!tpu.dma_semaphore, #tpu.memory_space<semaphore_mem>>) src(%dma_wait3A_147 : memref<4096x128xf32, #tpu.memory_space<vmem_shared>>) dst(%dma_wait3A_144 : memref<16x128xf32, #tpu.memory_space<vmem>>)
    %dma_wait3A_150 = arith.constant 2 : i32
    %dma_wait3A_151 = arith.constant 32 : i32
    %dma_wait3A_152 = arith.constant 0 : i32
    %dma_wait3A_153 = tpu.memref_slice %arg9[%dma_wait3A_151, %dma_wait3A_152] : memref<128x128xf32, #tpu.memory_space<vmem>> -> memref<16x128xf32, #tpu.memory_space<vmem>>
    %dma_wait3A_154 = arith.constant 0 : i32
    %dma_wait3A_155 = arith.constant 0 : i32
    %dma_wait3A_156 = tpu.memref_slice %arg11[%dma_wait3A_154, %dma_wait3A_155] : memref<4096x128xf32, #tpu.memory_space<vmem_shared>> -> memref<4096x128xf32, #tpu.memory_space<vmem_shared>>
    %dma_wait3A_157 = tpu.memref_slice %arg13[%dma_wait3A_150] : memref<8x!tpu.dma_semaphore, #tpu.memory_space<semaphore_mem>> -> memref<1x!tpu.dma_semaphore, #tpu.memory_space<semaphore_mem>>
    %dma_wait3A_158 = tpu.memref_squeeze %dma_wait3A_157 : memref<1x!tpu.dma_semaphore, #tpu.memory_space<semaphore_mem>> -> memref<!tpu.dma_semaphore, #tpu.memory_space<semaphore_mem>>
    tpu.wait_indirect_dma semaphore(%dma_wait3A_158 : memref<!tpu.dma_semaphore, #tpu.memory_space<semaphore_mem>>) src(%dma_wait3A_156 : memref<4096x128xf32, #tpu.memory_space<vmem_shared>>) dst(%dma_wait3A_153 : memref<16x128xf32, #tpu.memory_space<vmem>>)
    %dma_wait3A_159 = arith.constant 3 : i32
    %dma_wait3A_160 = arith.constant 48 : i32
    %dma_wait3A_161 = arith.constant 0 : i32
    %dma_wait3A_162 = tpu.memref_slice %arg9[%dma_wait3A_160, %dma_wait3A_161] : memref<128x128xf32, #tpu.memory_space<vmem>> -> memref<16x128xf32, #tpu.memory_space<vmem>>
    %dma_wait3A_163 = arith.constant 0 : i32
    %dma_wait3A_164 = arith.constant 0 : i32
    %dma_wait3A_165 = tpu.memref_slice %arg11[%dma_wait3A_163, %dma_wait3A_164] : memref<4096x128xf32, #tpu.memory_space<vmem_shared>> -> memref<4096x128xf32, #tpu.memory_space<vmem_shared>>
    %dma_wait3A_166 = tpu.memref_slice %arg13[%dma_wait3A_159] : memref<8x!tpu.dma_semaphore, #tpu.memory_space<semaphore_mem>> -> memref<1x!tpu.dma_semaphore, #tpu.memory_space<semaphore_mem>>
    %dma_wait3A_167 = tpu.memref_squeeze %dma_wait3A_166 : memref<1x!tpu.dma_semaphore, #tpu.memory_space<semaphore_mem>> -> memref<!tpu.dma_semaphore, #tpu.memory_space<semaphore_mem>>
    tpu.wait_indirect_dma semaphore(%dma_wait3A_167 : memref<!tpu.dma_semaphore, #tpu.memory_space<semaphore_mem>>) src(%dma_wait3A_165 : memref<4096x128xf32, #tpu.memory_space<vmem_shared>>) dst(%dma_wait3A_162 : memref<16x128xf32, #tpu.memory_space<vmem>>)
    %dma_wait3A_168 = arith.constant 4 : i32
    %dma_wait3A_169 = arith.constant 64 : i32
    %dma_wait3A_170 = arith.constant 0 : i32
    %dma_wait3A_171 = tpu.memref_slice %arg9[%dma_wait3A_169, %dma_wait3A_170] : memref<128x128xf32, #tpu.memory_space<vmem>> -> memref<16x128xf32, #tpu.memory_space<vmem>>
    %dma_wait3A_172 = arith.constant 0 : i32
    %dma_wait3A_173 = arith.constant 0 : i32
    %dma_wait3A_174 = tpu.memref_slice %arg11[%dma_wait3A_172, %dma_wait3A_173] : memref<4096x128xf32, #tpu.memory_space<vmem_shared>> -> memref<4096x128xf32, #tpu.memory_space<vmem_shared>>
    %dma_wait3A_175 = tpu.memref_slice %arg13[%dma_wait3A_168] : memref<8x!tpu.dma_semaphore, #tpu.memory_space<semaphore_mem>> -> memref<1x!tpu.dma_semaphore, #tpu.memory_space<semaphore_mem>>
    %dma_wait3A_176 = tpu.memref_squeeze %dma_wait3A_175 : memref<1x!tpu.dma_semaphore, #tpu.memory_space<semaphore_mem>> -> memref<!tpu.dma_semaphore, #tpu.memory_space<semaphore_mem>>
    tpu.wait_indirect_dma semaphore(%dma_wait3A_176 : memref<!tpu.dma_semaphore, #tpu.memory_space<semaphore_mem>>) src(%dma_wait3A_174 : memref<4096x128xf32, #tpu.memory_space<vmem_shared>>) dst(%dma_wait3A_171 : memref<16x128xf32, #tpu.memory_space<vmem>>)
    %dma_wait3A_177 = arith.constant 5 : i32
    %dma_wait3A_178 = arith.constant 80 : i32
    %dma_wait3A_179 = arith.constant 0 : i32
    %dma_wait3A_180 = tpu.memref_slice %arg9[%dma_wait3A_178, %dma_wait3A_179] : memref<128x128xf32, #tpu.memory_space<vmem>> -> memref<16x128xf32, #tpu.memory_space<vmem>>
    %dma_wait3A_181 = arith.constant 0 : i32
    %dma_wait3A_182 = arith.constant 0 : i32
    %dma_wait3A_183 = tpu.memref_slice %arg11[%dma_wait3A_181, %dma_wait3A_182] : memref<4096x128xf32, #tpu.memory_space<vmem_shared>> -> memref<4096x128xf32, #tpu.memory_space<vmem_shared>>
    %dma_wait3A_184 = tpu.memref_slice %arg13[%dma_wait3A_177] : memref<8x!tpu.dma_semaphore, #tpu.memory_space<semaphore_mem>> -> memref<1x!tpu.dma_semaphore, #tpu.memory_space<semaphore_mem>>
    %dma_wait3A_185 = tpu.memref_squeeze %dma_wait3A_184 : memref<1x!tpu.dma_semaphore, #tpu.memory_space<semaphore_mem>> -> memref<!tpu.dma_semaphore, #tpu.memory_space<semaphore_mem>>
    tpu.wait_indirect_dma semaphore(%dma_wait3A_185 : memref<!tpu.dma_semaphore, #tpu.memory_space<semaphore_mem>>) src(%dma_wait3A_183 : memref<4096x128xf32, #tpu.memory_space<vmem_shared>>) dst(%dma_wait3A_180 : memref<16x128xf32, #tpu.memory_space<vmem>>)
    %dma_wait3A_186 = arith.constant 6 : i32
    %dma_wait3A_187 = arith.constant 96 : i32
    %dma_wait3A_188 = arith.constant 0 : i32
    %dma_wait3A_189 = tpu.memref_slice %arg9[%dma_wait3A_187, %dma_wait3A_188] : memref<128x128xf32, #tpu.memory_space<vmem>> -> memref<16x128xf32, #tpu.memory_space<vmem>>
    %dma_wait3A_190 = arith.constant 0 : i32
    %dma_wait3A_191 = arith.constant 0 : i32
    %dma_wait3A_192 = tpu.memref_slice %arg11[%dma_wait3A_190, %dma_wait3A_191] : memref<4096x128xf32, #tpu.memory_space<vmem_shared>> -> memref<4096x128xf32, #tpu.memory_space<vmem_shared>>
    %dma_wait3A_193 = tpu.memref_slice %arg13[%dma_wait3A_186] : memref<8x!tpu.dma_semaphore, #tpu.memory_space<semaphore_mem>> -> memref<1x!tpu.dma_semaphore, #tpu.memory_space<semaphore_mem>>
    %dma_wait3A_194 = tpu.memref_squeeze %dma_wait3A_193 : memref<1x!tpu.dma_semaphore, #tpu.memory_space<semaphore_mem>> -> memref<!tpu.dma_semaphore, #tpu.memory_space<semaphore_mem>>
    tpu.wait_indirect_dma semaphore(%dma_wait3A_194 : memref<!tpu.dma_semaphore, #tpu.memory_space<semaphore_mem>>) src(%dma_wait3A_192 : memref<4096x128xf32, #tpu.memory_space<vmem_shared>>) dst(%dma_wait3A_189 : memref<16x128xf32, #tpu.memory_space<vmem>>)
    %dma_wait3A_195 = arith.constant 7 : i32
    %dma_wait3A_196 = arith.constant 112 : i32
    %dma_wait3A_197 = arith.constant 0 : i32
    %dma_wait3A_198 = tpu.memref_slice %arg9[%dma_wait3A_196, %dma_wait3A_197] : memref<128x128xf32, #tpu.memory_space<vmem>> -> memref<16x128xf32, #tpu.memory_space<vmem>>
    %dma_wait3A_199 = arith.constant 0 : i32
    %dma_wait3A_200 = arith.constant 0 : i32
    %dma_wait3A_201 = tpu.memref_slice %arg11[%dma_wait3A_199, %dma_wait3A_200] : memref<4096x128xf32, #tpu.memory_space<vmem_shared>> -> memref<4096x128xf32, #tpu.memory_space<vmem_shared>>
    %dma_wait3A_202 = tpu.memref_slice %arg13[%dma_wait3A_195] : memref<8x!tpu.dma_semaphore, #tpu.memory_space<semaphore_mem>> -> memref<1x!tpu.dma_semaphore, #tpu.memory_space<semaphore_mem>>
    %dma_wait3A_203 = tpu.memref_squeeze %dma_wait3A_202 : memref<1x!tpu.dma_semaphore, #tpu.memory_space<semaphore_mem>> -> memref<!tpu.dma_semaphore, #tpu.memory_space<semaphore_mem>>
    tpu.wait_indirect_dma semaphore(%dma_wait3A_203 : memref<!tpu.dma_semaphore, #tpu.memory_space<semaphore_mem>>) src(%dma_wait3A_201 : memref<4096x128xf32, #tpu.memory_space<vmem_shared>>) dst(%dma_wait3A_198 : memref<16x128xf32, #tpu.memory_space<vmem>>)
    %min3A = arith.constant 128 : i32
    %min3A_204 = arith.minsi %scan3A_10, %min3A : i32
    %while3A = arith.constant 0 : i32
    %while3A_205 = arith.constant 0 : i32
    %while3A_206 = arith.subi %min3A_204, %while3A : i32
    %while3A_207 = arith.addi %while3A, %while3A_206 : i32
    %while3A_208 = arith.constant 1 : i32
    %while3A_209 = arith.divsi %while3A_206, %while3A_208 : i32
    %while3A_210 = arith.muli %while3A_209, %while3A_208 : i32
    %while3A_211 = arith.addi %while3A, %while3A_210 : i32
    %while3A_212 = arith.constant 1 : i32
    %while3A_213 = scf.for %while3A_228 = %while3A to %while3A_211 step %while3A_212 iter_args(%while3A_229 = %while3A_205) -> (i32)  : i32 {
      %add3A_230 = arith.constant 0 : i32
      %add3A_231 = arith.addi %add3A_230, %while3A_228 : i32
      %get3A_232 = arith.index_cast %add3A_231 : i32 to index
      %get3A_233 = tpu.vector_load %arg8[%get3A_232] {strides = array<i32>} : memref<4224xi32, #tpu.memory_space<vmem>>, vector<16xi32>,
      %get3A_234 = vector.shape_cast %get3A_233 : vector<16xi32> to vector<16xi32>
      %slice3A = vector.extract_strided_slice %get3A_234 {offsets = [0], sizes = [1], strides = [1]} : vector<16xi32> to vector<1xi32>
      %squeeze3A = vector.extract %slice3A[0] : i32 from vector<1xi32>
      %broadcast_in_dim3A_235 = arith.constant 0.000000e+00 : f32
      %broadcast_in_dim3A_236 = vector.broadcast %broadcast_in_dim3A_235 : f32 to vector<16xf32>
      %get3A_237 = arith.index_cast %while3A_228 : i32 to index
      %get3A_238 = arith.constant 0 : index
      %get3A_239 = tpu.vector_load %arg9[%get3A_237, %get3A_238] {strides = array<i32>} : memref<128x128xf32, #tpu.memory_space<vmem>>, vector<1x16xf32>,
      %get3A_240 = vector.shape_cast %get3A_239 : vector<1x16xf32> to vector<16xf32>
      %get3A_241 = arith.index_cast %squeeze3A : i32 to index
      %get3A_242 = arith.constant 0 : index
      %get3A_243 = tpu.vector_load %arg10[%get3A_241, %get3A_242] {strides = array<i32>} : memref<32x128xf32, #tpu.memory_space<vmem>>, vector<1x16xf32>,
      %get3A_244 = vector.shape_cast %get3A_243 : vector<1x16xf32> to vector<16xf32>
      %mul3A_245 = arith.constant 0.949999988 : f32
      %mul3A_246 = vector.broadcast %mul3A_245 : f32 to vector<16xf32>
      %mul3A_247 = arith.mulf %get3A_244, %mul3A_246 : vector<16xf32>
      %mul3A_248 = arith.constant 5.000000e-02 : f32
      %mul3A_249 = vector.broadcast %mul3A_248 : f32 to vector<16xf32>
      %mul3A_250 = arith.mulf %get3A_240, %mul3A_249 : vector<16xf32>
      %add3A_251 = arith.addf %mul3A_247, %mul3A_250 : vector<16xf32>
      %mul3A_252 = arith.mulf %add3A_251, %add3A_251 : vector<16xf32>
      %add3A_253 = arith.addf %broadcast_in_dim3A_236, %mul3A_252 : vector<16xf32>
      %get3A_254 = arith.index_cast %while3A_228 : i32 to index
      %get3A_255 = arith.constant 16 : index
      %get3A_256 = tpu.vector_load %arg9[%get3A_254, %get3A_255] {strides = array<i32>} : memref<128x128xf32, #tpu.memory_space<vmem>>, vector<1x16xf32>,
      %get3A_257 = vector.shape_cast %get3A_256 : vector<1x16xf32> to vector<16xf32>
      %get3A_258 = arith.index_cast %squeeze3A : i32 to index
      %get3A_259 = arith.constant 16 : index
      %get3A_260 = tpu.vector_load %arg10[%get3A_258, %get3A_259] {strides = array<i32>} : memref<32x128xf32, #tpu.memory_space<vmem>>, vector<1x16xf32>,
      %get3A_261 = vector.shape_cast %get3A_260 : vector<1x16xf32> to vector<16xf32>
      %mul3A_262 = arith.constant 0.949999988 : f32
      %mul3A_263 = vector.broadcast %mul3A_262 : f32 to vector<16xf32>
      %mul3A_264 = arith.mulf %get3A_261, %mul3A_263 : vector<16xf32>
      %mul3A_265 = arith.constant 5.000000e-02 : f32
      %mul3A_266 = vector.broadcast %mul3A_265 : f32 to vector<16xf32>
      %mul3A_267 = arith.mulf %get3A_257, %mul3A_266 : vector<16xf32>
      %add3A_268 = arith.addf %mul3A_264, %mul3A_267 : vector<16xf32>
      %mul3A_269 = arith.mulf %add3A_268, %add3A_268 : vector<16xf32>
      %add3A_270 = arith.addf %add3A_253, %mul3A_269 : vector<16xf32>
      %get3A_271 = arith.index_cast %while3A_228 : i32 to index
      %get3A_272 = arith.constant 32 : index
      %get3A_273 = tpu.vector_load %arg9[%get3A_271, %get3A_272] {strides = array<i32>} : memref<128x128xf32, #tpu.memory_space<vmem>>, vector<1x16xf32>,
      %get3A_274 = vector.shape_cast %get3A_273 : vector<1x16xf32> to vector<16xf32>
      %get3A_275 = arith.index_cast %squeeze3A : i32 to index
      %get3A_276 = arith.constant 32 : index
      %get3A_277 = tpu.vector_load %arg10[%get3A_275, %get3A_276] {strides = array<i32>} : memref<32x128xf32, #tpu.memory_space<vmem>>, vector<1x16xf32>,
      %get3A_278 = vector.shape_cast %get3A_277 : vector<1x16xf32> to vector<16xf32>
      %mul3A_279 = arith.constant 0.949999988 : f32
      %mul3A_280 = vector.broadcast %mul3A_279 : f32 to vector<16xf32>
      %mul3A_281 = arith.mulf %get3A_278, %mul3A_280 : vector<16xf32>
      %mul3A_282 = arith.constant 5.000000e-02 : f32
      %mul3A_283 = vector.broadcast %mul3A_282 : f32 to vector<16xf32>
      %mul3A_284 = arith.mulf %get3A_274, %mul3A_283 : vector<16xf32>
      %add3A_285 = arith.addf %mul3A_281, %mul3A_284 : vector<16xf32>
      %mul3A_286 = arith.mulf %add3A_285, %add3A_285 : vector<16xf32>
      %add3A_287 = arith.addf %add3A_270, %mul3A_286 : vector<16xf32>
      %get3A_288 = arith.index_cast %while3A_228 : i32 to index
      %get3A_289 = arith.constant 48 : index
      %get3A_290 = tpu.vector_load %arg9[%get3A_288, %get3A_289] {strides = array<i32>} : memref<128x128xf32, #tpu.memory_space<vmem>>, vector<1x16xf32>,
      %get3A_291 = vector.shape_cast %get3A_290 : vector<1x16xf32> to vector<16xf32>
      %get3A_292 = arith.index_cast %squeeze3A : i32 to index
      %get3A_293 = arith.constant 48 : index
      %get3A_294 = tpu.vector_load %arg10[%get3A_292, %get3A_293] {strides = array<i32>} : memref<32x128xf32, #tpu.memory_space<vmem>>, vector<1x16xf32>,
      %get3A_295 = vector.shape_cast %get3A_294 : vector<1x16xf32> to vector<16xf32>
      %mul3A_296 = arith.constant 0.949999988 : f32
      %mul3A_297 = vector.broadcast %mul3A_296 : f32 to vector<16xf32>
      %mul3A_298 = arith.mulf %get3A_295, %mul3A_297 : vector<16xf32>
      %mul3A_299 = arith.constant 5.000000e-02 : f32
      %mul3A_300 = vector.broadcast %mul3A_299 : f32 to vector<16xf32>
      %mul3A_301 = arith.mulf %get3A_291, %mul3A_300 : vector<16xf32>
      %add3A_302 = arith.addf %mul3A_298, %mul3A_301 : vector<16xf32>
      %mul3A_303 = arith.mulf %add3A_302, %add3A_302 : vector<16xf32>
      %add3A_304 = arith.addf %add3A_287, %mul3A_303 : vector<16xf32>
      %get3A_305 = arith.index_cast %while3A_228 : i32 to index
      %get3A_306 = arith.constant 64 : index
      %get3A_307 = tpu.vector_load %arg9[%get3A_305, %get3A_306] {strides = array<i32>} : memref<128x128xf32, #tpu.memory_space<vmem>>, vector<1x16xf32>,
      %get3A_308 = vector.shape_cast %get3A_307 : vector<1x16xf32> to vector<16xf32>
      %get3A_309 = arith.index_cast %squeeze3A : i32 to index
      %get3A_310 = arith.constant 64 : index
      %get3A_311 = tpu.vector_load %arg10[%get3A_309, %get3A_310] {strides = array<i32>} : memref<32x128xf32, #tpu.memory_space<vmem>>, vector<1x16xf32>,
      %get3A_312 = vector.shape_cast %get3A_311 : vector<1x16xf32> to vector<16xf32>
      %mul3A_313 = arith.constant 0.949999988 : f32
      %mul3A_314 = vector.broadcast %mul3A_313 : f32 to vector<16xf32>
      %mul3A_315 = arith.mulf %get3A_312, %mul3A_314 : vector<16xf32>
      %mul3A_316 = arith.constant 5.000000e-02 : f32
      %mul3A_317 = vector.broadcast %mul3A_316 : f32 to vector<16xf32>
      %mul3A_318 = arith.mulf %get3A_308, %mul3A_317 : vector<16xf32>
      %add3A_319 = arith.addf %mul3A_315, %mul3A_318 : vector<16xf32>
      %mul3A_320 = arith.mulf %add3A_319, %add3A_319 : vector<16xf32>
      %add3A_321 = arith.addf %add3A_304, %mul3A_320 : vector<16xf32>
      %get3A_322 = arith.index_cast %while3A_228 : i32 to index
      %get3A_323 = arith.constant 80 : index
      %get3A_324 = tpu.vector_load %arg9[%get3A_322, %get3A_323] {strides = array<i32>} : memref<128x128xf32, #tpu.memory_space<vmem>>, vector<1x16xf32>,
      %get3A_325 = vector.shape_cast %get3A_324 : vector<1x16xf32> to vector<16xf32>
      %get3A_326 = arith.index_cast %squeeze3A : i32 to index
      %get3A_327 = arith.constant 80 : index
      %get3A_328 = tpu.vector_load %arg10[%get3A_326, %get3A_327] {strides = array<i32>} : memref<32x128xf32, #tpu.memory_space<vmem>>, vector<1x16xf32>,
      %get3A_329 = vector.shape_cast %get3A_328 : vector<1x16xf32> to vector<16xf32>
      %mul3A_330 = arith.constant 0.949999988 : f32
      %mul3A_331 = vector.broadcast %mul3A_330 : f32 to vector<16xf32>
      %mul3A_332 = arith.mulf %get3A_329, %mul3A_331 : vector<16xf32>
      %mul3A_333 = arith.constant 5.000000e-02 : f32
      %mul3A_334 = vector.broadcast %mul3A_333 : f32 to vector<16xf32>
      %mul3A_335 = arith.mulf %get3A_325, %mul3A_334 : vector<16xf32>
      %add3A_336 = arith.addf %mul3A_332, %mul3A_335 : vector<16xf32>
      %mul3A_337 = arith.mulf %add3A_336, %add3A_336 : vector<16xf32>
      %add3A_338 = arith.addf %add3A_321, %mul3A_337 : vector<16xf32>
      %get3A_339 = arith.index_cast %while3A_228 : i32 to index
      %get3A_340 = arith.constant 96 : index
      %get3A_341 = tpu.vector_load %arg9[%get3A_339, %get3A_340] {strides = array<i32>} : memref<128x128xf32, #tpu.memory_space<vmem>>, vector<1x16xf32>,
      %get3A_342 = vector.shape_cast %get3A_341 : vector<1x16xf32> to vector<16xf32>
      %get3A_343 = arith.index_cast %squeeze3A : i32 to index
      %get3A_344 = arith.constant 96 : index
      %get3A_345 = tpu.vector_load %arg10[%get3A_343, %get3A_344] {strides = array<i32>} : memref<32x128xf32, #tpu.memory_space<vmem>>, vector<1x16xf32>,
      %get3A_346 = vector.shape_cast %get3A_345 : vector<1x16xf32> to vector<16xf32>
      %mul3A_347 = arith.constant 0.949999988 : f32
      %mul3A_348 = vector.broadcast %mul3A_347 : f32 to vector<16xf32>
      %mul3A_349 = arith.mulf %get3A_346, %mul3A_348 : vector<16xf32>
      %mul3A_350 = arith.constant 5.000000e-02 : f32
      %mul3A_351 = vector.broadcast %mul3A_350 : f32 to vector<16xf32>
      %mul3A_352 = arith.mulf %get3A_342, %mul3A_351 : vector<16xf32>
      %add3A_353 = arith.addf %mul3A_349, %mul3A_352 : vector<16xf32>
      %mul3A_354 = arith.mulf %add3A_353, %add3A_353 : vector<16xf32>
      %add3A_355 = arith.addf %add3A_338, %mul3A_354 : vector<16xf32>
      %get3A_356 = arith.index_cast %while3A_228 : i32 to index
      %get3A_357 = arith.constant 112 : index
      %get3A_358 = tpu.vector_load %arg9[%get3A_356, %get3A_357] {strides = array<i32>} : memref<128x128xf32, #tpu.memory_space<vmem>>, vector<1x16xf32>,
      %get3A_359 = vector.shape_cast %get3A_358 : vector<1x16xf32> to vector<16xf32>
      %get3A_360 = arith.index_cast %squeeze3A : i32 to index
      %get3A_361 = arith.constant 112 : index
      %get3A_362 = tpu.vector_load %arg10[%get3A_360, %get3A_361] {strides = array<i32>} : memref<32x128xf32, #tpu.memory_space<vmem>>, vector<1x16xf32>,
      %get3A_363 = vector.shape_cast %get3A_362 : vector<1x16xf32> to vector<16xf32>
      %mul3A_364 = arith.constant 0.949999988 : f32
      %mul3A_365 = vector.broadcast %mul3A_364 : f32 to vector<16xf32>
      %mul3A_366 = arith.mulf %get3A_363, %mul3A_365 : vector<16xf32>
      %mul3A_367 = arith.constant 5.000000e-02 : f32
      %mul3A_368 = vector.broadcast %mul3A_367 : f32 to vector<16xf32>
      %mul3A_369 = arith.mulf %get3A_359, %mul3A_368 : vector<16xf32>
      %add3A_370 = arith.addf %mul3A_366, %mul3A_369 : vector<16xf32>
      %mul3A_371 = arith.mulf %add3A_370, %add3A_370 : vector<16xf32>
      %add3A_372 = arith.addf %add3A_355, %mul3A_371 : vector<16xf32>
      %xor3A = arith.constant 8 : i32
      %xor3A_373 = vector.broadcast %xor3A : i32 to vector<16xi32>
      %xor3A_374 = arith.xori %iota3A, %xor3A_373 : vector<16xi32>
      %lt3A = arith.constant 0 : i32
      %lt3A_375 = vector.broadcast %lt3A : i32 to vector<16xi32>
      %lt3A_376 = arith.cmpi slt, %xor3A_374, %lt3A_375 : vector<16xi32>
      %add3A_377 = arith.constant 16 : i32
      %add3A_378 = vector.broadcast %add3A_377 : i32 to vector<16xi32>
      %add3A_379 = arith.addi %xor3A_374, %add3A_378 : vector<16xi32>
      %select_n3A_380 = arith.select %lt3A_376, %add3A_379, %xor3A_374 : vector<16xi1>, vector<16xi32>
      %broadcast_in_dim3A_381 = vector.shape_cast %select_n3A_380 : vector<16xi32> to vector<16x1xi32>
      %gather3A = vector.shape_cast %broadcast_in_dim3A_381 : vector<16x1xi32> to vector<16xi32>
      %gather3A_382 = tpu.dynamic_gather %add3A_372[%gather3A] in [0] : vector<16xf32>, vector<16xi32> -> vector<16xf32>
      %add3A_383 = arith.addf %add3A_372, %gather3A_382 : vector<16xf32>
      %xor3A_384 = arith.constant 4 : i32
      %xor3A_385 = vector.broadcast %xor3A_384 : i32 to vector<16xi32>
      %xor3A_386 = arith.xori %iota3A, %xor3A_385 : vector<16xi32>
      %lt3A_387 = arith.constant 0 : i32
      %lt3A_388 = vector.broadcast %lt3A_387 : i32 to vector<16xi32>
      %lt3A_389 = arith.cmpi slt, %xor3A_386, %lt3A_388 : vector<16xi32>
      %add3A_390 = arith.constant 16 : i32
      %add3A_391 = vector.broadcast %add3A_390 : i32 to vector<16xi32>
      %add3A_392 = arith.addi %xor3A_386, %add3A_391 : vector<16xi32>
      %select_n3A_393 = arith.select %lt3A_389, %add3A_392, %xor3A_386 : vector<16xi1>, vector<16xi32>
      %broadcast_in_dim3A_394 = vector.shape_cast %select_n3A_393 : vector<16xi32> to vector<16x1xi32>
      %gather3A_395 = vector.shape_cast %broadcast_in_dim3A_394 : vector<16x1xi32> to vector<16xi32>
      %gather3A_396 = tpu.dynamic_gather %add3A_383[%gather3A_395] in [0] : vector<16xf32>, vector<16xi32> -> vector<16xf32>
      %add3A_397 = arith.addf %add3A_383, %gather3A_396 : vector<16xf32>
      %xor3A_398 = arith.constant 2 : i32
      %xor3A_399 = vector.broadcast %xor3A_398 : i32 to vector<16xi32>
      %xor3A_400 = arith.xori %iota3A, %xor3A_399 : vector<16xi32>
      %lt3A_401 = arith.constant 0 : i32
      %lt3A_402 = vector.broadcast %lt3A_401 : i32 to vector<16xi32>
      %lt3A_403 = arith.cmpi slt, %xor3A_400, %lt3A_402 : vector<16xi32>
      %add3A_404 = arith.constant 16 : i32
      %add3A_405 = vector.broadcast %add3A_404 : i32 to vector<16xi32>
      %add3A_406 = arith.addi %xor3A_400, %add3A_405 : vector<16xi32>
      %select_n3A_407 = arith.select %lt3A_403, %add3A_406, %xor3A_400 : vector<16xi1>, vector<16xi32>
      %broadcast_in_dim3A_408 = vector.shape_cast %select_n3A_407 : vector<16xi32> to vector<16x1xi32>
      %gather3A_409 = vector.shape_cast %broadcast_in_dim3A_408 : vector<16x1xi32> to vector<16xi32>
      %gather3A_410 = tpu.dynamic_gather %add3A_397[%gather3A_409] in [0] : vector<16xf32>, vector<16xi32> -> vector<16xf32>
      %add3A_411 = arith.addf %add3A_397, %gather3A_410 : vector<16xf32>
      %xor3A_412 = arith.constant 1 : i32
      %xor3A_413 = vector.broadcast %xor3A_412 : i32 to vector<16xi32>
      %xor3A_414 = arith.xori %iota3A, %xor3A_413 : vector<16xi32>
      %lt3A_415 = arith.constant 0 : i32
      %lt3A_416 = vector.broadcast %lt3A_415 : i32 to vector<16xi32>
      %lt3A_417 = arith.cmpi slt, %xor3A_414, %lt3A_416 : vector<16xi32>
      %add3A_418 = arith.constant 16 : i32
      %add3A_419 = vector.broadcast %add3A_418 : i32 to vector<16xi32>
      %add3A_420 = arith.addi %xor3A_414, %add3A_419 : vector<16xi32>
      %select_n3A_421 = arith.select %lt3A_417, %add3A_420, %xor3A_414 : vector<16xi1>, vector<16xi32>
      %broadcast_in_dim3A_422 = vector.shape_cast %select_n3A_421 : vector<16xi32> to vector<16x1xi32>
      %gather3A_423 = vector.shape_cast %broadcast_in_dim3A_422 : vector<16x1xi32> to vector<16xi32>
      %gather3A_424 = tpu.dynamic_gather %add3A_411[%gather3A_423] in [0] : vector<16xf32>, vector<16xi32> -> vector<16xf32>
      %add3A_425 = arith.addf %add3A_411, %gather3A_424 : vector<16xf32>
      %max3A = arith.constant 1.000000e-24 : f32
      %max3A_426 = vector.broadcast %max3A : f32 to vector<16xf32>
      %max3A_427 = arith.maximumf %add3A_425, %max3A_426 : vector<16xf32>
      %slice3A_428 = vector.extract_strided_slice %max3A_427 {offsets = [0], sizes = [1], strides = [1]} : vector<16xf32> to vector<1xf32>
      %squeeze3A_429 = vector.extract %slice3A_428[0] : f32 from vector<1xf32>
      %bitcast_convert_type3A = arith.bitcast %squeeze3A_429 : f32 to i32
      %shift_right_arithmetic3A = arith.constant 1 : i32
      %shift_right_arithmetic3A_430 = arith.shrsi %bitcast_convert_type3A, %shift_right_arithmetic3A : i32
      %sub3A_431 = arith.constant 1597463007 : i32
      %sub3A_432 = arith.subi %sub3A_431, %shift_right_arithmetic3A_430 : i32
      %bitcast_convert_type3A_433 = arith.bitcast %sub3A_432 : i32 to f32
      %broadcast_in_dim3A_434 = vector.broadcast %bitcast_convert_type3A_433 : f32 to vector<16xf32>
      %mul3A_435 = arith.constant 5.000000e-01 : f32
      %mul3A_436 = vector.broadcast %mul3A_435 : f32 to vector<16xf32>
      %mul3A_437 = arith.mulf %max3A_427, %mul3A_436 : vector<16xf32>
      %mul3A_438 = arith.mulf %mul3A_437, %broadcast_in_dim3A_434 : vector<16xf32>
      %mul3A_439 = arith.mulf %mul3A_438, %broadcast_in_dim3A_434 : vector<16xf32>
      %sub3A_440 = arith.constant 1.500000e+00 : f32
      %sub3A_441 = vector.broadcast %sub3A_440 : f32 to vector<16xf32>
      %sub3A_442 = arith.subf %sub3A_441, %mul3A_439 : vector<16xf32>
      %mul3A_443 = arith.mulf %broadcast_in_dim3A_434, %sub3A_442 : vector<16xf32>
      %mul3A_444 = arith.mulf %mul3A_437, %mul3A_443 : vector<16xf32>
      %mul3A_445 = arith.mulf %mul3A_444, %mul3A_443 : vector<16xf32>
      %sub3A_446 = arith.constant 1.500000e+00 : f32
      %sub3A_447 = vector.broadcast %sub3A_446 : f32 to vector<16xf32>
      %sub3A_448 = arith.subf %sub3A_447, %mul3A_445 : vector<16xf32>
      %mul3A_449 = arith.mulf %mul3A_443, %sub3A_448 : vector<16xf32>
      %mul3A_450 = arith.mulf %mul3A_437, %mul3A_449 : vector<16xf32>
      %mul3A_451 = arith.mulf %mul3A_450, %mul3A_449 : vector<16xf32>
      %sub3A_452 = arith.constant 1.500000e+00 : f32
      %sub3A_453 = vector.broadcast %sub3A_452 : f32 to vector<16xf32>
      %sub3A_454 = arith.subf %sub3A_453, %mul3A_451 : vector<16xf32>
      %mul3A_455 = arith.mulf %mul3A_449, %sub3A_454 : vector<16xf32>
      %mul3A_456 = arith.mulf %mul3A_437, %mul3A_455 : vector<16xf32>
      %mul3A_457 = arith.mulf %mul3A_456, %mul3A_455 : vector<16xf32>
      %sub3A_458 = arith.constant 1.500000e+00 : f32
      %sub3A_459 = vector.broadcast %sub3A_458 : f32 to vector<16xf32>
      %sub3A_460 = arith.subf %sub3A_459, %mul3A_457 : vector<16xf32>
      %mul3A_461 = arith.mulf %mul3A_455, %sub3A_460 : vector<16xf32>
      %mul3A_462 = arith.mulf %add3A_251, %mul3A_461 : vector<16xf32>
      %swap3A = arith.index_cast %squeeze3A : i32 to index
      %swap3A_463 = arith.constant 0 : index
      %swap3A_464 = tpu.vector_load %arg10[%swap3A, %swap3A_463] {strides = array<i32>} : memref<32x128xf32, #tpu.memory_space<vmem>>, vector<1x16xf32>,
      %swap3A_465 = vector.shape_cast %swap3A_464 : vector<1x16xf32> to vector<16xf32>
      %swap3A_466 = vector.shape_cast %mul3A_462 : vector<16xf32> to vector<1x16xf32>
      tpu.vector_store %arg10[%swap3A, %swap3A_463], %swap3A_466 {strides = array<i32>} : memref<32x128xf32, #tpu.memory_space<vmem>>, vector<1x16xf32>,
      %mul3A_467 = arith.mulf %add3A_268, %mul3A_461 : vector<16xf32>
      %swap3A_468 = arith.index_cast %squeeze3A : i32 to index
      %swap3A_469 = arith.constant 16 : index
      %swap3A_470 = tpu.vector_load %arg10[%swap3A_468, %swap3A_469] {strides = array<i32>} : memref<32x128xf32, #tpu.memory_space<vmem>>, vector<1x16xf32>,
      %swap3A_471 = vector.shape_cast %swap3A_470 : vector<1x16xf32> to vector<16xf32>
      %swap3A_472 = vector.shape_cast %mul3A_467 : vector<16xf32> to vector<1x16xf32>
      tpu.vector_store %arg10[%swap3A_468, %swap3A_469], %swap3A_472 {strides = array<i32>} : memref<32x128xf32, #tpu.memory_space<vmem>>, vector<1x16xf32>,
      %mul3A_473 = arith.mulf %add3A_285, %mul3A_461 : vector<16xf32>
      %swap3A_474 = arith.index_cast %squeeze3A : i32 to index
      %swap3A_475 = arith.constant 32 : index
      %swap3A_476 = tpu.vector_load %arg10[%swap3A_474, %swap3A_475] {strides = array<i32>} : memref<32x128xf32, #tpu.memory_space<vmem>>, vector<1x16xf32>,
      %swap3A_477 = vector.shape_cast %swap3A_476 : vector<1x16xf32> to vector<16xf32>
      %swap3A_478 = vector.shape_cast %mul3A_473 : vector<16xf32> to vector<1x16xf32>
      tpu.vector_store %arg10[%swap3A_474, %swap3A_475], %swap3A_478 {strides = array<i32>} : memref<32x128xf32, #tpu.memory_space<vmem>>, vector<1x16xf32>,
      %mul3A_479 = arith.mulf %add3A_302, %mul3A_461 : vector<16xf32>
      %swap3A_480 = arith.index_cast %squeeze3A : i32 to index
      %swap3A_481 = arith.constant 48 : index
      %swap3A_482 = tpu.vector_load %arg10[%swap3A_480, %swap3A_481] {strides = array<i32>} : memref<32x128xf32, #tpu.memory_space<vmem>>, vector<1x16xf32>,
      %swap3A_483 = vector.shape_cast %swap3A_482 : vector<1x16xf32> to vector<16xf32>
      %swap3A_484 = vector.shape_cast %mul3A_479 : vector<16xf32> to vector<1x16xf32>
      tpu.vector_store %arg10[%swap3A_480, %swap3A_481], %swap3A_484 {strides = array<i32>} : memref<32x128xf32, #tpu.memory_space<vmem>>, vector<1x16xf32>,
      %mul3A_485 = arith.mulf %add3A_319, %mul3A_461 : vector<16xf32>
      %swap3A_486 = arith.index_cast %squeeze3A : i32 to index
      %swap3A_487 = arith.constant 64 : index
      %swap3A_488 = tpu.vector_load %arg10[%swap3A_486, %swap3A_487] {strides = array<i32>} : memref<32x128xf32, #tpu.memory_space<vmem>>, vector<1x16xf32>,
      %swap3A_489 = vector.shape_cast %swap3A_488 : vector<1x16xf32> to vector<16xf32>
      %swap3A_490 = vector.shape_cast %mul3A_485 : vector<16xf32> to vector<1x16xf32>
      tpu.vector_store %arg10[%swap3A_486, %swap3A_487], %swap3A_490 {strides = array<i32>} : memref<32x128xf32, #tpu.memory_space<vmem>>, vector<1x16xf32>,
      %mul3A_491 = arith.mulf %add3A_336, %mul3A_461 : vector<16xf32>
      %swap3A_492 = arith.index_cast %squeeze3A : i32 to index
      %swap3A_493 = arith.constant 80 : index
      %swap3A_494 = tpu.vector_load %arg10[%swap3A_492, %swap3A_493] {strides = array<i32>} : memref<32x128xf32, #tpu.memory_space<vmem>>, vector<1x16xf32>,
      %swap3A_495 = vector.shape_cast %swap3A_494 : vector<1x16xf32> to vector<16xf32>
      %swap3A_496 = vector.shape_cast %mul3A_491 : vector<16xf32> to vector<1x16xf32>
      tpu.vector_store %arg10[%swap3A_492, %swap3A_493], %swap3A_496 {strides = array<i32>} : memref<32x128xf32, #tpu.memory_space<vmem>>, vector<1x16xf32>,
      %mul3A_497 = arith.mulf %add3A_353, %mul3A_461 : vector<16xf32>
      %swap3A_498 = arith.index_cast %squeeze3A : i32 to index
      %swap3A_499 = arith.constant 96 : index
      %swap3A_500 = tpu.vector_load %arg10[%swap3A_498, %swap3A_499] {strides = array<i32>} : memref<32x128xf32, #tpu.memory_space<vmem>>, vector<1x16xf32>,
      %swap3A_501 = vector.shape_cast %swap3A_500 : vector<1x16xf32> to vector<16xf32>
      %swap3A_502 = vector.shape_cast %mul3A_497 : vector<16xf32> to vector<1x16xf32>
      tpu.vector_store %arg10[%swap3A_498, %swap3A_499], %swap3A_502 {strides = array<i32>} : memref<32x128xf32, #tpu.memory_space<vmem>>, vector<1x16xf32>,
      %mul3A_503 = arith.mulf %add3A_370, %mul3A_461 : vector<16xf32>
      %swap3A_504 = arith.index_cast %squeeze3A : i32 to index
      %swap3A_505 = arith.constant 112 : index
      %swap3A_506 = tpu.vector_load %arg10[%swap3A_504, %swap3A_505] {strides = array<i32>} : memref<32x128xf32, #tpu.memory_space<vmem>>, vector<1x16xf32>,
      %swap3A_507 = vector.shape_cast %swap3A_506 : vector<1x16xf32> to vector<16xf32>
      %swap3A_508 = vector.shape_cast %mul3A_503 : vector<16xf32> to vector<1x16xf32>
      tpu.vector_store %arg10[%swap3A_504, %swap3A_505], %swap3A_508 {strides = array<i32>} : memref<32x128xf32, #tpu.memory_space<vmem>>, vector<1x16xf32>,
      %while3A_509 = arith.constant 0 : i32
      scf.yield %while3A_509 : i32
    }
    %while3A_214 = arith.constant 1 : i32
    %while3A_215 = scf.for %while3A_228 = %while3A_211 to %while3A_207 step %while3A_214 iter_args(%while3A_229 = %while3A_213) -> (i32)  : i32 {
      %add3A_230 = arith.constant 0 : i32
      %add3A_231 = arith.addi %add3A_230, %while3A_228 : i32
      %get3A_232 = arith.index_cast %add3A_231 : i32 to index
      %get3A_233 = tpu.vector_load %arg8[%get3A_232] {strides = array<i32>} : memref<4224xi32, #tpu.memory_space<vmem>>, vector<16xi32>,
      %get3A_234 = vector.shape_cast %get3A_233 : vector<16xi32> to vector<16xi32>
      %slice3A = vector.extract_strided_slice %get3A_234 {offsets = [0], sizes = [1], strides = [1]} : vector<16xi32> to vector<1xi32>
      %squeeze3A = vector.extract %slice3A[0] : i32 from vector<1xi32>
      %broadcast_in_dim3A_235 = arith.constant 0.000000e+00 : f32
      %broadcast_in_dim3A_236 = vector.broadcast %broadcast_in_dim3A_235 : f32 to vector<16xf32>
      %get3A_237 = arith.index_cast %while3A_228 : i32 to index
      %get3A_238 = arith.constant 0 : index
      %get3A_239 = tpu.vector_load %arg9[%get3A_237, %get3A_238] {strides = array<i32>} : memref<128x128xf32, #tpu.memory_space<vmem>>, vector<1x16xf32>,
      %get3A_240 = vector.shape_cast %get3A_239 : vector<1x16xf32> to vector<16xf32>
      %get3A_241 = arith.index_cast %squeeze3A : i32 to index
      %get3A_242 = arith.constant 0 : index
      %get3A_243 = tpu.vector_load %arg10[%get3A_241, %get3A_242] {strides = array<i32>} : memref<32x128xf32, #tpu.memory_space<vmem>>, vector<1x16xf32>,
      %get3A_244 = vector.shape_cast %get3A_243 : vector<1x16xf32> to vector<16xf32>
      %mul3A_245 = arith.constant 0.949999988 : f32
      %mul3A_246 = vector.broadcast %mul3A_245 : f32 to vector<16xf32>
      %mul3A_247 = arith.mulf %get3A_244, %mul3A_246 : vector<16xf32>
      %mul3A_248 = arith.constant 5.000000e-02 : f32
      %mul3A_249 = vector.broadcast %mul3A_248 : f32 to vector<16xf32>
      %mul3A_250 = arith.mulf %get3A_240, %mul3A_249 : vector<16xf32>
      %add3A_251 = arith.addf %mul3A_247, %mul3A_250 : vector<16xf32>
      %mul3A_252 = arith.mulf %add3A_251, %add3A_251 : vector<16xf32>
      %add3A_253 = arith.addf %broadcast_in_dim3A_236, %mul3A_252 : vector<16xf32>
      %get3A_254 = arith.index_cast %while3A_228 : i32 to index
      %get3A_255 = arith.constant 16 : index
      %get3A_256 = tpu.vector_load %arg9[%get3A_254, %get3A_255] {strides = array<i32>} : memref<128x128xf32, #tpu.memory_space<vmem>>, vector<1x16xf32>,
      %get3A_257 = vector.shape_cast %get3A_256 : vector<1x16xf32> to vector<16xf32>
      %get3A_258 = arith.index_cast %squeeze3A : i32 to index
      %get3A_259 = arith.constant 16 : index
      %get3A_260 = tpu.vector_load %arg10[%get3A_258, %get3A_259] {strides = array<i32>} : memref<32x128xf32, #tpu.memory_space<vmem>>, vector<1x16xf32>,
      %get3A_261 = vector.shape_cast %get3A_260 : vector<1x16xf32> to vector<16xf32>
      %mul3A_262 = arith.constant 0.949999988 : f32
      %mul3A_263 = vector.broadcast %mul3A_262 : f32 to vector<16xf32>
      %mul3A_264 = arith.mulf %get3A_261, %mul3A_263 : vector<16xf32>
      %mul3A_265 = arith.constant 5.000000e-02 : f32
      %mul3A_266 = vector.broadcast %mul3A_265 : f32 to vector<16xf32>
      %mul3A_267 = arith.mulf %get3A_257, %mul3A_266 : vector<16xf32>
      %add3A_268 = arith.addf %mul3A_264, %mul3A_267 : vector<16xf32>
      %mul3A_269 = arith.mulf %add3A_268, %add3A_268 : vector<16xf32>
      %add3A_270 = arith.addf %add3A_253, %mul3A_269 : vector<16xf32>
      %get3A_271 = arith.index_cast %while3A_228 : i32 to index
      %get3A_272 = arith.constant 32 : index
      %get3A_273 = tpu.vector_load %arg9[%get3A_271, %get3A_272] {strides = array<i32>} : memref<128x128xf32, #tpu.memory_space<vmem>>, vector<1x16xf32>,
      %get3A_274 = vector.shape_cast %get3A_273 : vector<1x16xf32> to vector<16xf32>
      %get3A_275 = arith.index_cast %squeeze3A : i32 to index
      %get3A_276 = arith.constant 32 : index
      %get3A_277 = tpu.vector_load %arg10[%get3A_275, %get3A_276] {strides = array<i32>} : memref<32x128xf32, #tpu.memory_space<vmem>>, vector<1x16xf32>,
      %get3A_278 = vector.shape_cast %get3A_277 : vector<1x16xf32> to vector<16xf32>
      %mul3A_279 = arith.constant 0.949999988 : f32
      %mul3A_280 = vector.broadcast %mul3A_279 : f32 to vector<16xf32>
      %mul3A_281 = arith.mulf %get3A_278, %mul3A_280 : vector<16xf32>
      %mul3A_282 = arith.constant 5.000000e-02 : f32
      %mul3A_283 = vector.broadcast %mul3A_282 : f32 to vector<16xf32>
      %mul3A_284 = arith.mulf %get3A_274, %mul3A_283 : vector<16xf32>
      %add3A_285 = arith.addf %mul3A_281, %mul3A_284 : vector<16xf32>
      %mul3A_286 = arith.mulf %add3A_285, %add3A_285 : vector<16xf32>
      %add3A_287 = arith.addf %add3A_270, %mul3A_286 : vector<16xf32>
      %get3A_288 = arith.index_cast %while3A_228 : i32 to index
      %get3A_289 = arith.constant 48 : index
      %get3A_290 = tpu.vector_load %arg9[%get3A_288, %get3A_289] {strides = array<i32>} : memref<128x128xf32, #tpu.memory_space<vmem>>, vector<1x16xf32>,
      %get3A_291 = vector.shape_cast %get3A_290 : vector<1x16xf32> to vector<16xf32>
      %get3A_292 = arith.index_cast %squeeze3A : i32 to index
      %get3A_293 = arith.constant 48 : index
      %get3A_294 = tpu.vector_load %arg10[%get3A_292, %get3A_293] {strides = array<i32>} : memref<32x128xf32, #tpu.memory_space<vmem>>, vector<1x16xf32>,
      %get3A_295 = vector.shape_cast %get3A_294 : vector<1x16xf32> to vector<16xf32>
      %mul3A_296 = arith.constant 0.949999988 : f32
      %mul3A_297 = vector.broadcast %mul3A_296 : f32 to vector<16xf32>
      %mul3A_298 = arith.mulf %get3A_295, %mul3A_297 : vector<16xf32>
      %mul3A_299 = arith.constant 5.000000e-02 : f32
      %mul3A_300 = vector.broadcast %mul3A_299 : f32 to vector<16xf32>
      %mul3A_301 = arith.mulf %get3A_291, %mul3A_300 : vector<16xf32>
      %add3A_302 = arith.addf %mul3A_298, %mul3A_301 : vector<16xf32>
      %mul3A_303 = arith.mulf %add3A_302, %add3A_302 : vector<16xf32>
      %add3A_304 = arith.addf %add3A_287, %mul3A_303 : vector<16xf32>
      %get3A_305 = arith.index_cast %while3A_228 : i32 to index
      %get3A_306 = arith.constant 64 : index
      %get3A_307 = tpu.vector_load %arg9[%get3A_305, %get3A_306] {strides = array<i32>} : memref<128x128xf32, #tpu.memory_space<vmem>>, vector<1x16xf32>,
      %get3A_308 = vector.shape_cast %get3A_307 : vector<1x16xf32> to vector<16xf32>
      %get3A_309 = arith.index_cast %squeeze3A : i32 to index
      %get3A_310 = arith.constant 64 : index
      %get3A_311 = tpu.vector_load %arg10[%get3A_309, %get3A_310] {strides = array<i32>} : memref<32x128xf32, #tpu.memory_space<vmem>>, vector<1x16xf32>,
      %get3A_312 = vector.shape_cast %get3A_311 : vector<1x16xf32> to vector<16xf32>
      %mul3A_313 = arith.constant 0.949999988 : f32
      %mul3A_314 = vector.broadcast %mul3A_313 : f32 to vector<16xf32>
      %mul3A_315 = arith.mulf %get3A_312, %mul3A_314 : vector<16xf32>
      %mul3A_316 = arith.constant 5.000000e-02 : f32
      %mul3A_317 = vector.broadcast %mul3A_316 : f32 to vector<16xf32>
      %mul3A_318 = arith.mulf %get3A_308, %mul3A_317 : vector<16xf32>
      %add3A_319 = arith.addf %mul3A_315, %mul3A_318 : vector<16xf32>
      %mul3A_320 = arith.mulf %add3A_319, %add3A_319 : vector<16xf32>
      %add3A_321 = arith.addf %add3A_304, %mul3A_320 : vector<16xf32>
      %get3A_322 = arith.index_cast %while3A_228 : i32 to index
      %get3A_323 = arith.constant 80 : index
      %get3A_324 = tpu.vector_load %arg9[%get3A_322, %get3A_323] {strides = array<i32>} : memref<128x128xf32, #tpu.memory_space<vmem>>, vector<1x16xf32>,
      %get3A_325 = vector.shape_cast %get3A_324 : vector<1x16xf32> to vector<16xf32>
      %get3A_326 = arith.index_cast %squeeze3A : i32 to index
      %get3A_327 = arith.constant 80 : index
      %get3A_328 = tpu.vector_load %arg10[%get3A_326, %get3A_327] {strides = array<i32>} : memref<32x128xf32, #tpu.memory_space<vmem>>, vector<1x16xf32>,
      %get3A_329 = vector.shape_cast %get3A_328 : vector<1x16xf32> to vector<16xf32>
      %mul3A_330 = arith.constant 0.949999988 : f32
      %mul3A_331 = vector.broadcast %mul3A_330 : f32 to vector<16xf32>
      %mul3A_332 = arith.mulf %get3A_329, %mul3A_331 : vector<16xf32>
      %mul3A_333 = arith.constant 5.000000e-02 : f32
      %mul3A_334 = vector.broadcast %mul3A_333 : f32 to vector<16xf32>
      %mul3A_335 = arith.mulf %get3A_325, %mul3A_334 : vector<16xf32>
      %add3A_336 = arith.addf %mul3A_332, %mul3A_335 : vector<16xf32>
      %mul3A_337 = arith.mulf %add3A_336, %add3A_336 : vector<16xf32>
      %add3A_338 = arith.addf %add3A_321, %mul3A_337 : vector<16xf32>
      %get3A_339 = arith.index_cast %while3A_228 : i32 to index
      %get3A_340 = arith.constant 96 : index
      %get3A_341 = tpu.vector_load %arg9[%get3A_339, %get3A_340] {strides = array<i32>} : memref<128x128xf32, #tpu.memory_space<vmem>>, vector<1x16xf32>,
      %get3A_342 = vector.shape_cast %get3A_341 : vector<1x16xf32> to vector<16xf32>
      %get3A_343 = arith.index_cast %squeeze3A : i32 to index
      %get3A_344 = arith.constant 96 : index
      %get3A_345 = tpu.vector_load %arg10[%get3A_343, %get3A_344] {strides = array<i32>} : memref<32x128xf32, #tpu.memory_space<vmem>>, vector<1x16xf32>,
      %get3A_346 = vector.shape_cast %get3A_345 : vector<1x16xf32> to vector<16xf32>
      %mul3A_347 = arith.constant 0.949999988 : f32
      %mul3A_348 = vector.broadcast %mul3A_347 : f32 to vector<16xf32>
      %mul3A_349 = arith.mulf %get3A_346, %mul3A_348 : vector<16xf32>
      %mul3A_350 = arith.constant 5.000000e-02 : f32
      %mul3A_351 = vector.broadcast %mul3A_350 : f32 to vector<16xf32>
      %mul3A_352 = arith.mulf %get3A_342, %mul3A_351 : vector<16xf32>
      %add3A_353 = arith.addf %mul3A_349, %mul3A_352 : vector<16xf32>
      %mul3A_354 = arith.mulf %add3A_353, %add3A_353 : vector<16xf32>
      %add3A_355 = arith.addf %add3A_338, %mul3A_354 : vector<16xf32>
      %get3A_356 = arith.index_cast %while3A_228 : i32 to index
      %get3A_357 = arith.constant 112 : index
      %get3A_358 = tpu.vector_load %arg9[%get3A_356, %get3A_357] {strides = array<i32>} : memref<128x128xf32, #tpu.memory_space<vmem>>, vector<1x16xf32>,
      %get3A_359 = vector.shape_cast %get3A_358 : vector<1x16xf32> to vector<16xf32>
      %get3A_360 = arith.index_cast %squeeze3A : i32 to index
      %get3A_361 = arith.constant 112 : index
      %get3A_362 = tpu.vector_load %arg10[%get3A_360, %get3A_361] {strides = array<i32>} : memref<32x128xf32, #tpu.memory_space<vmem>>, vector<1x16xf32>,
      %get3A_363 = vector.shape_cast %get3A_362 : vector<1x16xf32> to vector<16xf32>
      %mul3A_364 = arith.constant 0.949999988 : f32
      %mul3A_365 = vector.broadcast %mul3A_364 : f32 to vector<16xf32>
      %mul3A_366 = arith.mulf %get3A_363, %mul3A_365 : vector<16xf32>
      %mul3A_367 = arith.constant 5.000000e-02 : f32
      %mul3A_368 = vector.broadcast %mul3A_367 : f32 to vector<16xf32>
      %mul3A_369 = arith.mulf %get3A_359, %mul3A_368 : vector<16xf32>
      %add3A_370 = arith.addf %mul3A_366, %mul3A_369 : vector<16xf32>
      %mul3A_371 = arith.mulf %add3A_370, %add3A_370 : vector<16xf32>
      %add3A_372 = arith.addf %add3A_355, %mul3A_371 : vector<16xf32>
      %xor3A = arith.constant 8 : i32
      %xor3A_373 = vector.broadcast %xor3A : i32 to vector<16xi32>
      %xor3A_374 = arith.xori %iota3A, %xor3A_373 : vector<16xi32>
      %lt3A = arith.constant 0 : i32
      %lt3A_375 = vector.broadcast %lt3A : i32 to vector<16xi32>
      %lt3A_376 = arith.cmpi slt, %xor3A_374, %lt3A_375 : vector<16xi32>
      %add3A_377 = arith.constant 16 : i32
      %add3A_378 = vector.broadcast %add3A_377 : i32 to vector<16xi32>
      %add3A_379 = arith.addi %xor3A_374, %add3A_378 : vector<16xi32>
      %select_n3A_380 = arith.select %lt3A_376, %add3A_379, %xor3A_374 : vector<16xi1>, vector<16xi32>
      %broadcast_in_dim3A_381 = vector.shape_cast %select_n3A_380 : vector<16xi32> to vector<16x1xi32>
      %gather3A = vector.shape_cast %broadcast_in_dim3A_381 : vector<16x1xi32> to vector<16xi32>
      %gather3A_382 = tpu.dynamic_gather %add3A_372[%gather3A] in [0] : vector<16xf32>, vector<16xi32> -> vector<16xf32>
      %add3A_383 = arith.addf %add3A_372, %gather3A_382 : vector<16xf32>
      %xor3A_384 = arith.constant 4 : i32
      %xor3A_385 = vector.broadcast %xor3A_384 : i32 to vector<16xi32>
      %xor3A_386 = arith.xori %iota3A, %xor3A_385 : vector<16xi32>
      %lt3A_387 = arith.constant 0 : i32
      %lt3A_388 = vector.broadcast %lt3A_387 : i32 to vector<16xi32>
      %lt3A_389 = arith.cmpi slt, %xor3A_386, %lt3A_388 : vector<16xi32>
      %add3A_390 = arith.constant 16 : i32
      %add3A_391 = vector.broadcast %add3A_390 : i32 to vector<16xi32>
      %add3A_392 = arith.addi %xor3A_386, %add3A_391 : vector<16xi32>
      %select_n3A_393 = arith.select %lt3A_389, %add3A_392, %xor3A_386 : vector<16xi1>, vector<16xi32>
      %broadcast_in_dim3A_394 = vector.shape_cast %select_n3A_393 : vector<16xi32> to vector<16x1xi32>
      %gather3A_395 = vector.shape_cast %broadcast_in_dim3A_394 : vector<16x1xi32> to vector<16xi32>
      %gather3A_396 = tpu.dynamic_gather %add3A_383[%gather3A_395] in [0] : vector<16xf32>, vector<16xi32> -> vector<16xf32>
      %add3A_397 = arith.addf %add3A_383, %gather3A_396 : vector<16xf32>
      %xor3A_398 = arith.constant 2 : i32
      %xor3A_399 = vector.broadcast %xor3A_398 : i32 to vector<16xi32>
      %xor3A_400 = arith.xori %iota3A, %xor3A_399 : vector<16xi32>
      %lt3A_401 = arith.constant 0 : i32
      %lt3A_402 = vector.broadcast %lt3A_401 : i32 to vector<16xi32>
      %lt3A_403 = arith.cmpi slt, %xor3A_400, %lt3A_402 : vector<16xi32>
      %add3A_404 = arith.constant 16 : i32
      %add3A_405 = vector.broadcast %add3A_404 : i32 to vector<16xi32>
      %add3A_406 = arith.addi %xor3A_400, %add3A_405 : vector<16xi32>
      %select_n3A_407 = arith.select %lt3A_403, %add3A_406, %xor3A_400 : vector<16xi1>, vector<16xi32>
      %broadcast_in_dim3A_408 = vector.shape_cast %select_n3A_407 : vector<16xi32> to vector<16x1xi32>
      %gather3A_409 = vector.shape_cast %broadcast_in_dim3A_408 : vector<16x1xi32> to vector<16xi32>
      %gather3A_410 = tpu.dynamic_gather %add3A_397[%gather3A_409] in [0] : vector<16xf32>, vector<16xi32> -> vector<16xf32>
      %add3A_411 = arith.addf %add3A_397, %gather3A_410 : vector<16xf32>
      %xor3A_412 = arith.constant 1 : i32
      %xor3A_413 = vector.broadcast %xor3A_412 : i32 to vector<16xi32>
      %xor3A_414 = arith.xori %iota3A, %xor3A_413 : vector<16xi32>
      %lt3A_415 = arith.constant 0 : i32
      %lt3A_416 = vector.broadcast %lt3A_415 : i32 to vector<16xi32>
      %lt3A_417 = arith.cmpi slt, %xor3A_414, %lt3A_416 : vector<16xi32>
      %add3A_418 = arith.constant 16 : i32
      %add3A_419 = vector.broadcast %add3A_418 : i32 to vector<16xi32>
      %add3A_420 = arith.addi %xor3A_414, %add3A_419 : vector<16xi32>
      %select_n3A_421 = arith.select %lt3A_417, %add3A_420, %xor3A_414 : vector<16xi1>, vector<16xi32>
      %broadcast_in_dim3A_422 = vector.shape_cast %select_n3A_421 : vector<16xi32> to vector<16x1xi32>
      %gather3A_423 = vector.shape_cast %broadcast_in_dim3A_422 : vector<16x1xi32> to vector<16xi32>
      %gather3A_424 = tpu.dynamic_gather %add3A_411[%gather3A_423] in [0] : vector<16xf32>, vector<16xi32> -> vector<16xf32>
      %add3A_425 = arith.addf %add3A_411, %gather3A_424 : vector<16xf32>
      %max3A = arith.constant 1.000000e-24 : f32
      %max3A_426 = vector.broadcast %max3A : f32 to vector<16xf32>
      %max3A_427 = arith.maximumf %add3A_425, %max3A_426 : vector<16xf32>
      %slice3A_428 = vector.extract_strided_slice %max3A_427 {offsets = [0], sizes = [1], strides = [1]} : vector<16xf32> to vector<1xf32>
      %squeeze3A_429 = vector.extract %slice3A_428[0] : f32 from vector<1xf32>
      %bitcast_convert_type3A = arith.bitcast %squeeze3A_429 : f32 to i32
      %shift_right_arithmetic3A = arith.constant 1 : i32
      %shift_right_arithmetic3A_430 = arith.shrsi %bitcast_convert_type3A, %shift_right_arithmetic3A : i32
      %sub3A_431 = arith.constant 1597463007 : i32
      %sub3A_432 = arith.subi %sub3A_431, %shift_right_arithmetic3A_430 : i32
      %bitcast_convert_type3A_433 = arith.bitcast %sub3A_432 : i32 to f32
      %broadcast_in_dim3A_434 = vector.broadcast %bitcast_convert_type3A_433 : f32 to vector<16xf32>
      %mul3A_435 = arith.constant 5.000000e-01 : f32
      %mul3A_436 = vector.broadcast %mul3A_435 : f32 to vector<16xf32>
      %mul3A_437 = arith.mulf %max3A_427, %mul3A_436 : vector<16xf32>
      %mul3A_438 = arith.mulf %mul3A_437, %broadcast_in_dim3A_434 : vector<16xf32>
      %mul3A_439 = arith.mulf %mul3A_438, %broadcast_in_dim3A_434 : vector<16xf32>
      %sub3A_440 = arith.constant 1.500000e+00 : f32
      %sub3A_441 = vector.broadcast %sub3A_440 : f32 to vector<16xf32>
      %sub3A_442 = arith.subf %sub3A_441, %mul3A_439 : vector<16xf32>
      %mul3A_443 = arith.mulf %broadcast_in_dim3A_434, %sub3A_442 : vector<16xf32>
      %mul3A_444 = arith.mulf %mul3A_437, %mul3A_443 : vector<16xf32>
      %mul3A_445 = arith.mulf %mul3A_444, %mul3A_443 : vector<16xf32>
      %sub3A_446 = arith.constant 1.500000e+00 : f32
      %sub3A_447 = vector.broadcast %sub3A_446 : f32 to vector<16xf32>
      %sub3A_448 = arith.subf %sub3A_447, %mul3A_445 : vector<16xf32>
      %mul3A_449 = arith.mulf %mul3A_443, %sub3A_448 : vector<16xf32>
      %mul3A_450 = arith.mulf %mul3A_437, %mul3A_449 : vector<16xf32>
      %mul3A_451 = arith.mulf %mul3A_450, %mul3A_449 : vector<16xf32>
      %sub3A_452 = arith.constant 1.500000e+00 : f32
      %sub3A_453 = vector.broadcast %sub3A_452 : f32 to vector<16xf32>
      %sub3A_454 = arith.subf %sub3A_453, %mul3A_451 : vector<16xf32>
      %mul3A_455 = arith.mulf %mul3A_449, %sub3A_454 : vector<16xf32>
      %mul3A_456 = arith.mulf %mul3A_437, %mul3A_455 : vector<16xf32>
      %mul3A_457 = arith.mulf %mul3A_456, %mul3A_455 : vector<16xf32>
      %sub3A_458 = arith.constant 1.500000e+00 : f32
      %sub3A_459 = vector.broadcast %sub3A_458 : f32 to vector<16xf32>
      %sub3A_460 = arith.subf %sub3A_459, %mul3A_457 : vector<16xf32>
      %mul3A_461 = arith.mulf %mul3A_455, %sub3A_460 : vector<16xf32>
      %mul3A_462 = arith.mulf %add3A_251, %mul3A_461 : vector<16xf32>
      %swap3A = arith.index_cast %squeeze3A : i32 to index
      %swap3A_463 = arith.constant 0 : index
      %swap3A_464 = tpu.vector_load %arg10[%swap3A, %swap3A_463] {strides = array<i32>} : memref<32x128xf32, #tpu.memory_space<vmem>>, vector<1x16xf32>,
      %swap3A_465 = vector.shape_cast %swap3A_464 : vector<1x16xf32> to vector<16xf32>
      %swap3A_466 = vector.shape_cast %mul3A_462 : vector<16xf32> to vector<1x16xf32>
      tpu.vector_store %arg10[%swap3A, %swap3A_463], %swap3A_466 {strides = array<i32>} : memref<32x128xf32, #tpu.memory_space<vmem>>, vector<1x16xf32>,
      %mul3A_467 = arith.mulf %add3A_268, %mul3A_461 : vector<16xf32>
      %swap3A_468 = arith.index_cast %squeeze3A : i32 to index
      %swap3A_469 = arith.constant 16 : index
      %swap3A_470 = tpu.vector_load %arg10[%swap3A_468, %swap3A_469] {strides = array<i32>} : memref<32x128xf32, #tpu.memory_space<vmem>>, vector<1x16xf32>,
      %swap3A_471 = vector.shape_cast %swap3A_470 : vector<1x16xf32> to vector<16xf32>
      %swap3A_472 = vector.shape_cast %mul3A_467 : vector<16xf32> to vector<1x16xf32>
      tpu.vector_store %arg10[%swap3A_468, %swap3A_469], %swap3A_472 {strides = array<i32>} : memref<32x128xf32, #tpu.memory_space<vmem>>, vector<1x16xf32>,
      %mul3A_473 = arith.mulf %add3A_285, %mul3A_461 : vector<16xf32>
      %swap3A_474 = arith.index_cast %squeeze3A : i32 to index
      %swap3A_475 = arith.constant 32 : index
      %swap3A_476 = tpu.vector_load %arg10[%swap3A_474, %swap3A_475] {strides = array<i32>} : memref<32x128xf32, #tpu.memory_space<vmem>>, vector<1x16xf32>,
      %swap3A_477 = vector.shape_cast %swap3A_476 : vector<1x16xf32> to vector<16xf32>
      %swap3A_478 = vector.shape_cast %mul3A_473 : vector<16xf32> to vector<1x16xf32>
      tpu.vector_store %arg10[%swap3A_474, %swap3A_475], %swap3A_478 {strides = array<i32>} : memref<32x128xf32, #tpu.memory_space<vmem>>, vector<1x16xf32>,
      %mul3A_479 = arith.mulf %add3A_302, %mul3A_461 : vector<16xf32>
      %swap3A_480 = arith.index_cast %squeeze3A : i32 to index
      %swap3A_481 = arith.constant 48 : index
      %swap3A_482 = tpu.vector_load %arg10[%swap3A_480, %swap3A_481] {strides = array<i32>} : memref<32x128xf32, #tpu.memory_space<vmem>>, vector<1x16xf32>,
      %swap3A_483 = vector.shape_cast %swap3A_482 : vector<1x16xf32> to vector<16xf32>
      %swap3A_484 = vector.shape_cast %mul3A_479 : vector<16xf32> to vector<1x16xf32>
      tpu.vector_store %arg10[%swap3A_480, %swap3A_481], %swap3A_484 {strides = array<i32>} : memref<32x128xf32, #tpu.memory_space<vmem>>, vector<1x16xf32>,
      %mul3A_485 = arith.mulf %add3A_319, %mul3A_461 : vector<16xf32>
      %swap3A_486 = arith.index_cast %squeeze3A : i32 to index
      %swap3A_487 = arith.constant 64 : index
      %swap3A_488 = tpu.vector_load %arg10[%swap3A_486, %swap3A_487] {strides = array<i32>} : memref<32x128xf32, #tpu.memory_space<vmem>>, vector<1x16xf32>,
      %swap3A_489 = vector.shape_cast %swap3A_488 : vector<1x16xf32> to vector<16xf32>
      %swap3A_490 = vector.shape_cast %mul3A_485 : vector<16xf32> to vector<1x16xf32>
      tpu.vector_store %arg10[%swap3A_486, %swap3A_487], %swap3A_490 {strides = array<i32>} : memref<32x128xf32, #tpu.memory_space<vmem>>, vector<1x16xf32>,
      %mul3A_491 = arith.mulf %add3A_336, %mul3A_461 : vector<16xf32>
      %swap3A_492 = arith.index_cast %squeeze3A : i32 to index
      %swap3A_493 = arith.constant 80 : index
      %swap3A_494 = tpu.vector_load %arg10[%swap3A_492, %swap3A_493] {strides = array<i32>} : memref<32x128xf32, #tpu.memory_space<vmem>>, vector<1x16xf32>,
      %swap3A_495 = vector.shape_cast %swap3A_494 : vector<1x16xf32> to vector<16xf32>
      %swap3A_496 = vector.shape_cast %mul3A_491 : vector<16xf32> to vector<1x16xf32>
      tpu.vector_store %arg10[%swap3A_492, %swap3A_493], %swap3A_496 {strides = array<i32>} : memref<32x128xf32, #tpu.memory_space<vmem>>, vector<1x16xf32>,
      %mul3A_497 = arith.mulf %add3A_353, %mul3A_461 : vector<16xf32>
      %swap3A_498 = arith.index_cast %squeeze3A : i32 to index
      %swap3A_499 = arith.constant 96 : index
      %swap3A_500 = tpu.vector_load %arg10[%swap3A_498, %swap3A_499] {strides = array<i32>} : memref<32x128xf32, #tpu.memory_space<vmem>>, vector<1x16xf32>,
      %swap3A_501 = vector.shape_cast %swap3A_500 : vector<1x16xf32> to vector<16xf32>
      %swap3A_502 = vector.shape_cast %mul3A_497 : vector<16xf32> to vector<1x16xf32>
      tpu.vector_store %arg10[%swap3A_498, %swap3A_499], %swap3A_502 {strides = array<i32>} : memref<32x128xf32, #tpu.memory_space<vmem>>, vector<1x16xf32>,
      %mul3A_503 = arith.mulf %add3A_370, %mul3A_461 : vector<16xf32>
      %swap3A_504 = arith.index_cast %squeeze3A : i32 to index
      %swap3A_505 = arith.constant 112 : index
      %swap3A_506 = tpu.vector_load %arg10[%swap3A_504, %swap3A_505] {strides = array<i32>} : memref<32x128xf32, #tpu.memory_space<vmem>>, vector<1x16xf32>,
      %swap3A_507 = vector.shape_cast %swap3A_506 : vector<1x16xf32> to vector<16xf32>
      %swap3A_508 = vector.shape_cast %mul3A_503 : vector<16xf32> to vector<1x16xf32>
      tpu.vector_store %arg10[%swap3A_504, %swap3A_505], %swap3A_508 {strides = array<i32>} : memref<32x128xf32, #tpu.memory_space<vmem>>, vector<1x16xf32>,
      %while3A_509 = arith.constant 0 : i32
      scf.yield %while3A_509 : i32
    }
    %while3A_216 = arith.constant 1 : i32
    %while3A_217 = arith.constant 0 : i32
    %while3A_218 = arith.subi %select_n3A, %while3A_216 : i32
    %while3A_219 = arith.addi %while3A_216, %while3A_218 : i32
    %while3A_220 = arith.constant 1 : i32
    %while3A_221 = arith.divsi %while3A_218, %while3A_220 : i32
    %while3A_222 = arith.muli %while3A_221, %while3A_220 : i32
    %while3A_223 = arith.addi %while3A_216, %while3A_222 : i32
    %while3A_224 = arith.constant 1 : i32
    %while3A_225 = scf.for %while3A_228 = %while3A_216 to %while3A_223 step %while3A_224 iter_args(%while3A_229 = %while3A_217) -> (i32)  : i32 {
      %mul3A_230 = arith.constant 128 : i32
      %mul3A_231 = arith.muli %while3A_228, %mul3A_230 : i32
      %add3A_232 = arith.constant 0 : i32
      %add3A_233 = arith.addi %mul3A_231, %add3A_232 : i32
      %get3A_234 = arith.index_cast %add3A_233 : i32 to index
      %get3A_235 = tpu.vector_load %arg7[%get3A_234] {strides = array<i32>} : memref<4224xi32, #tpu.memory_space<vmem>>, vector<16xi32>,
      %get3A_236 = vector.shape_cast %get3A_235 : vector<16xi32> to vector<16xi32>
      %dma_start3A_237 = arith.constant 0 : i32
      %dma_start3A_238 = arith.constant 0 : i32
      %dma_start3A_239 = arith.constant 0 : i32
      %dma_start3A_240 = tpu.memref_slice %arg9[%dma_start3A_238, %dma_start3A_239] : memref<128x128xf32, #tpu.memory_space<vmem>> -> memref<16x128xf32, #tpu.memory_space<vmem>>
      %dma_start3A_241 = arith.constant 0 : i32
      %dma_start3A_242 = arith.constant 0 : i32
      %dma_start3A_243 = tpu.memref_slice %arg11[%dma_start3A_241, %dma_start3A_242] : memref<4096x128xf32, #tpu.memory_space<vmem_shared>> -> memref<4096x128xf32, #tpu.memory_space<vmem_shared>>
      %dma_start3A_244 = tpu.memref_slice %arg13[%dma_start3A_237] : memref<8x!tpu.dma_semaphore, #tpu.memory_space<semaphore_mem>> -> memref<1x!tpu.dma_semaphore, #tpu.memory_space<semaphore_mem>>
      %dma_start3A_245 = tpu.memref_squeeze %dma_start3A_244 : memref<1x!tpu.dma_semaphore, #tpu.memory_space<semaphore_mem>> -> memref<!tpu.dma_semaphore, #tpu.memory_space<semaphore_mem>>
      tpu.enqueue_indirect_dma source(%dma_start3A_243 : memref<4096x128xf32, #tpu.memory_space<vmem_shared>>) target(%dma_start3A_240 : memref<16x128xf32, #tpu.memory_space<vmem>>) offsets(%get3A_236 : vector<16xi32>) semaphore(%dma_start3A_245 : memref<!tpu.dma_semaphore, #tpu.memory_space<semaphore_mem>>)
      %add3A_246 = arith.constant 16 : i32
      %add3A_247 = arith.addi %mul3A_231, %add3A_246 : i32
      %get3A_248 = arith.index_cast %add3A_247 : i32 to index
      %get3A_249 = tpu.vector_load %arg7[%get3A_248] {strides = array<i32>} : memref<4224xi32, #tpu.memory_space<vmem>>, vector<16xi32>,
      %get3A_250 = vector.shape_cast %get3A_249 : vector<16xi32> to vector<16xi32>
      %dma_start3A_251 = arith.constant 1 : i32
      %dma_start3A_252 = arith.constant 16 : i32
      %dma_start3A_253 = arith.constant 0 : i32
      %dma_start3A_254 = tpu.memref_slice %arg9[%dma_start3A_252, %dma_start3A_253] : memref<128x128xf32, #tpu.memory_space<vmem>> -> memref<16x128xf32, #tpu.memory_space<vmem>>
      %dma_start3A_255 = arith.constant 0 : i32
      %dma_start3A_256 = arith.constant 0 : i32
      %dma_start3A_257 = tpu.memref_slice %arg11[%dma_start3A_255, %dma_start3A_256] : memref<4096x128xf32, #tpu.memory_space<vmem_shared>> -> memref<4096x128xf32, #tpu.memory_space<vmem_shared>>
      %dma_start3A_258 = tpu.memref_slice %arg13[%dma_start3A_251] : memref<8x!tpu.dma_semaphore, #tpu.memory_space<semaphore_mem>> -> memref<1x!tpu.dma_semaphore, #tpu.memory_space<semaphore_mem>>
      %dma_start3A_259 = tpu.memref_squeeze %dma_start3A_258 : memref<1x!tpu.dma_semaphore, #tpu.memory_space<semaphore_mem>> -> memref<!tpu.dma_semaphore, #tpu.memory_space<semaphore_mem>>
      tpu.enqueue_indirect_dma source(%dma_start3A_257 : memref<4096x128xf32, #tpu.memory_space<vmem_shared>>) target(%dma_start3A_254 : memref<16x128xf32, #tpu.memory_space<vmem>>) offsets(%get3A_250 : vector<16xi32>) semaphore(%dma_start3A_259 : memref<!tpu.dma_semaphore, #tpu.memory_space<semaphore_mem>>)
      %add3A_260 = arith.constant 32 : i32
      %add3A_261 = arith.addi %mul3A_231, %add3A_260 : i32
      %get3A_262 = arith.index_cast %add3A_261 : i32 to index
      %get3A_263 = tpu.vector_load %arg7[%get3A_262] {strides = array<i32>} : memref<4224xi32, #tpu.memory_space<vmem>>, vector<16xi32>,
      %get3A_264 = vector.shape_cast %get3A_263 : vector<16xi32> to vector<16xi32>
      %dma_start3A_265 = arith.constant 2 : i32
      %dma_start3A_266 = arith.constant 32 : i32
      %dma_start3A_267 = arith.constant 0 : i32
      %dma_start3A_268 = tpu.memref_slice %arg9[%dma_start3A_266, %dma_start3A_267] : memref<128x128xf32, #tpu.memory_space<vmem>> -> memref<16x128xf32, #tpu.memory_space<vmem>>
      %dma_start3A_269 = arith.constant 0 : i32
      %dma_start3A_270 = arith.constant 0 : i32
      %dma_start3A_271 = tpu.memref_slice %arg11[%dma_start3A_269, %dma_start3A_270] : memref<4096x128xf32, #tpu.memory_space<vmem_shared>> -> memref<4096x128xf32, #tpu.memory_space<vmem_shared>>
      %dma_start3A_272 = tpu.memref_slice %arg13[%dma_start3A_265] : memref<8x!tpu.dma_semaphore, #tpu.memory_space<semaphore_mem>> -> memref<1x!tpu.dma_semaphore, #tpu.memory_space<semaphore_mem>>
      %dma_start3A_273 = tpu.memref_squeeze %dma_start3A_272 : memref<1x!tpu.dma_semaphore, #tpu.memory_space<semaphore_mem>> -> memref<!tpu.dma_semaphore, #tpu.memory_space<semaphore_mem>>
      tpu.enqueue_indirect_dma source(%dma_start3A_271 : memref<4096x128xf32, #tpu.memory_space<vmem_shared>>) target(%dma_start3A_268 : memref<16x128xf32, #tpu.memory_space<vmem>>) offsets(%get3A_264 : vector<16xi32>) semaphore(%dma_start3A_273 : memref<!tpu.dma_semaphore, #tpu.memory_space<semaphore_mem>>)
      %add3A_274 = arith.constant 48 : i32
      %add3A_275 = arith.addi %mul3A_231, %add3A_274 : i32
      %get3A_276 = arith.index_cast %add3A_275 : i32 to index
      %get3A_277 = tpu.vector_load %arg7[%get3A_276] {strides = array<i32>} : memref<4224xi32, #tpu.memory_space<vmem>>, vector<16xi32>,
      %get3A_278 = vector.shape_cast %get3A_277 : vector<16xi32> to vector<16xi32>
      %dma_start3A_279 = arith.constant 3 : i32
      %dma_start3A_280 = arith.constant 48 : i32
      %dma_start3A_281 = arith.constant 0 : i32
      %dma_start3A_282 = tpu.memref_slice %arg9[%dma_start3A_280, %dma_start3A_281] : memref<128x128xf32, #tpu.memory_space<vmem>> -> memref<16x128xf32, #tpu.memory_space<vmem>>
      %dma_start3A_283 = arith.constant 0 : i32
      %dma_start3A_284 = arith.constant 0 : i32
      %dma_start3A_285 = tpu.memref_slice %arg11[%dma_start3A_283, %dma_start3A_284] : memref<4096x128xf32, #tpu.memory_space<vmem_shared>> -> memref<4096x128xf32, #tpu.memory_space<vmem_shared>>
      %dma_start3A_286 = tpu.memref_slice %arg13[%dma_start3A_279] : memref<8x!tpu.dma_semaphore, #tpu.memory_space<semaphore_mem>> -> memref<1x!tpu.dma_semaphore, #tpu.memory_space<semaphore_mem>>
      %dma_start3A_287 = tpu.memref_squeeze %dma_start3A_286 : memref<1x!tpu.dma_semaphore, #tpu.memory_space<semaphore_mem>> -> memref<!tpu.dma_semaphore, #tpu.memory_space<semaphore_mem>>
      tpu.enqueue_indirect_dma source(%dma_start3A_285 : memref<4096x128xf32, #tpu.memory_space<vmem_shared>>) target(%dma_start3A_282 : memref<16x128xf32, #tpu.memory_space<vmem>>) offsets(%get3A_278 : vector<16xi32>) semaphore(%dma_start3A_287 : memref<!tpu.dma_semaphore, #tpu.memory_space<semaphore_mem>>)
      %add3A_288 = arith.constant 64 : i32
      %add3A_289 = arith.addi %mul3A_231, %add3A_288 : i32
      %get3A_290 = arith.index_cast %add3A_289 : i32 to index
      %get3A_291 = tpu.vector_load %arg7[%get3A_290] {strides = array<i32>} : memref<4224xi32, #tpu.memory_space<vmem>>, vector<16xi32>,
      %get3A_292 = vector.shape_cast %get3A_291 : vector<16xi32> to vector<16xi32>
      %dma_start3A_293 = arith.constant 4 : i32
      %dma_start3A_294 = arith.constant 64 : i32
      %dma_start3A_295 = arith.constant 0 : i32
      %dma_start3A_296 = tpu.memref_slice %arg9[%dma_start3A_294, %dma_start3A_295] : memref<128x128xf32, #tpu.memory_space<vmem>> -> memref<16x128xf32, #tpu.memory_space<vmem>>
      %dma_start3A_297 = arith.constant 0 : i32
      %dma_start3A_298 = arith.constant 0 : i32
      %dma_start3A_299 = tpu.memref_slice %arg11[%dma_start3A_297, %dma_start3A_298] : memref<4096x128xf32, #tpu.memory_space<vmem_shared>> -> memref<4096x128xf32, #tpu.memory_space<vmem_shared>>
      %dma_start3A_300 = tpu.memref_slice %arg13[%dma_start3A_293] : memref<8x!tpu.dma_semaphore, #tpu.memory_space<semaphore_mem>> -> memref<1x!tpu.dma_semaphore, #tpu.memory_space<semaphore_mem>>
      %dma_start3A_301 = tpu.memref_squeeze %dma_start3A_300 : memref<1x!tpu.dma_semaphore, #tpu.memory_space<semaphore_mem>> -> memref<!tpu.dma_semaphore, #tpu.memory_space<semaphore_mem>>
      tpu.enqueue_indirect_dma source(%dma_start3A_299 : memref<4096x128xf32, #tpu.memory_space<vmem_shared>>) target(%dma_start3A_296 : memref<16x128xf32, #tpu.memory_space<vmem>>) offsets(%get3A_292 : vector<16xi32>) semaphore(%dma_start3A_301 : memref<!tpu.dma_semaphore, #tpu.memory_space<semaphore_mem>>)
      %add3A_302 = arith.constant 80 : i32
      %add3A_303 = arith.addi %mul3A_231, %add3A_302 : i32
      %get3A_304 = arith.index_cast %add3A_303 : i32 to index
      %get3A_305 = tpu.vector_load %arg7[%get3A_304] {strides = array<i32>} : memref<4224xi32, #tpu.memory_space<vmem>>, vector<16xi32>,
      %get3A_306 = vector.shape_cast %get3A_305 : vector<16xi32> to vector<16xi32>
      %dma_start3A_307 = arith.constant 5 : i32
      %dma_start3A_308 = arith.constant 80 : i32
      %dma_start3A_309 = arith.constant 0 : i32
      %dma_start3A_310 = tpu.memref_slice %arg9[%dma_start3A_308, %dma_start3A_309] : memref<128x128xf32, #tpu.memory_space<vmem>> -> memref<16x128xf32, #tpu.memory_space<vmem>>
      %dma_start3A_311 = arith.constant 0 : i32
      %dma_start3A_312 = arith.constant 0 : i32
      %dma_start3A_313 = tpu.memref_slice %arg11[%dma_start3A_311, %dma_start3A_312] : memref<4096x128xf32, #tpu.memory_space<vmem_shared>> -> memref<4096x128xf32, #tpu.memory_space<vmem_shared>>
      %dma_start3A_314 = tpu.memref_slice %arg13[%dma_start3A_307] : memref<8x!tpu.dma_semaphore, #tpu.memory_space<semaphore_mem>> -> memref<1x!tpu.dma_semaphore, #tpu.memory_space<semaphore_mem>>
      %dma_start3A_315 = tpu.memref_squeeze %dma_start3A_314 : memref<1x!tpu.dma_semaphore, #tpu.memory_space<semaphore_mem>> -> memref<!tpu.dma_semaphore, #tpu.memory_space<semaphore_mem>>
      tpu.enqueue_indirect_dma source(%dma_start3A_313 : memref<4096x128xf32, #tpu.memory_space<vmem_shared>>) target(%dma_start3A_310 : memref<16x128xf32, #tpu.memory_space<vmem>>) offsets(%get3A_306 : vector<16xi32>) semaphore(%dma_start3A_315 : memref<!tpu.dma_semaphore, #tpu.memory_space<semaphore_mem>>)
      %add3A_316 = arith.constant 96 : i32
      %add3A_317 = arith.addi %mul3A_231, %add3A_316 : i32
      %get3A_318 = arith.index_cast %add3A_317 : i32 to index
      %get3A_319 = tpu.vector_load %arg7[%get3A_318] {strides = array<i32>} : memref<4224xi32, #tpu.memory_space<vmem>>, vector<16xi32>,
      %get3A_320 = vector.shape_cast %get3A_319 : vector<16xi32> to vector<16xi32>
      %dma_start3A_321 = arith.constant 6 : i32
      %dma_start3A_322 = arith.constant 96 : i32
      %dma_start3A_323 = arith.constant 0 : i32
      %dma_start3A_324 = tpu.memref_slice %arg9[%dma_start3A_322, %dma_start3A_323] : memref<128x128xf32, #tpu.memory_space<vmem>> -> memref<16x128xf32, #tpu.memory_space<vmem>>
      %dma_start3A_325 = arith.constant 0 : i32
      %dma_start3A_326 = arith.constant 0 : i32
      %dma_start3A_327 = tpu.memref_slice %arg11[%dma_start3A_325, %dma_start3A_326] : memref<4096x128xf32, #tpu.memory_space<vmem_shared>> -> memref<4096x128xf32, #tpu.memory_space<vmem_shared>>
      %dma_start3A_328 = tpu.memref_slice %arg13[%dma_start3A_321] : memref<8x!tpu.dma_semaphore, #tpu.memory_space<semaphore_mem>> -> memref<1x!tpu.dma_semaphore, #tpu.memory_space<semaphore_mem>>
      %dma_start3A_329 = tpu.memref_squeeze %dma_start3A_328 : memref<1x!tpu.dma_semaphore, #tpu.memory_space<semaphore_mem>> -> memref<!tpu.dma_semaphore, #tpu.memory_space<semaphore_mem>>
      tpu.enqueue_indirect_dma source(%dma_start3A_327 : memref<4096x128xf32, #tpu.memory_space<vmem_shared>>) target(%dma_start3A_324 : memref<16x128xf32, #tpu.memory_space<vmem>>) offsets(%get3A_320 : vector<16xi32>) semaphore(%dma_start3A_329 : memref<!tpu.dma_semaphore, #tpu.memory_space<semaphore_mem>>)
      %add3A_330 = arith.constant 112 : i32
      %add3A_331 = arith.addi %mul3A_231, %add3A_330 : i32
      %get3A_332 = arith.index_cast %add3A_331 : i32 to index
      %get3A_333 = tpu.vector_load %arg7[%get3A_332] {strides = array<i32>} : memref<4224xi32, #tpu.memory_space<vmem>>, vector<16xi32>,
      %get3A_334 = vector.shape_cast %get3A_333 : vector<16xi32> to vector<16xi32>
      %dma_start3A_335 = arith.constant 7 : i32
      %dma_start3A_336 = arith.constant 112 : i32
      %dma_start3A_337 = arith.constant 0 : i32
      %dma_start3A_338 = tpu.memref_slice %arg9[%dma_start3A_336, %dma_start3A_337] : memref<128x128xf32, #tpu.memory_space<vmem>> -> memref<16x128xf32, #tpu.memory_space<vmem>>
      %dma_start3A_339 = arith.constant 0 : i32
      %dma_start3A_340 = arith.constant 0 : i32
      %dma_start3A_341 = tpu.memref_slice %arg11[%dma_start3A_339, %dma_start3A_340] : memref<4096x128xf32, #tpu.memory_space<vmem_shared>> -> memref<4096x128xf32, #tpu.memory_space<vmem_shared>>
      %dma_start3A_342 = tpu.memref_slice %arg13[%dma_start3A_335] : memref<8x!tpu.dma_semaphore, #tpu.memory_space<semaphore_mem>> -> memref<1x!tpu.dma_semaphore, #tpu.memory_space<semaphore_mem>>
      %dma_start3A_343 = tpu.memref_squeeze %dma_start3A_342 : memref<1x!tpu.dma_semaphore, #tpu.memory_space<semaphore_mem>> -> memref<!tpu.dma_semaphore, #tpu.memory_space<semaphore_mem>>
      tpu.enqueue_indirect_dma source(%dma_start3A_341 : memref<4096x128xf32, #tpu.memory_space<vmem_shared>>) target(%dma_start3A_338 : memref<16x128xf32, #tpu.memory_space<vmem>>) offsets(%get3A_334 : vector<16xi32>) semaphore(%dma_start3A_343 : memref<!tpu.dma_semaphore, #tpu.memory_space<semaphore_mem>>)
      %dma_wait3A_344 = arith.constant 0 : i32
      %dma_wait3A_345 = arith.constant 0 : i32
      %dma_wait3A_346 = arith.constant 0 : i32
      %dma_wait3A_347 = tpu.memref_slice %arg9[%dma_wait3A_345, %dma_wait3A_346] : memref<128x128xf32, #tpu.memory_space<vmem>> -> memref<16x128xf32, #tpu.memory_space<vmem>>
      %dma_wait3A_348 = arith.constant 0 : i32
      %dma_wait3A_349 = arith.constant 0 : i32
      %dma_wait3A_350 = tpu.memref_slice %arg11[%dma_wait3A_348, %dma_wait3A_349] : memref<4096x128xf32, #tpu.memory_space<vmem_shared>> -> memref<4096x128xf32, #tpu.memory_space<vmem_shared>>
      %dma_wait3A_351 = tpu.memref_slice %arg13[%dma_wait3A_344] : memref<8x!tpu.dma_semaphore, #tpu.memory_space<semaphore_mem>> -> memref<1x!tpu.dma_semaphore, #tpu.memory_space<semaphore_mem>>
      %dma_wait3A_352 = tpu.memref_squeeze %dma_wait3A_351 : memref<1x!tpu.dma_semaphore, #tpu.memory_space<semaphore_mem>> -> memref<!tpu.dma_semaphore, #tpu.memory_space<semaphore_mem>>
      tpu.wait_indirect_dma semaphore(%dma_wait3A_352 : memref<!tpu.dma_semaphore, #tpu.memory_space<semaphore_mem>>) src(%dma_wait3A_350 : memref<4096x128xf32, #tpu.memory_space<vmem_shared>>) dst(%dma_wait3A_347 : memref<16x128xf32, #tpu.memory_space<vmem>>)
      %dma_wait3A_353 = arith.constant 1 : i32
      %dma_wait3A_354 = arith.constant 16 : i32
      %dma_wait3A_355 = arith.constant 0 : i32
      %dma_wait3A_356 = tpu.memref_slice %arg9[%dma_wait3A_354, %dma_wait3A_355] : memref<128x128xf32, #tpu.memory_space<vmem>> -> memref<16x128xf32, #tpu.memory_space<vmem>>
      %dma_wait3A_357 = arith.constant 0 : i32
      %dma_wait3A_358 = arith.constant 0 : i32
      %dma_wait3A_359 = tpu.memref_slice %arg11[%dma_wait3A_357, %dma_wait3A_358] : memref<4096x128xf32, #tpu.memory_space<vmem_shared>> -> memref<4096x128xf32, #tpu.memory_space<vmem_shared>>
      %dma_wait3A_360 = tpu.memref_slice %arg13[%dma_wait3A_353] : memref<8x!tpu.dma_semaphore, #tpu.memory_space<semaphore_mem>> -> memref<1x!tpu.dma_semaphore, #tpu.memory_space<semaphore_mem>>
      %dma_wait3A_361 = tpu.memref_squeeze %dma_wait3A_360 : memref<1x!tpu.dma_semaphore, #tpu.memory_space<semaphore_mem>> -> memref<!tpu.dma_semaphore, #tpu.memory_space<semaphore_mem>>
      tpu.wait_indirect_dma semaphore(%dma_wait3A_361 : memref<!tpu.dma_semaphore, #tpu.memory_space<semaphore_mem>>) src(%dma_wait3A_359 : memref<4096x128xf32, #tpu.memory_space<vmem_shared>>) dst(%dma_wait3A_356 : memref<16x128xf32, #tpu.memory_space<vmem>>)
      %dma_wait3A_362 = arith.constant 2 : i32
      %dma_wait3A_363 = arith.constant 32 : i32
      %dma_wait3A_364 = arith.constant 0 : i32
      %dma_wait3A_365 = tpu.memref_slice %arg9[%dma_wait3A_363, %dma_wait3A_364] : memref<128x128xf32, #tpu.memory_space<vmem>> -> memref<16x128xf32, #tpu.memory_space<vmem>>
      %dma_wait3A_366 = arith.constant 0 : i32
      %dma_wait3A_367 = arith.constant 0 : i32
      %dma_wait3A_368 = tpu.memref_slice %arg11[%dma_wait3A_366, %dma_wait3A_367] : memref<4096x128xf32, #tpu.memory_space<vmem_shared>> -> memref<4096x128xf32, #tpu.memory_space<vmem_shared>>
      %dma_wait3A_369 = tpu.memref_slice %arg13[%dma_wait3A_362] : memref<8x!tpu.dma_semaphore, #tpu.memory_space<semaphore_mem>> -> memref<1x!tpu.dma_semaphore, #tpu.memory_space<semaphore_mem>>
      %dma_wait3A_370 = tpu.memref_squeeze %dma_wait3A_369 : memref<1x!tpu.dma_semaphore, #tpu.memory_space<semaphore_mem>> -> memref<!tpu.dma_semaphore, #tpu.memory_space<semaphore_mem>>
      tpu.wait_indirect_dma semaphore(%dma_wait3A_370 : memref<!tpu.dma_semaphore, #tpu.memory_space<semaphore_mem>>) src(%dma_wait3A_368 : memref<4096x128xf32, #tpu.memory_space<vmem_shared>>) dst(%dma_wait3A_365 : memref<16x128xf32, #tpu.memory_space<vmem>>)
      %dma_wait3A_371 = arith.constant 3 : i32
      %dma_wait3A_372 = arith.constant 48 : i32
      %dma_wait3A_373 = arith.constant 0 : i32
      %dma_wait3A_374 = tpu.memref_slice %arg9[%dma_wait3A_372, %dma_wait3A_373] : memref<128x128xf32, #tpu.memory_space<vmem>> -> memref<16x128xf32, #tpu.memory_space<vmem>>
      %dma_wait3A_375 = arith.constant 0 : i32
      %dma_wait3A_376 = arith.constant 0 : i32
      %dma_wait3A_377 = tpu.memref_slice %arg11[%dma_wait3A_375, %dma_wait3A_376] : memref<4096x128xf32, #tpu.memory_space<vmem_shared>> -> memref<4096x128xf32, #tpu.memory_space<vmem_shared>>
      %dma_wait3A_378 = tpu.memref_slice %arg13[%dma_wait3A_371] : memref<8x!tpu.dma_semaphore, #tpu.memory_space<semaphore_mem>> -> memref<1x!tpu.dma_semaphore, #tpu.memory_space<semaphore_mem>>
      %dma_wait3A_379 = tpu.memref_squeeze %dma_wait3A_378 : memref<1x!tpu.dma_semaphore, #tpu.memory_space<semaphore_mem>> -> memref<!tpu.dma_semaphore, #tpu.memory_space<semaphore_mem>>
      tpu.wait_indirect_dma semaphore(%dma_wait3A_379 : memref<!tpu.dma_semaphore, #tpu.memory_space<semaphore_mem>>) src(%dma_wait3A_377 : memref<4096x128xf32, #tpu.memory_space<vmem_shared>>) dst(%dma_wait3A_374 : memref<16x128xf32, #tpu.memory_space<vmem>>)
      %dma_wait3A_380 = arith.constant 4 : i32
      %dma_wait3A_381 = arith.constant 64 : i32
      %dma_wait3A_382 = arith.constant 0 : i32
      %dma_wait3A_383 = tpu.memref_slice %arg9[%dma_wait3A_381, %dma_wait3A_382] : memref<128x128xf32, #tpu.memory_space<vmem>> -> memref<16x128xf32, #tpu.memory_space<vmem>>
      %dma_wait3A_384 = arith.constant 0 : i32
      %dma_wait3A_385 = arith.constant 0 : i32
      %dma_wait3A_386 = tpu.memref_slice %arg11[%dma_wait3A_384, %dma_wait3A_385] : memref<4096x128xf32, #tpu.memory_space<vmem_shared>> -> memref<4096x128xf32, #tpu.memory_space<vmem_shared>>
      %dma_wait3A_387 = tpu.memref_slice %arg13[%dma_wait3A_380] : memref<8x!tpu.dma_semaphore, #tpu.memory_space<semaphore_mem>> -> memref<1x!tpu.dma_semaphore, #tpu.memory_space<semaphore_mem>>
      %dma_wait3A_388 = tpu.memref_squeeze %dma_wait3A_387 : memref<1x!tpu.dma_semaphore, #tpu.memory_space<semaphore_mem>> -> memref<!tpu.dma_semaphore, #tpu.memory_space<semaphore_mem>>
      tpu.wait_indirect_dma semaphore(%dma_wait3A_388 : memref<!tpu.dma_semaphore, #tpu.memory_space<semaphore_mem>>) src(%dma_wait3A_386 : memref<4096x128xf32, #tpu.memory_space<vmem_shared>>) dst(%dma_wait3A_383 : memref<16x128xf32, #tpu.memory_space<vmem>>)
      %dma_wait3A_389 = arith.constant 5 : i32
      %dma_wait3A_390 = arith.constant 80 : i32
      %dma_wait3A_391 = arith.constant 0 : i32
      %dma_wait3A_392 = tpu.memref_slice %arg9[%dma_wait3A_390, %dma_wait3A_391] : memref<128x128xf32, #tpu.memory_space<vmem>> -> memref<16x128xf32, #tpu.memory_space<vmem>>
      %dma_wait3A_393 = arith.constant 0 : i32
      %dma_wait3A_394 = arith.constant 0 : i32
      %dma_wait3A_395 = tpu.memref_slice %arg11[%dma_wait3A_393, %dma_wait3A_394] : memref<4096x128xf32, #tpu.memory_space<vmem_shared>> -> memref<4096x128xf32, #tpu.memory_space<vmem_shared>>
      %dma_wait3A_396 = tpu.memref_slice %arg13[%dma_wait3A_389] : memref<8x!tpu.dma_semaphore, #tpu.memory_space<semaphore_mem>> -> memref<1x!tpu.dma_semaphore, #tpu.memory_space<semaphore_mem>>
      %dma_wait3A_397 = tpu.memref_squeeze %dma_wait3A_396 : memref<1x!tpu.dma_semaphore, #tpu.memory_space<semaphore_mem>> -> memref<!tpu.dma_semaphore, #tpu.memory_space<semaphore_mem>>
      tpu.wait_indirect_dma semaphore(%dma_wait3A_397 : memref<!tpu.dma_semaphore, #tpu.memory_space<semaphore_mem>>) src(%dma_wait3A_395 : memref<4096x128xf32, #tpu.memory_space<vmem_shared>>) dst(%dma_wait3A_392 : memref<16x128xf32, #tpu.memory_space<vmem>>)
      %dma_wait3A_398 = arith.constant 6 : i32
      %dma_wait3A_399 = arith.constant 96 : i32
      %dma_wait3A_400 = arith.constant 0 : i32
      %dma_wait3A_401 = tpu.memref_slice %arg9[%dma_wait3A_399, %dma_wait3A_400] : memref<128x128xf32, #tpu.memory_space<vmem>> -> memref<16x128xf32, #tpu.memory_space<vmem>>
      %dma_wait3A_402 = arith.constant 0 : i32
      %dma_wait3A_403 = arith.constant 0 : i32
      %dma_wait3A_404 = tpu.memref_slice %arg11[%dma_wait3A_402, %dma_wait3A_403] : memref<4096x128xf32, #tpu.memory_space<vmem_shared>> -> memref<4096x128xf32, #tpu.memory_space<vmem_shared>>
      %dma_wait3A_405 = tpu.memref_slice %arg13[%dma_wait3A_398] : memref<8x!tpu.dma_semaphore, #tpu.memory_space<semaphore_mem>> -> memref<1x!tpu.dma_semaphore, #tpu.memory_space<semaphore_mem>>
      %dma_wait3A_406 = tpu.memref_squeeze %dma_wait3A_405 : memref<1x!tpu.dma_semaphore, #tpu.memory_space<semaphore_mem>> -> memref<!tpu.dma_semaphore, #tpu.memory_space<semaphore_mem>>
      tpu.wait_indirect_dma semaphore(%dma_wait3A_406 : memref<!tpu.dma_semaphore, #tpu.memory_space<semaphore_mem>>) src(%dma_wait3A_404 : memref<4096x128xf32, #tpu.memory_space<vmem_shared>>) dst(%dma_wait3A_401 : memref<16x128xf32, #tpu.memory_space<vmem>>)
      %dma_wait3A_407 = arith.constant 7 : i32
      %dma_wait3A_408 = arith.constant 112 : i32
      %dma_wait3A_409 = arith.constant 0 : i32
      %dma_wait3A_410 = tpu.memref_slice %arg9[%dma_wait3A_408, %dma_wait3A_409] : memref<128x128xf32, #tpu.memory_space<vmem>> -> memref<16x128xf32, #tpu.memory_space<vmem>>
      %dma_wait3A_411 = arith.constant 0 : i32
      %dma_wait3A_412 = arith.constant 0 : i32
      %dma_wait3A_413 = tpu.memref_slice %arg11[%dma_wait3A_411, %dma_wait3A_412] : memref<4096x128xf32, #tpu.memory_space<vmem_shared>> -> memref<4096x128xf32, #tpu.memory_space<vmem_shared>>
      %dma_wait3A_414 = tpu.memref_slice %arg13[%dma_wait3A_407] : memref<8x!tpu.dma_semaphore, #tpu.memory_space<semaphore_mem>> -> memref<1x!tpu.dma_semaphore, #tpu.memory_space<semaphore_mem>>
      %dma_wait3A_415 = tpu.memref_squeeze %dma_wait3A_414 : memref<1x!tpu.dma_semaphore, #tpu.memory_space<semaphore_mem>> -> memref<!tpu.dma_semaphore, #tpu.memory_space<semaphore_mem>>
      tpu.wait_indirect_dma semaphore(%dma_wait3A_415 : memref<!tpu.dma_semaphore, #tpu.memory_space<semaphore_mem>>) src(%dma_wait3A_413 : memref<4096x128xf32, #tpu.memory_space<vmem_shared>>) dst(%dma_wait3A_410 : memref<16x128xf32, #tpu.memory_space<vmem>>)
      %sub3A_416 = arith.subi %scan3A_10, %mul3A_231 : i32
      %min3A_417 = arith.constant 128 : i32
      %min3A_418 = arith.minsi %min3A_417, %sub3A_416 : i32
      %while3A_419 = arith.constant 0 : i32
      %while3A_420 = arith.constant 0 : i32
      %while3A_421 = arith.subi %min3A_418, %while3A_419 : i32
      %while3A_422 = arith.addi %while3A_419, %while3A_421 : i32
      %while3A_423 = arith.constant 1 : i32
      %while3A_424 = arith.divsi %while3A_421, %while3A_423 : i32
      %while3A_425 = arith.muli %while3A_424, %while3A_423 : i32
      %while3A_426 = arith.addi %while3A_419, %while3A_425 : i32
      %while3A_427 = arith.constant 1 : i32
      %while3A_428 = scf.for %while3A_432 = %while3A_419 to %while3A_426 step %while3A_427 iter_args(%while3A_433 = %while3A_420) -> (i32)  : i32 {
        %add3A_434 = arith.addi %mul3A_231, %while3A_432 : i32
        %get3A_435 = arith.index_cast %add3A_434 : i32 to index
        %get3A_436 = tpu.vector_load %arg8[%get3A_435] {strides = array<i32>} : memref<4224xi32, #tpu.memory_space<vmem>>, vector<16xi32>,
        %get3A_437 = vector.shape_cast %get3A_436 : vector<16xi32> to vector<16xi32>
        %slice3A = vector.extract_strided_slice %get3A_437 {offsets = [0], sizes = [1], strides = [1]} : vector<16xi32> to vector<1xi32>
        %squeeze3A = vector.extract %slice3A[0] : i32 from vector<1xi32>
        %broadcast_in_dim3A_438 = arith.constant 0.000000e+00 : f32
        %broadcast_in_dim3A_439 = vector.broadcast %broadcast_in_dim3A_438 : f32 to vector<16xf32>
        %get3A_440 = arith.index_cast %while3A_432 : i32 to index
        %get3A_441 = arith.constant 0 : index
        %get3A_442 = tpu.vector_load %arg9[%get3A_440, %get3A_441] {strides = array<i32>} : memref<128x128xf32, #tpu.memory_space<vmem>>, vector<1x16xf32>,
        %get3A_443 = vector.shape_cast %get3A_442 : vector<1x16xf32> to vector<16xf32>
        %get3A_444 = arith.index_cast %squeeze3A : i32 to index
        %get3A_445 = arith.constant 0 : index
        %get3A_446 = tpu.vector_load %arg10[%get3A_444, %get3A_445] {strides = array<i32>} : memref<32x128xf32, #tpu.memory_space<vmem>>, vector<1x16xf32>,
        %get3A_447 = vector.shape_cast %get3A_446 : vector<1x16xf32> to vector<16xf32>
        %mul3A_448 = arith.constant 0.949999988 : f32
        %mul3A_449 = vector.broadcast %mul3A_448 : f32 to vector<16xf32>
        %mul3A_450 = arith.mulf %get3A_447, %mul3A_449 : vector<16xf32>
        %mul3A_451 = arith.constant 5.000000e-02 : f32
        %mul3A_452 = vector.broadcast %mul3A_451 : f32 to vector<16xf32>
        %mul3A_453 = arith.mulf %get3A_443, %mul3A_452 : vector<16xf32>
        %add3A_454 = arith.addf %mul3A_450, %mul3A_453 : vector<16xf32>
        %mul3A_455 = arith.mulf %add3A_454, %add3A_454 : vector<16xf32>
        %add3A_456 = arith.addf %broadcast_in_dim3A_439, %mul3A_455 : vector<16xf32>
        %get3A_457 = arith.index_cast %while3A_432 : i32 to index
        %get3A_458 = arith.constant 16 : index
        %get3A_459 = tpu.vector_load %arg9[%get3A_457, %get3A_458] {strides = array<i32>} : memref<128x128xf32, #tpu.memory_space<vmem>>, vector<1x16xf32>,
        %get3A_460 = vector.shape_cast %get3A_459 : vector<1x16xf32> to vector<16xf32>
        %get3A_461 = arith.index_cast %squeeze3A : i32 to index
        %get3A_462 = arith.constant 16 : index
        %get3A_463 = tpu.vector_load %arg10[%get3A_461, %get3A_462] {strides = array<i32>} : memref<32x128xf32, #tpu.memory_space<vmem>>, vector<1x16xf32>,
        %get3A_464 = vector.shape_cast %get3A_463 : vector<1x16xf32> to vector<16xf32>
        %mul3A_465 = arith.constant 0.949999988 : f32
        %mul3A_466 = vector.broadcast %mul3A_465 : f32 to vector<16xf32>
        %mul3A_467 = arith.mulf %get3A_464, %mul3A_466 : vector<16xf32>
        %mul3A_468 = arith.constant 5.000000e-02 : f32
        %mul3A_469 = vector.broadcast %mul3A_468 : f32 to vector<16xf32>
        %mul3A_470 = arith.mulf %get3A_460, %mul3A_469 : vector<16xf32>
        %add3A_471 = arith.addf %mul3A_467, %mul3A_470 : vector<16xf32>
        %mul3A_472 = arith.mulf %add3A_471, %add3A_471 : vector<16xf32>
        %add3A_473 = arith.addf %add3A_456, %mul3A_472 : vector<16xf32>
        %get3A_474 = arith.index_cast %while3A_432 : i32 to index
        %get3A_475 = arith.constant 32 : index
        %get3A_476 = tpu.vector_load %arg9[%get3A_474, %get3A_475] {strides = array<i32>} : memref<128x128xf32, #tpu.memory_space<vmem>>, vector<1x16xf32>,
        %get3A_477 = vector.shape_cast %get3A_476 : vector<1x16xf32> to vector<16xf32>
        %get3A_478 = arith.index_cast %squeeze3A : i32 to index
        %get3A_479 = arith.constant 32 : index
        %get3A_480 = tpu.vector_load %arg10[%get3A_478, %get3A_479] {strides = array<i32>} : memref<32x128xf32, #tpu.memory_space<vmem>>, vector<1x16xf32>,
        %get3A_481 = vector.shape_cast %get3A_480 : vector<1x16xf32> to vector<16xf32>
        %mul3A_482 = arith.constant 0.949999988 : f32
        %mul3A_483 = vector.broadcast %mul3A_482 : f32 to vector<16xf32>
        %mul3A_484 = arith.mulf %get3A_481, %mul3A_483 : vector<16xf32>
        %mul3A_485 = arith.constant 5.000000e-02 : f32
        %mul3A_486 = vector.broadcast %mul3A_485 : f32 to vector<16xf32>
        %mul3A_487 = arith.mulf %get3A_477, %mul3A_486 : vector<16xf32>
        %add3A_488 = arith.addf %mul3A_484, %mul3A_487 : vector<16xf32>
        %mul3A_489 = arith.mulf %add3A_488, %add3A_488 : vector<16xf32>
        %add3A_490 = arith.addf %add3A_473, %mul3A_489 : vector<16xf32>
        %get3A_491 = arith.index_cast %while3A_432 : i32 to index
        %get3A_492 = arith.constant 48 : index
        %get3A_493 = tpu.vector_load %arg9[%get3A_491, %get3A_492] {strides = array<i32>} : memref<128x128xf32, #tpu.memory_space<vmem>>, vector<1x16xf32>,
        %get3A_494 = vector.shape_cast %get3A_493 : vector<1x16xf32> to vector<16xf32>
        %get3A_495 = arith.index_cast %squeeze3A : i32 to index
        %get3A_496 = arith.constant 48 : index
        %get3A_497 = tpu.vector_load %arg10[%get3A_495, %get3A_496] {strides = array<i32>} : memref<32x128xf32, #tpu.memory_space<vmem>>, vector<1x16xf32>,
        %get3A_498 = vector.shape_cast %get3A_497 : vector<1x16xf32> to vector<16xf32>
        %mul3A_499 = arith.constant 0.949999988 : f32
        %mul3A_500 = vector.broadcast %mul3A_499 : f32 to vector<16xf32>
        %mul3A_501 = arith.mulf %get3A_498, %mul3A_500 : vector<16xf32>
        %mul3A_502 = arith.constant 5.000000e-02 : f32
        %mul3A_503 = vector.broadcast %mul3A_502 : f32 to vector<16xf32>
        %mul3A_504 = arith.mulf %get3A_494, %mul3A_503 : vector<16xf32>
        %add3A_505 = arith.addf %mul3A_501, %mul3A_504 : vector<16xf32>
        %mul3A_506 = arith.mulf %add3A_505, %add3A_505 : vector<16xf32>
        %add3A_507 = arith.addf %add3A_490, %mul3A_506 : vector<16xf32>
        %get3A_508 = arith.index_cast %while3A_432 : i32 to index
        %get3A_509 = arith.constant 64 : index
        %get3A_510 = tpu.vector_load %arg9[%get3A_508, %get3A_509] {strides = array<i32>} : memref<128x128xf32, #tpu.memory_space<vmem>>, vector<1x16xf32>,
        %get3A_511 = vector.shape_cast %get3A_510 : vector<1x16xf32> to vector<16xf32>
        %get3A_512 = arith.index_cast %squeeze3A : i32 to index
        %get3A_513 = arith.constant 64 : index
        %get3A_514 = tpu.vector_load %arg10[%get3A_512, %get3A_513] {strides = array<i32>} : memref<32x128xf32, #tpu.memory_space<vmem>>, vector<1x16xf32>,
        %get3A_515 = vector.shape_cast %get3A_514 : vector<1x16xf32> to vector<16xf32>
        %mul3A_516 = arith.constant 0.949999988 : f32
        %mul3A_517 = vector.broadcast %mul3A_516 : f32 to vector<16xf32>
        %mul3A_518 = arith.mulf %get3A_515, %mul3A_517 : vector<16xf32>
        %mul3A_519 = arith.constant 5.000000e-02 : f32
        %mul3A_520 = vector.broadcast %mul3A_519 : f32 to vector<16xf32>
        %mul3A_521 = arith.mulf %get3A_511, %mul3A_520 : vector<16xf32>
        %add3A_522 = arith.addf %mul3A_518, %mul3A_521 : vector<16xf32>
        %mul3A_523 = arith.mulf %add3A_522, %add3A_522 : vector<16xf32>
        %add3A_524 = arith.addf %add3A_507, %mul3A_523 : vector<16xf32>
        %get3A_525 = arith.index_cast %while3A_432 : i32 to index
        %get3A_526 = arith.constant 80 : index
        %get3A_527 = tpu.vector_load %arg9[%get3A_525, %get3A_526] {strides = array<i32>} : memref<128x128xf32, #tpu.memory_space<vmem>>, vector<1x16xf32>,
        %get3A_528 = vector.shape_cast %get3A_527 : vector<1x16xf32> to vector<16xf32>
        %get3A_529 = arith.index_cast %squeeze3A : i32 to index
        %get3A_530 = arith.constant 80 : index
        %get3A_531 = tpu.vector_load %arg10[%get3A_529, %get3A_530] {strides = array<i32>} : memref<32x128xf32, #tpu.memory_space<vmem>>, vector<1x16xf32>,
        %get3A_532 = vector.shape_cast %get3A_531 : vector<1x16xf32> to vector<16xf32>
        %mul3A_533 = arith.constant 0.949999988 : f32
        %mul3A_534 = vector.broadcast %mul3A_533 : f32 to vector<16xf32>
        %mul3A_535 = arith.mulf %get3A_532, %mul3A_534 : vector<16xf32>
        %mul3A_536 = arith.constant 5.000000e-02 : f32
        %mul3A_537 = vector.broadcast %mul3A_536 : f32 to vector<16xf32>
        %mul3A_538 = arith.mulf %get3A_528, %mul3A_537 : vector<16xf32>
        %add3A_539 = arith.addf %mul3A_535, %mul3A_538 : vector<16xf32>
        %mul3A_540 = arith.mulf %add3A_539, %add3A_539 : vector<16xf32>
        %add3A_541 = arith.addf %add3A_524, %mul3A_540 : vector<16xf32>
        %get3A_542 = arith.index_cast %while3A_432 : i32 to index
        %get3A_543 = arith.constant 96 : index
        %get3A_544 = tpu.vector_load %arg9[%get3A_542, %get3A_543] {strides = array<i32>} : memref<128x128xf32, #tpu.memory_space<vmem>>, vector<1x16xf32>,
        %get3A_545 = vector.shape_cast %get3A_544 : vector<1x16xf32> to vector<16xf32>
        %get3A_546 = arith.index_cast %squeeze3A : i32 to index
        %get3A_547 = arith.constant 96 : index
        %get3A_548 = tpu.vector_load %arg10[%get3A_546, %get3A_547] {strides = array<i32>} : memref<32x128xf32, #tpu.memory_space<vmem>>, vector<1x16xf32>,
        %get3A_549 = vector.shape_cast %get3A_548 : vector<1x16xf32> to vector<16xf32>
        %mul3A_550 = arith.constant 0.949999988 : f32
        %mul3A_551 = vector.broadcast %mul3A_550 : f32 to vector<16xf32>
        %mul3A_552 = arith.mulf %get3A_549, %mul3A_551 : vector<16xf32>
        %mul3A_553 = arith.constant 5.000000e-02 : f32
        %mul3A_554 = vector.broadcast %mul3A_553 : f32 to vector<16xf32>
        %mul3A_555 = arith.mulf %get3A_545, %mul3A_554 : vector<16xf32>
        %add3A_556 = arith.addf %mul3A_552, %mul3A_555 : vector<16xf32>
        %mul3A_557 = arith.mulf %add3A_556, %add3A_556 : vector<16xf32>
        %add3A_558 = arith.addf %add3A_541, %mul3A_557 : vector<16xf32>
        %get3A_559 = arith.index_cast %while3A_432 : i32 to index
        %get3A_560 = arith.constant 112 : index
        %get3A_561 = tpu.vector_load %arg9[%get3A_559, %get3A_560] {strides = array<i32>} : memref<128x128xf32, #tpu.memory_space<vmem>>, vector<1x16xf32>,
        %get3A_562 = vector.shape_cast %get3A_561 : vector<1x16xf32> to vector<16xf32>
        %get3A_563 = arith.index_cast %squeeze3A : i32 to index
        %get3A_564 = arith.constant 112 : index
        %get3A_565 = tpu.vector_load %arg10[%get3A_563, %get3A_564] {strides = array<i32>} : memref<32x128xf32, #tpu.memory_space<vmem>>, vector<1x16xf32>,
        %get3A_566 = vector.shape_cast %get3A_565 : vector<1x16xf32> to vector<16xf32>
        %mul3A_567 = arith.constant 0.949999988 : f32
        %mul3A_568 = vector.broadcast %mul3A_567 : f32 to vector<16xf32>
        %mul3A_569 = arith.mulf %get3A_566, %mul3A_568 : vector<16xf32>
        %mul3A_570 = arith.constant 5.000000e-02 : f32
        %mul3A_571 = vector.broadcast %mul3A_570 : f32 to vector<16xf32>
        %mul3A_572 = arith.mulf %get3A_562, %mul3A_571 : vector<16xf32>
        %add3A_573 = arith.addf %mul3A_569, %mul3A_572 : vector<16xf32>
        %mul3A_574 = arith.mulf %add3A_573, %add3A_573 : vector<16xf32>
        %add3A_575 = arith.addf %add3A_558, %mul3A_574 : vector<16xf32>
        %xor3A = arith.constant 8 : i32
        %xor3A_576 = vector.broadcast %xor3A : i32 to vector<16xi32>
        %xor3A_577 = arith.xori %iota3A, %xor3A_576 : vector<16xi32>
        %lt3A = arith.constant 0 : i32
        %lt3A_578 = vector.broadcast %lt3A : i32 to vector<16xi32>
        %lt3A_579 = arith.cmpi slt, %xor3A_577, %lt3A_578 : vector<16xi32>
        %add3A_580 = arith.constant 16 : i32
        %add3A_581 = vector.broadcast %add3A_580 : i32 to vector<16xi32>
        %add3A_582 = arith.addi %xor3A_577, %add3A_581 : vector<16xi32>
        %select_n3A_583 = arith.select %lt3A_579, %add3A_582, %xor3A_577 : vector<16xi1>, vector<16xi32>
        %broadcast_in_dim3A_584 = vector.shape_cast %select_n3A_583 : vector<16xi32> to vector<16x1xi32>
        %gather3A = vector.shape_cast %broadcast_in_dim3A_584 : vector<16x1xi32> to vector<16xi32>
        %gather3A_585 = tpu.dynamic_gather %add3A_575[%gather3A] in [0] : vector<16xf32>, vector<16xi32> -> vector<16xf32>
        %add3A_586 = arith.addf %add3A_575, %gather3A_585 : vector<16xf32>
        %xor3A_587 = arith.constant 4 : i32
        %xor3A_588 = vector.broadcast %xor3A_587 : i32 to vector<16xi32>
        %xor3A_589 = arith.xori %iota3A, %xor3A_588 : vector<16xi32>
        %lt3A_590 = arith.constant 0 : i32
        %lt3A_591 = vector.broadcast %lt3A_590 : i32 to vector<16xi32>
        %lt3A_592 = arith.cmpi slt, %xor3A_589, %lt3A_591 : vector<16xi32>
        %add3A_593 = arith.constant 16 : i32
        %add3A_594 = vector.broadcast %add3A_593 : i32 to vector<16xi32>
        %add3A_595 = arith.addi %xor3A_589, %add3A_594 : vector<16xi32>
        %select_n3A_596 = arith.select %lt3A_592, %add3A_595, %xor3A_589 : vector<16xi1>, vector<16xi32>
        %broadcast_in_dim3A_597 = vector.shape_cast %select_n3A_596 : vector<16xi32> to vector<16x1xi32>
        %gather3A_598 = vector.shape_cast %broadcast_in_dim3A_597 : vector<16x1xi32> to vector<16xi32>
        %gather3A_599 = tpu.dynamic_gather %add3A_586[%gather3A_598] in [0] : vector<16xf32>, vector<16xi32> -> vector<16xf32>
        %add3A_600 = arith.addf %add3A_586, %gather3A_599 : vector<16xf32>
        %xor3A_601 = arith.constant 2 : i32
        %xor3A_602 = vector.broadcast %xor3A_601 : i32 to vector<16xi32>
        %xor3A_603 = arith.xori %iota3A, %xor3A_602 : vector<16xi32>
        %lt3A_604 = arith.constant 0 : i32
        %lt3A_605 = vector.broadcast %lt3A_604 : i32 to vector<16xi32>
        %lt3A_606 = arith.cmpi slt, %xor3A_603, %lt3A_605 : vector<16xi32>
        %add3A_607 = arith.constant 16 : i32
        %add3A_608 = vector.broadcast %add3A_607 : i32 to vector<16xi32>
        %add3A_609 = arith.addi %xor3A_603, %add3A_608 : vector<16xi32>
        %select_n3A_610 = arith.select %lt3A_606, %add3A_609, %xor3A_603 : vector<16xi1>, vector<16xi32>
        %broadcast_in_dim3A_611 = vector.shape_cast %select_n3A_610 : vector<16xi32> to vector<16x1xi32>
        %gather3A_612 = vector.shape_cast %broadcast_in_dim3A_611 : vector<16x1xi32> to vector<16xi32>
        %gather3A_613 = tpu.dynamic_gather %add3A_600[%gather3A_612] in [0] : vector<16xf32>, vector<16xi32> -> vector<16xf32>
        %add3A_614 = arith.addf %add3A_600, %gather3A_613 : vector<16xf32>
        %xor3A_615 = arith.constant 1 : i32
        %xor3A_616 = vector.broadcast %xor3A_615 : i32 to vector<16xi32>
        %xor3A_617 = arith.xori %iota3A, %xor3A_616 : vector<16xi32>
        %lt3A_618 = arith.constant 0 : i32
        %lt3A_619 = vector.broadcast %lt3A_618 : i32 to vector<16xi32>
        %lt3A_620 = arith.cmpi slt, %xor3A_617, %lt3A_619 : vector<16xi32>
        %add3A_621 = arith.constant 16 : i32
        %add3A_622 = vector.broadcast %add3A_621 : i32 to vector<16xi32>
        %add3A_623 = arith.addi %xor3A_617, %add3A_622 : vector<16xi32>
        %select_n3A_624 = arith.select %lt3A_620, %add3A_623, %xor3A_617 : vector<16xi1>, vector<16xi32>
        %broadcast_in_dim3A_625 = vector.shape_cast %select_n3A_624 : vector<16xi32> to vector<16x1xi32>
        %gather3A_626 = vector.shape_cast %broadcast_in_dim3A_625 : vector<16x1xi32> to vector<16xi32>
        %gather3A_627 = tpu.dynamic_gather %add3A_614[%gather3A_626] in [0] : vector<16xf32>, vector<16xi32> -> vector<16xf32>
        %add3A_628 = arith.addf %add3A_614, %gather3A_627 : vector<16xf32>
        %max3A = arith.constant 1.000000e-24 : f32
        %max3A_629 = vector.broadcast %max3A : f32 to vector<16xf32>
        %max3A_630 = arith.maximumf %add3A_628, %max3A_629 : vector<16xf32>
        %slice3A_631 = vector.extract_strided_slice %max3A_630 {offsets = [0], sizes = [1], strides = [1]} : vector<16xf32> to vector<1xf32>
        %squeeze3A_632 = vector.extract %slice3A_631[0] : f32 from vector<1xf32>
        %bitcast_convert_type3A = arith.bitcast %squeeze3A_632 : f32 to i32
        %shift_right_arithmetic3A = arith.constant 1 : i32
        %shift_right_arithmetic3A_633 = arith.shrsi %bitcast_convert_type3A, %shift_right_arithmetic3A : i32
        %sub3A_634 = arith.constant 1597463007 : i32
        %sub3A_635 = arith.subi %sub3A_634, %shift_right_arithmetic3A_633 : i32
        %bitcast_convert_type3A_636 = arith.bitcast %sub3A_635 : i32 to f32
        %broadcast_in_dim3A_637 = vector.broadcast %bitcast_convert_type3A_636 : f32 to vector<16xf32>
        %mul3A_638 = arith.constant 5.000000e-01 : f32
        %mul3A_639 = vector.broadcast %mul3A_638 : f32 to vector<16xf32>
        %mul3A_640 = arith.mulf %max3A_630, %mul3A_639 : vector<16xf32>
        %mul3A_641 = arith.mulf %mul3A_640, %broadcast_in_dim3A_637 : vector<16xf32>
        %mul3A_642 = arith.mulf %mul3A_641, %broadcast_in_dim3A_637 : vector<16xf32>
        %sub3A_643 = arith.constant 1.500000e+00 : f32
        %sub3A_644 = vector.broadcast %sub3A_643 : f32 to vector<16xf32>
        %sub3A_645 = arith.subf %sub3A_644, %mul3A_642 : vector<16xf32>
        %mul3A_646 = arith.mulf %broadcast_in_dim3A_637, %sub3A_645 : vector<16xf32>
        %mul3A_647 = arith.mulf %mul3A_640, %mul3A_646 : vector<16xf32>
        %mul3A_648 = arith.mulf %mul3A_647, %mul3A_646 : vector<16xf32>
        %sub3A_649 = arith.constant 1.500000e+00 : f32
        %sub3A_650 = vector.broadcast %sub3A_649 : f32 to vector<16xf32>
        %sub3A_651 = arith.subf %sub3A_650, %mul3A_648 : vector<16xf32>
        %mul3A_652 = arith.mulf %mul3A_646, %sub3A_651 : vector<16xf32>
        %mul3A_653 = arith.mulf %mul3A_640, %mul3A_652 : vector<16xf32>
        %mul3A_654 = arith.mulf %mul3A_653, %mul3A_652 : vector<16xf32>
        %sub3A_655 = arith.constant 1.500000e+00 : f32
        %sub3A_656 = vector.broadcast %sub3A_655 : f32 to vector<16xf32>
        %sub3A_657 = arith.subf %sub3A_656, %mul3A_654 : vector<16xf32>
        %mul3A_658 = arith.mulf %mul3A_652, %sub3A_657 : vector<16xf32>
        %mul3A_659 = arith.mulf %mul3A_640, %mul3A_658 : vector<16xf32>
        %mul3A_660 = arith.mulf %mul3A_659, %mul3A_658 : vector<16xf32>
        %sub3A_661 = arith.constant 1.500000e+00 : f32
        %sub3A_662 = vector.broadcast %sub3A_661 : f32 to vector<16xf32>
        %sub3A_663 = arith.subf %sub3A_662, %mul3A_660 : vector<16xf32>
        %mul3A_664 = arith.mulf %mul3A_658, %sub3A_663 : vector<16xf32>
        %mul3A_665 = arith.mulf %add3A_454, %mul3A_664 : vector<16xf32>
        %swap3A = arith.index_cast %squeeze3A : i32 to index
        %swap3A_666 = arith.constant 0 : index
        %swap3A_667 = tpu.vector_load %arg10[%swap3A, %swap3A_666] {strides = array<i32>} : memref<32x128xf32, #tpu.memory_space<vmem>>, vector<1x16xf32>,
        %swap3A_668 = vector.shape_cast %swap3A_667 : vector<1x16xf32> to vector<16xf32>
        %swap3A_669 = vector.shape_cast %mul3A_665 : vector<16xf32> to vector<1x16xf32>
        tpu.vector_store %arg10[%swap3A, %swap3A_666], %swap3A_669 {strides = array<i32>} : memref<32x128xf32, #tpu.memory_space<vmem>>, vector<1x16xf32>,
        %mul3A_670 = arith.mulf %add3A_471, %mul3A_664 : vector<16xf32>
        %swap3A_671 = arith.index_cast %squeeze3A : i32 to index
        %swap3A_672 = arith.constant 16 : index
        %swap3A_673 = tpu.vector_load %arg10[%swap3A_671, %swap3A_672] {strides = array<i32>} : memref<32x128xf32, #tpu.memory_space<vmem>>, vector<1x16xf32>,
        %swap3A_674 = vector.shape_cast %swap3A_673 : vector<1x16xf32> to vector<16xf32>
        %swap3A_675 = vector.shape_cast %mul3A_670 : vector<16xf32> to vector<1x16xf32>
        tpu.vector_store %arg10[%swap3A_671, %swap3A_672], %swap3A_675 {strides = array<i32>} : memref<32x128xf32, #tpu.memory_space<vmem>>, vector<1x16xf32>,
        %mul3A_676 = arith.mulf %add3A_488, %mul3A_664 : vector<16xf32>
        %swap3A_677 = arith.index_cast %squeeze3A : i32 to index
        %swap3A_678 = arith.constant 32 : index
        %swap3A_679 = tpu.vector_load %arg10[%swap3A_677, %swap3A_678] {strides = array<i32>} : memref<32x128xf32, #tpu.memory_space<vmem>>, vector<1x16xf32>,
        %swap3A_680 = vector.shape_cast %swap3A_679 : vector<1x16xf32> to vector<16xf32>
        %swap3A_681 = vector.shape_cast %mul3A_676 : vector<16xf32> to vector<1x16xf32>
        tpu.vector_store %arg10[%swap3A_677, %swap3A_678], %swap3A_681 {strides = array<i32>} : memref<32x128xf32, #tpu.memory_space<vmem>>, vector<1x16xf32>,
        %mul3A_682 = arith.mulf %add3A_505, %mul3A_664 : vector<16xf32>
        %swap3A_683 = arith.index_cast %squeeze3A : i32 to index
        %swap3A_684 = arith.constant 48 : index
        %swap3A_685 = tpu.vector_load %arg10[%swap3A_683, %swap3A_684] {strides = array<i32>} : memref<32x128xf32, #tpu.memory_space<vmem>>, vector<1x16xf32>,
        %swap3A_686 = vector.shape_cast %swap3A_685 : vector<1x16xf32> to vector<16xf32>
        %swap3A_687 = vector.shape_cast %mul3A_682 : vector<16xf32> to vector<1x16xf32>
        tpu.vector_store %arg10[%swap3A_683, %swap3A_684], %swap3A_687 {strides = array<i32>} : memref<32x128xf32, #tpu.memory_space<vmem>>, vector<1x16xf32>,
        %mul3A_688 = arith.mulf %add3A_522, %mul3A_664 : vector<16xf32>
        %swap3A_689 = arith.index_cast %squeeze3A : i32 to index
        %swap3A_690 = arith.constant 64 : index
        %swap3A_691 = tpu.vector_load %arg10[%swap3A_689, %swap3A_690] {strides = array<i32>} : memref<32x128xf32, #tpu.memory_space<vmem>>, vector<1x16xf32>,
        %swap3A_692 = vector.shape_cast %swap3A_691 : vector<1x16xf32> to vector<16xf32>
        %swap3A_693 = vector.shape_cast %mul3A_688 : vector<16xf32> to vector<1x16xf32>
        tpu.vector_store %arg10[%swap3A_689, %swap3A_690], %swap3A_693 {strides = array<i32>} : memref<32x128xf32, #tpu.memory_space<vmem>>, vector<1x16xf32>,
        %mul3A_694 = arith.mulf %add3A_539, %mul3A_664 : vector<16xf32>
        %swap3A_695 = arith.index_cast %squeeze3A : i32 to index
        %swap3A_696 = arith.constant 80 : index
        %swap3A_697 = tpu.vector_load %arg10[%swap3A_695, %swap3A_696] {strides = array<i32>} : memref<32x128xf32, #tpu.memory_space<vmem>>, vector<1x16xf32>,
        %swap3A_698 = vector.shape_cast %swap3A_697 : vector<1x16xf32> to vector<16xf32>
        %swap3A_699 = vector.shape_cast %mul3A_694 : vector<16xf32> to vector<1x16xf32>
        tpu.vector_store %arg10[%swap3A_695, %swap3A_696], %swap3A_699 {strides = array<i32>} : memref<32x128xf32, #tpu.memory_space<vmem>>, vector<1x16xf32>,
        %mul3A_700 = arith.mulf %add3A_556, %mul3A_664 : vector<16xf32>
        %swap3A_701 = arith.index_cast %squeeze3A : i32 to index
        %swap3A_702 = arith.constant 96 : index
        %swap3A_703 = tpu.vector_load %arg10[%swap3A_701, %swap3A_702] {strides = array<i32>} : memref<32x128xf32, #tpu.memory_space<vmem>>, vector<1x16xf32>,
        %swap3A_704 = vector.shape_cast %swap3A_703 : vector<1x16xf32> to vector<16xf32>
        %swap3A_705 = vector.shape_cast %mul3A_700 : vector<16xf32> to vector<1x16xf32>
        tpu.vector_store %arg10[%swap3A_701, %swap3A_702], %swap3A_705 {strides = array<i32>} : memref<32x128xf32, #tpu.memory_space<vmem>>, vector<1x16xf32>,
        %mul3A_706 = arith.mulf %add3A_573, %mul3A_664 : vector<16xf32>
        %swap3A_707 = arith.index_cast %squeeze3A : i32 to index
        %swap3A_708 = arith.constant 112 : index
        %swap3A_709 = tpu.vector_load %arg10[%swap3A_707, %swap3A_708] {strides = array<i32>} : memref<32x128xf32, #tpu.memory_space<vmem>>, vector<1x16xf32>,
        %swap3A_710 = vector.shape_cast %swap3A_709 : vector<1x16xf32> to vector<16xf32>
        %swap3A_711 = vector.shape_cast %mul3A_706 : vector<16xf32> to vector<1x16xf32>
        tpu.vector_store %arg10[%swap3A_707, %swap3A_708], %swap3A_711 {strides = array<i32>} : memref<32x128xf32, #tpu.memory_space<vmem>>, vector<1x16xf32>,
        %while3A_712 = arith.constant 0 : i32
        scf.yield %while3A_712 : i32
      }
      %while3A_429 = arith.constant 1 : i32
      %while3A_430 = scf.for %while3A_432 = %while3A_426 to %while3A_422 step %while3A_429 iter_args(%while3A_433 = %while3A_428) -> (i32)  : i32 {
        %add3A_434 = arith.addi %mul3A_231, %while3A_432 : i32
        %get3A_435 = arith.index_cast %add3A_434 : i32 to index
        %get3A_436 = tpu.vector_load %arg8[%get3A_435] {strides = array<i32>} : memref<4224xi32, #tpu.memory_space<vmem>>, vector<16xi32>,
        %get3A_437 = vector.shape_cast %get3A_436 : vector<16xi32> to vector<16xi32>
        %slice3A = vector.extract_strided_slice %get3A_437 {offsets = [0], sizes = [1], strides = [1]} : vector<16xi32> to vector<1xi32>
        %squeeze3A = vector.extract %slice3A[0] : i32 from vector<1xi32>
        %broadcast_in_dim3A_438 = arith.constant 0.000000e+00 : f32
        %broadcast_in_dim3A_439 = vector.broadcast %broadcast_in_dim3A_438 : f32 to vector<16xf32>
        %get3A_440 = arith.index_cast %while3A_432 : i32 to index
        %get3A_441 = arith.constant 0 : index
        %get3A_442 = tpu.vector_load %arg9[%get3A_440, %get3A_441] {strides = array<i32>} : memref<128x128xf32, #tpu.memory_space<vmem>>, vector<1x16xf32>,
        %get3A_443 = vector.shape_cast %get3A_442 : vector<1x16xf32> to vector<16xf32>
        %get3A_444 = arith.index_cast %squeeze3A : i32 to index
        %get3A_445 = arith.constant 0 : index
        %get3A_446 = tpu.vector_load %arg10[%get3A_444, %get3A_445] {strides = array<i32>} : memref<32x128xf32, #tpu.memory_space<vmem>>, vector<1x16xf32>,
        %get3A_447 = vector.shape_cast %get3A_446 : vector<1x16xf32> to vector<16xf32>
        %mul3A_448 = arith.constant 0.949999988 : f32
        %mul3A_449 = vector.broadcast %mul3A_448 : f32 to vector<16xf32>
        %mul3A_450 = arith.mulf %get3A_447, %mul3A_449 : vector<16xf32>
        %mul3A_451 = arith.constant 5.000000e-02 : f32
        %mul3A_452 = vector.broadcast %mul3A_451 : f32 to vector<16xf32>
        %mul3A_453 = arith.mulf %get3A_443, %mul3A_452 : vector<16xf32>
        %add3A_454 = arith.addf %mul3A_450, %mul3A_453 : vector<16xf32>
        %mul3A_455 = arith.mulf %add3A_454, %add3A_454 : vector<16xf32>
        %add3A_456 = arith.addf %broadcast_in_dim3A_439, %mul3A_455 : vector<16xf32>
        %get3A_457 = arith.index_cast %while3A_432 : i32 to index
        %get3A_458 = arith.constant 16 : index
        %get3A_459 = tpu.vector_load %arg9[%get3A_457, %get3A_458] {strides = array<i32>} : memref<128x128xf32, #tpu.memory_space<vmem>>, vector<1x16xf32>,
        %get3A_460 = vector.shape_cast %get3A_459 : vector<1x16xf32> to vector<16xf32>
        %get3A_461 = arith.index_cast %squeeze3A : i32 to index
        %get3A_462 = arith.constant 16 : index
        %get3A_463 = tpu.vector_load %arg10[%get3A_461, %get3A_462] {strides = array<i32>} : memref<32x128xf32, #tpu.memory_space<vmem>>, vector<1x16xf32>,
        %get3A_464 = vector.shape_cast %get3A_463 : vector<1x16xf32> to vector<16xf32>
        %mul3A_465 = arith.constant 0.949999988 : f32
        %mul3A_466 = vector.broadcast %mul3A_465 : f32 to vector<16xf32>
        %mul3A_467 = arith.mulf %get3A_464, %mul3A_466 : vector<16xf32>
        %mul3A_468 = arith.constant 5.000000e-02 : f32
        %mul3A_469 = vector.broadcast %mul3A_468 : f32 to vector<16xf32>
        %mul3A_470 = arith.mulf %get3A_460, %mul3A_469 : vector<16xf32>
        %add3A_471 = arith.addf %mul3A_467, %mul3A_470 : vector<16xf32>
        %mul3A_472 = arith.mulf %add3A_471, %add3A_471 : vector<16xf32>
        %add3A_473 = arith.addf %add3A_456, %mul3A_472 : vector<16xf32>
        %get3A_474 = arith.index_cast %while3A_432 : i32 to index
        %get3A_475 = arith.constant 32 : index
        %get3A_476 = tpu.vector_load %arg9[%get3A_474, %get3A_475] {strides = array<i32>} : memref<128x128xf32, #tpu.memory_space<vmem>>, vector<1x16xf32>,
        %get3A_477 = vector.shape_cast %get3A_476 : vector<1x16xf32> to vector<16xf32>
        %get3A_478 = arith.index_cast %squeeze3A : i32 to index
        %get3A_479 = arith.constant 32 : index
        %get3A_480 = tpu.vector_load %arg10[%get3A_478, %get3A_479] {strides = array<i32>} : memref<32x128xf32, #tpu.memory_space<vmem>>, vector<1x16xf32>,
        %get3A_481 = vector.shape_cast %get3A_480 : vector<1x16xf32> to vector<16xf32>
        %mul3A_482 = arith.constant 0.949999988 : f32
        %mul3A_483 = vector.broadcast %mul3A_482 : f32 to vector<16xf32>
        %mul3A_484 = arith.mulf %get3A_481, %mul3A_483 : vector<16xf32>
        %mul3A_485 = arith.constant 5.000000e-02 : f32
        %mul3A_486 = vector.broadcast %mul3A_485 : f32 to vector<16xf32>
        %mul3A_487 = arith.mulf %get3A_477, %mul3A_486 : vector<16xf32>
        %add3A_488 = arith.addf %mul3A_484, %mul3A_487 : vector<16xf32>
        %mul3A_489 = arith.mulf %add3A_488, %add3A_488 : vector<16xf32>
        %add3A_490 = arith.addf %add3A_473, %mul3A_489 : vector<16xf32>
        %get3A_491 = arith.index_cast %while3A_432 : i32 to index
        %get3A_492 = arith.constant 48 : index
        %get3A_493 = tpu.vector_load %arg9[%get3A_491, %get3A_492] {strides = array<i32>} : memref<128x128xf32, #tpu.memory_space<vmem>>, vector<1x16xf32>,
        %get3A_494 = vector.shape_cast %get3A_493 : vector<1x16xf32> to vector<16xf32>
        %get3A_495 = arith.index_cast %squeeze3A : i32 to index
        %get3A_496 = arith.constant 48 : index
        %get3A_497 = tpu.vector_load %arg10[%get3A_495, %get3A_496] {strides = array<i32>} : memref<32x128xf32, #tpu.memory_space<vmem>>, vector<1x16xf32>,
        %get3A_498 = vector.shape_cast %get3A_497 : vector<1x16xf32> to vector<16xf32>
        %mul3A_499 = arith.constant 0.949999988 : f32
        %mul3A_500 = vector.broadcast %mul3A_499 : f32 to vector<16xf32>
        %mul3A_501 = arith.mulf %get3A_498, %mul3A_500 : vector<16xf32>
        %mul3A_502 = arith.constant 5.000000e-02 : f32
        %mul3A_503 = vector.broadcast %mul3A_502 : f32 to vector<16xf32>
        %mul3A_504 = arith.mulf %get3A_494, %mul3A_503 : vector<16xf32>
        %add3A_505 = arith.addf %mul3A_501, %mul3A_504 : vector<16xf32>
        %mul3A_506 = arith.mulf %add3A_505, %add3A_505 : vector<16xf32>
        %add3A_507 = arith.addf %add3A_490, %mul3A_506 : vector<16xf32>
        %get3A_508 = arith.index_cast %while3A_432 : i32 to index
        %get3A_509 = arith.constant 64 : index
        %get3A_510 = tpu.vector_load %arg9[%get3A_508, %get3A_509] {strides = array<i32>} : memref<128x128xf32, #tpu.memory_space<vmem>>, vector<1x16xf32>,
        %get3A_511 = vector.shape_cast %get3A_510 : vector<1x16xf32> to vector<16xf32>
        %get3A_512 = arith.index_cast %squeeze3A : i32 to index
        %get3A_513 = arith.constant 64 : index
        %get3A_514 = tpu.vector_load %arg10[%get3A_512, %get3A_513] {strides = array<i32>} : memref<32x128xf32, #tpu.memory_space<vmem>>, vector<1x16xf32>,
        %get3A_515 = vector.shape_cast %get3A_514 : vector<1x16xf32> to vector<16xf32>
        %mul3A_516 = arith.constant 0.949999988 : f32
        %mul3A_517 = vector.broadcast %mul3A_516 : f32 to vector<16xf32>
        %mul3A_518 = arith.mulf %get3A_515, %mul3A_517 : vector<16xf32>
        %mul3A_519 = arith.constant 5.000000e-02 : f32
        %mul3A_520 = vector.broadcast %mul3A_519 : f32 to vector<16xf32>
        %mul3A_521 = arith.mulf %get3A_511, %mul3A_520 : vector<16xf32>
        %add3A_522 = arith.addf %mul3A_518, %mul3A_521 : vector<16xf32>
        %mul3A_523 = arith.mulf %add3A_522, %add3A_522 : vector<16xf32>
        %add3A_524 = arith.addf %add3A_507, %mul3A_523 : vector<16xf32>
        %get3A_525 = arith.index_cast %while3A_432 : i32 to index
        %get3A_526 = arith.constant 80 : index
        %get3A_527 = tpu.vector_load %arg9[%get3A_525, %get3A_526] {strides = array<i32>} : memref<128x128xf32, #tpu.memory_space<vmem>>, vector<1x16xf32>,
        %get3A_528 = vector.shape_cast %get3A_527 : vector<1x16xf32> to vector<16xf32>
        %get3A_529 = arith.index_cast %squeeze3A : i32 to index
        %get3A_530 = arith.constant 80 : index
        %get3A_531 = tpu.vector_load %arg10[%get3A_529, %get3A_530] {strides = array<i32>} : memref<32x128xf32, #tpu.memory_space<vmem>>, vector<1x16xf32>,
        %get3A_532 = vector.shape_cast %get3A_531 : vector<1x16xf32> to vector<16xf32>
        %mul3A_533 = arith.constant 0.949999988 : f32
        %mul3A_534 = vector.broadcast %mul3A_533 : f32 to vector<16xf32>
        %mul3A_535 = arith.mulf %get3A_532, %mul3A_534 : vector<16xf32>
        %mul3A_536 = arith.constant 5.000000e-02 : f32
        %mul3A_537 = vector.broadcast %mul3A_536 : f32 to vector<16xf32>
        %mul3A_538 = arith.mulf %get3A_528, %mul3A_537 : vector<16xf32>
        %add3A_539 = arith.addf %mul3A_535, %mul3A_538 : vector<16xf32>
        %mul3A_540 = arith.mulf %add3A_539, %add3A_539 : vector<16xf32>
        %add3A_541 = arith.addf %add3A_524, %mul3A_540 : vector<16xf32>
        %get3A_542 = arith.index_cast %while3A_432 : i32 to index
        %get3A_543 = arith.constant 96 : index
        %get3A_544 = tpu.vector_load %arg9[%get3A_542, %get3A_543] {strides = array<i32>} : memref<128x128xf32, #tpu.memory_space<vmem>>, vector<1x16xf32>,
        %get3A_545 = vector.shape_cast %get3A_544 : vector<1x16xf32> to vector<16xf32>
        %get3A_546 = arith.index_cast %squeeze3A : i32 to index
        %get3A_547 = arith.constant 96 : index
        %get3A_548 = tpu.vector_load %arg10[%get3A_546, %get3A_547] {strides = array<i32>} : memref<32x128xf32, #tpu.memory_space<vmem>>, vector<1x16xf32>,
        %get3A_549 = vector.shape_cast %get3A_548 : vector<1x16xf32> to vector<16xf32>
        %mul3A_550 = arith.constant 0.949999988 : f32
        %mul3A_551 = vector.broadcast %mul3A_550 : f32 to vector<16xf32>
        %mul3A_552 = arith.mulf %get3A_549, %mul3A_551 : vector<16xf32>
        %mul3A_553 = arith.constant 5.000000e-02 : f32
        %mul3A_554 = vector.broadcast %mul3A_553 : f32 to vector<16xf32>
        %mul3A_555 = arith.mulf %get3A_545, %mul3A_554 : vector<16xf32>
        %add3A_556 = arith.addf %mul3A_552, %mul3A_555 : vector<16xf32>
        %mul3A_557 = arith.mulf %add3A_556, %add3A_556 : vector<16xf32>
        %add3A_558 = arith.addf %add3A_541, %mul3A_557 : vector<16xf32>
        %get3A_559 = arith.index_cast %while3A_432 : i32 to index
        %get3A_560 = arith.constant 112 : index
        %get3A_561 = tpu.vector_load %arg9[%get3A_559, %get3A_560] {strides = array<i32>} : memref<128x128xf32, #tpu.memory_space<vmem>>, vector<1x16xf32>,
        %get3A_562 = vector.shape_cast %get3A_561 : vector<1x16xf32> to vector<16xf32>
        %get3A_563 = arith.index_cast %squeeze3A : i32 to index
        %get3A_564 = arith.constant 112 : index
        %get3A_565 = tpu.vector_load %arg10[%get3A_563, %get3A_564] {strides = array<i32>} : memref<32x128xf32, #tpu.memory_space<vmem>>, vector<1x16xf32>,
        %get3A_566 = vector.shape_cast %get3A_565 : vector<1x16xf32> to vector<16xf32>
        %mul3A_567 = arith.constant 0.949999988 : f32
        %mul3A_568 = vector.broadcast %mul3A_567 : f32 to vector<16xf32>
        %mul3A_569 = arith.mulf %get3A_566, %mul3A_568 : vector<16xf32>
        %mul3A_570 = arith.constant 5.000000e-02 : f32
        %mul3A_571 = vector.broadcast %mul3A_570 : f32 to vector<16xf32>
        %mul3A_572 = arith.mulf %get3A_562, %mul3A_571 : vector<16xf32>
        %add3A_573 = arith.addf %mul3A_569, %mul3A_572 : vector<16xf32>
        %mul3A_574 = arith.mulf %add3A_573, %add3A_573 : vector<16xf32>
        %add3A_575 = arith.addf %add3A_558, %mul3A_574 : vector<16xf32>
        %xor3A = arith.constant 8 : i32
        %xor3A_576 = vector.broadcast %xor3A : i32 to vector<16xi32>
        %xor3A_577 = arith.xori %iota3A, %xor3A_576 : vector<16xi32>
        %lt3A = arith.constant 0 : i32
        %lt3A_578 = vector.broadcast %lt3A : i32 to vector<16xi32>
        %lt3A_579 = arith.cmpi slt, %xor3A_577, %lt3A_578 : vector<16xi32>
        %add3A_580 = arith.constant 16 : i32
        %add3A_581 = vector.broadcast %add3A_580 : i32 to vector<16xi32>
        %add3A_582 = arith.addi %xor3A_577, %add3A_581 : vector<16xi32>
        %select_n3A_583 = arith.select %lt3A_579, %add3A_582, %xor3A_577 : vector<16xi1>, vector<16xi32>
        %broadcast_in_dim3A_584 = vector.shape_cast %select_n3A_583 : vector<16xi32> to vector<16x1xi32>
        %gather3A = vector.shape_cast %broadcast_in_dim3A_584 : vector<16x1xi32> to vector<16xi32>
        %gather3A_585 = tpu.dynamic_gather %add3A_575[%gather3A] in [0] : vector<16xf32>, vector<16xi32> -> vector<16xf32>
        %add3A_586 = arith.addf %add3A_575, %gather3A_585 : vector<16xf32>
        %xor3A_587 = arith.constant 4 : i32
        %xor3A_588 = vector.broadcast %xor3A_587 : i32 to vector<16xi32>
        %xor3A_589 = arith.xori %iota3A, %xor3A_588 : vector<16xi32>
        %lt3A_590 = arith.constant 0 : i32
        %lt3A_591 = vector.broadcast %lt3A_590 : i32 to vector<16xi32>
        %lt3A_592 = arith.cmpi slt, %xor3A_589, %lt3A_591 : vector<16xi32>
        %add3A_593 = arith.constant 16 : i32
        %add3A_594 = vector.broadcast %add3A_593 : i32 to vector<16xi32>
        %add3A_595 = arith.addi %xor3A_589, %add3A_594 : vector<16xi32>
        %select_n3A_596 = arith.select %lt3A_592, %add3A_595, %xor3A_589 : vector<16xi1>, vector<16xi32>
        %broadcast_in_dim3A_597 = vector.shape_cast %select_n3A_596 : vector<16xi32> to vector<16x1xi32>
        %gather3A_598 = vector.shape_cast %broadcast_in_dim3A_597 : vector<16x1xi32> to vector<16xi32>
        %gather3A_599 = tpu.dynamic_gather %add3A_586[%gather3A_598] in [0] : vector<16xf32>, vector<16xi32> -> vector<16xf32>
        %add3A_600 = arith.addf %add3A_586, %gather3A_599 : vector<16xf32>
        %xor3A_601 = arith.constant 2 : i32
        %xor3A_602 = vector.broadcast %xor3A_601 : i32 to vector<16xi32>
        %xor3A_603 = arith.xori %iota3A, %xor3A_602 : vector<16xi32>
        %lt3A_604 = arith.constant 0 : i32
        %lt3A_605 = vector.broadcast %lt3A_604 : i32 to vector<16xi32>
        %lt3A_606 = arith.cmpi slt, %xor3A_603, %lt3A_605 : vector<16xi32>
        %add3A_607 = arith.constant 16 : i32
        %add3A_608 = vector.broadcast %add3A_607 : i32 to vector<16xi32>
        %add3A_609 = arith.addi %xor3A_603, %add3A_608 : vector<16xi32>
        %select_n3A_610 = arith.select %lt3A_606, %add3A_609, %xor3A_603 : vector<16xi1>, vector<16xi32>
        %broadcast_in_dim3A_611 = vector.shape_cast %select_n3A_610 : vector<16xi32> to vector<16x1xi32>
        %gather3A_612 = vector.shape_cast %broadcast_in_dim3A_611 : vector<16x1xi32> to vector<16xi32>
        %gather3A_613 = tpu.dynamic_gather %add3A_600[%gather3A_612] in [0] : vector<16xf32>, vector<16xi32> -> vector<16xf32>
        %add3A_614 = arith.addf %add3A_600, %gather3A_613 : vector<16xf32>
        %xor3A_615 = arith.constant 1 : i32
        %xor3A_616 = vector.broadcast %xor3A_615 : i32 to vector<16xi32>
        %xor3A_617 = arith.xori %iota3A, %xor3A_616 : vector<16xi32>
        %lt3A_618 = arith.constant 0 : i32
        %lt3A_619 = vector.broadcast %lt3A_618 : i32 to vector<16xi32>
        %lt3A_620 = arith.cmpi slt, %xor3A_617, %lt3A_619 : vector<16xi32>
        %add3A_621 = arith.constant 16 : i32
        %add3A_622 = vector.broadcast %add3A_621 : i32 to vector<16xi32>
        %add3A_623 = arith.addi %xor3A_617, %add3A_622 : vector<16xi32>
        %select_n3A_624 = arith.select %lt3A_620, %add3A_623, %xor3A_617 : vector<16xi1>, vector<16xi32>
        %broadcast_in_dim3A_625 = vector.shape_cast %select_n3A_624 : vector<16xi32> to vector<16x1xi32>
        %gather3A_626 = vector.shape_cast %broadcast_in_dim3A_625 : vector<16x1xi32> to vector<16xi32>
        %gather3A_627 = tpu.dynamic_gather %add3A_614[%gather3A_626] in [0] : vector<16xf32>, vector<16xi32> -> vector<16xf32>
        %add3A_628 = arith.addf %add3A_614, %gather3A_627 : vector<16xf32>
        %max3A = arith.constant 1.000000e-24 : f32
        %max3A_629 = vector.broadcast %max3A : f32 to vector<16xf32>
        %max3A_630 = arith.maximumf %add3A_628, %max3A_629 : vector<16xf32>
        %slice3A_631 = vector.extract_strided_slice %max3A_630 {offsets = [0], sizes = [1], strides = [1]} : vector<16xf32> to vector<1xf32>
        %squeeze3A_632 = vector.extract %slice3A_631[0] : f32 from vector<1xf32>
        %bitcast_convert_type3A = arith.bitcast %squeeze3A_632 : f32 to i32
        %shift_right_arithmetic3A = arith.constant 1 : i32
        %shift_right_arithmetic3A_633 = arith.shrsi %bitcast_convert_type3A, %shift_right_arithmetic3A : i32
        %sub3A_634 = arith.constant 1597463007 : i32
        %sub3A_635 = arith.subi %sub3A_634, %shift_right_arithmetic3A_633 : i32
        %bitcast_convert_type3A_636 = arith.bitcast %sub3A_635 : i32 to f32
        %broadcast_in_dim3A_637 = vector.broadcast %bitcast_convert_type3A_636 : f32 to vector<16xf32>
        %mul3A_638 = arith.constant 5.000000e-01 : f32
        %mul3A_639 = vector.broadcast %mul3A_638 : f32 to vector<16xf32>
        %mul3A_640 = arith.mulf %max3A_630, %mul3A_639 : vector<16xf32>
        %mul3A_641 = arith.mulf %mul3A_640, %broadcast_in_dim3A_637 : vector<16xf32>
        %mul3A_642 = arith.mulf %mul3A_641, %broadcast_in_dim3A_637 : vector<16xf32>
        %sub3A_643 = arith.constant 1.500000e+00 : f32
        %sub3A_644 = vector.broadcast %sub3A_643 : f32 to vector<16xf32>
        %sub3A_645 = arith.subf %sub3A_644, %mul3A_642 : vector<16xf32>
        %mul3A_646 = arith.mulf %broadcast_in_dim3A_637, %sub3A_645 : vector<16xf32>
        %mul3A_647 = arith.mulf %mul3A_640, %mul3A_646 : vector<16xf32>
        %mul3A_648 = arith.mulf %mul3A_647, %mul3A_646 : vector<16xf32>
        %sub3A_649 = arith.constant 1.500000e+00 : f32
        %sub3A_650 = vector.broadcast %sub3A_649 : f32 to vector<16xf32>
        %sub3A_651 = arith.subf %sub3A_650, %mul3A_648 : vector<16xf32>
        %mul3A_652 = arith.mulf %mul3A_646, %sub3A_651 : vector<16xf32>
        %mul3A_653 = arith.mulf %mul3A_640, %mul3A_652 : vector<16xf32>
        %mul3A_654 = arith.mulf %mul3A_653, %mul3A_652 : vector<16xf32>
        %sub3A_655 = arith.constant 1.500000e+00 : f32
        %sub3A_656 = vector.broadcast %sub3A_655 : f32 to vector<16xf32>
        %sub3A_657 = arith.subf %sub3A_656, %mul3A_654 : vector<16xf32>
        %mul3A_658 = arith.mulf %mul3A_652, %sub3A_657 : vector<16xf32>
        %mul3A_659 = arith.mulf %mul3A_640, %mul3A_658 : vector<16xf32>
        %mul3A_660 = arith.mulf %mul3A_659, %mul3A_658 : vector<16xf32>
        %sub3A_661 = arith.constant 1.500000e+00 : f32
        %sub3A_662 = vector.broadcast %sub3A_661 : f32 to vector<16xf32>
        %sub3A_663 = arith.subf %sub3A_662, %mul3A_660 : vector<16xf32>
        %mul3A_664 = arith.mulf %mul3A_658, %sub3A_663 : vector<16xf32>
        %mul3A_665 = arith.mulf %add3A_454, %mul3A_664 : vector<16xf32>
        %swap3A = arith.index_cast %squeeze3A : i32 to index
        %swap3A_666 = arith.constant 0 : index
        %swap3A_667 = tpu.vector_load %arg10[%swap3A, %swap3A_666] {strides = array<i32>} : memref<32x128xf32, #tpu.memory_space<vmem>>, vector<1x16xf32>,
        %swap3A_668 = vector.shape_cast %swap3A_667 : vector<1x16xf32> to vector<16xf32>
        %swap3A_669 = vector.shape_cast %mul3A_665 : vector<16xf32> to vector<1x16xf32>
        tpu.vector_store %arg10[%swap3A, %swap3A_666], %swap3A_669 {strides = array<i32>} : memref<32x128xf32, #tpu.memory_space<vmem>>, vector<1x16xf32>,
        %mul3A_670 = arith.mulf %add3A_471, %mul3A_664 : vector<16xf32>
        %swap3A_671 = arith.index_cast %squeeze3A : i32 to index
        %swap3A_672 = arith.constant 16 : index
        %swap3A_673 = tpu.vector_load %arg10[%swap3A_671, %swap3A_672] {strides = array<i32>} : memref<32x128xf32, #tpu.memory_space<vmem>>, vector<1x16xf32>,
        %swap3A_674 = vector.shape_cast %swap3A_673 : vector<1x16xf32> to vector<16xf32>
        %swap3A_675 = vector.shape_cast %mul3A_670 : vector<16xf32> to vector<1x16xf32>
        tpu.vector_store %arg10[%swap3A_671, %swap3A_672], %swap3A_675 {strides = array<i32>} : memref<32x128xf32, #tpu.memory_space<vmem>>, vector<1x16xf32>,
        %mul3A_676 = arith.mulf %add3A_488, %mul3A_664 : vector<16xf32>
        %swap3A_677 = arith.index_cast %squeeze3A : i32 to index
        %swap3A_678 = arith.constant 32 : index
        %swap3A_679 = tpu.vector_load %arg10[%swap3A_677, %swap3A_678] {strides = array<i32>} : memref<32x128xf32, #tpu.memory_space<vmem>>, vector<1x16xf32>,
        %swap3A_680 = vector.shape_cast %swap3A_679 : vector<1x16xf32> to vector<16xf32>
        %swap3A_681 = vector.shape_cast %mul3A_676 : vector<16xf32> to vector<1x16xf32>
        tpu.vector_store %arg10[%swap3A_677, %swap3A_678], %swap3A_681 {strides = array<i32>} : memref<32x128xf32, #tpu.memory_space<vmem>>, vector<1x16xf32>,
        %mul3A_682 = arith.mulf %add3A_505, %mul3A_664 : vector<16xf32>
        %swap3A_683 = arith.index_cast %squeeze3A : i32 to index
        %swap3A_684 = arith.constant 48 : index
        %swap3A_685 = tpu.vector_load %arg10[%swap3A_683, %swap3A_684] {strides = array<i32>} : memref<32x128xf32, #tpu.memory_space<vmem>>, vector<1x16xf32>,
        %swap3A_686 = vector.shape_cast %swap3A_685 : vector<1x16xf32> to vector<16xf32>
        %swap3A_687 = vector.shape_cast %mul3A_682 : vector<16xf32> to vector<1x16xf32>
        tpu.vector_store %arg10[%swap3A_683, %swap3A_684], %swap3A_687 {strides = array<i32>} : memref<32x128xf32, #tpu.memory_space<vmem>>, vector<1x16xf32>,
        %mul3A_688 = arith.mulf %add3A_522, %mul3A_664 : vector<16xf32>
        %swap3A_689 = arith.index_cast %squeeze3A : i32 to index
        %swap3A_690 = arith.constant 64 : index
        %swap3A_691 = tpu.vector_load %arg10[%swap3A_689, %swap3A_690] {strides = array<i32>} : memref<32x128xf32, #tpu.memory_space<vmem>>, vector<1x16xf32>,
        %swap3A_692 = vector.shape_cast %swap3A_691 : vector<1x16xf32> to vector<16xf32>
        %swap3A_693 = vector.shape_cast %mul3A_688 : vector<16xf32> to vector<1x16xf32>
        tpu.vector_store %arg10[%swap3A_689, %swap3A_690], %swap3A_693 {strides = array<i32>} : memref<32x128xf32, #tpu.memory_space<vmem>>, vector<1x16xf32>,
        %mul3A_694 = arith.mulf %add3A_539, %mul3A_664 : vector<16xf32>
        %swap3A_695 = arith.index_cast %squeeze3A : i32 to index
        %swap3A_696 = arith.constant 80 : index
        %swap3A_697 = tpu.vector_load %arg10[%swap3A_695, %swap3A_696] {strides = array<i32>} : memref<32x128xf32, #tpu.memory_space<vmem>>, vector<1x16xf32>,
        %swap3A_698 = vector.shape_cast %swap3A_697 : vector<1x16xf32> to vector<16xf32>
        %swap3A_699 = vector.shape_cast %mul3A_694 : vector<16xf32> to vector<1x16xf32>
        tpu.vector_store %arg10[%swap3A_695, %swap3A_696], %swap3A_699 {strides = array<i32>} : memref<32x128xf32, #tpu.memory_space<vmem>>, vector<1x16xf32>,
        %mul3A_700 = arith.mulf %add3A_556, %mul3A_664 : vector<16xf32>
        %swap3A_701 = arith.index_cast %squeeze3A : i32 to index
        %swap3A_702 = arith.constant 96 : index
        %swap3A_703 = tpu.vector_load %arg10[%swap3A_701, %swap3A_702] {strides = array<i32>} : memref<32x128xf32, #tpu.memory_space<vmem>>, vector<1x16xf32>,
        %swap3A_704 = vector.shape_cast %swap3A_703 : vector<1x16xf32> to vector<16xf32>
        %swap3A_705 = vector.shape_cast %mul3A_700 : vector<16xf32> to vector<1x16xf32>
        tpu.vector_store %arg10[%swap3A_701, %swap3A_702], %swap3A_705 {strides = array<i32>} : memref<32x128xf32, #tpu.memory_space<vmem>>, vector<1x16xf32>,
        %mul3A_706 = arith.mulf %add3A_573, %mul3A_664 : vector<16xf32>
        %swap3A_707 = arith.index_cast %squeeze3A : i32 to index
        %swap3A_708 = arith.constant 112 : index
        %swap3A_709 = tpu.vector_load %arg10[%swap3A_707, %swap3A_708] {strides = array<i32>} : memref<32x128xf32, #tpu.memory_space<vmem>>, vector<1x16xf32>,
        %swap3A_710 = vector.shape_cast %swap3A_709 : vector<1x16xf32> to vector<16xf32>
        %swap3A_711 = vector.shape_cast %mul3A_706 : vector<16xf32> to vector<1x16xf32>
        tpu.vector_store %arg10[%swap3A_707, %swap3A_708], %swap3A_711 {strides = array<i32>} : memref<32x128xf32, #tpu.memory_space<vmem>>, vector<1x16xf32>,
        %while3A_712 = arith.constant 0 : i32
        scf.yield %while3A_712 : i32
      }
      %while3A_431 = arith.constant 0 : i32
      scf.yield %while3A_431 : i32
    }
    %while3A_226 = arith.constant 1 : i32
    %while3A_227 = scf.for %while3A_228 = %while3A_223 to %while3A_219 step %while3A_226 iter_args(%while3A_229 = %while3A_225) -> (i32)  : i32 {
      %mul3A_230 = arith.constant 128 : i32
      %mul3A_231 = arith.muli %while3A_228, %mul3A_230 : i32
      %add3A_232 = arith.constant 0 : i32
      %add3A_233 = arith.addi %mul3A_231, %add3A_232 : i32
      %get3A_234 = arith.index_cast %add3A_233 : i32 to index
      %get3A_235 = tpu.vector_load %arg7[%get3A_234] {strides = array<i32>} : memref<4224xi32, #tpu.memory_space<vmem>>, vector<16xi32>,
      %get3A_236 = vector.shape_cast %get3A_235 : vector<16xi32> to vector<16xi32>
      %dma_start3A_237 = arith.constant 0 : i32
      %dma_start3A_238 = arith.constant 0 : i32
      %dma_start3A_239 = arith.constant 0 : i32
      %dma_start3A_240 = tpu.memref_slice %arg9[%dma_start3A_238, %dma_start3A_239] : memref<128x128xf32, #tpu.memory_space<vmem>> -> memref<16x128xf32, #tpu.memory_space<vmem>>
      %dma_start3A_241 = arith.constant 0 : i32
      %dma_start3A_242 = arith.constant 0 : i32
      %dma_start3A_243 = tpu.memref_slice %arg11[%dma_start3A_241, %dma_start3A_242] : memref<4096x128xf32, #tpu.memory_space<vmem_shared>> -> memref<4096x128xf32, #tpu.memory_space<vmem_shared>>
      %dma_start3A_244 = tpu.memref_slice %arg13[%dma_start3A_237] : memref<8x!tpu.dma_semaphore, #tpu.memory_space<semaphore_mem>> -> memref<1x!tpu.dma_semaphore, #tpu.memory_space<semaphore_mem>>
      %dma_start3A_245 = tpu.memref_squeeze %dma_start3A_244 : memref<1x!tpu.dma_semaphore, #tpu.memory_space<semaphore_mem>> -> memref<!tpu.dma_semaphore, #tpu.memory_space<semaphore_mem>>
      tpu.enqueue_indirect_dma source(%dma_start3A_243 : memref<4096x128xf32, #tpu.memory_space<vmem_shared>>) target(%dma_start3A_240 : memref<16x128xf32, #tpu.memory_space<vmem>>) offsets(%get3A_236 : vector<16xi32>) semaphore(%dma_start3A_245 : memref<!tpu.dma_semaphore, #tpu.memory_space<semaphore_mem>>)
      %add3A_246 = arith.constant 16 : i32
      %add3A_247 = arith.addi %mul3A_231, %add3A_246 : i32
      %get3A_248 = arith.index_cast %add3A_247 : i32 to index
      %get3A_249 = tpu.vector_load %arg7[%get3A_248] {strides = array<i32>} : memref<4224xi32, #tpu.memory_space<vmem>>, vector<16xi32>,
      %get3A_250 = vector.shape_cast %get3A_249 : vector<16xi32> to vector<16xi32>
      %dma_start3A_251 = arith.constant 1 : i32
      %dma_start3A_252 = arith.constant 16 : i32
      %dma_start3A_253 = arith.constant 0 : i32
      %dma_start3A_254 = tpu.memref_slice %arg9[%dma_start3A_252, %dma_start3A_253] : memref<128x128xf32, #tpu.memory_space<vmem>> -> memref<16x128xf32, #tpu.memory_space<vmem>>
      %dma_start3A_255 = arith.constant 0 : i32
      %dma_start3A_256 = arith.constant 0 : i32
      %dma_start3A_257 = tpu.memref_slice %arg11[%dma_start3A_255, %dma_start3A_256] : memref<4096x128xf32, #tpu.memory_space<vmem_shared>> -> memref<4096x128xf32, #tpu.memory_space<vmem_shared>>
      %dma_start3A_258 = tpu.memref_slice %arg13[%dma_start3A_251] : memref<8x!tpu.dma_semaphore, #tpu.memory_space<semaphore_mem>> -> memref<1x!tpu.dma_semaphore, #tpu.memory_space<semaphore_mem>>
      %dma_start3A_259 = tpu.memref_squeeze %dma_start3A_258 : memref<1x!tpu.dma_semaphore, #tpu.memory_space<semaphore_mem>> -> memref<!tpu.dma_semaphore, #tpu.memory_space<semaphore_mem>>
      tpu.enqueue_indirect_dma source(%dma_start3A_257 : memref<4096x128xf32, #tpu.memory_space<vmem_shared>>) target(%dma_start3A_254 : memref<16x128xf32, #tpu.memory_space<vmem>>) offsets(%get3A_250 : vector<16xi32>) semaphore(%dma_start3A_259 : memref<!tpu.dma_semaphore, #tpu.memory_space<semaphore_mem>>)
      %add3A_260 = arith.constant 32 : i32
      %add3A_261 = arith.addi %mul3A_231, %add3A_260 : i32
      %get3A_262 = arith.index_cast %add3A_261 : i32 to index
      %get3A_263 = tpu.vector_load %arg7[%get3A_262] {strides = array<i32>} : memref<4224xi32, #tpu.memory_space<vmem>>, vector<16xi32>,
      %get3A_264 = vector.shape_cast %get3A_263 : vector<16xi32> to vector<16xi32>
      %dma_start3A_265 = arith.constant 2 : i32
      %dma_start3A_266 = arith.constant 32 : i32
      %dma_start3A_267 = arith.constant 0 : i32
      %dma_start3A_268 = tpu.memref_slice %arg9[%dma_start3A_266, %dma_start3A_267] : memref<128x128xf32, #tpu.memory_space<vmem>> -> memref<16x128xf32, #tpu.memory_space<vmem>>
      %dma_start3A_269 = arith.constant 0 : i32
      %dma_start3A_270 = arith.constant 0 : i32
      %dma_start3A_271 = tpu.memref_slice %arg11[%dma_start3A_269, %dma_start3A_270] : memref<4096x128xf32, #tpu.memory_space<vmem_shared>> -> memref<4096x128xf32, #tpu.memory_space<vmem_shared>>
      %dma_start3A_272 = tpu.memref_slice %arg13[%dma_start3A_265] : memref<8x!tpu.dma_semaphore, #tpu.memory_space<semaphore_mem>> -> memref<1x!tpu.dma_semaphore, #tpu.memory_space<semaphore_mem>>
      %dma_start3A_273 = tpu.memref_squeeze %dma_start3A_272 : memref<1x!tpu.dma_semaphore, #tpu.memory_space<semaphore_mem>> -> memref<!tpu.dma_semaphore, #tpu.memory_space<semaphore_mem>>
      tpu.enqueue_indirect_dma source(%dma_start3A_271 : memref<4096x128xf32, #tpu.memory_space<vmem_shared>>) target(%dma_start3A_268 : memref<16x128xf32, #tpu.memory_space<vmem>>) offsets(%get3A_264 : vector<16xi32>) semaphore(%dma_start3A_273 : memref<!tpu.dma_semaphore, #tpu.memory_space<semaphore_mem>>)
      %add3A_274 = arith.constant 48 : i32
      %add3A_275 = arith.addi %mul3A_231, %add3A_274 : i32
      %get3A_276 = arith.index_cast %add3A_275 : i32 to index
      %get3A_277 = tpu.vector_load %arg7[%get3A_276] {strides = array<i32>} : memref<4224xi32, #tpu.memory_space<vmem>>, vector<16xi32>,
      %get3A_278 = vector.shape_cast %get3A_277 : vector<16xi32> to vector<16xi32>
      %dma_start3A_279 = arith.constant 3 : i32
      %dma_start3A_280 = arith.constant 48 : i32
      %dma_start3A_281 = arith.constant 0 : i32
      %dma_start3A_282 = tpu.memref_slice %arg9[%dma_start3A_280, %dma_start3A_281] : memref<128x128xf32, #tpu.memory_space<vmem>> -> memref<16x128xf32, #tpu.memory_space<vmem>>
      %dma_start3A_283 = arith.constant 0 : i32
      %dma_start3A_284 = arith.constant 0 : i32
      %dma_start3A_285 = tpu.memref_slice %arg11[%dma_start3A_283, %dma_start3A_284] : memref<4096x128xf32, #tpu.memory_space<vmem_shared>> -> memref<4096x128xf32, #tpu.memory_space<vmem_shared>>
      %dma_start3A_286 = tpu.memref_slice %arg13[%dma_start3A_279] : memref<8x!tpu.dma_semaphore, #tpu.memory_space<semaphore_mem>> -> memref<1x!tpu.dma_semaphore, #tpu.memory_space<semaphore_mem>>
      %dma_start3A_287 = tpu.memref_squeeze %dma_start3A_286 : memref<1x!tpu.dma_semaphore, #tpu.memory_space<semaphore_mem>> -> memref<!tpu.dma_semaphore, #tpu.memory_space<semaphore_mem>>
      tpu.enqueue_indirect_dma source(%dma_start3A_285 : memref<4096x128xf32, #tpu.memory_space<vmem_shared>>) target(%dma_start3A_282 : memref<16x128xf32, #tpu.memory_space<vmem>>) offsets(%get3A_278 : vector<16xi32>) semaphore(%dma_start3A_287 : memref<!tpu.dma_semaphore, #tpu.memory_space<semaphore_mem>>)
      %add3A_288 = arith.constant 64 : i32
      %add3A_289 = arith.addi %mul3A_231, %add3A_288 : i32
      %get3A_290 = arith.index_cast %add3A_289 : i32 to index
      %get3A_291 = tpu.vector_load %arg7[%get3A_290] {strides = array<i32>} : memref<4224xi32, #tpu.memory_space<vmem>>, vector<16xi32>,
      %get3A_292 = vector.shape_cast %get3A_291 : vector<16xi32> to vector<16xi32>
      %dma_start3A_293 = arith.constant 4 : i32
      %dma_start3A_294 = arith.constant 64 : i32
      %dma_start3A_295 = arith.constant 0 : i32
      %dma_start3A_296 = tpu.memref_slice %arg9[%dma_start3A_294, %dma_start3A_295] : memref<128x128xf32, #tpu.memory_space<vmem>> -> memref<16x128xf32, #tpu.memory_space<vmem>>
      %dma_start3A_297 = arith.constant 0 : i32
      %dma_start3A_298 = arith.constant 0 : i32
      %dma_start3A_299 = tpu.memref_slice %arg11[%dma_start3A_297, %dma_start3A_298] : memref<4096x128xf32, #tpu.memory_space<vmem_shared>> -> memref<4096x128xf32, #tpu.memory_space<vmem_shared>>
      %dma_start3A_300 = tpu.memref_slice %arg13[%dma_start3A_293] : memref<8x!tpu.dma_semaphore, #tpu.memory_space<semaphore_mem>> -> memref<1x!tpu.dma_semaphore, #tpu.memory_space<semaphore_mem>>
      %dma_start3A_301 = tpu.memref_squeeze %dma_start3A_300 : memref<1x!tpu.dma_semaphore, #tpu.memory_space<semaphore_mem>> -> memref<!tpu.dma_semaphore, #tpu.memory_space<semaphore_mem>>
      tpu.enqueue_indirect_dma source(%dma_start3A_299 : memref<4096x128xf32, #tpu.memory_space<vmem_shared>>) target(%dma_start3A_296 : memref<16x128xf32, #tpu.memory_space<vmem>>) offsets(%get3A_292 : vector<16xi32>) semaphore(%dma_start3A_301 : memref<!tpu.dma_semaphore, #tpu.memory_space<semaphore_mem>>)
      %add3A_302 = arith.constant 80 : i32
      %add3A_303 = arith.addi %mul3A_231, %add3A_302 : i32
      %get3A_304 = arith.index_cast %add3A_303 : i32 to index
      %get3A_305 = tpu.vector_load %arg7[%get3A_304] {strides = array<i32>} : memref<4224xi32, #tpu.memory_space<vmem>>, vector<16xi32>,
      %get3A_306 = vector.shape_cast %get3A_305 : vector<16xi32> to vector<16xi32>
      %dma_start3A_307 = arith.constant 5 : i32
      %dma_start3A_308 = arith.constant 80 : i32
      %dma_start3A_309 = arith.constant 0 : i32
      %dma_start3A_310 = tpu.memref_slice %arg9[%dma_start3A_308, %dma_start3A_309] : memref<128x128xf32, #tpu.memory_space<vmem>> -> memref<16x128xf32, #tpu.memory_space<vmem>>
      %dma_start3A_311 = arith.constant 0 : i32
      %dma_start3A_312 = arith.constant 0 : i32
      %dma_start3A_313 = tpu.memref_slice %arg11[%dma_start3A_311, %dma_start3A_312] : memref<4096x128xf32, #tpu.memory_space<vmem_shared>> -> memref<4096x128xf32, #tpu.memory_space<vmem_shared>>
      %dma_start3A_314 = tpu.memref_slice %arg13[%dma_start3A_307] : memref<8x!tpu.dma_semaphore, #tpu.memory_space<semaphore_mem>> -> memref<1x!tpu.dma_semaphore, #tpu.memory_space<semaphore_mem>>
      %dma_start3A_315 = tpu.memref_squeeze %dma_start3A_314 : memref<1x!tpu.dma_semaphore, #tpu.memory_space<semaphore_mem>> -> memref<!tpu.dma_semaphore, #tpu.memory_space<semaphore_mem>>
      tpu.enqueue_indirect_dma source(%dma_start3A_313 : memref<4096x128xf32, #tpu.memory_space<vmem_shared>>) target(%dma_start3A_310 : memref<16x128xf32, #tpu.memory_space<vmem>>) offsets(%get3A_306 : vector<16xi32>) semaphore(%dma_start3A_315 : memref<!tpu.dma_semaphore, #tpu.memory_space<semaphore_mem>>)
      %add3A_316 = arith.constant 96 : i32
      %add3A_317 = arith.addi %mul3A_231, %add3A_316 : i32
      %get3A_318 = arith.index_cast %add3A_317 : i32 to index
      %get3A_319 = tpu.vector_load %arg7[%get3A_318] {strides = array<i32>} : memref<4224xi32, #tpu.memory_space<vmem>>, vector<16xi32>,
      %get3A_320 = vector.shape_cast %get3A_319 : vector<16xi32> to vector<16xi32>
      %dma_start3A_321 = arith.constant 6 : i32
      %dma_start3A_322 = arith.constant 96 : i32
      %dma_start3A_323 = arith.constant 0 : i32
      %dma_start3A_324 = tpu.memref_slice %arg9[%dma_start3A_322, %dma_start3A_323] : memref<128x128xf32, #tpu.memory_space<vmem>> -> memref<16x128xf32, #tpu.memory_space<vmem>>
      %dma_start3A_325 = arith.constant 0 : i32
      %dma_start3A_326 = arith.constant 0 : i32
      %dma_start3A_327 = tpu.memref_slice %arg11[%dma_start3A_325, %dma_start3A_326] : memref<4096x128xf32, #tpu.memory_space<vmem_shared>> -> memref<4096x128xf32, #tpu.memory_space<vmem_shared>>
      %dma_start3A_328 = tpu.memref_slice %arg13[%dma_start3A_321] : memref<8x!tpu.dma_semaphore, #tpu.memory_space<semaphore_mem>> -> memref<1x!tpu.dma_semaphore, #tpu.memory_space<semaphore_mem>>
      %dma_start3A_329 = tpu.memref_squeeze %dma_start3A_328 : memref<1x!tpu.dma_semaphore, #tpu.memory_space<semaphore_mem>> -> memref<!tpu.dma_semaphore, #tpu.memory_space<semaphore_mem>>
      tpu.enqueue_indirect_dma source(%dma_start3A_327 : memref<4096x128xf32, #tpu.memory_space<vmem_shared>>) target(%dma_start3A_324 : memref<16x128xf32, #tpu.memory_space<vmem>>) offsets(%get3A_320 : vector<16xi32>) semaphore(%dma_start3A_329 : memref<!tpu.dma_semaphore, #tpu.memory_space<semaphore_mem>>)
      %add3A_330 = arith.constant 112 : i32
      %add3A_331 = arith.addi %mul3A_231, %add3A_330 : i32
      %get3A_332 = arith.index_cast %add3A_331 : i32 to index
      %get3A_333 = tpu.vector_load %arg7[%get3A_332] {strides = array<i32>} : memref<4224xi32, #tpu.memory_space<vmem>>, vector<16xi32>,
      %get3A_334 = vector.shape_cast %get3A_333 : vector<16xi32> to vector<16xi32>
      %dma_start3A_335 = arith.constant 7 : i32
      %dma_start3A_336 = arith.constant 112 : i32
      %dma_start3A_337 = arith.constant 0 : i32
      %dma_start3A_338 = tpu.memref_slice %arg9[%dma_start3A_336, %dma_start3A_337] : memref<128x128xf32, #tpu.memory_space<vmem>> -> memref<16x128xf32, #tpu.memory_space<vmem>>
      %dma_start3A_339 = arith.constant 0 : i32
      %dma_start3A_340 = arith.constant 0 : i32
      %dma_start3A_341 = tpu.memref_slice %arg11[%dma_start3A_339, %dma_start3A_340] : memref<4096x128xf32, #tpu.memory_space<vmem_shared>> -> memref<4096x128xf32, #tpu.memory_space<vmem_shared>>
      %dma_start3A_342 = tpu.memref_slice %arg13[%dma_start3A_335] : memref<8x!tpu.dma_semaphore, #tpu.memory_space<semaphore_mem>> -> memref<1x!tpu.dma_semaphore, #tpu.memory_space<semaphore_mem>>
      %dma_start3A_343 = tpu.memref_squeeze %dma_start3A_342 : memref<1x!tpu.dma_semaphore, #tpu.memory_space<semaphore_mem>> -> memref<!tpu.dma_semaphore, #tpu.memory_space<semaphore_mem>>
      tpu.enqueue_indirect_dma source(%dma_start3A_341 : memref<4096x128xf32, #tpu.memory_space<vmem_shared>>) target(%dma_start3A_338 : memref<16x128xf32, #tpu.memory_space<vmem>>) offsets(%get3A_334 : vector<16xi32>) semaphore(%dma_start3A_343 : memref<!tpu.dma_semaphore, #tpu.memory_space<semaphore_mem>>)
      %dma_wait3A_344 = arith.constant 0 : i32
      %dma_wait3A_345 = arith.constant 0 : i32
      %dma_wait3A_346 = arith.constant 0 : i32
      %dma_wait3A_347 = tpu.memref_slice %arg9[%dma_wait3A_345, %dma_wait3A_346] : memref<128x128xf32, #tpu.memory_space<vmem>> -> memref<16x128xf32, #tpu.memory_space<vmem>>
      %dma_wait3A_348 = arith.constant 0 : i32
      %dma_wait3A_349 = arith.constant 0 : i32
      %dma_wait3A_350 = tpu.memref_slice %arg11[%dma_wait3A_348, %dma_wait3A_349] : memref<4096x128xf32, #tpu.memory_space<vmem_shared>> -> memref<4096x128xf32, #tpu.memory_space<vmem_shared>>
      %dma_wait3A_351 = tpu.memref_slice %arg13[%dma_wait3A_344] : memref<8x!tpu.dma_semaphore, #tpu.memory_space<semaphore_mem>> -> memref<1x!tpu.dma_semaphore, #tpu.memory_space<semaphore_mem>>
      %dma_wait3A_352 = tpu.memref_squeeze %dma_wait3A_351 : memref<1x!tpu.dma_semaphore, #tpu.memory_space<semaphore_mem>> -> memref<!tpu.dma_semaphore, #tpu.memory_space<semaphore_mem>>
      tpu.wait_indirect_dma semaphore(%dma_wait3A_352 : memref<!tpu.dma_semaphore, #tpu.memory_space<semaphore_mem>>) src(%dma_wait3A_350 : memref<4096x128xf32, #tpu.memory_space<vmem_shared>>) dst(%dma_wait3A_347 : memref<16x128xf32, #tpu.memory_space<vmem>>)
      %dma_wait3A_353 = arith.constant 1 : i32
      %dma_wait3A_354 = arith.constant 16 : i32
      %dma_wait3A_355 = arith.constant 0 : i32
      %dma_wait3A_356 = tpu.memref_slice %arg9[%dma_wait3A_354, %dma_wait3A_355] : memref<128x128xf32, #tpu.memory_space<vmem>> -> memref<16x128xf32, #tpu.memory_space<vmem>>
      %dma_wait3A_357 = arith.constant 0 : i32
      %dma_wait3A_358 = arith.constant 0 : i32
      %dma_wait3A_359 = tpu.memref_slice %arg11[%dma_wait3A_357, %dma_wait3A_358] : memref<4096x128xf32, #tpu.memory_space<vmem_shared>> -> memref<4096x128xf32, #tpu.memory_space<vmem_shared>>
      %dma_wait3A_360 = tpu.memref_slice %arg13[%dma_wait3A_353] : memref<8x!tpu.dma_semaphore, #tpu.memory_space<semaphore_mem>> -> memref<1x!tpu.dma_semaphore, #tpu.memory_space<semaphore_mem>>
      %dma_wait3A_361 = tpu.memref_squeeze %dma_wait3A_360 : memref<1x!tpu.dma_semaphore, #tpu.memory_space<semaphore_mem>> -> memref<!tpu.dma_semaphore, #tpu.memory_space<semaphore_mem>>
      tpu.wait_indirect_dma semaphore(%dma_wait3A_361 : memref<!tpu.dma_semaphore, #tpu.memory_space<semaphore_mem>>) src(%dma_wait3A_359 : memref<4096x128xf32, #tpu.memory_space<vmem_shared>>) dst(%dma_wait3A_356 : memref<16x128xf32, #tpu.memory_space<vmem>>)
      %dma_wait3A_362 = arith.constant 2 : i32
      %dma_wait3A_363 = arith.constant 32 : i32
      %dma_wait3A_364 = arith.constant 0 : i32
      %dma_wait3A_365 = tpu.memref_slice %arg9[%dma_wait3A_363, %dma_wait3A_364] : memref<128x128xf32, #tpu.memory_space<vmem>> -> memref<16x128xf32, #tpu.memory_space<vmem>>
      %dma_wait3A_366 = arith.constant 0 : i32
      %dma_wait3A_367 = arith.constant 0 : i32
      %dma_wait3A_368 = tpu.memref_slice %arg11[%dma_wait3A_366, %dma_wait3A_367] : memref<4096x128xf32, #tpu.memory_space<vmem_shared>> -> memref<4096x128xf32, #tpu.memory_space<vmem_shared>>
      %dma_wait3A_369 = tpu.memref_slice %arg13[%dma_wait3A_362] : memref<8x!tpu.dma_semaphore, #tpu.memory_space<semaphore_mem>> -> memref<1x!tpu.dma_semaphore, #tpu.memory_space<semaphore_mem>>
      %dma_wait3A_370 = tpu.memref_squeeze %dma_wait3A_369 : memref<1x!tpu.dma_semaphore, #tpu.memory_space<semaphore_mem>> -> memref<!tpu.dma_semaphore, #tpu.memory_space<semaphore_mem>>
      tpu.wait_indirect_dma semaphore(%dma_wait3A_370 : memref<!tpu.dma_semaphore, #tpu.memory_space<semaphore_mem>>) src(%dma_wait3A_368 : memref<4096x128xf32, #tpu.memory_space<vmem_shared>>) dst(%dma_wait3A_365 : memref<16x128xf32, #tpu.memory_space<vmem>>)
      %dma_wait3A_371 = arith.constant 3 : i32
      %dma_wait3A_372 = arith.constant 48 : i32
      %dma_wait3A_373 = arith.constant 0 : i32
      %dma_wait3A_374 = tpu.memref_slice %arg9[%dma_wait3A_372, %dma_wait3A_373] : memref<128x128xf32, #tpu.memory_space<vmem>> -> memref<16x128xf32, #tpu.memory_space<vmem>>
      %dma_wait3A_375 = arith.constant 0 : i32
      %dma_wait3A_376 = arith.constant 0 : i32
      %dma_wait3A_377 = tpu.memref_slice %arg11[%dma_wait3A_375, %dma_wait3A_376] : memref<4096x128xf32, #tpu.memory_space<vmem_shared>> -> memref<4096x128xf32, #tpu.memory_space<vmem_shared>>
      %dma_wait3A_378 = tpu.memref_slice %arg13[%dma_wait3A_371] : memref<8x!tpu.dma_semaphore, #tpu.memory_space<semaphore_mem>> -> memref<1x!tpu.dma_semaphore, #tpu.memory_space<semaphore_mem>>
      %dma_wait3A_379 = tpu.memref_squeeze %dma_wait3A_378 : memref<1x!tpu.dma_semaphore, #tpu.memory_space<semaphore_mem>> -> memref<!tpu.dma_semaphore, #tpu.memory_space<semaphore_mem>>
      tpu.wait_indirect_dma semaphore(%dma_wait3A_379 : memref<!tpu.dma_semaphore, #tpu.memory_space<semaphore_mem>>) src(%dma_wait3A_377 : memref<4096x128xf32, #tpu.memory_space<vmem_shared>>) dst(%dma_wait3A_374 : memref<16x128xf32, #tpu.memory_space<vmem>>)
      %dma_wait3A_380 = arith.constant 4 : i32
      %dma_wait3A_381 = arith.constant 64 : i32
      %dma_wait3A_382 = arith.constant 0 : i32
      %dma_wait3A_383 = tpu.memref_slice %arg9[%dma_wait3A_381, %dma_wait3A_382] : memref<128x128xf32, #tpu.memory_space<vmem>> -> memref<16x128xf32, #tpu.memory_space<vmem>>
      %dma_wait3A_384 = arith.constant 0 : i32
      %dma_wait3A_385 = arith.constant 0 : i32
      %dma_wait3A_386 = tpu.memref_slice %arg11[%dma_wait3A_384, %dma_wait3A_385] : memref<4096x128xf32, #tpu.memory_space<vmem_shared>> -> memref<4096x128xf32, #tpu.memory_space<vmem_shared>>
      %dma_wait3A_387 = tpu.memref_slice %arg13[%dma_wait3A_380] : memref<8x!tpu.dma_semaphore, #tpu.memory_space<semaphore_mem>> -> memref<1x!tpu.dma_semaphore, #tpu.memory_space<semaphore_mem>>
      %dma_wait3A_388 = tpu.memref_squeeze %dma_wait3A_387 : memref<1x!tpu.dma_semaphore, #tpu.memory_space<semaphore_mem>> -> memref<!tpu.dma_semaphore, #tpu.memory_space<semaphore_mem>>
      tpu.wait_indirect_dma semaphore(%dma_wait3A_388 : memref<!tpu.dma_semaphore, #tpu.memory_space<semaphore_mem>>) src(%dma_wait3A_386 : memref<4096x128xf32, #tpu.memory_space<vmem_shared>>) dst(%dma_wait3A_383 : memref<16x128xf32, #tpu.memory_space<vmem>>)
      %dma_wait3A_389 = arith.constant 5 : i32
      %dma_wait3A_390 = arith.constant 80 : i32
      %dma_wait3A_391 = arith.constant 0 : i32
      %dma_wait3A_392 = tpu.memref_slice %arg9[%dma_wait3A_390, %dma_wait3A_391] : memref<128x128xf32, #tpu.memory_space<vmem>> -> memref<16x128xf32, #tpu.memory_space<vmem>>
      %dma_wait3A_393 = arith.constant 0 : i32
      %dma_wait3A_394 = arith.constant 0 : i32
      %dma_wait3A_395 = tpu.memref_slice %arg11[%dma_wait3A_393, %dma_wait3A_394] : memref<4096x128xf32, #tpu.memory_space<vmem_shared>> -> memref<4096x128xf32, #tpu.memory_space<vmem_shared>>
      %dma_wait3A_396 = tpu.memref_slice %arg13[%dma_wait3A_389] : memref<8x!tpu.dma_semaphore, #tpu.memory_space<semaphore_mem>> -> memref<1x!tpu.dma_semaphore, #tpu.memory_space<semaphore_mem>>
      %dma_wait3A_397 = tpu.memref_squeeze %dma_wait3A_396 : memref<1x!tpu.dma_semaphore, #tpu.memory_space<semaphore_mem>> -> memref<!tpu.dma_semaphore, #tpu.memory_space<semaphore_mem>>
      tpu.wait_indirect_dma semaphore(%dma_wait3A_397 : memref<!tpu.dma_semaphore, #tpu.memory_space<semaphore_mem>>) src(%dma_wait3A_395 : memref<4096x128xf32, #tpu.memory_space<vmem_shared>>) dst(%dma_wait3A_392 : memref<16x128xf32, #tpu.memory_space<vmem>>)
      %dma_wait3A_398 = arith.constant 6 : i32
      %dma_wait3A_399 = arith.constant 96 : i32
      %dma_wait3A_400 = arith.constant 0 : i32
      %dma_wait3A_401 = tpu.memref_slice %arg9[%dma_wait3A_399, %dma_wait3A_400] : memref<128x128xf32, #tpu.memory_space<vmem>> -> memref<16x128xf32, #tpu.memory_space<vmem>>
      %dma_wait3A_402 = arith.constant 0 : i32
      %dma_wait3A_403 = arith.constant 0 : i32
      %dma_wait3A_404 = tpu.memref_slice %arg11[%dma_wait3A_402, %dma_wait3A_403] : memref<4096x128xf32, #tpu.memory_space<vmem_shared>> -> memref<4096x128xf32, #tpu.memory_space<vmem_shared>>
      %dma_wait3A_405 = tpu.memref_slice %arg13[%dma_wait3A_398] : memref<8x!tpu.dma_semaphore, #tpu.memory_space<semaphore_mem>> -> memref<1x!tpu.dma_semaphore, #tpu.memory_space<semaphore_mem>>
      %dma_wait3A_406 = tpu.memref_squeeze %dma_wait3A_405 : memref<1x!tpu.dma_semaphore, #tpu.memory_space<semaphore_mem>> -> memref<!tpu.dma_semaphore, #tpu.memory_space<semaphore_mem>>
      tpu.wait_indirect_dma semaphore(%dma_wait3A_406 : memref<!tpu.dma_semaphore, #tpu.memory_space<semaphore_mem>>) src(%dma_wait3A_404 : memref<4096x128xf32, #tpu.memory_space<vmem_shared>>) dst(%dma_wait3A_401 : memref<16x128xf32, #tpu.memory_space<vmem>>)
      %dma_wait3A_407 = arith.constant 7 : i32
      %dma_wait3A_408 = arith.constant 112 : i32
      %dma_wait3A_409 = arith.constant 0 : i32
      %dma_wait3A_410 = tpu.memref_slice %arg9[%dma_wait3A_408, %dma_wait3A_409] : memref<128x128xf32, #tpu.memory_space<vmem>> -> memref<16x128xf32, #tpu.memory_space<vmem>>
      %dma_wait3A_411 = arith.constant 0 : i32
      %dma_wait3A_412 = arith.constant 0 : i32
      %dma_wait3A_413 = tpu.memref_slice %arg11[%dma_wait3A_411, %dma_wait3A_412] : memref<4096x128xf32, #tpu.memory_space<vmem_shared>> -> memref<4096x128xf32, #tpu.memory_space<vmem_shared>>
      %dma_wait3A_414 = tpu.memref_slice %arg13[%dma_wait3A_407] : memref<8x!tpu.dma_semaphore, #tpu.memory_space<semaphore_mem>> -> memref<1x!tpu.dma_semaphore, #tpu.memory_space<semaphore_mem>>
      %dma_wait3A_415 = tpu.memref_squeeze %dma_wait3A_414 : memref<1x!tpu.dma_semaphore, #tpu.memory_space<semaphore_mem>> -> memref<!tpu.dma_semaphore, #tpu.memory_space<semaphore_mem>>
      tpu.wait_indirect_dma semaphore(%dma_wait3A_415 : memref<!tpu.dma_semaphore, #tpu.memory_space<semaphore_mem>>) src(%dma_wait3A_413 : memref<4096x128xf32, #tpu.memory_space<vmem_shared>>) dst(%dma_wait3A_410 : memref<16x128xf32, #tpu.memory_space<vmem>>)
      %sub3A_416 = arith.subi %scan3A_10, %mul3A_231 : i32
      %min3A_417 = arith.constant 128 : i32
      %min3A_418 = arith.minsi %min3A_417, %sub3A_416 : i32
      %while3A_419 = arith.constant 0 : i32
      %while3A_420 = arith.constant 0 : i32
      %while3A_421 = arith.subi %min3A_418, %while3A_419 : i32
      %while3A_422 = arith.addi %while3A_419, %while3A_421 : i32
      %while3A_423 = arith.constant 1 : i32
      %while3A_424 = arith.divsi %while3A_421, %while3A_423 : i32
      %while3A_425 = arith.muli %while3A_424, %while3A_423 : i32
      %while3A_426 = arith.addi %while3A_419, %while3A_425 : i32
      %while3A_427 = arith.constant 1 : i32
      %while3A_428 = scf.for %while3A_432 = %while3A_419 to %while3A_426 step %while3A_427 iter_args(%while3A_433 = %while3A_420) -> (i32)  : i32 {
        %add3A_434 = arith.addi %mul3A_231, %while3A_432 : i32
        %get3A_435 = arith.index_cast %add3A_434 : i32 to index
        %get3A_436 = tpu.vector_load %arg8[%get3A_435] {strides = array<i32>} : memref<4224xi32, #tpu.memory_space<vmem>>, vector<16xi32>,
        %get3A_437 = vector.shape_cast %get3A_436 : vector<16xi32> to vector<16xi32>
        %slice3A = vector.extract_strided_slice %get3A_437 {offsets = [0], sizes = [1], strides = [1]} : vector<16xi32> to vector<1xi32>
        %squeeze3A = vector.extract %slice3A[0] : i32 from vector<1xi32>
        %broadcast_in_dim3A_438 = arith.constant 0.000000e+00 : f32
        %broadcast_in_dim3A_439 = vector.broadcast %broadcast_in_dim3A_438 : f32 to vector<16xf32>
        %get3A_440 = arith.index_cast %while3A_432 : i32 to index
        %get3A_441 = arith.constant 0 : index
        %get3A_442 = tpu.vector_load %arg9[%get3A_440, %get3A_441] {strides = array<i32>} : memref<128x128xf32, #tpu.memory_space<vmem>>, vector<1x16xf32>,
        %get3A_443 = vector.shape_cast %get3A_442 : vector<1x16xf32> to vector<16xf32>
        %get3A_444 = arith.index_cast %squeeze3A : i32 to index
        %get3A_445 = arith.constant 0 : index
        %get3A_446 = tpu.vector_load %arg10[%get3A_444, %get3A_445] {strides = array<i32>} : memref<32x128xf32, #tpu.memory_space<vmem>>, vector<1x16xf32>,
        %get3A_447 = vector.shape_cast %get3A_446 : vector<1x16xf32> to vector<16xf32>
        %mul3A_448 = arith.constant 0.949999988 : f32
        %mul3A_449 = vector.broadcast %mul3A_448 : f32 to vector<16xf32>
        %mul3A_450 = arith.mulf %get3A_447, %mul3A_449 : vector<16xf32>
        %mul3A_451 = arith.constant 5.000000e-02 : f32
        %mul3A_452 = vector.broadcast %mul3A_451 : f32 to vector<16xf32>
        %mul3A_453 = arith.mulf %get3A_443, %mul3A_452 : vector<16xf32>
        %add3A_454 = arith.addf %mul3A_450, %mul3A_453 : vector<16xf32>
        %mul3A_455 = arith.mulf %add3A_454, %add3A_454 : vector<16xf32>
        %add3A_456 = arith.addf %broadcast_in_dim3A_439, %mul3A_455 : vector<16xf32>
        %get3A_457 = arith.index_cast %while3A_432 : i32 to index
        %get3A_458 = arith.constant 16 : index
        %get3A_459 = tpu.vector_load %arg9[%get3A_457, %get3A_458] {strides = array<i32>} : memref<128x128xf32, #tpu.memory_space<vmem>>, vector<1x16xf32>,
        %get3A_460 = vector.shape_cast %get3A_459 : vector<1x16xf32> to vector<16xf32>
        %get3A_461 = arith.index_cast %squeeze3A : i32 to index
        %get3A_462 = arith.constant 16 : index
        %get3A_463 = tpu.vector_load %arg10[%get3A_461, %get3A_462] {strides = array<i32>} : memref<32x128xf32, #tpu.memory_space<vmem>>, vector<1x16xf32>,
        %get3A_464 = vector.shape_cast %get3A_463 : vector<1x16xf32> to vector<16xf32>
        %mul3A_465 = arith.constant 0.949999988 : f32
        %mul3A_466 = vector.broadcast %mul3A_465 : f32 to vector<16xf32>
        %mul3A_467 = arith.mulf %get3A_464, %mul3A_466 : vector<16xf32>
        %mul3A_468 = arith.constant 5.000000e-02 : f32
        %mul3A_469 = vector.broadcast %mul3A_468 : f32 to vector<16xf32>
        %mul3A_470 = arith.mulf %get3A_460, %mul3A_469 : vector<16xf32>
        %add3A_471 = arith.addf %mul3A_467, %mul3A_470 : vector<16xf32>
        %mul3A_472 = arith.mulf %add3A_471, %add3A_471 : vector<16xf32>
        %add3A_473 = arith.addf %add3A_456, %mul3A_472 : vector<16xf32>
        %get3A_474 = arith.index_cast %while3A_432 : i32 to index
        %get3A_475 = arith.constant 32 : index
        %get3A_476 = tpu.vector_load %arg9[%get3A_474, %get3A_475] {strides = array<i32>} : memref<128x128xf32, #tpu.memory_space<vmem>>, vector<1x16xf32>,
        %get3A_477 = vector.shape_cast %get3A_476 : vector<1x16xf32> to vector<16xf32>
        %get3A_478 = arith.index_cast %squeeze3A : i32 to index
        %get3A_479 = arith.constant 32 : index
        %get3A_480 = tpu.vector_load %arg10[%get3A_478, %get3A_479] {strides = array<i32>} : memref<32x128xf32, #tpu.memory_space<vmem>>, vector<1x16xf32>,
        %get3A_481 = vector.shape_cast %get3A_480 : vector<1x16xf32> to vector<16xf32>
        %mul3A_482 = arith.constant 0.949999988 : f32
        %mul3A_483 = vector.broadcast %mul3A_482 : f32 to vector<16xf32>
        %mul3A_484 = arith.mulf %get3A_481, %mul3A_483 : vector<16xf32>
        %mul3A_485 = arith.constant 5.000000e-02 : f32
        %mul3A_486 = vector.broadcast %mul3A_485 : f32 to vector<16xf32>
        %mul3A_487 = arith.mulf %get3A_477, %mul3A_486 : vector<16xf32>
        %add3A_488 = arith.addf %mul3A_484, %mul3A_487 : vector<16xf32>
        %mul3A_489 = arith.mulf %add3A_488, %add3A_488 : vector<16xf32>
        %add3A_490 = arith.addf %add3A_473, %mul3A_489 : vector<16xf32>
        %get3A_491 = arith.index_cast %while3A_432 : i32 to index
        %get3A_492 = arith.constant 48 : index
        %get3A_493 = tpu.vector_load %arg9[%get3A_491, %get3A_492] {strides = array<i32>} : memref<128x128xf32, #tpu.memory_space<vmem>>, vector<1x16xf32>,
        %get3A_494 = vector.shape_cast %get3A_493 : vector<1x16xf32> to vector<16xf32>
        %get3A_495 = arith.index_cast %squeeze3A : i32 to index
        %get3A_496 = arith.constant 48 : index
        %get3A_497 = tpu.vector_load %arg10[%get3A_495, %get3A_496] {strides = array<i32>} : memref<32x128xf32, #tpu.memory_space<vmem>>, vector<1x16xf32>,
        %get3A_498 = vector.shape_cast %get3A_497 : vector<1x16xf32> to vector<16xf32>
        %mul3A_499 = arith.constant 0.949999988 : f32
        %mul3A_500 = vector.broadcast %mul3A_499 : f32 to vector<16xf32>
        %mul3A_501 = arith.mulf %get3A_498, %mul3A_500 : vector<16xf32>
        %mul3A_502 = arith.constant 5.000000e-02 : f32
        %mul3A_503 = vector.broadcast %mul3A_502 : f32 to vector<16xf32>
        %mul3A_504 = arith.mulf %get3A_494, %mul3A_503 : vector<16xf32>
        %add3A_505 = arith.addf %mul3A_501, %mul3A_504 : vector<16xf32>
        %mul3A_506 = arith.mulf %add3A_505, %add3A_505 : vector<16xf32>
        %add3A_507 = arith.addf %add3A_490, %mul3A_506 : vector<16xf32>
        %get3A_508 = arith.index_cast %while3A_432 : i32 to index
        %get3A_509 = arith.constant 64 : index
        %get3A_510 = tpu.vector_load %arg9[%get3A_508, %get3A_509] {strides = array<i32>} : memref<128x128xf32, #tpu.memory_space<vmem>>, vector<1x16xf32>,
        %get3A_511 = vector.shape_cast %get3A_510 : vector<1x16xf32> to vector<16xf32>
        %get3A_512 = arith.index_cast %squeeze3A : i32 to index
        %get3A_513 = arith.constant 64 : index
        %get3A_514 = tpu.vector_load %arg10[%get3A_512, %get3A_513] {strides = array<i32>} : memref<32x128xf32, #tpu.memory_space<vmem>>, vector<1x16xf32>,
        %get3A_515 = vector.shape_cast %get3A_514 : vector<1x16xf32> to vector<16xf32>
        %mul3A_516 = arith.constant 0.949999988 : f32
        %mul3A_517 = vector.broadcast %mul3A_516 : f32 to vector<16xf32>
        %mul3A_518 = arith.mulf %get3A_515, %mul3A_517 : vector<16xf32>
        %mul3A_519 = arith.constant 5.000000e-02 : f32
        %mul3A_520 = vector.broadcast %mul3A_519 : f32 to vector<16xf32>
        %mul3A_521 = arith.mulf %get3A_511, %mul3A_520 : vector<16xf32>
        %add3A_522 = arith.addf %mul3A_518, %mul3A_521 : vector<16xf32>
        %mul3A_523 = arith.mulf %add3A_522, %add3A_522 : vector<16xf32>
        %add3A_524 = arith.addf %add3A_507, %mul3A_523 : vector<16xf32>
        %get3A_525 = arith.index_cast %while3A_432 : i32 to index
        %get3A_526 = arith.constant 80 : index
        %get3A_527 = tpu.vector_load %arg9[%get3A_525, %get3A_526] {strides = array<i32>} : memref<128x128xf32, #tpu.memory_space<vmem>>, vector<1x16xf32>,
        %get3A_528 = vector.shape_cast %get3A_527 : vector<1x16xf32> to vector<16xf32>
        %get3A_529 = arith.index_cast %squeeze3A : i32 to index
        %get3A_530 = arith.constant 80 : index
        %get3A_531 = tpu.vector_load %arg10[%get3A_529, %get3A_530] {strides = array<i32>} : memref<32x128xf32, #tpu.memory_space<vmem>>, vector<1x16xf32>,
        %get3A_532 = vector.shape_cast %get3A_531 : vector<1x16xf32> to vector<16xf32>
        %mul3A_533 = arith.constant 0.949999988 : f32
        %mul3A_534 = vector.broadcast %mul3A_533 : f32 to vector<16xf32>
        %mul3A_535 = arith.mulf %get3A_532, %mul3A_534 : vector<16xf32>
        %mul3A_536 = arith.constant 5.000000e-02 : f32
        %mul3A_537 = vector.broadcast %mul3A_536 : f32 to vector<16xf32>
        %mul3A_538 = arith.mulf %get3A_528, %mul3A_537 : vector<16xf32>
        %add3A_539 = arith.addf %mul3A_535, %mul3A_538 : vector<16xf32>
        %mul3A_540 = arith.mulf %add3A_539, %add3A_539 : vector<16xf32>
        %add3A_541 = arith.addf %add3A_524, %mul3A_540 : vector<16xf32>
        %get3A_542 = arith.index_cast %while3A_432 : i32 to index
        %get3A_543 = arith.constant 96 : index
        %get3A_544 = tpu.vector_load %arg9[%get3A_542, %get3A_543] {strides = array<i32>} : memref<128x128xf32, #tpu.memory_space<vmem>>, vector<1x16xf32>,
        %get3A_545 = vector.shape_cast %get3A_544 : vector<1x16xf32> to vector<16xf32>
        %get3A_546 = arith.index_cast %squeeze3A : i32 to index
        %get3A_547 = arith.constant 96 : index
        %get3A_548 = tpu.vector_load %arg10[%get3A_546, %get3A_547] {strides = array<i32>} : memref<32x128xf32, #tpu.memory_space<vmem>>, vector<1x16xf32>,
        %get3A_549 = vector.shape_cast %get3A_548 : vector<1x16xf32> to vector<16xf32>
        %mul3A_550 = arith.constant 0.949999988 : f32
        %mul3A_551 = vector.broadcast %mul3A_550 : f32 to vector<16xf32>
        %mul3A_552 = arith.mulf %get3A_549, %mul3A_551 : vector<16xf32>
        %mul3A_553 = arith.constant 5.000000e-02 : f32
        %mul3A_554 = vector.broadcast %mul3A_553 : f32 to vector<16xf32>
        %mul3A_555 = arith.mulf %get3A_545, %mul3A_554 : vector<16xf32>
        %add3A_556 = arith.addf %mul3A_552, %mul3A_555 : vector<16xf32>
        %mul3A_557 = arith.mulf %add3A_556, %add3A_556 : vector<16xf32>
        %add3A_558 = arith.addf %add3A_541, %mul3A_557 : vector<16xf32>
        %get3A_559 = arith.index_cast %while3A_432 : i32 to index
        %get3A_560 = arith.constant 112 : index
        %get3A_561 = tpu.vector_load %arg9[%get3A_559, %get3A_560] {strides = array<i32>} : memref<128x128xf32, #tpu.memory_space<vmem>>, vector<1x16xf32>,
        %get3A_562 = vector.shape_cast %get3A_561 : vector<1x16xf32> to vector<16xf32>
        %get3A_563 = arith.index_cast %squeeze3A : i32 to index
        %get3A_564 = arith.constant 112 : index
        %get3A_565 = tpu.vector_load %arg10[%get3A_563, %get3A_564] {strides = array<i32>} : memref<32x128xf32, #tpu.memory_space<vmem>>, vector<1x16xf32>,
        %get3A_566 = vector.shape_cast %get3A_565 : vector<1x16xf32> to vector<16xf32>
        %mul3A_567 = arith.constant 0.949999988 : f32
        %mul3A_568 = vector.broadcast %mul3A_567 : f32 to vector<16xf32>
        %mul3A_569 = arith.mulf %get3A_566, %mul3A_568 : vector<16xf32>
        %mul3A_570 = arith.constant 5.000000e-02 : f32
        %mul3A_571 = vector.broadcast %mul3A_570 : f32 to vector<16xf32>
        %mul3A_572 = arith.mulf %get3A_562, %mul3A_571 : vector<16xf32>
        %add3A_573 = arith.addf %mul3A_569, %mul3A_572 : vector<16xf32>
        %mul3A_574 = arith.mulf %add3A_573, %add3A_573 : vector<16xf32>
        %add3A_575 = arith.addf %add3A_558, %mul3A_574 : vector<16xf32>
        %xor3A = arith.constant 8 : i32
        %xor3A_576 = vector.broadcast %xor3A : i32 to vector<16xi32>
        %xor3A_577 = arith.xori %iota3A, %xor3A_576 : vector<16xi32>
        %lt3A = arith.constant 0 : i32
        %lt3A_578 = vector.broadcast %lt3A : i32 to vector<16xi32>
        %lt3A_579 = arith.cmpi slt, %xor3A_577, %lt3A_578 : vector<16xi32>
        %add3A_580 = arith.constant 16 : i32
        %add3A_581 = vector.broadcast %add3A_580 : i32 to vector<16xi32>
        %add3A_582 = arith.addi %xor3A_577, %add3A_581 : vector<16xi32>
        %select_n3A_583 = arith.select %lt3A_579, %add3A_582, %xor3A_577 : vector<16xi1>, vector<16xi32>
        %broadcast_in_dim3A_584 = vector.shape_cast %select_n3A_583 : vector<16xi32> to vector<16x1xi32>
        %gather3A = vector.shape_cast %broadcast_in_dim3A_584 : vector<16x1xi32> to vector<16xi32>
        %gather3A_585 = tpu.dynamic_gather %add3A_575[%gather3A] in [0] : vector<16xf32>, vector<16xi32> -> vector<16xf32>
        %add3A_586 = arith.addf %add3A_575, %gather3A_585 : vector<16xf32>
        %xor3A_587 = arith.constant 4 : i32
        %xor3A_588 = vector.broadcast %xor3A_587 : i32 to vector<16xi32>
        %xor3A_589 = arith.xori %iota3A, %xor3A_588 : vector<16xi32>
        %lt3A_590 = arith.constant 0 : i32
        %lt3A_591 = vector.broadcast %lt3A_590 : i32 to vector<16xi32>
        %lt3A_592 = arith.cmpi slt, %xor3A_589, %lt3A_591 : vector<16xi32>
        %add3A_593 = arith.constant 16 : i32
        %add3A_594 = vector.broadcast %add3A_593 : i32 to vector<16xi32>
        %add3A_595 = arith.addi %xor3A_589, %add3A_594 : vector<16xi32>
        %select_n3A_596 = arith.select %lt3A_592, %add3A_595, %xor3A_589 : vector<16xi1>, vector<16xi32>
        %broadcast_in_dim3A_597 = vector.shape_cast %select_n3A_596 : vector<16xi32> to vector<16x1xi32>
        %gather3A_598 = vector.shape_cast %broadcast_in_dim3A_597 : vector<16x1xi32> to vector<16xi32>
        %gather3A_599 = tpu.dynamic_gather %add3A_586[%gather3A_598] in [0] : vector<16xf32>, vector<16xi32> -> vector<16xf32>
        %add3A_600 = arith.addf %add3A_586, %gather3A_599 : vector<16xf32>
        %xor3A_601 = arith.constant 2 : i32
        %xor3A_602 = vector.broadcast %xor3A_601 : i32 to vector<16xi32>
        %xor3A_603 = arith.xori %iota3A, %xor3A_602 : vector<16xi32>
        %lt3A_604 = arith.constant 0 : i32
        %lt3A_605 = vector.broadcast %lt3A_604 : i32 to vector<16xi32>
        %lt3A_606 = arith.cmpi slt, %xor3A_603, %lt3A_605 : vector<16xi32>
        %add3A_607 = arith.constant 16 : i32
        %add3A_608 = vector.broadcast %add3A_607 : i32 to vector<16xi32>
        %add3A_609 = arith.addi %xor3A_603, %add3A_608 : vector<16xi32>
        %select_n3A_610 = arith.select %lt3A_606, %add3A_609, %xor3A_603 : vector<16xi1>, vector<16xi32>
        %broadcast_in_dim3A_611 = vector.shape_cast %select_n3A_610 : vector<16xi32> to vector<16x1xi32>
        %gather3A_612 = vector.shape_cast %broadcast_in_dim3A_611 : vector<16x1xi32> to vector<16xi32>
        %gather3A_613 = tpu.dynamic_gather %add3A_600[%gather3A_612] in [0] : vector<16xf32>, vector<16xi32> -> vector<16xf32>
        %add3A_614 = arith.addf %add3A_600, %gather3A_613 : vector<16xf32>
        %xor3A_615 = arith.constant 1 : i32
        %xor3A_616 = vector.broadcast %xor3A_615 : i32 to vector<16xi32>
        %xor3A_617 = arith.xori %iota3A, %xor3A_616 : vector<16xi32>
        %lt3A_618 = arith.constant 0 : i32
        %lt3A_619 = vector.broadcast %lt3A_618 : i32 to vector<16xi32>
        %lt3A_620 = arith.cmpi slt, %xor3A_617, %lt3A_619 : vector<16xi32>
        %add3A_621 = arith.constant 16 : i32
        %add3A_622 = vector.broadcast %add3A_621 : i32 to vector<16xi32>
        %add3A_623 = arith.addi %xor3A_617, %add3A_622 : vector<16xi32>
        %select_n3A_624 = arith.select %lt3A_620, %add3A_623, %xor3A_617 : vector<16xi1>, vector<16xi32>
        %broadcast_in_dim3A_625 = vector.shape_cast %select_n3A_624 : vector<16xi32> to vector<16x1xi32>
        %gather3A_626 = vector.shape_cast %broadcast_in_dim3A_625 : vector<16x1xi32> to vector<16xi32>
        %gather3A_627 = tpu.dynamic_gather %add3A_614[%gather3A_626] in [0] : vector<16xf32>, vector<16xi32> -> vector<16xf32>
        %add3A_628 = arith.addf %add3A_614, %gather3A_627 : vector<16xf32>
        %max3A = arith.constant 1.000000e-24 : f32
        %max3A_629 = vector.broadcast %max3A : f32 to vector<16xf32>
        %max3A_630 = arith.maximumf %add3A_628, %max3A_629 : vector<16xf32>
        %slice3A_631 = vector.extract_strided_slice %max3A_630 {offsets = [0], sizes = [1], strides = [1]} : vector<16xf32> to vector<1xf32>
        %squeeze3A_632 = vector.extract %slice3A_631[0] : f32 from vector<1xf32>
        %bitcast_convert_type3A = arith.bitcast %squeeze3A_632 : f32 to i32
        %shift_right_arithmetic3A = arith.constant 1 : i32
        %shift_right_arithmetic3A_633 = arith.shrsi %bitcast_convert_type3A, %shift_right_arithmetic3A : i32
        %sub3A_634 = arith.constant 1597463007 : i32
        %sub3A_635 = arith.subi %sub3A_634, %shift_right_arithmetic3A_633 : i32
        %bitcast_convert_type3A_636 = arith.bitcast %sub3A_635 : i32 to f32
        %broadcast_in_dim3A_637 = vector.broadcast %bitcast_convert_type3A_636 : f32 to vector<16xf32>
        %mul3A_638 = arith.constant 5.000000e-01 : f32
        %mul3A_639 = vector.broadcast %mul3A_638 : f32 to vector<16xf32>
        %mul3A_640 = arith.mulf %max3A_630, %mul3A_639 : vector<16xf32>
        %mul3A_641 = arith.mulf %mul3A_640, %broadcast_in_dim3A_637 : vector<16xf32>
        %mul3A_642 = arith.mulf %mul3A_641, %broadcast_in_dim3A_637 : vector<16xf32>
        %sub3A_643 = arith.constant 1.500000e+00 : f32
        %sub3A_644 = vector.broadcast %sub3A_643 : f32 to vector<16xf32>
        %sub3A_645 = arith.subf %sub3A_644, %mul3A_642 : vector<16xf32>
        %mul3A_646 = arith.mulf %broadcast_in_dim3A_637, %sub3A_645 : vector<16xf32>
        %mul3A_647 = arith.mulf %mul3A_640, %mul3A_646 : vector<16xf32>
        %mul3A_648 = arith.mulf %mul3A_647, %mul3A_646 : vector<16xf32>
        %sub3A_649 = arith.constant 1.500000e+00 : f32
        %sub3A_650 = vector.broadcast %sub3A_649 : f32 to vector<16xf32>
        %sub3A_651 = arith.subf %sub3A_650, %mul3A_648 : vector<16xf32>
        %mul3A_652 = arith.mulf %mul3A_646, %sub3A_651 : vector<16xf32>
        %mul3A_653 = arith.mulf %mul3A_640, %mul3A_652 : vector<16xf32>
        %mul3A_654 = arith.mulf %mul3A_653, %mul3A_652 : vector<16xf32>
        %sub3A_655 = arith.constant 1.500000e+00 : f32
        %sub3A_656 = vector.broadcast %sub3A_655 : f32 to vector<16xf32>
        %sub3A_657 = arith.subf %sub3A_656, %mul3A_654 : vector<16xf32>
        %mul3A_658 = arith.mulf %mul3A_652, %sub3A_657 : vector<16xf32>
        %mul3A_659 = arith.mulf %mul3A_640, %mul3A_658 : vector<16xf32>
        %mul3A_660 = arith.mulf %mul3A_659, %mul3A_658 : vector<16xf32>
        %sub3A_661 = arith.constant 1.500000e+00 : f32
        %sub3A_662 = vector.broadcast %sub3A_661 : f32 to vector<16xf32>
        %sub3A_663 = arith.subf %sub3A_662, %mul3A_660 : vector<16xf32>
        %mul3A_664 = arith.mulf %mul3A_658, %sub3A_663 : vector<16xf32>
        %mul3A_665 = arith.mulf %add3A_454, %mul3A_664 : vector<16xf32>
        %swap3A = arith.index_cast %squeeze3A : i32 to index
        %swap3A_666 = arith.constant 0 : index
        %swap3A_667 = tpu.vector_load %arg10[%swap3A, %swap3A_666] {strides = array<i32>} : memref<32x128xf32, #tpu.memory_space<vmem>>, vector<1x16xf32>,
        %swap3A_668 = vector.shape_cast %swap3A_667 : vector<1x16xf32> to vector<16xf32>
        %swap3A_669 = vector.shape_cast %mul3A_665 : vector<16xf32> to vector<1x16xf32>
        tpu.vector_store %arg10[%swap3A, %swap3A_666], %swap3A_669 {strides = array<i32>} : memref<32x128xf32, #tpu.memory_space<vmem>>, vector<1x16xf32>,
        %mul3A_670 = arith.mulf %add3A_471, %mul3A_664 : vector<16xf32>
        %swap3A_671 = arith.index_cast %squeeze3A : i32 to index
        %swap3A_672 = arith.constant 16 : index
        %swap3A_673 = tpu.vector_load %arg10[%swap3A_671, %swap3A_672] {strides = array<i32>} : memref<32x128xf32, #tpu.memory_space<vmem>>, vector<1x16xf32>,
        %swap3A_674 = vector.shape_cast %swap3A_673 : vector<1x16xf32> to vector<16xf32>
        %swap3A_675 = vector.shape_cast %mul3A_670 : vector<16xf32> to vector<1x16xf32>
        tpu.vector_store %arg10[%swap3A_671, %swap3A_672], %swap3A_675 {strides = array<i32>} : memref<32x128xf32, #tpu.memory_space<vmem>>, vector<1x16xf32>,
        %mul3A_676 = arith.mulf %add3A_488, %mul3A_664 : vector<16xf32>
        %swap3A_677 = arith.index_cast %squeeze3A : i32 to index
        %swap3A_678 = arith.constant 32 : index
        %swap3A_679 = tpu.vector_load %arg10[%swap3A_677, %swap3A_678] {strides = array<i32>} : memref<32x128xf32, #tpu.memory_space<vmem>>, vector<1x16xf32>,
        %swap3A_680 = vector.shape_cast %swap3A_679 : vector<1x16xf32> to vector<16xf32>
        %swap3A_681 = vector.shape_cast %mul3A_676 : vector<16xf32> to vector<1x16xf32>
        tpu.vector_store %arg10[%swap3A_677, %swap3A_678], %swap3A_681 {strides = array<i32>} : memref<32x128xf32, #tpu.memory_space<vmem>>, vector<1x16xf32>,
        %mul3A_682 = arith.mulf %add3A_505, %mul3A_664 : vector<16xf32>
        %swap3A_683 = arith.index_cast %squeeze3A : i32 to index
        %swap3A_684 = arith.constant 48 : index
        %swap3A_685 = tpu.vector_load %arg10[%swap3A_683, %swap3A_684] {strides = array<i32>} : memref<32x128xf32, #tpu.memory_space<vmem>>, vector<1x16xf32>,
        %swap3A_686 = vector.shape_cast %swap3A_685 : vector<1x16xf32> to vector<16xf32>
        %swap3A_687 = vector.shape_cast %mul3A_682 : vector<16xf32> to vector<1x16xf32>
        tpu.vector_store %arg10[%swap3A_683, %swap3A_684], %swap3A_687 {strides = array<i32>} : memref<32x128xf32, #tpu.memory_space<vmem>>, vector<1x16xf32>,
        %mul3A_688 = arith.mulf %add3A_522, %mul3A_664 : vector<16xf32>
        %swap3A_689 = arith.index_cast %squeeze3A : i32 to index
        %swap3A_690 = arith.constant 64 : index
        %swap3A_691 = tpu.vector_load %arg10[%swap3A_689, %swap3A_690] {strides = array<i32>} : memref<32x128xf32, #tpu.memory_space<vmem>>, vector<1x16xf32>,
        %swap3A_692 = vector.shape_cast %swap3A_691 : vector<1x16xf32> to vector<16xf32>
        %swap3A_693 = vector.shape_cast %mul3A_688 : vector<16xf32> to vector<1x16xf32>
        tpu.vector_store %arg10[%swap3A_689, %swap3A_690], %swap3A_693 {strides = array<i32>} : memref<32x128xf32, #tpu.memory_space<vmem>>, vector<1x16xf32>,
        %mul3A_694 = arith.mulf %add3A_539, %mul3A_664 : vector<16xf32>
        %swap3A_695 = arith.index_cast %squeeze3A : i32 to index
        %swap3A_696 = arith.constant 80 : index
        %swap3A_697 = tpu.vector_load %arg10[%swap3A_695, %swap3A_696] {strides = array<i32>} : memref<32x128xf32, #tpu.memory_space<vmem>>, vector<1x16xf32>,
        %swap3A_698 = vector.shape_cast %swap3A_697 : vector<1x16xf32> to vector<16xf32>
        %swap3A_699 = vector.shape_cast %mul3A_694 : vector<16xf32> to vector<1x16xf32>
        tpu.vector_store %arg10[%swap3A_695, %swap3A_696], %swap3A_699 {strides = array<i32>} : memref<32x128xf32, #tpu.memory_space<vmem>>, vector<1x16xf32>,
        %mul3A_700 = arith.mulf %add3A_556, %mul3A_664 : vector<16xf32>
        %swap3A_701 = arith.index_cast %squeeze3A : i32 to index
        %swap3A_702 = arith.constant 96 : index
        %swap3A_703 = tpu.vector_load %arg10[%swap3A_701, %swap3A_702] {strides = array<i32>} : memref<32x128xf32, #tpu.memory_space<vmem>>, vector<1x16xf32>,
        %swap3A_704 = vector.shape_cast %swap3A_703 : vector<1x16xf32> to vector<16xf32>
        %swap3A_705 = vector.shape_cast %mul3A_700 : vector<16xf32> to vector<1x16xf32>
        tpu.vector_store %arg10[%swap3A_701, %swap3A_702], %swap3A_705 {strides = array<i32>} : memref<32x128xf32, #tpu.memory_space<vmem>>, vector<1x16xf32>,
        %mul3A_706 = arith.mulf %add3A_573, %mul3A_664 : vector<16xf32>
        %swap3A_707 = arith.index_cast %squeeze3A : i32 to index
        %swap3A_708 = arith.constant 112 : index
        %swap3A_709 = tpu.vector_load %arg10[%swap3A_707, %swap3A_708] {strides = array<i32>} : memref<32x128xf32, #tpu.memory_space<vmem>>, vector<1x16xf32>,
        %swap3A_710 = vector.shape_cast %swap3A_709 : vector<1x16xf32> to vector<16xf32>
        %swap3A_711 = vector.shape_cast %mul3A_706 : vector<16xf32> to vector<1x16xf32>
        tpu.vector_store %arg10[%swap3A_707, %swap3A_708], %swap3A_711 {strides = array<i32>} : memref<32x128xf32, #tpu.memory_space<vmem>>, vector<1x16xf32>,
        %while3A_712 = arith.constant 0 : i32
        scf.yield %while3A_712 : i32
      }
      %while3A_429 = arith.constant 1 : i32
      %while3A_430 = scf.for %while3A_432 = %while3A_426 to %while3A_422 step %while3A_429 iter_args(%while3A_433 = %while3A_428) -> (i32)  : i32 {
        %add3A_434 = arith.addi %mul3A_231, %while3A_432 : i32
        %get3A_435 = arith.index_cast %add3A_434 : i32 to index
        %get3A_436 = tpu.vector_load %arg8[%get3A_435] {strides = array<i32>} : memref<4224xi32, #tpu.memory_space<vmem>>, vector<16xi32>,
        %get3A_437 = vector.shape_cast %get3A_436 : vector<16xi32> to vector<16xi32>
        %slice3A = vector.extract_strided_slice %get3A_437 {offsets = [0], sizes = [1], strides = [1]} : vector<16xi32> to vector<1xi32>
        %squeeze3A = vector.extract %slice3A[0] : i32 from vector<1xi32>
        %broadcast_in_dim3A_438 = arith.constant 0.000000e+00 : f32
        %broadcast_in_dim3A_439 = vector.broadcast %broadcast_in_dim3A_438 : f32 to vector<16xf32>
        %get3A_440 = arith.index_cast %while3A_432 : i32 to index
        %get3A_441 = arith.constant 0 : index
        %get3A_442 = tpu.vector_load %arg9[%get3A_440, %get3A_441] {strides = array<i32>} : memref<128x128xf32, #tpu.memory_space<vmem>>, vector<1x16xf32>,
        %get3A_443 = vector.shape_cast %get3A_442 : vector<1x16xf32> to vector<16xf32>
        %get3A_444 = arith.index_cast %squeeze3A : i32 to index
        %get3A_445 = arith.constant 0 : index
        %get3A_446 = tpu.vector_load %arg10[%get3A_444, %get3A_445] {strides = array<i32>} : memref<32x128xf32, #tpu.memory_space<vmem>>, vector<1x16xf32>,
        %get3A_447 = vector.shape_cast %get3A_446 : vector<1x16xf32> to vector<16xf32>
        %mul3A_448 = arith.constant 0.949999988 : f32
        %mul3A_449 = vector.broadcast %mul3A_448 : f32 to vector<16xf32>
        %mul3A_450 = arith.mulf %get3A_447, %mul3A_449 : vector<16xf32>
        %mul3A_451 = arith.constant 5.000000e-02 : f32
        %mul3A_452 = vector.broadcast %mul3A_451 : f32 to vector<16xf32>
        %mul3A_453 = arith.mulf %get3A_443, %mul3A_452 : vector<16xf32>
        %add3A_454 = arith.addf %mul3A_450, %mul3A_453 : vector<16xf32>
        %mul3A_455 = arith.mulf %add3A_454, %add3A_454 : vector<16xf32>
        %add3A_456 = arith.addf %broadcast_in_dim3A_439, %mul3A_455 : vector<16xf32>
        %get3A_457 = arith.index_cast %while3A_432 : i32 to index
        %get3A_458 = arith.constant 16 : index
        %get3A_459 = tpu.vector_load %arg9[%get3A_457, %get3A_458] {strides = array<i32>} : memref<128x128xf32, #tpu.memory_space<vmem>>, vector<1x16xf32>,
        %get3A_460 = vector.shape_cast %get3A_459 : vector<1x16xf32> to vector<16xf32>
        %get3A_461 = arith.index_cast %squeeze3A : i32 to index
        %get3A_462 = arith.constant 16 : index
        %get3A_463 = tpu.vector_load %arg10[%get3A_461, %get3A_462] {strides = array<i32>} : memref<32x128xf32, #tpu.memory_space<vmem>>, vector<1x16xf32>,
        %get3A_464 = vector.shape_cast %get3A_463 : vector<1x16xf32> to vector<16xf32>
        %mul3A_465 = arith.constant 0.949999988 : f32
        %mul3A_466 = vector.broadcast %mul3A_465 : f32 to vector<16xf32>
        %mul3A_467 = arith.mulf %get3A_464, %mul3A_466 : vector<16xf32>
        %mul3A_468 = arith.constant 5.000000e-02 : f32
        %mul3A_469 = vector.broadcast %mul3A_468 : f32 to vector<16xf32>
        %mul3A_470 = arith.mulf %get3A_460, %mul3A_469 : vector<16xf32>
        %add3A_471 = arith.addf %mul3A_467, %mul3A_470 : vector<16xf32>
        %mul3A_472 = arith.mulf %add3A_471, %add3A_471 : vector<16xf32>
        %add3A_473 = arith.addf %add3A_456, %mul3A_472 : vector<16xf32>
        %get3A_474 = arith.index_cast %while3A_432 : i32 to index
        %get3A_475 = arith.constant 32 : index
        %get3A_476 = tpu.vector_load %arg9[%get3A_474, %get3A_475] {strides = array<i32>} : memref<128x128xf32, #tpu.memory_space<vmem>>, vector<1x16xf32>,
        %get3A_477 = vector.shape_cast %get3A_476 : vector<1x16xf32> to vector<16xf32>
        %get3A_478 = arith.index_cast %squeeze3A : i32 to index
        %get3A_479 = arith.constant 32 : index
        %get3A_480 = tpu.vector_load %arg10[%get3A_478, %get3A_479] {strides = array<i32>} : memref<32x128xf32, #tpu.memory_space<vmem>>, vector<1x16xf32>,
        %get3A_481 = vector.shape_cast %get3A_480 : vector<1x16xf32> to vector<16xf32>
        %mul3A_482 = arith.constant 0.949999988 : f32
        %mul3A_483 = vector.broadcast %mul3A_482 : f32 to vector<16xf32>
        %mul3A_484 = arith.mulf %get3A_481, %mul3A_483 : vector<16xf32>
        %mul3A_485 = arith.constant 5.000000e-02 : f32
        %mul3A_486 = vector.broadcast %mul3A_485 : f32 to vector<16xf32>
        %mul3A_487 = arith.mulf %get3A_477, %mul3A_486 : vector<16xf32>
        %add3A_488 = arith.addf %mul3A_484, %mul3A_487 : vector<16xf32>
        %mul3A_489 = arith.mulf %add3A_488, %add3A_488 : vector<16xf32>
        %add3A_490 = arith.addf %add3A_473, %mul3A_489 : vector<16xf32>
        %get3A_491 = arith.index_cast %while3A_432 : i32 to index
        %get3A_492 = arith.constant 48 : index
        %get3A_493 = tpu.vector_load %arg9[%get3A_491, %get3A_492] {strides = array<i32>} : memref<128x128xf32, #tpu.memory_space<vmem>>, vector<1x16xf32>,
        %get3A_494 = vector.shape_cast %get3A_493 : vector<1x16xf32> to vector<16xf32>
        %get3A_495 = arith.index_cast %squeeze3A : i32 to index
        %get3A_496 = arith.constant 48 : index
        %get3A_497 = tpu.vector_load %arg10[%get3A_495, %get3A_496] {strides = array<i32>} : memref<32x128xf32, #tpu.memory_space<vmem>>, vector<1x16xf32>,
        %get3A_498 = vector.shape_cast %get3A_497 : vector<1x16xf32> to vector<16xf32>
        %mul3A_499 = arith.constant 0.949999988 : f32
        %mul3A_500 = vector.broadcast %mul3A_499 : f32 to vector<16xf32>
        %mul3A_501 = arith.mulf %get3A_498, %mul3A_500 : vector<16xf32>
        %mul3A_502 = arith.constant 5.000000e-02 : f32
        %mul3A_503 = vector.broadcast %mul3A_502 : f32 to vector<16xf32>
        %mul3A_504 = arith.mulf %get3A_494, %mul3A_503 : vector<16xf32>
        %add3A_505 = arith.addf %mul3A_501, %mul3A_504 : vector<16xf32>
        %mul3A_506 = arith.mulf %add3A_505, %add3A_505 : vector<16xf32>
        %add3A_507 = arith.addf %add3A_490, %mul3A_506 : vector<16xf32>
        %get3A_508 = arith.index_cast %while3A_432 : i32 to index
        %get3A_509 = arith.constant 64 : index
        %get3A_510 = tpu.vector_load %arg9[%get3A_508, %get3A_509] {strides = array<i32>} : memref<128x128xf32, #tpu.memory_space<vmem>>, vector<1x16xf32>,
        %get3A_511 = vector.shape_cast %get3A_510 : vector<1x16xf32> to vector<16xf32>
        %get3A_512 = arith.index_cast %squeeze3A : i32 to index
        %get3A_513 = arith.constant 64 : index
        %get3A_514 = tpu.vector_load %arg10[%get3A_512, %get3A_513] {strides = array<i32>} : memref<32x128xf32, #tpu.memory_space<vmem>>, vector<1x16xf32>,
        %get3A_515 = vector.shape_cast %get3A_514 : vector<1x16xf32> to vector<16xf32>
        %mul3A_516 = arith.constant 0.949999988 : f32
        %mul3A_517 = vector.broadcast %mul3A_516 : f32 to vector<16xf32>
        %mul3A_518 = arith.mulf %get3A_515, %mul3A_517 : vector<16xf32>
        %mul3A_519 = arith.constant 5.000000e-02 : f32
        %mul3A_520 = vector.broadcast %mul3A_519 : f32 to vector<16xf32>
        %mul3A_521 = arith.mulf %get3A_511, %mul3A_520 : vector<16xf32>
        %add3A_522 = arith.addf %mul3A_518, %mul3A_521 : vector<16xf32>
        %mul3A_523 = arith.mulf %add3A_522, %add3A_522 : vector<16xf32>
        %add3A_524 = arith.addf %add3A_507, %mul3A_523 : vector<16xf32>
        %get3A_525 = arith.index_cast %while3A_432 : i32 to index
        %get3A_526 = arith.constant 80 : index
        %get3A_527 = tpu.vector_load %arg9[%get3A_525, %get3A_526] {strides = array<i32>} : memref<128x128xf32, #tpu.memory_space<vmem>>, vector<1x16xf32>,
        %get3A_528 = vector.shape_cast %get3A_527 : vector<1x16xf32> to vector<16xf32>
        %get3A_529 = arith.index_cast %squeeze3A : i32 to index
        %get3A_530 = arith.constant 80 : index
        %get3A_531 = tpu.vector_load %arg10[%get3A_529, %get3A_530] {strides = array<i32>} : memref<32x128xf32, #tpu.memory_space<vmem>>, vector<1x16xf32>,
        %get3A_532 = vector.shape_cast %get3A_531 : vector<1x16xf32> to vector<16xf32>
        %mul3A_533 = arith.constant 0.949999988 : f32
        %mul3A_534 = vector.broadcast %mul3A_533 : f32 to vector<16xf32>
        %mul3A_535 = arith.mulf %get3A_532, %mul3A_534 : vector<16xf32>
        %mul3A_536 = arith.constant 5.000000e-02 : f32
        %mul3A_537 = vector.broadcast %mul3A_536 : f32 to vector<16xf32>
        %mul3A_538 = arith.mulf %get3A_528, %mul3A_537 : vector<16xf32>
        %add3A_539 = arith.addf %mul3A_535, %mul3A_538 : vector<16xf32>
        %mul3A_540 = arith.mulf %add3A_539, %add3A_539 : vector<16xf32>
        %add3A_541 = arith.addf %add3A_524, %mul3A_540 : vector<16xf32>
        %get3A_542 = arith.index_cast %while3A_432 : i32 to index
        %get3A_543 = arith.constant 96 : index
        %get3A_544 = tpu.vector_load %arg9[%get3A_542, %get3A_543] {strides = array<i32>} : memref<128x128xf32, #tpu.memory_space<vmem>>, vector<1x16xf32>,
        %get3A_545 = vector.shape_cast %get3A_544 : vector<1x16xf32> to vector<16xf32>
        %get3A_546 = arith.index_cast %squeeze3A : i32 to index
        %get3A_547 = arith.constant 96 : index
        %get3A_548 = tpu.vector_load %arg10[%get3A_546, %get3A_547] {strides = array<i32>} : memref<32x128xf32, #tpu.memory_space<vmem>>, vector<1x16xf32>,
        %get3A_549 = vector.shape_cast %get3A_548 : vector<1x16xf32> to vector<16xf32>
        %mul3A_550 = arith.constant 0.949999988 : f32
        %mul3A_551 = vector.broadcast %mul3A_550 : f32 to vector<16xf32>
        %mul3A_552 = arith.mulf %get3A_549, %mul3A_551 : vector<16xf32>
        %mul3A_553 = arith.constant 5.000000e-02 : f32
        %mul3A_554 = vector.broadcast %mul3A_553 : f32 to vector<16xf32>
        %mul3A_555 = arith.mulf %get3A_545, %mul3A_554 : vector<16xf32>
        %add3A_556 = arith.addf %mul3A_552, %mul3A_555 : vector<16xf32>
        %mul3A_557 = arith.mulf %add3A_556, %add3A_556 : vector<16xf32>
        %add3A_558 = arith.addf %add3A_541, %mul3A_557 : vector<16xf32>
        %get3A_559 = arith.index_cast %while3A_432 : i32 to index
        %get3A_560 = arith.constant 112 : index
        %get3A_561 = tpu.vector_load %arg9[%get3A_559, %get3A_560] {strides = array<i32>} : memref<128x128xf32, #tpu.memory_space<vmem>>, vector<1x16xf32>,
        %get3A_562 = vector.shape_cast %get3A_561 : vector<1x16xf32> to vector<16xf32>
        %get3A_563 = arith.index_cast %squeeze3A : i32 to index
        %get3A_564 = arith.constant 112 : index
        %get3A_565 = tpu.vector_load %arg10[%get3A_563, %get3A_564] {strides = array<i32>} : memref<32x128xf32, #tpu.memory_space<vmem>>, vector<1x16xf32>,
        %get3A_566 = vector.shape_cast %get3A_565 : vector<1x16xf32> to vector<16xf32>
        %mul3A_567 = arith.constant 0.949999988 : f32
        %mul3A_568 = vector.broadcast %mul3A_567 : f32 to vector<16xf32>
        %mul3A_569 = arith.mulf %get3A_566, %mul3A_568 : vector<16xf32>
        %mul3A_570 = arith.constant 5.000000e-02 : f32
        %mul3A_571 = vector.broadcast %mul3A_570 : f32 to vector<16xf32>
        %mul3A_572 = arith.mulf %get3A_562, %mul3A_571 : vector<16xf32>
        %add3A_573 = arith.addf %mul3A_569, %mul3A_572 : vector<16xf32>
        %mul3A_574 = arith.mulf %add3A_573, %add3A_573 : vector<16xf32>
        %add3A_575 = arith.addf %add3A_558, %mul3A_574 : vector<16xf32>
        %xor3A = arith.constant 8 : i32
        %xor3A_576 = vector.broadcast %xor3A : i32 to vector<16xi32>
        %xor3A_577 = arith.xori %iota3A, %xor3A_576 : vector<16xi32>
        %lt3A = arith.constant 0 : i32
        %lt3A_578 = vector.broadcast %lt3A : i32 to vector<16xi32>
        %lt3A_579 = arith.cmpi slt, %xor3A_577, %lt3A_578 : vector<16xi32>
        %add3A_580 = arith.constant 16 : i32
        %add3A_581 = vector.broadcast %add3A_580 : i32 to vector<16xi32>
        %add3A_582 = arith.addi %xor3A_577, %add3A_581 : vector<16xi32>
        %select_n3A_583 = arith.select %lt3A_579, %add3A_582, %xor3A_577 : vector<16xi1>, vector<16xi32>
        %broadcast_in_dim3A_584 = vector.shape_cast %select_n3A_583 : vector<16xi32> to vector<16x1xi32>
        %gather3A = vector.shape_cast %broadcast_in_dim3A_584 : vector<16x1xi32> to vector<16xi32>
        %gather3A_585 = tpu.dynamic_gather %add3A_575[%gather3A] in [0] : vector<16xf32>, vector<16xi32> -> vector<16xf32>
        %add3A_586 = arith.addf %add3A_575, %gather3A_585 : vector<16xf32>
        %xor3A_587 = arith.constant 4 : i32
        %xor3A_588 = vector.broadcast %xor3A_587 : i32 to vector<16xi32>
        %xor3A_589 = arith.xori %iota3A, %xor3A_588 : vector<16xi32>
        %lt3A_590 = arith.constant 0 : i32
        %lt3A_591 = vector.broadcast %lt3A_590 : i32 to vector<16xi32>
        %lt3A_592 = arith.cmpi slt, %xor3A_589, %lt3A_591 : vector<16xi32>
        %add3A_593 = arith.constant 16 : i32
        %add3A_594 = vector.broadcast %add3A_593 : i32 to vector<16xi32>
        %add3A_595 = arith.addi %xor3A_589, %add3A_594 : vector<16xi32>
        %select_n3A_596 = arith.select %lt3A_592, %add3A_595, %xor3A_589 : vector<16xi1>, vector<16xi32>
        %broadcast_in_dim3A_597 = vector.shape_cast %select_n3A_596 : vector<16xi32> to vector<16x1xi32>
        %gather3A_598 = vector.shape_cast %broadcast_in_dim3A_597 : vector<16x1xi32> to vector<16xi32>
        %gather3A_599 = tpu.dynamic_gather %add3A_586[%gather3A_598] in [0] : vector<16xf32>, vector<16xi32> -> vector<16xf32>
        %add3A_600 = arith.addf %add3A_586, %gather3A_599 : vector<16xf32>
        %xor3A_601 = arith.constant 2 : i32
        %xor3A_602 = vector.broadcast %xor3A_601 : i32 to vector<16xi32>
        %xor3A_603 = arith.xori %iota3A, %xor3A_602 : vector<16xi32>
        %lt3A_604 = arith.constant 0 : i32
        %lt3A_605 = vector.broadcast %lt3A_604 : i32 to vector<16xi32>
        %lt3A_606 = arith.cmpi slt, %xor3A_603, %lt3A_605 : vector<16xi32>
        %add3A_607 = arith.constant 16 : i32
        %add3A_608 = vector.broadcast %add3A_607 : i32 to vector<16xi32>
        %add3A_609 = arith.addi %xor3A_603, %add3A_608 : vector<16xi32>
        %select_n3A_610 = arith.select %lt3A_606, %add3A_609, %xor3A_603 : vector<16xi1>, vector<16xi32>
        %broadcast_in_dim3A_611 = vector.shape_cast %select_n3A_610 : vector<16xi32> to vector<16x1xi32>
        %gather3A_612 = vector.shape_cast %broadcast_in_dim3A_611 : vector<16x1xi32> to vector<16xi32>
        %gather3A_613 = tpu.dynamic_gather %add3A_600[%gather3A_612] in [0] : vector<16xf32>, vector<16xi32> -> vector<16xf32>
        %add3A_614 = arith.addf %add3A_600, %gather3A_613 : vector<16xf32>
        %xor3A_615 = arith.constant 1 : i32
        %xor3A_616 = vector.broadcast %xor3A_615 : i32 to vector<16xi32>
        %xor3A_617 = arith.xori %iota3A, %xor3A_616 : vector<16xi32>
        %lt3A_618 = arith.constant 0 : i32
        %lt3A_619 = vector.broadcast %lt3A_618 : i32 to vector<16xi32>
        %lt3A_620 = arith.cmpi slt, %xor3A_617, %lt3A_619 : vector<16xi32>
        %add3A_621 = arith.constant 16 : i32
        %add3A_622 = vector.broadcast %add3A_621 : i32 to vector<16xi32>
        %add3A_623 = arith.addi %xor3A_617, %add3A_622 : vector<16xi32>
        %select_n3A_624 = arith.select %lt3A_620, %add3A_623, %xor3A_617 : vector<16xi1>, vector<16xi32>
        %broadcast_in_dim3A_625 = vector.shape_cast %select_n3A_624 : vector<16xi32> to vector<16x1xi32>
        %gather3A_626 = vector.shape_cast %broadcast_in_dim3A_625 : vector<16x1xi32> to vector<16xi32>
        %gather3A_627 = tpu.dynamic_gather %add3A_614[%gather3A_626] in [0] : vector<16xf32>, vector<16xi32> -> vector<16xf32>
        %add3A_628 = arith.addf %add3A_614, %gather3A_627 : vector<16xf32>
        %max3A = arith.constant 1.000000e-24 : f32
        %max3A_629 = vector.broadcast %max3A : f32 to vector<16xf32>
        %max3A_630 = arith.maximumf %add3A_628, %max3A_629 : vector<16xf32>
        %slice3A_631 = vector.extract_strided_slice %max3A_630 {offsets = [0], sizes = [1], strides = [1]} : vector<16xf32> to vector<1xf32>
        %squeeze3A_632 = vector.extract %slice3A_631[0] : f32 from vector<1xf32>
        %bitcast_convert_type3A = arith.bitcast %squeeze3A_632 : f32 to i32
        %shift_right_arithmetic3A = arith.constant 1 : i32
        %shift_right_arithmetic3A_633 = arith.shrsi %bitcast_convert_type3A, %shift_right_arithmetic3A : i32
        %sub3A_634 = arith.constant 1597463007 : i32
        %sub3A_635 = arith.subi %sub3A_634, %shift_right_arithmetic3A_633 : i32
        %bitcast_convert_type3A_636 = arith.bitcast %sub3A_635 : i32 to f32
        %broadcast_in_dim3A_637 = vector.broadcast %bitcast_convert_type3A_636 : f32 to vector<16xf32>
        %mul3A_638 = arith.constant 5.000000e-01 : f32
        %mul3A_639 = vector.broadcast %mul3A_638 : f32 to vector<16xf32>
        %mul3A_640 = arith.mulf %max3A_630, %mul3A_639 : vector<16xf32>
        %mul3A_641 = arith.mulf %mul3A_640, %broadcast_in_dim3A_637 : vector<16xf32>
        %mul3A_642 = arith.mulf %mul3A_641, %broadcast_in_dim3A_637 : vector<16xf32>
        %sub3A_643 = arith.constant 1.500000e+00 : f32
        %sub3A_644 = vector.broadcast %sub3A_643 : f32 to vector<16xf32>
        %sub3A_645 = arith.subf %sub3A_644, %mul3A_642 : vector<16xf32>
        %mul3A_646 = arith.mulf %broadcast_in_dim3A_637, %sub3A_645 : vector<16xf32>
        %mul3A_647 = arith.mulf %mul3A_640, %mul3A_646 : vector<16xf32>
        %mul3A_648 = arith.mulf %mul3A_647, %mul3A_646 : vector<16xf32>
        %sub3A_649 = arith.constant 1.500000e+00 : f32
        %sub3A_650 = vector.broadcast %sub3A_649 : f32 to vector<16xf32>
        %sub3A_651 = arith.subf %sub3A_650, %mul3A_648 : vector<16xf32>
        %mul3A_652 = arith.mulf %mul3A_646, %sub3A_651 : vector<16xf32>
        %mul3A_653 = arith.mulf %mul3A_640, %mul3A_652 : vector<16xf32>
        %mul3A_654 = arith.mulf %mul3A_653, %mul3A_652 : vector<16xf32>
        %sub3A_655 = arith.constant 1.500000e+00 : f32
        %sub3A_656 = vector.broadcast %sub3A_655 : f32 to vector<16xf32>
        %sub3A_657 = arith.subf %sub3A_656, %mul3A_654 : vector<16xf32>
        %mul3A_658 = arith.mulf %mul3A_652, %sub3A_657 : vector<16xf32>
        %mul3A_659 = arith.mulf %mul3A_640, %mul3A_658 : vector<16xf32>
        %mul3A_660 = arith.mulf %mul3A_659, %mul3A_658 : vector<16xf32>
        %sub3A_661 = arith.constant 1.500000e+00 : f32
        %sub3A_662 = vector.broadcast %sub3A_661 : f32 to vector<16xf32>
        %sub3A_663 = arith.subf %sub3A_662, %mul3A_660 : vector<16xf32>
        %mul3A_664 = arith.mulf %mul3A_658, %sub3A_663 : vector<16xf32>
        %mul3A_665 = arith.mulf %add3A_454, %mul3A_664 : vector<16xf32>
        %swap3A = arith.index_cast %squeeze3A : i32 to index
        %swap3A_666 = arith.constant 0 : index
        %swap3A_667 = tpu.vector_load %arg10[%swap3A, %swap3A_666] {strides = array<i32>} : memref<32x128xf32, #tpu.memory_space<vmem>>, vector<1x16xf32>,
        %swap3A_668 = vector.shape_cast %swap3A_667 : vector<1x16xf32> to vector<16xf32>
        %swap3A_669 = vector.shape_cast %mul3A_665 : vector<16xf32> to vector<1x16xf32>
        tpu.vector_store %arg10[%swap3A, %swap3A_666], %swap3A_669 {strides = array<i32>} : memref<32x128xf32, #tpu.memory_space<vmem>>, vector<1x16xf32>,
        %mul3A_670 = arith.mulf %add3A_471, %mul3A_664 : vector<16xf32>
        %swap3A_671 = arith.index_cast %squeeze3A : i32 to index
        %swap3A_672 = arith.constant 16 : index
        %swap3A_673 = tpu.vector_load %arg10[%swap3A_671, %swap3A_672] {strides = array<i32>} : memref<32x128xf32, #tpu.memory_space<vmem>>, vector<1x16xf32>,
        %swap3A_674 = vector.shape_cast %swap3A_673 : vector<1x16xf32> to vector<16xf32>
        %swap3A_675 = vector.shape_cast %mul3A_670 : vector<16xf32> to vector<1x16xf32>
        tpu.vector_store %arg10[%swap3A_671, %swap3A_672], %swap3A_675 {strides = array<i32>} : memref<32x128xf32, #tpu.memory_space<vmem>>, vector<1x16xf32>,
        %mul3A_676 = arith.mulf %add3A_488, %mul3A_664 : vector<16xf32>
        %swap3A_677 = arith.index_cast %squeeze3A : i32 to index
        %swap3A_678 = arith.constant 32 : index
        %swap3A_679 = tpu.vector_load %arg10[%swap3A_677, %swap3A_678] {strides = array<i32>} : memref<32x128xf32, #tpu.memory_space<vmem>>, vector<1x16xf32>,
        %swap3A_680 = vector.shape_cast %swap3A_679 : vector<1x16xf32> to vector<16xf32>
        %swap3A_681 = vector.shape_cast %mul3A_676 : vector<16xf32> to vector<1x16xf32>
        tpu.vector_store %arg10[%swap3A_677, %swap3A_678], %swap3A_681 {strides = array<i32>} : memref<32x128xf32, #tpu.memory_space<vmem>>, vector<1x16xf32>,
        %mul3A_682 = arith.mulf %add3A_505, %mul3A_664 : vector<16xf32>
        %swap3A_683 = arith.index_cast %squeeze3A : i32 to index
        %swap3A_684 = arith.constant 48 : index
        %swap3A_685 = tpu.vector_load %arg10[%swap3A_683, %swap3A_684] {strides = array<i32>} : memref<32x128xf32, #tpu.memory_space<vmem>>, vector<1x16xf32>,
        %swap3A_686 = vector.shape_cast %swap3A_685 : vector<1x16xf32> to vector<16xf32>
        %swap3A_687 = vector.shape_cast %mul3A_682 : vector<16xf32> to vector<1x16xf32>
        tpu.vector_store %arg10[%swap3A_683, %swap3A_684], %swap3A_687 {strides = array<i32>} : memref<32x128xf32, #tpu.memory_space<vmem>>, vector<1x16xf32>,
        %mul3A_688 = arith.mulf %add3A_522, %mul3A_664 : vector<16xf32>
        %swap3A_689 = arith.index_cast %squeeze3A : i32 to index
        %swap3A_690 = arith.constant 64 : index
        %swap3A_691 = tpu.vector_load %arg10[%swap3A_689, %swap3A_690] {strides = array<i32>} : memref<32x128xf32, #tpu.memory_space<vmem>>, vector<1x16xf32>,
        %swap3A_692 = vector.shape_cast %swap3A_691 : vector<1x16xf32> to vector<16xf32>
        %swap3A_693 = vector.shape_cast %mul3A_688 : vector<16xf32> to vector<1x16xf32>
        tpu.vector_store %arg10[%swap3A_689, %swap3A_690], %swap3A_693 {strides = array<i32>} : memref<32x128xf32, #tpu.memory_space<vmem>>, vector<1x16xf32>,
        %mul3A_694 = arith.mulf %add3A_539, %mul3A_664 : vector<16xf32>
        %swap3A_695 = arith.index_cast %squeeze3A : i32 to index
        %swap3A_696 = arith.constant 80 : index
        %swap3A_697 = tpu.vector_load %arg10[%swap3A_695, %swap3A_696] {strides = array<i32>} : memref<32x128xf32, #tpu.memory_space<vmem>>, vector<1x16xf32>,
        %swap3A_698 = vector.shape_cast %swap3A_697 : vector<1x16xf32> to vector<16xf32>
        %swap3A_699 = vector.shape_cast %mul3A_694 : vector<16xf32> to vector<1x16xf32>
        tpu.vector_store %arg10[%swap3A_695, %swap3A_696], %swap3A_699 {strides = array<i32>} : memref<32x128xf32, #tpu.memory_space<vmem>>, vector<1x16xf32>,
        %mul3A_700 = arith.mulf %add3A_556, %mul3A_664 : vector<16xf32>
        %swap3A_701 = arith.index_cast %squeeze3A : i32 to index
        %swap3A_702 = arith.constant 96 : index
        %swap3A_703 = tpu.vector_load %arg10[%swap3A_701, %swap3A_702] {strides = array<i32>} : memref<32x128xf32, #tpu.memory_space<vmem>>, vector<1x16xf32>,
        %swap3A_704 = vector.shape_cast %swap3A_703 : vector<1x16xf32> to vector<16xf32>
        %swap3A_705 = vector.shape_cast %mul3A_700 : vector<16xf32> to vector<1x16xf32>
        tpu.vector_store %arg10[%swap3A_701, %swap3A_702], %swap3A_705 {strides = array<i32>} : memref<32x128xf32, #tpu.memory_space<vmem>>, vector<1x16xf32>,
        %mul3A_706 = arith.mulf %add3A_573, %mul3A_664 : vector<16xf32>
        %swap3A_707 = arith.index_cast %squeeze3A : i32 to index
        %swap3A_708 = arith.constant 112 : index
        %swap3A_709 = tpu.vector_load %arg10[%swap3A_707, %swap3A_708] {strides = array<i32>} : memref<32x128xf32, #tpu.memory_space<vmem>>, vector<1x16xf32>,
        %swap3A_710 = vector.shape_cast %swap3A_709 : vector<1x16xf32> to vector<16xf32>
        %swap3A_711 = vector.shape_cast %mul3A_706 : vector<16xf32> to vector<1x16xf32>
        tpu.vector_store %arg10[%swap3A_707, %swap3A_708], %swap3A_711 {strides = array<i32>} : memref<32x128xf32, #tpu.memory_space<vmem>>, vector<1x16xf32>,
        %while3A_712 = arith.constant 0 : i32
        scf.yield %while3A_712 : i32
      }
      %while3A_431 = arith.constant 0 : i32
      scf.yield %while3A_431 : i32
    }
    "tpu.region"() ({
      %run_scoped3A = tpu.sem_alloc : memref<!tpu.dma_semaphore, #tpu.memory_space<semaphore_mem>>
      %dma_start3A_228 = arith.constant 0 : i32
      %dma_start3A_229 = tpu.memref_slice %arg5[%mul3A_2, %dma_start3A_228] : memref<1024x128xf32, #tpu.memory_space<hbm>> -> memref<32x128xf32, #tpu.memory_space<hbm>>
      %dma_start3A_230 = arith.constant 0 : i32
      %dma_start3A_231 = tpu.memref_slice %arg5[%mul3A_2, %dma_start3A_230] : memref<1024x128xf32, #tpu.memory_space<hbm>> -> memref<32x128xf32, #tpu.memory_space<hbm>>
      tpu.enqueue_dma source(%arg10 : memref<32x128xf32, #tpu.memory_space<vmem>>) target(%dma_start3A_231 : memref<32x128xf32, #tpu.memory_space<hbm>>) target_semaphore(%run_scoped3A : memref<!tpu.dma_semaphore, #tpu.memory_space<semaphore_mem>>)
      %dma_wait3A_232 = arith.constant 0 : i32
      %dma_wait3A_233 = tpu.memref_slice %arg5[%mul3A_2, %dma_wait3A_232] : memref<1024x128xf32, #tpu.memory_space<hbm>> -> memref<32x128xf32, #tpu.memory_space<hbm>>
      %dma_wait3A_234 = arith.constant 0 : i32
      %dma_wait3A_235 = tpu.memref_slice %arg5[%mul3A_2, %dma_wait3A_234] : memref<1024x128xf32, #tpu.memory_space<hbm>> -> memref<32x128xf32, #tpu.memory_space<hbm>>
      tpu.wait_dma2 semaphore(%run_scoped3A : memref<!tpu.dma_semaphore, #tpu.memory_space<semaphore_mem>>) src(%arg10 : memref<32x128xf32, #tpu.memory_space<vmem>>) dst(%dma_wait3A_235 : memref<32x128xf32, #tpu.memory_space<hbm>>)
      tpu.yield
    }) : () -> ()
    return
  }
}

module attributes {stable_mosaic.version = 14 : i64} {
  func.func @_tc_loss_body(%arg0: memref<1024x128xf32, #tpu.memory_space<vmem>>, %arg1: memref<1x1xf32, #tpu.memory_space<smem>>) attributes {dimension_semantics = [], scalar_prefetch = 0 : i64, scratch_operands = 0 : i64, tpu.core_type = #tpu.core_type<tc>} {
    %get3A = arith.constant 0 : index
    %get3A_0 = arith.constant 0 : index
    %get3A_1 = vector.load %arg0[%get3A, %get3A_0] : memref<1024x128xf32, #tpu.memory_space<vmem>>, vector<1024x128xf32>
    %dot_general3A = arith.constant dense<0.000000e+00> : vector<1024x1024xf32>
    %dot_general3A_2 = tpu.matmul %get3A_1, %get3A_1, %dot_general3A {dimension_numbers = #tpu.dot_dimension_numbers<[1], [1], [0], [0], [0, 0, 1, 0], [], []>, precision = #tpu.contract_precision<fp32>, transpose_lhs_hint = false} : vector<1024x128xf32>, vector<1024x128xf32>, vector<1024x1024xf32> -> vector<1024x1024xf32>
    %mul3A = arith.constant 1.000000e+01 : f32
    %mul3A_3 = vector.broadcast %mul3A : f32 to vector<1024x1024xf32>
    %mul3A_4 = arith.mulf %dot_general3A_2, %mul3A_3 : vector<1024x1024xf32>
    %exp3A = math.exp %mul3A_4 : vector<1024x1024xf32>
    %mul3A_5 = arith.mulf %get3A_1, %get3A_1 : vector<1024x128xf32>
    %reduce_sum3A = arith.constant dense<0.000000e+00> : vector<1024xf32>
    %reduce_sum3A_6 = vector.multi_reduction <add>, %mul3A_5, %reduce_sum3A [1] : vector<1024x128xf32> to vector<1024xf32>
    %reduce_sum3A_7 = arith.constant dense<0.000000e+00> : vector<1024xf32>
    %reduce_sum3A_8 = vector.multi_reduction <add>, %exp3A, %reduce_sum3A_7 [1] : vector<1024x1024xf32> to vector<1024xf32>
    %mul3A_9 = arith.constant 1.000000e+01 : f32
    %mul3A_10 = vector.broadcast %mul3A_9 : f32 to vector<1024xf32>
    %mul3A_11 = arith.mulf %mul3A_10, %reduce_sum3A_6 : vector<1024xf32>
    %exp3A_12 = math.exp %mul3A_11 : vector<1024xf32>
    %sub3A = arith.subf %reduce_sum3A_8, %exp3A_12 : vector<1024xf32>
    %div3A = arith.constant 1.023000e+03 : f32
    %div3A_13 = vector.broadcast %div3A : f32 to vector<1024xf32>
    %div3A_14 = arith.divf %sub3A, %div3A_13 : vector<1024xf32>
    %log3A = math.log %div3A_14 : vector<1024xf32>
    %ne3A = arith.cmpf one, %log3A, %log3A : vector<1024xf32>
    %not3A = arith.constant dense<true> : vector<1024xi1>
    %not3A_15 = arith.xori %ne3A, %not3A : vector<1024xi1>
    %convert_element_type3A = arith.extui %not3A_15 : vector<1024xi1> to vector<1024xi32>
    %convert_element_type3A_16 = arith.sitofp %convert_element_type3A : vector<1024xi32> to vector<1024xf32>
    %reduce_sum3A_17 = vector.shape_cast %convert_element_type3A_16 : vector<1024xf32> to vector<1x1024xf32>
    %reduce_sum3A_18 = arith.constant dense<0.000000e+00> : vector<1xf32>
    %reduce_sum3A_19 = vector.multi_reduction <add>, %reduce_sum3A_17, %reduce_sum3A_18 [1] : vector<1x1024xf32> to vector<1xf32>
    %reduce_sum3A_20 = vector.shape_cast %reduce_sum3A_19 : vector<1xf32> to vector<1x1xf32>
    %reduce_sum3A_21 = vector.extract %reduce_sum3A_20[0, 0] : f32 from vector<1x1xf32>
    %max3A = arith.constant 1.000000e+00 : f32
    %max3A_22 = arith.maximumf %reduce_sum3A_21, %max3A : f32
    %jit3A = arith.constant 0.000000e+00 : f32
    %broadcast_in_dim3A = vector.broadcast %jit3A : f32 to vector<1024xf32>
    %select_n3A = arith.select %not3A_15, %log3A, %broadcast_in_dim3A : vector<1024xi1>, vector<1024xf32>
    %reduce_sum3A_23 = vector.shape_cast %select_n3A : vector<1024xf32> to vector<1x1024xf32>
    %reduce_sum3A_24 = arith.constant dense<0.000000e+00> : vector<1xf32>
    %reduce_sum3A_25 = vector.multi_reduction <add>, %reduce_sum3A_23, %reduce_sum3A_24 [1] : vector<1x1024xf32> to vector<1xf32>
    %reduce_sum3A_26 = vector.shape_cast %reduce_sum3A_25 : vector<1xf32> to vector<1x1xf32>
    %reduce_sum3A_27 = vector.extract %reduce_sum3A_26[0, 0] : f32 from vector<1x1xf32>
    %div3A_28 = arith.divf %reduce_sum3A_27, %max3A_22 : f32
    %swap3A = arith.constant 0 : index
    %swap3A_29 = arith.constant 0 : index
    %swap3A_30 = memref.load %arg1[%swap3A, %swap3A_29] : memref<1x1xf32, #tpu.memory_space<smem>>
    memref.store %div3A_28, %arg1[%swap3A, %swap3A_29] : memref<1x1xf32, #tpu.memory_space<smem>>
    return
  }
}

</mosaic_0001>

<sc_bundles>
// kernel: kernel.4.cloned.1.call-start
scs
__scs_entry_jumppad:
0x0: {  	(pc) =	sbr.rel $0x88, $3  }
0x1: {  	(tag) =	ssettag $0x0;
	lr =	simm.s32 $0x1  }
0x2: {  	[smem:$0x3F9E] =	sst lr;
	_ =	strace $0xD0000000  }
0x3: {  	_ = 	snop  }
0x4: {  	_ = 	snop  }
0x5: {  	_ = 	snop  }
0x6: {  	_ = 	snop  }
0x7: {  	_ = 	snop  }
__scs_overlays_trampoline_lowered:
0x8: {  	[smem:$0x3FAD] =	sst s0  }
0x9: {  	[smem:$0x3FAE] =	sst s1  }
0xa: {  	[smem:$0x3FAF] =	sst s2  }
0xb: {  	[smem:$0x3FB0] =	sst s3  }
0xc: {  	[smem:$0x3FB1] =	sst s4  }
0xd: {  	[smem:$0x3FB2] =	sst s5  }
0xe: {  	[smem:$0x3FB3] =	sst s6  }
0xf: {  	[smem:$0x3FB4] =	sst s7  }
0x10: {  	[smem:$0x3FB5] =	sst s8  }
0x11: {  	[smem:$0x3FB6] =	sst s9;
	s0 =	simm.s32 @!p0 $0x0  }
0x12: {  	s1 =	sld [smem:$0x3F9C];
	s0 =	simm.s32 @p0 $0x1  }
0x13: {  	[smem:$0x3FB7] =	sst s0;
	s0 =	simm.s32 @!p1 $0x0  }
0x14: {  	s2 =	sld [smem:$0x3F9B];
	s0 =	simm.s32 @p1 $0x1  }
0x15: {  	[smem:$0x3FB8] =	sst s0;
	s0 =	simm.s32 @!p2 $0x0  }
0x16: {  	s3 =	sld [smem:$0x3FDB];
	s0 =	simm.s32 @p2 $0x1  }
0x17: {  	s4 =	simm.s32 $0x1BF5;
	[smem:$0x3FBA] =	sst s0  }
0x18: {  	s0 =	sld [smem:$0x3F9D];
	_ =	swait.ge [sflag:s4], $0x0  }
0x19: {  	s7 =	sld [smem:$0x3F9E]  }
0x1a: {  	s8 =	sadd.s32 $0xFFFFE003, lr  }
0x1b: {  	s9 =	sadd.s32 $0xFFFFFEF7, lr;
	s5 =	simm.s32 $0xFFFFFFFF;
	p2 =	slt.u32 s8, $0xFFFFF086  }
0x1c: {  	p1 =	slt.u32 s9, $0xF7A;
	s5 =	simm.s32 @!p2 $0x0  }
0x1d: {  	s5 =	simm.s32 @p1 $0x1;
	p0 =	seq.s32 s7, s2  }
0x1e: {  	s7 =	smul.u32 @!p0 $0xF7A, s2;
	p2 =	seq.s32 @!p0 s5, $0x0  }
0x1f: {  	s9 =	smul.u32 $0xF7A, s1;
	s8 =	simm.s32 @!p0 $0x1BF5;
	p2 =	por !p2, p0  }
0x20: {  	[sflag:s8] =	ssyncset.s32 @!p0 $0xFFFFF086;
	s6 =	sadd.s32 @!p0 s3, s7;
	s7 =	simm.s32 @!p0 $0x108  }
0x21: {  	s3 =	sadd.s32 s3, s9;
	s6 =	sadd.s32 @!p0 $0x88, s6;
	s7 =	simm.s32 @p2 $0x1082  }
0x22: {  	[simem:s7], [sflag:s8] =	dma.local @!p0 [hbm:s6], $0xF7A  }
0x23: {  	s9 =	sor.u32 $0xD0000000, s2;
	s6 =	simm.s32 $0x108;
	_ =	swait.ge @!p0 [sflag:s8], $0x0  }
0x24: {  	s3 =	sadd.s32 $0x88, s3;
	s6 =	simm.s32 @!p1 $0x1082;
	[sflag:s4] =	ssyncset.s32 $0xFFFFF086  }
0x25: {  	[simem:s6], [sflag:s4] =	dma.local [hbm:s3], $0xF7A  }
0x26: {  	[smem:$0x3F9E] =	sst s1;
	(tag) =	ssettag s2;
	_ =	strace s9  }
0x27: {  	s1 =	sld [smem:$0x3FAE]  }
0x28: {  	s2 =	sld [smem:$0x3FAF]  }
0x29: {  	s4 =	sld [smem:$0x3FB1]  }
0x2a: {  	p0 =	seq.s32 s5, $0x0;
	s5 =	sld [smem:$0x3FB2]  }
0x2b: {  	s6 =	sld [smem:$0x3FB3]  }
0x2c: {  	s7 =	sld [smem:$0x3FB4]  }
0x2d: {  	s3 =	simm.s32 $0x108;
	s8 =	sld [smem:$0x3FB5]  }
0x2e: {  	s3 =	simm.s32 @!p0 $0x1082;
	s9 =	sld [smem:$0x3FB6]  }
0x2f: {  	lr =	sadd.s32 s0, s3;
	s0 =	sld [smem:$0x3FAD]  }
0x30: {  	s3 =	sld [smem:$0x3FB0]  }
0x31: {  	[smem:$0x3FB9] =	sst s10  }
0x32: {  	s10 =	sld [smem:$0x3FB7];
	_ =	sdelay $0x3  }
0x33: {  	p0 =	seq.s32 s10, $0x1;
	s10 =	sld [smem:$0x3FB9];
	_ =	sdelay $0x3  }
0x34: {  	[smem:$0x3FB9] =	sst s10  }
0x35: {  	s10 =	sld [smem:$0x3FB8];
	_ =	sdelay $0x3  }
0x36: {  	p1 =	seq.s32 s10, $0x1;
	s10 =	sld [smem:$0x3FB9];
	_ =	sdelay $0x3  }
0x37: {  	[smem:$0x3FB9] =	sst s10  }
0x38: {  	s10 =	sld [smem:$0x3FBA]  }
0x39: {  	_ = 	snop;
	(pc) =	sbr.ind lr, $3  }
0x3a: {  	_ = 	snop  }
0x3b: {  	_ = 	snop  }
0x3c: {  	p2 =	seq.s32 s10, $0x1;
	s10 =	sld [smem:$0x3FB9]  }
0x3d: {  	_ =	shalt  }
0x3e: {  	_ =	shalt  }
0x3f: {  	_ =	shalt  }
0x40: {  	_ =	shalt  }
0x41: {  	_ =	shalt  }
0x42: {  	_ =	shalt  }
0x43: {  	_ =	shalt  }
0x44: {  	_ =	shalt  }
0x45: {  	_ =	shalt  }
0x46: {  	_ =	shalt  }
0x47: {  	_ =	shalt  }
0x48: {  	_ =	shalt  }
0x49: {  	_ =	shalt  }
0x4a: {  	_ =	shalt  }
0x4b: {  	_ =	shalt  }
0x4c: {  	_ =	shalt  }
0x4d: {  	_ =	shalt  }
0x4e: {  	_ =	shalt  }
0x4f: {  	_ =	shalt  }
0x50: {  	_ =	shalt  }
0x51: {  	_ =	shalt  }
0x52: {  	_ =	shalt  }
0x53: {  	_ =	shalt  }
0x54: {  	_ =	shalt  }
0x55: {  	_ =	shalt  }
0x56: {  	_ =	shalt  }
0x57: {  	_ =	shalt  }
0x58: {  	_ =	shalt  }
0x59: {  	_ =	shalt  }
0x5a: {  	_ =	shalt  }
0x5b: {  	_ =	shalt  }
0x5c: {  	_ =	shalt  }
0x5d: {  	_ =	shalt  }
0x5e: {  	_ =	shalt  }
0x5f: {  	_ =	shalt  }
0x60: {  	_ =	shalt  }
0x61: {  	_ =	shalt  }
0x62: {  	_ =	shalt  }
0x63: {  	_ =	shalt  }
0x64: {  	_ =	shalt  }
0x65: {  	_ =	shalt  }
0x66: {  	_ =	shalt  }
0x67: {  	_ =	shalt  }
0x68: {  	_ =	shalt  }
0x69: {  	_ =	shalt  }
0x6a: {  	_ =	shalt  }
0x6b: {  	_ =	shalt  }
0x6c: {  	_ =	shalt  }
0x6d: {  	_ =	shalt  }
0x6e: {  	_ =	shalt  }
0x6f: {  	_ =	shalt  }
0x70: {  	_ =	shalt  }
0x71: {  	_ =	shalt  }
0x72: {  	_ =	shalt  }
0x73: {  	_ =	shalt  }
0x74: {  	_ =	shalt  }
0x75: {  	_ =	shalt  }
0x76: {  	_ =	shalt  }
0x77: {  	_ =	shalt  }
0x78: {  	_ =	shalt  }
0x79: {  	_ =	shalt  }
0x7a: {  	_ =	shalt  }
0x7b: {  	_ =	shalt  }
0x7c: {  	_ =	shalt  }
0x7d: {  	_ =	shalt  }
0x7e: {  	_ =	shalt  }
0x7f: {  	_ =	shalt  }
0x80: {  	_ =	shalt  }
0x81: {  	_ =	shalt  }
0x82: {  	_ =	shalt  }
0x83: {  	_ =	shalt  }
0x84: {  	_ =	shalt  }
0x85: {  	_ =	shalt  }
0x86: {  	_ =	shalt  }
0x87: {  	_ =	shalt  }
.Lfunc_end0:
.L_simem_size_0:
called_computation_lowered:
.L_overlay_start_0:
0x88: {  	s2 =	sld [smem:$0x3FD9]  }
0x89: {  	s3 =	sld [smem:$0x3FFE];
	_ =	sdelay $0x1  }
0x8a: {  	s1 =	srdreg.scid  }
0x8b: {  	s0 =	sand.u32 $0x1, s1  }
0x8c: {  	s17 =	sshll.u32 s0, $0xA;
	s2 =	sadd.s32 s3, s2  }
0x8d: {  	s2 =	sadd.s32 s2, s17  }
0x8e: {  	[smem:$0x3FC5] =	sst s2  }
0x8f: {  	_ = 	snop  }
0x90: {  	s2 =	sld [smem:$0x3FC9]  }
0x91: {  	s18 =	sld [smem:$0x3FC8]  }
0x92: {  	s4 =	sld [smem:$0x3FC7];
	(tm) =	ssettm $0x1  }
0x93: {  	s5 =	sld [smem:$0x3FFB];
	_ =	sdelay $0x3  }
0x94: {  	_ =	strace s5  }
0x95: {  	s5 =	sld [smem:$0x3FFC];
	_ =	sdelay $0x3  }
0x96: {  	_ =	strace s5  }
0x97: {  	s5 =	sld [smem:$0x3FFD];
	_ =	sdelay $0x3  }
0x98: {  	_ =	strace s5  }
0x99: {  	_ =	strace $0x8FFFFFFF  }
0x9a: {  	s19 =	sld [smem:$0x3FDB];
	_ =	sdelay $0x1  }
0x9b: {  	s6 =	simm.s32 $_scs_section_size  }
0x9c: {  	s7 =	simm.s32 $_size__tile_overlayer_lowered;
	s8 =	simm.s32 $_tile_overlayer_lowered  }
0x9d: {  	s22 =	simm.s32 $0x1BFF;
	s21 =	sshll.u32 s8, $0x1;
	s5 =	sadd.s32 s6, s19  }
0x9e: {  	s9 =	simm.s32 $0x0;
	s20 =	sshll.u32 s7, $0x1;
	s7 =	sadd.s32 s21, s5  }
0x9f: {  	[timem:s9], [sflag:s22] =	dma.local [hbm:s7], s20  }
0xa0: {  	_ =	swait.ge [sflag:s22], s20  }
0xa1: {  	s6 =	ssub.s32 $0x0, s20;
	[sflag:s22] =	ssyncset.done $0x0  }
0xa2: {  	[sflag:s22] =	ssyncadd.s32 s6;
	_ =	sdelay $0x1  }
0xa3: {  	s23 =	simm.s32 $0x1B8B  }
0xa4: {  	_ =	swait.ge [sflag:s23], $0x1  }
0xa5: {  	[sflag:s23] =	ssyncset.done $0x0  }
0xa6: {  	s25 =	simm.s32 $0x1B8E;
	s24 =	sld [smem:$0x3FFE];
	[sflag:s23] =	ssyncadd.s32 $0xFFFFFFFF  }
0xa7: {  	s26 =	simm.s32 $execute0_lowered;
	[smem:$0x3FD2] =	sst s25  }
0xa8: {  	s7 =	sshll.u32 s26, $0x1;
	_ =	strace $0x80000046;
	[dreg:$0x1] =	wrdreg $0xFFFFFFFF  }
0xa9: {  	s28 =	simm.s32 $_size_execute0_lowered;
	s5 =	sadd.s32 s5, s7;
	[dreg:$0x0] =	wrdreg $0x0  }
0xaa: {  	s7 =	sshll.u32 s28, $0x1;
	[dreg:$0x2] =	wrdreg s5  }
0xab: {  	[dreg:$0x3] =	wrdreg s7  }
0xac: {  	[dreg:$0x4] =	wrdreg $0xC0  }
0xad: {  	_ =	task [dreg:s9], $0x5FFFF  }
0xae: {  	[dreg:$0x1] =	wrdreg $0xFFFFFFFF  }
0xaf: {  	[dreg:$0x0] =	wrdreg $0x60  }
0xb0: {  	[dreg:$0x2] =	wrdreg s2  }
0xb1: {  	[dreg:$0x3] =	wrdreg s18  }
0xb2: {  	[dreg:$0x4] =	wrdreg s4  }
0xb3: {  	[dreg:$0x5] =	wrdreg s24  }
0xb4: {  	[dreg:$0x6] =	wrdreg $0x81000  }
0xb5: {  	[dreg:$0x7] =	wrdreg $0x9  }
0xb6: {  	_ =	task.clear_ibuf [dreg:s9], $0x8FFFF;
	_ =	strace $0x90000046  }
0xb7: {  	s29 =	simm.s32 $0x9;
	_ =	strace $0x80000048  }
0xb8: {  	_ =	swait.ge [sflag:s29], $0x1  }
0xb9: {  	[sflag:s29] =	ssyncadd.s32 $0xFFFFFFFF  }
0xba: {  	_ =	strace $0x90000048  }
0xbb: {  	_ =	sfence  }
0xbc: {  	s30 =	sld [smem:$0x0];
	_ =	sdelay $0x2  }
0xbd: {  	s31 =	sshll.u32 s1, $0xD;
	s1 =	sshrl.u32 s1, $0x2  }
0xbe: {  	s3 =	sand.u32 $0x4000, s31;
	s1 =	sadd.s32 s1, s30  }
0xbf: {  	s0 =	sor.u32 s3, s0;
	s1 =	sshll.u32 s1, $0x11  }
0xc0: {  	s0 =	sor.u32 s1, s0  }
0xc1: {  	s0 =	sadd.s32 $0x8F2B, s0  }
0xc2: {  	[sflag:s0] =	ssyncadd.remote.s32 $0x1  }
0xc3: {  	_ =	sfence.sel $0xFFFF  }
0xc4: {  	[dreg:$0x0] =	wrdreg $0xFFFFFFFF;
	(pc) =	sbr.abs _section_cstart, $3  }
0xc5: {  	[dreg:$0x1] =	wrdreg $0xFFFFFFFF  }
0xc6: {  	_ =	task.clear_ibuf [dreg:s9], $0x2FFFF;
	_ =	strace $0x9FFFFFFF  }
0xc7: {  	(tm) =	ssettm $0x7FFFFFFF  }
tec
execute0_lowered:
.L_overlay_start_1:
0x0: {  	(tag) =	ssettag $0x1  }
0x1: {  	v0 =	vimm.s32 $0x65432100;
	v1 =	vimm.s32 $0xEDCBA987  }
0x2: {  	v2 =	vimm.s32 $0x54321000;
	v3 =	vimm.s32 $0xDCBA9876;
	v4 =	vimm.s32 $0xBA987654  }
0x3: {  	v5 =	vimm.s32 $0x32100000;
	v6 =	vimm.s32 $0xE40000;
	vm0 =	vcmask $0x3F30  }
0x4: {  	v7 =	vimm.s32 $0xBA98FEDC;
	v8 =	vimm.s32 $0x32107654;
	v10 =	vimm.s32 $0xEFCDAB89  }
0x5: {  	v11 =	vimm.s32 $0x67452301;
	v0 =	vunpack.c.l.s4.s8 v0;
	v1 =	vunpack.c.l.s4.s8 v1  }
0x6: {  	v2 =	vunpack.c.l.s4.s8 v2;
	v3 =	vunpack.c.l.s4.s8 v3;
	v4 =	vunpack.c.l.s4.s8 v4  }
0x7: {  	v5 =	vunpack.c.l.s4.s8 v5;
	v6 =	vunpack.c.l.s2.s4 v6;
	v1 =	vunpack.c.0.s8.s32 v1  }
0x8: {  	s0 =	rddreg [dreg:$0x1];
	v0 =	vunpack.c.0.s8.s32 v0;
	v3 =	vunpack.c.0.s8.s32 v3;
	v2 =	vunpack.c.0.s8.s32 v2  }
0x9: {  	s1 =	rddreg [dreg:$0x3];
	s3 =	srdreg.scid;
	v4 =	vunpack.c.0.s8.s32 v4;
	v5 =	vunpack.c.0.s8.s32 v5;
	v1 =	vand.u32 $0xF, v1  }
0xa: {  	s2 =	rddreg [dreg:$0x4];
	s5 =	stileid.u32;
	s4 =	simm.s32 $0x0;
	v6 =	vunpack.c.l.s4.s8 v6;
	v3 =	vand.u32 $0xF, v3;
	v0 =	vcombine.low v0, v1  }
0xb: {  	s11 =	simm.s32 $0x3100;
	s12 =	simm.s32 $0x3900;
	s13 =	simm.s32 $0x4100;
	v1 =	vcombine.low v2, v3;
	v2 =	vand.u32 $0xF, v4;
	v4 =	vimm.s32 $0xFEDCBA98  }
0xc: {  	s14 =	simm.s32 $0x4900;
	s15 =	simm.s32 $0x5100;
	s16 =	simm.s32 $0x5900;
	v3 =	vunpack.c.0.s8.s32 v6;
	v6 =	vimm.s32 $0x76543210;
	v4 =	vunpack.c.l.s4.s8 v4  }
0xd: {  	s17 =	simm.s32 $0x6100;
	s18 =	simm.s32 $0x6900;
	s19 =	simm.s32 $0x2;
	v2 =	vcombine.low v5, v2;
	v5 =	vimm.s32 $0x7060504;
	v6 =	vunpack.c.l.s4.s8 v6  }
0xe: {  	s20 =	simm.s32 $0x3;
	s21 =	simm.s32 $0x4;
	s22 =	simm.s32 $0x5;
	v7 =	vunpack.c.l.s4.s8 v7;
	v5 =	vunpack.c.0.s8.s32 v5;
	v4 =	vunpack.c.0.s8.s32 v4  }
0xf: {  	s23 =	simm.s32 $0x6;
	s24 =	simm.s32 $0x7;
	s25 =	simm.s32 $0x8;
	v10 =	vunpack.c.l.s4.s8 v10;
	v3 =	vand.u32 $0x3, v3;
	v6 =	vunpack.c.0.s8.s32 v6  }
0x10: {  	s26 =	simm.s32 $0x9;
	s28 =	simm.s32 $0x0;
	s3 =	sand.u32 $0x1, s3;
	v3 =	vsel vm0, v5, v3;
	v5 =	vunpack.c.l.s4.s8 v8;
	v4 =	vand.u32 $0xF, v4  }
0x11: {  	s6 =	sshll.u32 s5, $0x6;
	[smem:$0x7FF] =	sst s4;
	v11 =	vunpack.c.l.s4.s8 v11;
	s7 =	sshll.u32 s3, $0x5;
	v4 =	vcombine.low v4, v6;
	v6 =	vunpack.c.0.s8.s32 v7  }
0x12: {  	p0 =	sne.s32 s5, $0x0;
	s3 =	ssub.s32 $0x2, s3;
	s6 =	sor.u32 s7, s6;
	v7 =	vimm.s32 $0xDCFE98BA;
	v8 =	vunpack.c.0.s8.s32 v5;
	v5 =	vimm.s32 $0x54761032  }
.Ltmp0:
0x13: {  	vm1 =	vmmov $0xf;
	s8 =	sshrl.u32 s3, $0x1;
	s7 =	sshll.u32 s6, $0x4;
	v7 =	vunpack.c.l.s4.s8 v7;
	v9 =	vunpack.c.l.s4.s8 v5;
	(pc) =	sbr.rel .LBB2_1-.Ltmp0, $4  }
0x14: {  	vm2 =	vmmov $0xff;
	_ =	strace $0x80000047;
	v10 =	vunpack.c.0.s8.s32 v10;
	v11 =	vunpack.c.0.s8.s32 v11;
	s3 =	ssub.s32 s3, s8;
	s0 =	sadd.s32 s0, s7  }
0x15: {  	s1 =	sadd.s32 s7, s1;
	s31 =	smax.u32 s3, $0x1;
	[dreg:$0x6] =	wrdreg s0;
	v6 =	vcombine.low v8, v6;
	v8 =	vunpack.c.0.s8.s32 v7;
	v9 =	vunpack.c.0.s8.s32 v9  }
0x16: {  	s10 =	sshrl.u32 @!p0 s2, $0x3;
	v10 =	vcombine.low v11, v10;
	s30 =	sadd.s32 $0x600, s1;
	[dreg:$0x8] =	wrdreg s31;
	vm0 =	vmmov $0x3;
	v5 =	vmov s6  }
0x17: {  	s8 =	simm.s32 $0xA;
	s3 =	simm.s32 $0x7100;
	[dreg:$0x7] =	wrdreg s30;
	v7 =	vimm.s32 $0x0;
	v8 =	vcombine.low v9, v8;
	v9 =	vlaneseq.u32  }
.LBB2_16:
0x18: {  	s0 =	rddreg [dreg:$0x7];
	s3 =	simm.s32 $0x7100  }
0x19: {  	[hbm4b:s0+s4] =	stream.linear.scatter [tilespmem:s3], [sflag:$0xA], $0x1000, $0x38;
	[tilespmem:$0x10100] =	vst v63  }
0x1a: {  	_ =	swait.ge [sflag:s8], $0x1000  }
0x1b: {  	s28 =	sadd.s32 $0x1, s28;
	s31 =	rddreg [dreg:$0x8]  }
0x1c: {  	p1 =	sne.s32 s28, s31  }
.Ltmp1:
0x1d: {  	_ = 	snop;
	(pc) =	sbr.rel @!p1 .LBB2_17-.Ltmp1, $3  }
0x1e: {  	_ =	sdelay $0x1  }
0x1f: {  	[sflag:s8] =	ssyncset.done $0x0  }
0x20: {  	[sflag:s8] =	ssyncadd.s32 $0xFFFFF000  }
.LBB2_1:
0x21: {  	s0 =	simm.s32 @!p0 $0x1C01;
	s1 =	rddreg [dreg:$0x0]  }
0x22: {  	[spmem:s10], [sflag:s0] =	dma.local @!p0 [hbm:s1], $0x10000  }
0x23: {  	s0 =	simm.s32 @!p0 $0x1  }
0x24: {  	_ =	swait.ge @!p0 [sflag:s0], $0x10000  }
0x25: {  	[sflag:s0] =	ssyncset.done @!p0 $0x0  }
0x26: {  	[sflag:s0] =	ssyncadd.s32 @!p0 $0xFFFF0000  }
0x27: {  	s0 =	rddreg [dreg:$0x2]  }
0x28: {  	[tilespmem:s4], [sflag:$0xA] =	stream.linear.gather [hbm4b:s0+s4], $0x1000, $0x38;
	[tilespmem:$0x10100] =	vst v63  }
0x29: {  	_ =	swait.ge [sflag:s8], $0x1000  }
0x2a: {  	[sflag:s8] =	ssyncset.done $0x0  }
.Ltmp2:
0x2b: {  	s31 =	rddreg [dreg:$0x6];
	[sflag:s8] =	ssyncadd.s32 $0xFFFFF000;
	(pc) =	sbr.rel .LBB2_2-.Ltmp2, $4  }
0x2c: {  	[tilespmem:s3], [sflag:$0xA] =	stream.linear.gather [hbm4b:s31+s4], $0x1000, $0x38;
	[tilespmem:$0x10100] =	vst v63  }
0x2d: {  	_ =	swait.ge [sflag:s8], $0x1000  }
0x2e: {  	s29 =	simm.s32 $0x0;
	[sflag:s8] =	ssyncset.done $0x0  }
0x2f: {  	s1 =	simm.s32 $0x0;
	s0 =	simm.s32 $0xF;
	[sflag:s8] =	ssyncadd.s32 $0xFFFFF000  }
.LBB2_4:
0x30: {  	s0 =	sadd.s32 $0x10, s0  }
0x31: {  	p1 =	seq.s32 s0, $0x100F  }
.Ltmp3:
0x32: {  	_ = 	snop;
	(pc) =	sbr.rel @p1 .LBB2_5-.Ltmp3, $2  }
0x33: {  	_ =	sdelay $0x2  }
0x34: {  	s1 =	sadd.s32 $0x10, s1  }
.LBB2_2:
0x35: {  	v11 =	vld [tilespmem:s1+$0x0];
	_ =	sdelay $0x4  }
0x36: {  	v11 =	vsub.s32 v11, v5  }
0x37: {  	vm3 =	vlt.u32 v11, $0x20  }
0x38: {  	v12 =	vsel vm3, $0x1, v7  }
0x39: {  	v13 =	vperm.xlane v12, v0  }
0x3a: {  	vm3 =	veq.s32 v9, $0x0  }
0x3b: {  	v13 =	vsel vm3, $0x0, v13  }
0x3c: {  	v13 =	vadd.s32 v12, v13  }
0x3d: {  	v14 =	vperm.xlane v13, v1;
	_ =	sdelay $0x1  }
0x3e: {  	v14 =	vsel vm0, $0x0, v14  }
0x3f: {  	v13 =	vadd.s32 v14, v13  }
0x40: {  	v14 =	vperm.xlane v13, v2;
	_ =	sdelay $0x1  }
0x41: {  	v14 =	vsel vm1, $0x0, v14  }
0x42: {  	v13 =	vadd.s32 v14, v13  }
0x43: {  	v14 =	vperm.xlane v13, v3;
	_ =	sdelay $0x1  }
0x44: {  	v14 =	vsel vm2, $0x0, v14  }
0x45: {  	v13 =	vadd.s32 v14, v13  }
0x46: {  	(v2sf) =	vpush v13, $0xF;
	_ =	sdelay $0xe  }
0x47: {  	s30 =	spop (v2sf)  }
0x48: {  	p1 =	slt.s32 s30, $0x1  }
.Ltmp4:
0x49: {  	_ = 	snop;
	(pc) =	sbr.rel @p1 .LBB2_4-.Ltmp4, $2  }
0x4a: {  	_ =	sdelay $0x2  }
0x4b: {  	s31 =	smov.u32 s29  }
0x4c: {  	s3 =	sand.u32 $0xF, s31  }
0x4d: {  	s9 =	sadd.s32 $0xFFFFFFFF, s3  }
0x4e: {  	(v2sf) =	vpush v12, $0x0;
	v13 =	vadd.s32 s9, v13  }
0x4f: {  	(v2sf) =	vpush v13, $0x0;
	_ =	sdelay $0x1  }
0x50: {  	(v2sf) =	vpush v12, $0x1  }
0x51: {  	(v2sf) =	vpush v13, $0x1;
	_ =	sdelay $0x2  }
0x52: {  	(v2sf) =	vpush v12, $0x2  }
0x53: {  	(v2sf) =	vpush v13, $0x2;
	_ =	sdelay $0x3  }
0x54: {  	(v2sf) =	vpush v12, $0x3  }
0x55: {  	(v2sf) =	vpush v13, $0x3;
	_ =	sdelay $0x1  }
0x56: {  	v18 =	vbroadcast v11, $0x0;
	v20 =	vbroadcast v11, $0x1;
	s5 =	spop (v2sf);
	(v2sf) =	vpush v12, $0x4  }
0x57: {  	v23 =	vbroadcast v11, $0x2;
	v25 =	vbroadcast v11, $0x3;
	p1 =	seq.s32 s5, $0x0;
	s5 =	spop (v2sf);
	(v2sf) =	vpush v13, $0x4  }
0x58: {  	v29 =	vbroadcast v11, $0x4;
	v31 =	vbroadcast v11, $0x5;
	s5 =	simm.s32 @p1 $0x20  }
0x59: {  	v35 =	vbroadcast v11, $0x6;
	s3 =	sand.u32 $0xFFFFFFF0, s31;
	s7 =	spop (v2sf);
	(v2sf) =	vpush v12, $0x5;
	v16 =	vmov s5;
	s5 =	sadd.s32 $0xFFFFFFF0, s5  }
0x5a: {  	v38 =	vbroadcast v11, $0x7;
	v14 =	vld [tilespmem:s3+$0x1000];
	v17 =	vmov s5;
	s5 =	spop (v2sf);
	(v2sf) =	vpush v13, $0x5  }
0x5b: {  	v41 =	vbroadcast v11, $0x8;
	v46 =	vbroadcast v11, $0x9;
	v15 =	vld [tilespmem:s3+$0x2080];
	p1 =	seq.s32 s7, $0x0  }
0x5c: {  	v49 =	vbroadcast v11, $0xA;
	v52 =	vbroadcast v11, $0xB;
	s5 =	simm.s32 @p1 $0x20  }
0x5d: {  	v55 =	vbroadcast v11, $0xC;
	s7 =	spop (v2sf);
	(v2sf) =	vpush v12, $0x6;
	v63 =	vmov s5;
	s5 =	sadd.s32 $0xFFFFFFF0, s5  }
0x5e: {  	s6 =	sadd.s32 $0xFFFFFFF1, s0;
	vm3 =	veq.s32 v16, v9;
	v19 =	vmov s5;
	s5 =	spop (v2sf);
	(v2sf) =	vpush v13, $0x6  }
0x5f: {  	v62 =	vmov s6;
	vm4 =	veq.s32 v17, v9;
	v14 =	vsel vm3, s6, v14  }
0x60: {  	v15 =	vsel vm3, v18, v15;
	p1 =	seq.s32 s7, $0x0;
	s7 =	sadd.s32 $0xFFFFFFF2, s0;
	vm3 =	veq.s32 v63, v9;
	(v2sf) =	vpush v12, $0x7  }
0x61: {  	v16 =	vnsel vm4, $0x0, v62;
	vm10 =	veq.s32 v19, v9;
	s5 =	simm.s32 @p1 $0x20;
	v14 =	vsel vm3, s7, v14  }
0x62: {  	v15 =	vsel vm3, v20, v15;
	v21 =	vmov s5;
	v16 =	vsel vm10, s7, v16;
	s5 =	sadd.s32 $0xFFFFFFF0, s5;
	s7 =	spop (v2sf)  }
0x63: {  	(v2sf) =	vpush v13, $0x7;
	vm3 =	veq.s32 v21, v9;
	v22 =	vmov s5;
	s5 =	sadd.s32 $0xFFFFFFF3, s0;
	p1 =	seq.s32 s7, $0x0;
	s6 =	spop (v2sf)  }
0x64: {  	v18 =	vnsel vm4, $0x0, v18;
	vm11 =	veq.s32 v22, v9;
	v14 =	vsel vm3, s5, v14;
	s6 =	simm.s32 @p1 $0x20  }
0x65: {  	v15 =	vsel vm3, v23, v15;
	v24 =	vmov s6;
	s7 =	sadd.s32 $0xFFFFFFF0, s6;
	s6 =	spop (v2sf);
	(v2sf) =	vpush v12, $0x8  }
0x66: {  	vm3 =	veq.s32 v24, v9;
	v26 =	vmov s7;
	s7 =	sadd.s32 $0xFFFFFFF4, s0;
	p1 =	seq.s32 s6, $0x0;
	s6 =	spop (v2sf);
	(v2sf) =	vpush v13, $0x8  }
0x67: {  	v16 =	vsel vm11, s5, v16;
	vm12 =	veq.s32 v26, v9;
	v14 =	vsel vm3, s7, v14;
	s6 =	simm.s32 @p1 $0x20  }
0x68: {  	v16 =	vsel vm12, s7, v16;
	v27 =	vmov s6;
	s7 =	sadd.s32 $0xFFFFFFF0, s6;
	s6 =	spop (v2sf);
	(v2sf) =	vpush v12, $0x9  }
0x69: {  	v58 =	vbroadcast v11, $0xD;
	v18 =	vsel vm10, v20, v18;
	s5 =	spop (v2sf);
	(v2sf) =	vpush v13, $0x9  }
0x6a: {  	v15 =	vsel vm3, v25, v15;
	v28 =	vmov s7;
	vm3 =	veq.s32 v27, v9;
	s7 =	sadd.s32 $0xFFFFFFF5, s0;
	p1 =	seq.s32 s6, $0x0  }
0x6b: {  	v17 =	vsel vm11, v23, v18;
	vm13 =	veq.s32 v28, v9;
	v14 =	vsel vm3, s7, v14;
	s5 =	simm.s32 @p1 $0x20  }
0x6c: {  	v16 =	vsel vm13, s7, v16;
	v30 =	vmov s5;
	s5 =	sadd.s32 $0xFFFFFFF0, s5;
	s7 =	spop (v2sf);
	(v2sf) =	vpush v12, $0xA  }
0x6d: {  	v17 =	vsel vm12, v25, v17;
	v32 =	vmov s5;
	s5 =	spop (v2sf);
	(v2sf) =	vpush v13, $0xA  }
0x6e: {  	v15 =	vsel vm3, v29, v15;
	v17 =	vsel vm13, v29, v17;
	(v2sf) =	vpush v12, $0xB  }
0x6f: {  	s6 =	sadd.s32 $0xFFFFFFF6, s0;
	vm3 =	veq.s32 v30, v9;
	p1 =	seq.s32 s7, $0x0;
	vm14 =	veq.s32 v32, v9;
	s7 =	spop (v2sf);
	(v2sf) =	vpush v13, $0xB  }
0x70: {  	v15 =	vsel vm3, v31, v15;
	s5 =	simm.s32 @p1 $0x20;
	v14 =	vsel vm3, s6, v14;
	v17 =	vsel vm14, v31, v17  }
0x71: {  	v33 =	vmov s5;
	s5 =	sadd.s32 $0xFFFFFFF0, s5;
	v16 =	vsel vm14, s6, v16;
	(v2sf) =	vpush v12, $0xC  }
0x72: {  	p1 =	seq.s32 s7, $0x0;
	s6 =	sadd.s32 $0xFFFFFFF7, s0;
	v34 =	vmov s5;
	vm5 =	veq.s32 v33, v9;
	s5 =	spop (v2sf);
	(v2sf) =	vpush v13, $0xC  }
0x73: {  	vm3 =	veq.s32 v34, v9;
	v15 =	vsel vm5, v35, v15;
	s5 =	simm.s32 @p1 $0x20;
	v14 =	vsel vm5, s6, v14  }
0x74: {  	v17 =	vsel vm3, v35, v17;
	v36 =	vmov s5;
	s5 =	sadd.s32 $0xFFFFFFF0, s5;
	s7 =	spop (v2sf);
	(v2sf) =	vpush v12, $0xD  }
0x75: {  	v16 =	vsel vm3, s6, v16;
	v37 =	vmov s5;
	s5 =	spop (v2sf);
	(v2sf) =	vpush v13, $0xD  }
0x76: {  	s29 =	sadd.s32 $0xFFFFFFF8, s0;
	vm15 =	veq.s32 v36, v9;
	vm8 =	veq.s32 v37, v9;
	p1 =	seq.s32 s7, $0x0;
	(v2sf) =	vpush v12, $0xE  }
0x77: {  	v14 =	vsel vm15, s29, v14;
	v15 =	vsel vm15, v38, v15;
	s5 =	simm.s32 @p1 $0x20;
	s6 =	spop (v2sf);
	(v2sf) =	vpush v13, $0xE  }
0x78: {  	v17 =	vsel vm8, v38, v17;
	v39 =	vmov s5;
	s5 =	sadd.s32 $0xFFFFFFF0, s5;
	p1 =	seq.s32 s6, $0x0;
	s6 =	spop (v2sf);
	(v2sf) =	vpush v12, $0xF  }
0x79: {  	s7 =	sadd.s32 $0xFFFFFFF9, s0;
	v16 =	vsel vm8, s29, v16;
	vm3 =	veq.s32 v39, v9;
	v40 =	vmov s5  }
0x7a: {  	vm9 =	veq.s32 v40, v9;
	v14 =	vsel vm3, s7, v14;
	s6 =	simm.s32 @p1 $0x20;
	v42 =	vsel vm3, v41, v15  }
0x7b: {  	s29 =	spop (v2sf);
	v43 =	vsel vm9, s7, v16;
	v44 =	vmov s6;
	s7 =	sadd.s32 $0xFFFFFFF0, s6;
	v13 =	vsel vm9, v41, v17  }
0x7c: {  	(v2sf) =	vpush v11, $0xF;
	s6 =	spop (v2sf);
	vm3 =	veq.s32 v44, v9;
	v45 =	vmov s7;
	s7 =	sadd.s32 $0xFFFFFFFA, s0;
	p1 =	seq.s32 s29, $0x0  }
0x7d: {  	v11 =	vbroadcast v11, $0xE;
	vm10 =	veq.s32 v45, v9;
	v14 =	vsel vm3, s7, v14;
	s6 =	simm.s32 @p1 $0x20;
	s29 =	spop (v2sf)  }
0x7e: {  	v12 =	vsel vm3, v46, v42;
	v15 =	vsel vm10, s7, v43;
	s7 =	sadd.s32 $0xFFFFFFF0, s6;
	v47 =	vmov s6;
	p1 =	seq.s32 s29, $0x0;
	s5 =	spop (v2sf)  }
0x7f: {  	v13 =	vsel vm10, v46, v13;
	v48 =	vmov s7;
	vm3 =	veq.s32 v47, v9;
	s7 =	sadd.s32 $0xFFFFFFFB, s0;
	s5 =	simm.s32 @p1 $0x20  }
0x80: {  	s29 =	spop (v2sf);
	vm11 =	veq.s32 v48, v9;
	v14 =	vsel vm3, s7, v14;
	v50 =	vmov s5;
	s5 =	sadd.s32 $0xFFFFFFF0, s5  }
0x81: {  	s6 =	spop (v2sf);
	v12 =	vsel vm3, v49, v12;
	p1 =	seq.s32 s29, $0x0;
	v15 =	vsel vm11, s7, v15;
	v51 =	vmov s5  }
0x82: {  	v13 =	vsel vm11, v49, v13;
	vm3 =	veq.s32 v50, v9;
	s7 =	sadd.s32 $0xFFFFFFFC, s0;
	s6 =	simm.s32 @p1 $0x20;
	vm12 =	veq.s32 v51, v9  }
0x83: {  	s29 =	spop (v2sf);
	v14 =	vsel vm3, s7, v14;
	v53 =	vmov s6;
	v15 =	vsel vm12, s7, v15;
	s7 =	sadd.s32 $0xFFFFFFF0, s6  }
0x84: {  	v12 =	vsel vm3, v52, v12;
	vm3 =	veq.s32 v53, v9;
	p1 =	seq.s32 s29, $0x0;
	v54 =	vmov s7;
	s6 =	spop (v2sf)  }
0x85: {  	v13 =	vsel vm12, v52, v13;
	s7 =	sadd.s32 $0xFFFFFFFD, s0;
	v12 =	vsel vm3, v55, v12;
	vm13 =	veq.s32 v54, v9;
	s6 =	simm.s32 @p1 $0x20;
	s29 =	spop (v2sf)  }
0x86: {  	v14 =	vsel vm3, s7, v14;
	v15 =	vsel vm13, s7, v15;
	v56 =	vmov s6;
	s7 =	sadd.s32 $0xFFFFFFF0, s6;
	s6 =	spop (v2sf)  }
0x87: {  	v13 =	vsel vm13, v55, v13;
	p1 =	seq.s32 s29, $0x0;
	vm14 =	veq.s32 v56, v9;
	v57 =	vmov s7;
	s7 =	sadd.s32 $0xFFFFFFFE, s0;
	s29 =	spop (v2sf)  }
0x88: {  	s5 =	sadd.s32 s30, s9;
	s6 =	simm.s32 @p1 $0x20;
	vm3 =	veq.s32 v57, v9;
	v14 =	vsel vm14, s7, v14;
	v12 =	vsel vm14, v58, v12;
	p1 =	seq.s32 s29, $0x0  }
0x89: {  	v59 =	vmov s6;
	s6 =	sadd.s32 $0xFFFFFFF0, s6;
	v15 =	vsel vm3, s7, v15;
	v13 =	vsel vm3, v58, v13;
	s5 =	simm.s32 @p1 $0x20  }
0x8a: {  	vm3 =	veq.s32 v59, v9;
	v60 =	vmov s6;
	s7 =	sadd.s32 $0xFFFFFFFF, s0;
	v61 =	vmov s5  }
0x8b: {  	v14 =	vsel vm3, s7, v14;
	v12 =	vsel vm3, v11, v12;
	s5 =	sadd.s32 $0xFFFFFFF0, s5;
	vm3 =	veq.s32 v61, v9  }
.Ltmp5:
0x8c: {  	s9 =	spop (v2sf);
	vm15 =	veq.s32 v60, v9;
	v62 =	vmov s5;
	v14 =	vsel vm3, s0, v14;
	(pc) =	sbr.rel .LBB2_4-.Ltmp5, $4  }
0x8d: {  	v15 =	vsel vm15, s7, v15;
	v12 =	vsel vm3, s9, v12;
	vm3 =	veq.s32 v62, v9;
	[tilespmem:s3+$0x1000] =	vst v14  }
0x8e: {  	v11 =	vsel vm15, v11, v13;
	v63 =	vsel vm3, s0, v15;
	[tilespmem:s3+$0x2080] =	vst v12  }
0x8f: {  	v11 =	vsel vm3, s9, v11;
	[tilespmem:s3+$0x1010] =	vst v63  }
0x90: {  	s29 =	sadd.s32 s31, s30;
	[tilespmem:s3+$0x2090] =	vst v11  }
.LBB2_5:
0x91: {  	[tilespmem:s29+$0x1000] =	vst v7  }
0x92: {  	[tilespmem:s29+$0x1010] =	vst v7  }
0x93: {  	[tilespmem:s29+$0x1020] =	vst v7  }
0x94: {  	[tilespmem:s29+$0x1030] =	vst v7  }
0x95: {  	[tilespmem:s29+$0x1040] =	vst v7  }
0x96: {  	[tilespmem:s29+$0x1050] =	vst v7  }
0x97: {  	[tilespmem:s29+$0x1060] =	vst v7  }
0x98: {  	[tilespmem:s29+$0x1070] =	vst v7  }
0x99: {  	[bflag:$0x0] =	sbarrier.arrive $0xFFFF  }
0x9a: {  	v11 =	vld [tilespmem:$0x1000];
	_ =	sdelay $0x6  }
0x9b: {  	vm3 =	vmmov $0xffff  }
0x9c: {  	[tilespmem:s11], [sflag:$0x2] =	stream.indirect_vreg.gather [spmem:s2], $0x80, v11, vm3, $0xb8;
	[tilespmem:$0x10100] =	vst v63  }
0x9d: {  	v11 =	vld [tilespmem:$0x1010];
	_ =	sdelay $0x7  }
0x9e: {  	[tilespmem:s12], [sflag:$0x3] =	stream.indirect_vreg.gather [spmem:s2], $0x80, v11, vm3, $0xb8;
	[tilespmem:$0x10100] =	vst v63  }
0x9f: {  	v11 =	vld [tilespmem:$0x1020];
	_ =	sdelay $0x7  }
0xa0: {  	[tilespmem:s13], [sflag:$0x4] =	stream.indirect_vreg.gather [spmem:s2], $0x80, v11, vm3, $0xb8;
	[tilespmem:$0x10100] =	vst v63  }
0xa1: {  	v11 =	vld [tilespmem:$0x1030];
	_ =	sdelay $0x7  }
0xa2: {  	[tilespmem:s14], [sflag:$0x5] =	stream.indirect_vreg.gather [spmem:s2], $0x80, v11, vm3, $0xb8;
	[tilespmem:$0x10100] =	vst v63  }
0xa3: {  	v11 =	vld [tilespmem:$0x1040];
	_ =	sdelay $0x7  }
0xa4: {  	[tilespmem:s15], [sflag:$0x6] =	stream.indirect_vreg.gather [spmem:s2], $0x80, v11, vm3, $0xb8;
	[tilespmem:$0x10100] =	vst v63  }
0xa5: {  	v11 =	vld [tilespmem:$0x1050];
	_ =	sdelay $0x7  }
0xa6: {  	[tilespmem:s16], [sflag:$0x7] =	stream.indirect_vreg.gather [spmem:s2], $0x80, v11, vm3, $0xb8;
	[tilespmem:$0x10100] =	vst v63  }
0xa7: {  	v11 =	vld [tilespmem:$0x1060];
	_ =	sdelay $0x7  }
0xa8: {  	[tilespmem:s17], [sflag:$0x8] =	stream.indirect_vreg.gather [spmem:s2], $0x80, v11, vm3, $0xb8;
	[tilespmem:$0x10100] =	vst v63  }
0xa9: {  	v11 =	vld [tilespmem:$0x1070];
	_ =	sdelay $0x7  }
0xaa: {  	[tilespmem:s18], [sflag:$0x9] =	stream.indirect_vreg.gather [spmem:s2], $0x80, v11, vm3, $0xb8;
	[tilespmem:$0x10100] =	vst v63  }
0xab: {  	_ =	swait.ge [sflag:s19], $0x800  }
0xac: {  	[sflag:s19] =	ssyncset.done $0x0  }
0xad: {  	[sflag:s19] =	ssyncadd.s32 $0xFFFFF800  }
0xae: {  	_ =	swait.ge [sflag:s20], $0x800  }
0xaf: {  	[sflag:s20] =	ssyncset.done $0x0  }
0xb0: {  	[sflag:s20] =	ssyncadd.s32 $0xFFFFF800  }
0xb1: {  	_ =	swait.ge [sflag:s21], $0x800  }
0xb2: {  	[sflag:s21] =	ssyncset.done $0x0  }
0xb3: {  	[sflag:s21] =	ssyncadd.s32 $0xFFFFF800  }
0xb4: {  	_ =	swait.ge [sflag:s22], $0x800  }
0xb5: {  	[sflag:s22] =	ssyncset.done $0x0  }
0xb6: {  	[sflag:s22] =	ssyncadd.s32 $0xFFFFF800  }
0xb7: {  	_ =	swait.ge [sflag:s23], $0x800  }
0xb8: {  	[sflag:s23] =	ssyncset.done $0x0  }
0xb9: {  	[sflag:s23] =	ssyncadd.s32 $0xFFFFF800  }
0xba: {  	_ =	swait.ge [sflag:s24], $0x800  }
0xbb: {  	[sflag:s24] =	ssyncset.done $0x0  }
0xbc: {  	[sflag:s24] =	ssyncadd.s32 $0xFFFFF800  }
0xbd: {  	p1 =	sgt.s32 s29, $0x0;
	_ =	swait.ge [sflag:s25], $0x800  }
.Ltmp6:
0xbe: {  	[sflag:s25] =	ssyncset.done $0x0;
	(pc) =	sbr.rel @!p1 .LBB2_9-.Ltmp6, $4  }
0xbf: {  	[sflag:s25] =	ssyncadd.s32 $0xFFFFF800  }
0xc0: {  	_ =	swait.ge [sflag:s26], $0x800  }
0xc1: {  	[sflag:s26] =	ssyncset.done $0x0  }
0xc2: {  	[sflag:s26] =	ssyncadd.s32 $0xFFFFF800  }
0xc3: {  	s0 =	simm.s32 $0x2080  }
0xc4: {  	v11 =	vld [tilespmem:s0+$0x0];
	_ =	sdelay $0x4  }
0xc5: {  	(v2sf) =	vpush v11, $0x0;
	_ =	sdelay $0xd  }
0xc6: {  	s1 =	simm.s32 $0x3140  }
0xc7: {  	v12 =	vld [tilespmem:s1+$0xFFFFFFD0];
	s3 =	spop (v2sf)  }
0xc8: {  	v13 =	vld [tilespmem:s1+$0xFFFFFFC0];
	s3 =	sshll.u32 s3, $0x9  }
0xc9: {  	v11 =	vld [tilespmem:s1+$0xFFFFFFE0];
	s3 =	sshra.s32 s3, $0x2  }
0xca: {  	v14 =	vld [tilespmem:s3+$0x7100]  }
0xcb: {  	v15 =	vld [tilespmem:s3+$0x7110]  }
0xcc: {  	v16 =	vld [tilespmem:s3+$0x7120]  }
0xcd: {  	v17 =	vld [tilespmem:s1+$0xFFFFFFF0]  }
0xce: {  	v18 =	vld [tilespmem:s3+$0x7130]  }
0xcf: {  	v20 =	vld [tilespmem:s1+$0x0];
	v13 =	vmul.f32 $5.000000070e-02, v13;
	v12 =	vmul.f32 $5.000000070e-02, v12  }
0xd0: {  	v22 =	vld [tilespmem:s1+$0x10];
	v14 =	vmul.f32 $9.499999880e-01, v14;
	v15 =	vmul.f32 $9.499999880e-01, v15  }
0xd1: {  	v21 =	vmul.f32 $5.000000070e-02, v11;
	v19 =	vld [tilespmem:s3+$0x7140];
	v16 =	vmul.f32 $9.499999880e-01, v16  }
0xd2: {  	v11 =	vadd.f32 v14, v13;
	v13 =	vadd.f32 v15, v12;
	v15 =	vld [tilespmem:s3+$0x7150]  }
0xd3: {  	v23 =	vld [tilespmem:s3+$0x7160];
	v14 =	vmul.f32 $5.000000070e-02, v17;
	v12 =	vadd.f32 v16, v21;
	v16 =	vmul.f32 $9.499999880e-01, v18  }
0xd4: {  	v17 =	vld [tilespmem:s1+$0x20];
	v18 =	vmul.f32 v11, v11;
	v21 =	vmul.f32 v13, v13  }
0xd5: {  	v24 =	vmul.f32 v12, v12;
	v14 =	vadd.f32 v16, v14  }
0xd6: {  	v25 =	vld [tilespmem:s1+$0x30];
	v16 =	vadd.f32 v21, v18;
	v18 =	vmul.f32 $9.499999880e-01, v19;
	v19 =	vmul.f32 $5.000000070e-02, v20  }
0xd7: {  	v20 =	vld [tilespmem:s3+$0x7170];
	v21 =	vmul.f32 $5.000000070e-02, v22;
	v22 =	vmul.f32 $9.499999880e-01, v15  }
0xd8: {  	v26 =	vmul.f32 v14, v14;
	v24 =	vadd.f32 v24, v16;
	v15 =	vadd.f32 v18, v19  }
0xd9: {  	v17 =	vmul.f32 $5.000000070e-02, v17;
	v18 =	vmul.f32 $9.499999880e-01, v23;
	v16 =	vadd.f32 v22, v21  }
0xda: {  	v19 =	vadd.f32 v26, v24;
	v21 =	vmul.f32 v15, v15  }
0xdb: {  	v17 =	vadd.f32 v18, v17;
	v22 =	vmul.f32 v16, v16  }
0xdc: {  	v18 =	vadd.f32 v21, v19;
	v19 =	vmul.f32 $9.499999880e-01, v20;
	v20 =	vmul.f32 $5.000000070e-02, v25;
	_ =	sdelay $0x1  }
0xdd: {  	v21 =	vmul.f32 v17, v17;
	v22 =	vadd.f32 v22, v18;
	v18 =	vadd.f32 v19, v20;
	_ =	sdelay $0x1  }
0xde: {  	v19 =	vadd.f32 v21, v22;
	v20 =	vmul.f32 v18, v18;
	_ =	sdelay $0x1  }
0xdf: {  	v19 =	vadd.f32 v20, v19;
	_ =	sdelay $0x1  }
0xe0: {  	v20 =	vperm.xlane v19, v4;
	_ =	sdelay $0x1  }
0xe1: {  	v19 =	vadd.f32 v19, v20;
	_ =	sdelay $0x1  }
0xe2: {  	v20 =	vperm.xlane v19, v6;
	_ =	sdelay $0x1  }
0xe3: {  	v19 =	vadd.f32 v19, v20;
	_ =	sdelay $0x1  }
0xe4: {  	v20 =	vperm.xlane v19, v8;
	_ =	sdelay $0x1  }
0xe5: {  	v19 =	vadd.f32 v19, v20;
	_ =	sdelay $0x1  }
0xe6: {  	v20 =	vperm.xlane v19, v10;
	_ =	sdelay $0x1  }
0xe7: {  	v19 =	vadd.f32 v19, v20;
	_ =	sdelay $0x1  }
0xe8: {  	v19 =	vmax.f32 v19, $1.000000020e-24  }
0xe9: {  	(v2sf) =	vpush v19, $0x0;
	_ =	sdelay $0xe  }
0xea: {  	s6 =	spop (v2sf)  }
0xeb: {  	s6 =	sshra.s32 s6, $0x1  }
0xec: {  	s6 =	ssub.s32 $0x5F3759DF, s6  }
0xed: {  	v20 =	vmov s6  }
0xee: {  	v21 =	vmul.f32 $5.000000000e-01, v19;
	v20 =	vbroadcast v20, $0x0;
	_ =	sdelay $0x1  }
0xef: {  	v19 =	vmul.f32 v20, v21;
	_ =	sdelay $0x1  }
0xf0: {  	v19 =	vmul.f32 v19, v20;
	_ =	sdelay $0x1  }
0xf1: {  	v19 =	vsub.f32 $1.500000000e+00, v19;
	_ =	sdelay $0x1  }
0xf2: {  	v19 =	vmul.f32 v19, v20;
	_ =	sdelay $0x1  }
0xf3: {  	v20 =	vmul.f32 v19, v21;
	_ =	sdelay $0x1  }
0xf4: {  	v20 =	vmul.f32 v20, v19;
	_ =	sdelay $0x1  }
0xf5: {  	v20 =	vsub.f32 $1.500000000e+00, v20;
	_ =	sdelay $0x1  }
0xf6: {  	v19 =	vmul.f32 v20, v19;
	_ =	sdelay $0x1  }
0xf7: {  	v20 =	vmul.f32 v19, v21;
	_ =	sdelay $0x1  }
0xf8: {  	v20 =	vmul.f32 v20, v19;
	_ =	sdelay $0x1  }
0xf9: {  	v20 =	vsub.f32 $1.500000000e+00, v20;
	_ =	sdelay $0x1  }
0xfa: {  	s5 =	smin.u32 s29, $0x80;
	v19 =	vmul.f32 v20, v19  }
0xfb: {  	p1 =	seq.s32 s5, $0x1  }
.Ltmp7:
0xfc: {  	v20 =	vmul.f32 v19, v21;
	(pc) =	sbr.rel @p1 .LBB2_8-.Ltmp7, $3  }
0xfd: {  	_ = 	snop  }
0xfe: {  	v20 =	vmul.f32 v20, v19;
	_ =	sdelay $0x1  }
0xff: {  	s5 =	sadd.s32 $0xFFFFFFFF, s5;
	v20 =	vsub.f32 $1.500000000e+00, v20  }
.LBB2_7:
0x100: {  	_ = 	snop  }
0x101: {  	p1 =	seq.s32 s5, $0x1;
	s0 =	sadd.s32 $0x1, s0;
	s1 =	sadd.s32 $0x80, s1;
	v19 =	vmul.f32 v20, v19  }
0x102: {  	s5 =	sadd.s32 $0xFFFFFFFF, s5  }
0x103: {  	v14 =	vmul.f32 v19, v14;
	v17 =	vmul.f32 v19, v17  }
0x104: {  	v11 =	vmul.f32 v19, v11;
	v13 =	vmul.f32 v19, v13  }
0x105: {  	[tilespmem:s3+$0x7130] =	vst v14;
	v14 =	vmul.f32 v19, v16;
	v16 =	vmul.f32 v19, v18  }
0x106: {  	v12 =	vmul.f32 v19, v12;
	[tilespmem:s3+$0x7110] =	vst v13;
	v13 =	vmul.f32 v19, v15  }
0x107: {  	[tilespmem:s3+$0x7150] =	vst v14  }
0x108: {  	[tilespmem:s3+$0x7140] =	vst v13  }
0x109: {  	[tilespmem:s3+$0x7100] =	vst v11  }
0x10a: {  	[tilespmem:s3+$0x7160] =	vst v17  }
0x10b: {  	[tilespmem:s3+$0x7170] =	vst v16  }
0x10c: {  	[tilespmem:s3+$0x7120] =	vst v12  }
0x10d: {  	v11 =	vld [tilespmem:s0+$0x0];
	_ =	sdelay $0x4  }
0x10e: {  	(v2sf) =	vpush v11, $0x0;
	_ =	sdelay $0xe  }
0x10f: {  	v12 =	vld [tilespmem:s1+$0xFFFFFFE0];
	s3 =	spop (v2sf)  }
0x110: {  	s3 =	sshll.u32 s3, $0x9;
	v11 =	vld [tilespmem:s1+$0xFFFFFFD0]  }
0x111: {  	v13 =	vld [tilespmem:s1+$0xFFFFFFC0];
	s3 =	sshra.s32 s3, $0x2  }
0x112: {  	v14 =	vld [tilespmem:s3+$0x7100]  }
0x113: {  	v15 =	vld [tilespmem:s3+$0x7110]  }
0x114: {  	v16 =	vld [tilespmem:s3+$0x7120]  }
0x115: {  	v17 =	vld [tilespmem:s1+$0xFFFFFFF0]  }
0x116: {  	v18 =	vld [tilespmem:s3+$0x7130]  }
0x117: {  	v13 =	vmul.f32 $5.000000070e-02, v13;
	v14 =	vmul.f32 $9.499999880e-01, v14  }
0x118: {  	v19 =	vmul.f32 $5.000000070e-02, v11;
	v15 =	vmul.f32 $9.499999880e-01, v15;
	v20 =	vld [tilespmem:s3+$0x7140]  }
0x119: {  	v12 =	vmul.f32 $5.000000070e-02, v12;
	v11 =	vadd.f32 v14, v13;
	v14 =	vmul.f32 $9.499999880e-01, v16;
	v16 =	vld [tilespmem:s1+$0x0]  }
0x11a: {  	v13 =	vadd.f32 v15, v19;
	v15 =	vmul.f32 $5.000000070e-02, v17;
	v17 =	vld [tilespmem:s1+$0x10]  }
0x11b: {  	v19 =	vmul.f32 v11, v11;
	v12 =	vadd.f32 v14, v12;
	v14 =	vmul.f32 $9.499999880e-01, v18;
	v18 =	vld [tilespmem:s3+$0x7150]  }
0x11c: {  	v21 =	vmul.f32 v13, v13;
	v22 =	vld [tilespmem:s1+$0x20]  }
0x11d: {  	v23 =	vmul.f32 v12, v12;
	v14 =	vadd.f32 v14, v15;
	v24 =	vld [tilespmem:s3+$0x7160]  }
0x11e: {  	v15 =	vadd.f32 v21, v19;
	v19 =	vmul.f32 $9.499999880e-01, v20;
	v16 =	vmul.f32 $5.000000070e-02, v16  }
0x11f: {  	v20 =	vmul.f32 v14, v14;
	v17 =	vmul.f32 $5.000000070e-02, v17;
	v21 =	vld [tilespmem:s3+$0x7170]  }
0x120: {  	v23 =	vadd.f32 v23, v15;
	v15 =	vadd.f32 v19, v16;
	v16 =	vmul.f32 $9.499999880e-01, v18;
	v18 =	vld [tilespmem:s1+$0x30]  }
0x121: {  	v19 =	vmul.f32 $5.000000070e-02, v22  }
0x122: {  	v20 =	vadd.f32 v20, v23;
	v16 =	vadd.f32 v16, v17;
	v17 =	vmul.f32 $9.499999880e-01, v24  }
0x123: {  	v22 =	vmul.f32 v15, v15  }
0x124: {  	v23 =	vmul.f32 v16, v16;
	v17 =	vadd.f32 v17, v19  }
0x125: {  	v19 =	vadd.f32 v22, v20;
	v20 =	vmul.f32 $9.499999880e-01, v21;
	v18 =	vmul.f32 $5.000000070e-02, v18  }
0x126: {  	v21 =	vmul.f32 v17, v17  }
0x127: {  	v19 =	vadd.f32 v23, v19;
	v18 =	vadd.f32 v20, v18;
	_ =	sdelay $0x1  }
0x128: {  	v19 =	vadd.f32 v21, v19;
	v20 =	vmul.f32 v18, v18;
	_ =	sdelay $0x1  }
0x129: {  	v19 =	vadd.f32 v20, v19;
	_ =	sdelay $0x1  }
0x12a: {  	v20 =	vperm.xlane v19, v4;
	_ =	sdelay $0x1  }
0x12b: {  	v19 =	vadd.f32 v19, v20;
	_ =	sdelay $0x1  }
0x12c: {  	v20 =	vperm.xlane v19, v6;
	_ =	sdelay $0x1  }
0x12d: {  	v19 =	vadd.f32 v19, v20;
	_ =	sdelay $0x1  }
0x12e: {  	v20 =	vperm.xlane v19, v8;
	_ =	sdelay $0x1  }
0x12f: {  	v19 =	vadd.f32 v19, v20;
	_ =	sdelay $0x1  }
0x130: {  	v20 =	vperm.xlane v19, v10;
	_ =	sdelay $0x1  }
0x131: {  	v19 =	vadd.f32 v19, v20;
	_ =	sdelay $0x1  }
0x132: {  	v19 =	vmax.f32 v19, $1.000000020e-24  }
0x133: {  	(v2sf) =	vpush v19, $0x0;
	_ =	sdelay $0xe  }
0x134: {  	s6 =	spop (v2sf)  }
0x135: {  	s6 =	sshra.s32 s6, $0x1  }
0x136: {  	s6 =	ssub.s32 $0x5F3759DF, s6  }
0x137: {  	v20 =	vmov s6  }
0x138: {  	v21 =	vmul.f32 $5.000000000e-01, v19;
	v20 =	vbroadcast v20, $0x0;
	_ =	sdelay $0x1  }
0x139: {  	v19 =	vmul.f32 v20, v21;
	_ =	sdelay $0x1  }
0x13a: {  	v19 =	vmul.f32 v19, v20;
	_ =	sdelay $0x1  }
0x13b: {  	v19 =	vsub.f32 $1.500000000e+00, v19;
	_ =	sdelay $0x1  }
0x13c: {  	v19 =	vmul.f32 v19, v20;
	_ =	sdelay $0x1  }
0x13d: {  	v20 =	vmul.f32 v19, v21;
	_ =	sdelay $0x1  }
0x13e: {  	v20 =	vmul.f32 v20, v19;
	_ =	sdelay $0x1  }
0x13f: {  	v20 =	vsub.f32 $1.500000000e+00, v20;
	_ =	sdelay $0x1  }
0x140: {  	v19 =	vmul.f32 v20, v19;
	_ =	sdelay $0x1  }
0x141: {  	v20 =	vmul.f32 v19, v21;
	_ =	sdelay $0x1  }
0x142: {  	v20 =	vmul.f32 v20, v19;
	_ =	sdelay $0x1  }
0x143: {  	v20 =	vsub.f32 $1.500000000e+00, v20;
	_ =	sdelay $0x1  }
0x144: {  	v19 =	vmul.f32 v20, v19;
	_ =	sdelay $0x1  }
.Ltmp8:
0x145: {  	v20 =	vmul.f32 v19, v21;
	(pc) =	sbr.rel @!p1 .LBB2_7-.Ltmp8, $3  }
0x146: {  	_ = 	snop  }
0x147: {  	v20 =	vmul.f32 v20, v19;
	_ =	sdelay $0x1  }
0x148: {  	v20 =	vsub.f32 $1.500000000e+00, v20  }
.LBB2_8:
0x149: {  	_ = 	snop  }
0x14a: {  	v19 =	vmul.f32 v20, v19;
	_ =	sdelay $0x1  }
0x14b: {  	v14 =	vmul.f32 v19, v14  }
0x14c: {  	v13 =	vmul.f32 v19, v13  }
0x14d: {  	v60 =	vmul.f32 v19, v16;
	[tilespmem:s3+$0x7130] =	vst v14  }
0x14e: {  	v61 =	vmul.f32 v19, v15;
	[tilespmem:s3+$0x7110] =	vst v13  }
0x14f: {  	v11 =	vmul.f32 v19, v11;
	[tilespmem:s3+$0x7150] =	vst v60  }
0x150: {  	v62 =	vmul.f32 v19, v17;
	[tilespmem:s3+$0x7140] =	vst v61  }
0x151: {  	v63 =	vmul.f32 v19, v18;
	[tilespmem:s3+$0x7100] =	vst v11  }
0x152: {  	v11 =	vmul.f32 v19, v12;
	[tilespmem:s3+$0x7160] =	vst v62  }
0x153: {  	[tilespmem:s3+$0x7170] =	vst v63  }
0x154: {  	[tilespmem:s3+$0x7120] =	vst v11  }
.LBB2_9:
0x155: {  	s0 =	sadd.s32 $0x7F, s29  }
0x156: {  	s1 =	sand.u32 $0x7F, s0  }
0x157: {  	s3 =	sshra.s32 s0, $0x1F;
	p1 =	slt.s32 s0, $0x1;
	p2 =	sne.s32 s1, $0x0  }
0x158: {  	s9 =	sshrl.u32 s3, $0x19;
	p1 =	por !p1, !p2  }
0x159: {  	s1 =	simm.s32 $0x1;
	s0 =	sadd.s32 s9, s0;
	p1 =	por !p1, !p1  }
0x15a: {  	s0 =	sshra.s32 s0, $0x7;
	s1 =	simm.s32 @!p1 $0x0  }
0x15b: {  	s3 =	ssub.s32 s0, s1  }
0x15c: {  	p1 =	slt.s32 s3, $0x2  }
.Ltmp9:
0x15d: {  	_ = 	snop;
	(pc) =	sbr.rel @p1 .LBB2_16-.Ltmp9, $1  }
0x15e: {  	_ =	sdelay $0x3  }
.Ltmp10:
0x15f: {  	(pc) =	sbr.rel .LBB2_11-.Ltmp10, $4  }
0x160: {  	p1 =	sgt.s32 s30, $0x0  }
0x161: {  	s30 =	simm.s32 @!p1 $0x0  }
0x162: {  	s0 =	sadd.s32 s30, s31  }
0x163: {  	s6 =	simm.s32 $0x2100;
	s31 =	simm.s32 $0x1;
	s30 =	sadd.s32 $0xFFFFFF80, s0  }
.LBB2_14:
0x164: {  	v19 =	vmul.f32 v20, v19;
	_ =	sdelay $0x1  }
0x165: {  	v14 =	vmul.f32 v19, v14  }
0x166: {  	v13 =	vmul.f32 v19, v13  }
0x167: {  	v60 =	vmul.f32 v19, v16;
	[tilespmem:s9+$0x7130] =	vst v14  }
0x168: {  	v61 =	vmul.f32 v19, v15;
	[tilespmem:s9+$0x7110] =	vst v13  }
0x169: {  	v11 =	vmul.f32 v19, v11;
	[tilespmem:s9+$0x7150] =	vst v60  }
0x16a: {  	v62 =	vmul.f32 v19, v17;
	[tilespmem:s9+$0x7140] =	vst v61  }
0x16b: {  	v63 =	vmul.f32 v19, v18;
	[tilespmem:s9+$0x7100] =	vst v11  }
0x16c: {  	v11 =	vmul.f32 v19, v12;
	[tilespmem:s9+$0x7160] =	vst v62  }
0x16d: {  	[tilespmem:s9+$0x7170] =	vst v63  }
0x16e: {  	[tilespmem:s9+$0x7120] =	vst v11  }
.LBB2_15:
0x16f: {  	s31 =	sadd.s32 $0x1, s31  }
0x170: {  	p1 =	sne.s32 s31, s3  }
.Ltmp11:
0x171: {  	_ = 	snop;
	(pc) =	sbr.rel @!p1 .LBB2_16-.Ltmp11, $2  }
0x172: {  	_ =	sdelay $0x2  }
0x173: {  	s30 =	sadd.s32 $0xFFFFFF80, s30;
	s6 =	sadd.s32 $0x80, s6  }
.LBB2_11:
0x174: {  	s0 =	sshll.u32 s31, $0x9  }
0x175: {  	s0 =	sshra.s32 s0, $0x2  }
0x176: {  	v11 =	vld [tilespmem:s0+$0x1000];
	_ =	sdelay $0x7  }
0x177: {  	[tilespmem:s11], [sflag:$0x2] =	stream.indirect_vreg.gather [spmem:s2], $0x80, v11, vm3, $0xb8;
	[tilespmem:$0x10100] =	vst v63  }
0x178: {  	v11 =	vld [tilespmem:s0+$0x1010];
	_ =	sdelay $0x7  }
0x179: {  	[tilespmem:s12], [sflag:$0x3] =	stream.indirect_vreg.gather [spmem:s2], $0x80, v11, vm3, $0xb8;
	[tilespmem:$0x10100] =	vst v63  }
0x17a: {  	v11 =	vld [tilespmem:s0+$0x1020];
	_ =	sdelay $0x7  }
0x17b: {  	[tilespmem:s13], [sflag:$0x4] =	stream.indirect_vreg.gather [spmem:s2], $0x80, v11, vm3, $0xb8;
	[tilespmem:$0x10100] =	vst v63  }
0x17c: {  	v11 =	vld [tilespmem:s0+$0x1030];
	_ =	sdelay $0x7  }
0x17d: {  	[tilespmem:s14], [sflag:$0x5] =	stream.indirect_vreg.gather [spmem:s2], $0x80, v11, vm3, $0xb8;
	[tilespmem:$0x10100] =	vst v63  }
0x17e: {  	v11 =	vld [tilespmem:s0+$0x1040];
	_ =	sdelay $0x7  }
0x17f: {  	[tilespmem:s15], [sflag:$0x6] =	stream.indirect_vreg.gather [spmem:s2], $0x80, v11, vm3, $0xb8;
	[tilespmem:$0x10100] =	vst v63  }
0x180: {  	v11 =	vld [tilespmem:s0+$0x1050];
	_ =	sdelay $0x7  }
0x181: {  	[tilespmem:s16], [sflag:$0x7] =	stream.indirect_vreg.gather [spmem:s2], $0x80, v11, vm3, $0xb8;
	[tilespmem:$0x10100] =	vst v63  }
0x182: {  	v11 =	vld [tilespmem:s0+$0x1060];
	_ =	sdelay $0x7  }
0x183: {  	[tilespmem:s17], [sflag:$0x8] =	stream.indirect_vreg.gather [spmem:s2], $0x80, v11, vm3, $0xb8;
	[tilespmem:$0x10100] =	vst v63  }
0x184: {  	v11 =	vld [tilespmem:s0+$0x1070];
	_ =	sdelay $0x7  }
0x185: {  	[tilespmem:s18], [sflag:$0x9] =	stream.indirect_vreg.gather [spmem:s2], $0x80, v11, vm3, $0xb8;
	[tilespmem:$0x10100] =	vst v63  }
0x186: {  	_ =	swait.ge [sflag:s19], $0x800  }
0x187: {  	[sflag:s19] =	ssyncset.done $0x0  }
0x188: {  	[sflag:s19] =	ssyncadd.s32 $0xFFFFF800  }
0x189: {  	_ =	swait.ge [sflag:s20], $0x800  }
0x18a: {  	[sflag:s20] =	ssyncset.done $0x0  }
0x18b: {  	[sflag:s20] =	ssyncadd.s32 $0xFFFFF800  }
0x18c: {  	_ =	swait.ge [sflag:s21], $0x800  }
0x18d: {  	[sflag:s21] =	ssyncset.done $0x0  }
0x18e: {  	[sflag:s21] =	ssyncadd.s32 $0xFFFFF800  }
0x18f: {  	_ =	swait.ge [sflag:s22], $0x800  }
0x190: {  	[sflag:s22] =	ssyncset.done $0x0  }
0x191: {  	[sflag:s22] =	ssyncadd.s32 $0xFFFFF800  }
0x192: {  	_ =	swait.ge [sflag:s23], $0x800  }
0x193: {  	[sflag:s23] =	ssyncset.done $0x0  }
0x194: {  	[sflag:s23] =	ssyncadd.s32 $0xFFFFF800  }
0x195: {  	_ =	swait.ge [sflag:s24], $0x800  }
0x196: {  	s9 =	sshll.u32 s31, $0x7;
	[sflag:s24] =	ssyncset.done $0x0  }
0x197: {  	s0 =	ssub.s32 s29, s9;
	[sflag:s24] =	ssyncadd.s32 $0xFFFFF800  }
0x198: {  	p1 =	slt.s32 s0, $0x1;
	_ =	swait.ge [sflag:s25], $0x800  }
.Ltmp12:
0x199: {  	[sflag:s25] =	ssyncset.done $0x0;
	(pc) =	sbr.rel @p1 .LBB2_15-.Ltmp12, $4  }
0x19a: {  	[sflag:s25] =	ssyncadd.s32 $0xFFFFF800  }
0x19b: {  	_ =	swait.ge [sflag:s26], $0x800  }
0x19c: {  	[sflag:s26] =	ssyncset.done $0x0  }
0x19d: {  	[sflag:s26] =	ssyncadd.s32 $0xFFFFF800  }
0x19e: {  	v11 =	vld [tilespmem:s6+$0x0];
	_ =	sdelay $0x4  }
0x19f: {  	(v2sf) =	vpush v11, $0x0;
	_ =	sdelay $0xd  }
0x1a0: {  	s1 =	simm.s32 $0x3140  }
0x1a1: {  	v12 =	vld [tilespmem:s1+$0xFFFFFFD0];
	s0 =	spop (v2sf)  }
0x1a2: {  	v13 =	vld [tilespmem:s1+$0xFFFFFFC0];
	s0 =	sshll.u32 s0, $0x9  }
0x1a3: {  	v11 =	vld [tilespmem:s1+$0xFFFFFFE0];
	s9 =	sshra.s32 s0, $0x2  }
0x1a4: {  	v14 =	vld [tilespmem:s9+$0x7100]  }
0x1a5: {  	v15 =	vld [tilespmem:s9+$0x7110]  }
0x1a6: {  	v16 =	vld [tilespmem:s9+$0x7120]  }
0x1a7: {  	v17 =	vld [tilespmem:s1+$0xFFFFFFF0]  }
0x1a8: {  	v18 =	vld [tilespmem:s9+$0x7130]  }
0x1a9: {  	v20 =	vld [tilespmem:s1+$0x0];
	v13 =	vmul.f32 $5.000000070e-02, v13;
	v12 =	vmul.f32 $5.000000070e-02, v12  }
0x1aa: {  	v22 =	vld [tilespmem:s1+$0x10];
	v14 =	vmul.f32 $9.499999880e-01, v14;
	v15 =	vmul.f32 $9.499999880e-01, v15  }
0x1ab: {  	v21 =	vmul.f32 $5.000000070e-02, v11;
	v19 =	vld [tilespmem:s9+$0x7140];
	v16 =	vmul.f32 $9.499999880e-01, v16  }
0x1ac: {  	v11 =	vadd.f32 v14, v13;
	v13 =	vadd.f32 v15, v12;
	v15 =	vld [tilespmem:s9+$0x7150]  }
0x1ad: {  	v23 =	vld [tilespmem:s9+$0x7160];
	v14 =	vmul.f32 $5.000000070e-02, v17;
	v12 =	vadd.f32 v16, v21;
	v16 =	vmul.f32 $9.499999880e-01, v18  }
0x1ae: {  	v17 =	vld [tilespmem:s1+$0x20];
	v18 =	vmul.f32 v11, v11;
	v21 =	vmul.f32 v13, v13  }
0x1af: {  	v24 =	vmul.f32 v12, v12;
	v14 =	vadd.f32 v16, v14  }
0x1b0: {  	v25 =	vld [tilespmem:s1+$0x30];
	v16 =	vadd.f32 v21, v18;
	v18 =	vmul.f32 $9.499999880e-01, v19;
	v19 =	vmul.f32 $5.000000070e-02, v20  }
0x1b1: {  	v20 =	vld [tilespmem:s9+$0x7170];
	v21 =	vmul.f32 $5.000000070e-02, v22;
	v22 =	vmul.f32 $9.499999880e-01, v15  }
0x1b2: {  	v26 =	vmul.f32 v14, v14;
	v24 =	vadd.f32 v24, v16;
	v15 =	vadd.f32 v18, v19  }
0x1b3: {  	v17 =	vmul.f32 $5.000000070e-02, v17;
	v18 =	vmul.f32 $9.499999880e-01, v23;
	v16 =	vadd.f32 v22, v21  }
0x1b4: {  	v19 =	vadd.f32 v26, v24;
	v21 =	vmul.f32 v15, v15  }
0x1b5: {  	v17 =	vadd.f32 v18, v17;
	v22 =	vmul.f32 v16, v16  }
0x1b6: {  	v18 =	vadd.f32 v21, v19;
	v19 =	vmul.f32 $9.499999880e-01, v20;
	v20 =	vmul.f32 $5.000000070e-02, v25;
	_ =	sdelay $0x1  }
0x1b7: {  	v21 =	vmul.f32 v17, v17;
	v22 =	vadd.f32 v22, v18;
	v18 =	vadd.f32 v19, v20;
	_ =	sdelay $0x1  }
0x1b8: {  	v19 =	vadd.f32 v21, v22;
	v20 =	vmul.f32 v18, v18;
	_ =	sdelay $0x1  }
0x1b9: {  	v19 =	vadd.f32 v20, v19;
	_ =	sdelay $0x1  }
0x1ba: {  	v20 =	vperm.xlane v19, v4;
	_ =	sdelay $0x1  }
0x1bb: {  	v19 =	vadd.f32 v19, v20;
	_ =	sdelay $0x1  }
0x1bc: {  	v20 =	vperm.xlane v19, v6;
	_ =	sdelay $0x1  }
0x1bd: {  	v19 =	vadd.f32 v19, v20;
	_ =	sdelay $0x1  }
0x1be: {  	v20 =	vperm.xlane v19, v8;
	_ =	sdelay $0x1  }
0x1bf: {  	v19 =	vadd.f32 v19, v20;
	_ =	sdelay $0x1  }
0x1c0: {  	v20 =	vperm.xlane v19, v10;
	_ =	sdelay $0x1  }
0x1c1: {  	v19 =	vadd.f32 v19, v20;
	_ =	sdelay $0x1  }
0x1c2: {  	v19 =	vmax.f32 v19, $1.000000020e-24  }
0x1c3: {  	(v2sf) =	vpush v19, $0x0;
	_ =	sdelay $0xe  }
0x1c4: {  	s7 =	spop (v2sf)  }
0x1c5: {  	s0 =	sshra.s32 s7, $0x1  }
0x1c6: {  	s0 =	ssub.s32 $0x5F3759DF, s0  }
0x1c7: {  	v20 =	vmov s0  }
0x1c8: {  	v21 =	vmul.f32 $5.000000000e-01, v19;
	v20 =	vbroadcast v20, $0x0;
	_ =	sdelay $0x1  }
0x1c9: {  	v19 =	vmul.f32 v20, v21;
	_ =	sdelay $0x1  }
0x1ca: {  	v19 =	vmul.f32 v19, v20;
	_ =	sdelay $0x1  }
0x1cb: {  	v19 =	vsub.f32 $1.500000000e+00, v19;
	_ =	sdelay $0x1  }
0x1cc: {  	v19 =	vmul.f32 v19, v20;
	_ =	sdelay $0x1  }
0x1cd: {  	v20 =	vmul.f32 v19, v21;
	_ =	sdelay $0x1  }
0x1ce: {  	v20 =	vmul.f32 v20, v19;
	_ =	sdelay $0x1  }
0x1cf: {  	v20 =	vsub.f32 $1.500000000e+00, v20;
	_ =	sdelay $0x1  }
0x1d0: {  	v19 =	vmul.f32 v20, v19;
	_ =	sdelay $0x1  }
0x1d1: {  	v20 =	vmul.f32 v19, v21;
	_ =	sdelay $0x1  }
0x1d2: {  	v20 =	vmul.f32 v20, v19;
	_ =	sdelay $0x1  }
0x1d3: {  	v20 =	vsub.f32 $1.500000000e+00, v20  }
0x1d4: {  	p1 =	sgt.s32 s30, $0x1;
	s0 =	smov.u32 s30  }
0x1d5: {  	s0 =	simm.s32 @!p1 $0x1;
	v19 =	vmul.f32 v20, v19  }
0x1d6: {  	s0 =	smin.u32 s0, $0x80  }
0x1d7: {  	p1 =	sne.s32 s0, $0x1;
	v20 =	vmul.f32 v19, v21  }
.Ltmp13:
0x1d8: {  	_ = 	snop;
	(pc) =	sbr.rel @!p1 .LBB2_14-.Ltmp13, $3  }
0x1d9: {  	v20 =	vmul.f32 v20, v19;
	_ =	sdelay $0x1  }
0x1da: {  	v20 =	vsub.f32 $1.500000000e+00, v20  }
0x1db: {  	s5 =	sadd.s32 $0xFFFFFFFF, s0;
	s0 =	smov.u32 s6  }
.LBB2_13:
0x1dc: {  	p1 =	sne.s32 s5, $0x1;
	v19 =	vmul.f32 v20, v19;
	s0 =	sadd.s32 $0x1, s0;
	s1 =	sadd.s32 $0x80, s1  }
0x1dd: {  	s5 =	sadd.s32 $0xFFFFFFFF, s5  }
0x1de: {  	v14 =	vmul.f32 v19, v14;
	v17 =	vmul.f32 v19, v17  }
0x1df: {  	v11 =	vmul.f32 v19, v11;
	v13 =	vmul.f32 v19, v13  }
0x1e0: {  	[tilespmem:s9+$0x7130] =	vst v14;
	v14 =	vmul.f32 v19, v16;
	v16 =	vmul.f32 v19, v18  }
0x1e1: {  	v12 =	vmul.f32 v19, v12;
	[tilespmem:s9+$0x7110] =	vst v13;
	v13 =	vmul.f32 v19, v15  }
0x1e2: {  	[tilespmem:s9+$0x7150] =	vst v14  }
0x1e3: {  	[tilespmem:s9+$0x7140] =	vst v13  }
0x1e4: {  	[tilespmem:s9+$0x7100] =	vst v11  }
0x1e5: {  	[tilespmem:s9+$0x7160] =	vst v17  }
0x1e6: {  	[tilespmem:s9+$0x7170] =	vst v16  }
0x1e7: {  	[tilespmem:s9+$0x7120] =	vst v12  }
0x1e8: {  	v11 =	vld [tilespmem:s0+$0x0];
	_ =	sdelay $0x4  }
0x1e9: {  	(v2sf) =	vpush v11, $0x0;
	_ =	sdelay $0xe  }
0x1ea: {  	v12 =	vld [tilespmem:s1+$0xFFFFFFE0];
	s9 =	spop (v2sf)  }
0x1eb: {  	s9 =	sshll.u32 s9, $0x9;
	v11 =	vld [tilespmem:s1+$0xFFFFFFD0]  }
0x1ec: {  	v13 =	vld [tilespmem:s1+$0xFFFFFFC0];
	s9 =	sshra.s32 s9, $0x2  }
0x1ed: {  	v14 =	vld [tilespmem:s9+$0x7100]  }
0x1ee: {  	v15 =	vld [tilespmem:s9+$0x7110]  }
0x1ef: {  	v16 =	vld [tilespmem:s9+$0x7120]  }
0x1f0: {  	v17 =	vld [tilespmem:s1+$0xFFFFFFF0]  }
0x1f1: {  	v18 =	vld [tilespmem:s9+$0x7130]  }
0x1f2: {  	v13 =	vmul.f32 $5.000000070e-02, v13;
	v14 =	vmul.f32 $9.499999880e-01, v14  }
0x1f3: {  	v19 =	vmul.f32 $5.000000070e-02, v11;
	v15 =	vmul.f32 $9.499999880e-01, v15;
	v20 =	vld [tilespmem:s9+$0x7140]  }
0x1f4: {  	v12 =	vmul.f32 $5.000000070e-02, v12;
	v11 =	vadd.f32 v14, v13;
	v14 =	vmul.f32 $9.499999880e-01, v16;
	v16 =	vld [tilespmem:s1+$0x0]  }
0x1f5: {  	v13 =	vadd.f32 v15, v19;
	v15 =	vmul.f32 $5.000000070e-02, v17;
	v17 =	vld [tilespmem:s1+$0x10]  }
0x1f6: {  	v19 =	vmul.f32 v11, v11;
	v12 =	vadd.f32 v14, v12;
	v14 =	vmul.f32 $9.499999880e-01, v18;
	v18 =	vld [tilespmem:s9+$0x7150]  }
0x1f7: {  	v21 =	vmul.f32 v13, v13;
	v22 =	vld [tilespmem:s1+$0x20]  }
0x1f8: {  	v23 =	vmul.f32 v12, v12;
	v14 =	vadd.f32 v14, v15;
	v24 =	vld [tilespmem:s9+$0x7160]  }
0x1f9: {  	v15 =	vadd.f32 v21, v19;
	v19 =	vmul.f32 $9.499999880e-01, v20;
	v16 =	vmul.f32 $5.000000070e-02, v16  }
0x1fa: {  	v20 =	vmul.f32 v14, v14;
	v17 =	vmul.f32 $5.000000070e-02, v17;
	v21 =	vld [tilespmem:s9+$0x7170]  }
0x1fb: {  	v23 =	vadd.f32 v23, v15;
	v15 =	vadd.f32 v19, v16;
	v16 =	vmul.f32 $9.499999880e-01, v18;
	v18 =	vld [tilespmem:s1+$0x30]  }
0x1fc: {  	v19 =	vmul.f32 $5.000000070e-02, v22  }
0x1fd: {  	v20 =	vadd.f32 v20, v23;
	v16 =	vadd.f32 v16, v17;
	v17 =	vmul.f32 $9.499999880e-01, v24  }
0x1fe: {  	v22 =	vmul.f32 v15, v15  }
0x1ff: {  	v23 =	vmul.f32 v16, v16;
	v17 =	vadd.f32 v17, v19  }
0x200: {  	v19 =	vadd.f32 v22, v20;
	v20 =	vmul.f32 $9.499999880e-01, v21;
	v18 =	vmul.f32 $5.000000070e-02, v18  }
0x201: {  	v21 =	vmul.f32 v17, v17  }
0x202: {  	v19 =	vadd.f32 v23, v19;
	v18 =	vadd.f32 v20, v18;
	_ =	sdelay $0x1  }
0x203: {  	v19 =	vadd.f32 v21, v19;
	v20 =	vmul.f32 v18, v18;
	_ =	sdelay $0x1  }
0x204: {  	v19 =	vadd.f32 v20, v19;
	_ =	sdelay $0x1  }
0x205: {  	v20 =	vperm.xlane v19, v4;
	_ =	sdelay $0x1  }
0x206: {  	v19 =	vadd.f32 v19, v20;
	_ =	sdelay $0x1  }
0x207: {  	v20 =	vperm.xlane v19, v6;
	_ =	sdelay $0x1  }
0x208: {  	v19 =	vadd.f32 v19, v20;
	_ =	sdelay $0x1  }
0x209: {  	v20 =	vperm.xlane v19, v8;
	_ =	sdelay $0x1  }
0x20a: {  	v19 =	vadd.f32 v19, v20;
	_ =	sdelay $0x1  }
0x20b: {  	v20 =	vperm.xlane v19, v10;
	_ =	sdelay $0x1  }
0x20c: {  	v19 =	vadd.f32 v19, v20;
	_ =	sdelay $0x1  }
0x20d: {  	v19 =	vmax.f32 v19, $1.000000020e-24  }
0x20e: {  	(v2sf) =	vpush v19, $0x0;
	_ =	sdelay $0xe  }
0x20f: {  	s7 =	spop (v2sf)  }
0x210: {  	s7 =	sshra.s32 s7, $0x1  }
0x211: {  	s7 =	ssub.s32 $0x5F3759DF, s7  }
0x212: {  	v20 =	vmov s7  }
0x213: {  	v21 =	vmul.f32 $5.000000000e-01, v19;
	v20 =	vbroadcast v20, $0x0;
	_ =	sdelay $0x1  }
0x214: {  	v19 =	vmul.f32 v20, v21;
	_ =	sdelay $0x1  }
0x215: {  	v19 =	vmul.f32 v19, v20;
	_ =	sdelay $0x1  }
0x216: {  	v19 =	vsub.f32 $1.500000000e+00, v19;
	_ =	sdelay $0x1  }
0x217: {  	v19 =	vmul.f32 v19, v20;
	_ =	sdelay $0x1  }
0x218: {  	v20 =	vmul.f32 v19, v21;
	_ =	sdelay $0x1  }
0x219: {  	v20 =	vmul.f32 v20, v19;
	_ =	sdelay $0x1  }
0x21a: {  	v20 =	vsub.f32 $1.500000000e+00, v20;
	_ =	sdelay $0x1  }
0x21b: {  	v19 =	vmul.f32 v20, v19;
	_ =	sdelay $0x1  }
0x21c: {  	v20 =	vmul.f32 v19, v21;
	_ =	sdelay $0x1  }
0x21d: {  	v20 =	vmul.f32 v20, v19;
	_ =	sdelay $0x1  }
0x21e: {  	v20 =	vsub.f32 $1.500000000e+00, v20;
	_ =	sdelay $0x1  }
0x21f: {  	v19 =	vmul.f32 v20, v19;
	_ =	sdelay $0x1  }
.Ltmp14:
0x220: {  	v20 =	vmul.f32 v19, v21;
	(pc) =	sbr.rel @p1 .LBB2_13-.Ltmp14, $3  }
0x221: {  	_ = 	snop  }
0x222: {  	v20 =	vmul.f32 v20, v19;
	_ =	sdelay $0x1  }
0x223: {  	v20 =	vsub.f32 $1.500000000e+00, v20  }
.Ltmp15:
0x224: {  	_ = 	snop;
	(pc) =	sbr.rel .LBB2_14-.Ltmp15, $1  }
0x225: {  	_ =	sdelay $0x3  }
.LBB2_17:
0x226: {  	_ =	sfence.sel $0x180000  }
0x227: {  	[bflag:$0x0] =	sbarrier.arrive $0xFFFF  }
0x228: {  	_ =	strace $0x90000047  }
0x229: {  	[bflag:$0x2] =	sbarrier.arrive $0xFFFF  }
0x22a: {  	s0 =	rddreg [dreg:$0x5]  }
0x22b: {  	s0 =	sadd.s32 @!p0 $0x100000, s0  }
0x22c: {  	[sflag:s0] =	ssyncadd.tile.s32 @!p0 $0x1;
	_ =	shalt  }
.Lfunc_end2:
_tile_overlayer_lowered:
.L_overlay_start_2:
0x22d: {  	(tag) =	ssettag $0x2  }
0x22e: {  	s0 =	rddreg [dreg:$0x0];
	s2 =	stileid.u32  }
0x22f: {  	s1 =	rddreg [dreg:$0x1];
	p0 =	sne.s32 s2, $0x0  }
0x230: {  	s3 =	rddreg [dreg:$0x2];
	[bflag:$0x3] =	sbarrier.arrive $0xFFFF;
	s2 =	simm.s32 @!p0 $0x1C0A  }
0x231: {  	[timem:s3], [sflag:s2] =	dma.local @!p0 [hbm:s0], s1  }
0x232: {  	s0 =	simm.s32 @!p0 $0xA  }
0x233: {  	_ =	swait.ge @!p0 [sflag:s0], s1  }
0x234: {  	s1 =	ssub.s32 @!p0 $0x0, s1;
	[sflag:s0] =	ssyncset.done @!p0 $0x0  }
0x235: {  	[sflag:s0] =	ssyncadd.s32 @!p0 s1  }
0x236: {  	[bflag:$0x3] =	sbarrier.arrive $0xFFFF  }
0x237: {  	_ =	shalt  }

</sc_bundles>
